<compile_context>
chip_gen: v7x
topology: tpu7x:2x2x1
jax: 0.10.2.dev20260603
libtpu: 0.0.44.dev20260713+nightly
codegen_flags: <defaults>
</compile_context>

<pallas_src>
import functools

import jax
import jax.numpy as jnp
from jax import lax
from jax.experimental import pallas as pl
from jax.experimental.pallas import tpu as pltpu
from jax.experimental.pallas import tpu_sc as plsc

N = 320000
NUM_SEG = 10000
D = 128
ZMAX = 100

NUM_TILES = 16
LANES = 128
ROWS = 2560
N_PAD = ROWS * LANES
R = 256
NB = ROWS // R
K_WIN = ROWS // NUM_TILES
N_ROWS_REAL = N // LANES


B = R * LANES


def _atom_scalar_body(z_ref, p3_ref, emb_ref, wp_ref,
                      wg_ref, w2_ref, y_ref):
    embT_h = (emb_ref[...].T * 0.5).astype(jnp.bfloat16)
    wpT_h = wp_ref[...].T * 0.5
    vT = (wg_ref[...] * w2_ref[...]).T
    types = lax.broadcasted_iota(jnp.int32, (ZMAX, LANES), 0)

    oh = jnp.concatenate(
        [(types == z_ref[g:g + 1, :]) for g in range(R)],
        axis=1).astype(jnp.bfloat16)
    pose = jnp.concatenate(
        [jnp.concatenate([p3_ref[k, g:g + 1, :] for g in range(R)], axis=1)
         for k in range(3)], axis=0)

    h = lax.dot_general(wpT_h, pose, (((1,), (0,)), ((), ())),
                        preferred_element_type=jnp.float32
                        ).astype(jnp.bfloat16)
    t = lax.tanh(h)
    lift_h = h * (t * jnp.bfloat16(0.5) + jnp.bfloat16(0.5))
    eg = lax.dot_general(embT_h, oh, (((1,), (0,)), ((), ())),
                         preferred_element_type=jnp.float32
                         ).astype(jnp.bfloat16)
    h2 = eg + lift_h
    su = h2 * lax.tanh(h2) + h2
    y = lax.dot_general(vT.astype(jnp.bfloat16), su,
                        (((1,), (0,)), ((), ())),
                        preferred_element_type=jnp.float32)
    y32 = jnp.concatenate(
        [y[:, g * LANES:(g + 1) * LANES] for g in range(R)], axis=0)
    grow = pl.program_id(0) * R + lax.broadcasted_iota(jnp.int32, (R, 1), 0)
    y_ref[...] = jnp.where(grow < N_ROWS_REAL, y32, 0.0)


def _atom_scalars(z2, p3, emb, wp, wg, w2):
    return pl.pallas_call(
        _atom_scalar_body,
        grid=(NB,),
        in_specs=[
            pl.BlockSpec((R, LANES), lambda i: (i, 0)),
            pl.BlockSpec((3, R, LANES), lambda i: (0, i, 0)),
            pl.BlockSpec((ZMAX, D), lambda i: (0, 0)),
            pl.BlockSpec((3, D), lambda i: (0, 0)),
            pl.BlockSpec((D, 1), lambda i: (0, 0)),
            pl.BlockSpec((D, 1), lambda i: (0, 0)),
        ],
        out_specs=pl.BlockSpec((R, LANES), lambda i: (i, 0)),
        out_shape=jax.ShapeDtypeStruct((ROWS, LANES), jnp.float32),
    )(z2, p3, emb, wp, wg, w2)


def _segsum_body(y_hbm, idx_hbm, init_hbm, out_hbm, yv, iv, acc):
    c = lax.axis_index("c")
    s = lax.axis_index("s")

    pltpu.sync_copy(y_hbm.at[c, s], yv)
    pltpu.sync_copy(idx_hbm.at[c, s], iv)

    @pl.when(s == 0)
    def _():
        pltpu.sync_copy(init_hbm, acc)

    plsc.subcore_barrier()

    pltpu.sync_copy(yv, acc.at[iv], add=True)

    plsc.subcore_barrier()

    @pl.when(s == 0)
    def _():
        pltpu.sync_copy(acc, out_hbm.at[c])


@functools.cache
def _build_segsum():
    return pl.kernel(
        _segsum_body,
        out_type=jax.ShapeDtypeStruct((2, NUM_SEG), jnp.float32),
        mesh=plsc.VectorSubcoreMesh(core_axis_name="c", subcore_axis_name="s",
                                    num_cores=2, num_subcores=NUM_TILES),
        scratch_types=[
            pltpu.VMEM((N_PAD // 32,), jnp.float32),
            pltpu.VMEM((N_PAD // 32,), jnp.int32),
            pltpu.VMEM_SHARED((NUM_SEG,), jnp.float32),
        ],
    )


def kernel(z, pos, batch, embedding, Wp, w_gate, W2, b2):
    pad = N_PAD - N
    z2 = jnp.pad(z.astype(jnp.int32), (0, pad)).reshape(ROWS, LANES)
    p3 = jnp.pad(pos.T, ((0, 0), (0, pad))).reshape(3, ROWS, LANES)
    wg = w_gate.reshape(D, 1)

    y = _atom_scalars(z2, p3, embedding, Wp, wg, W2)

    y4 = y.reshape(2, NUM_TILES, N_PAD // 32)
    idx4 = jnp.pad(batch.astype(jnp.int32), (0, pad)).reshape(
        2, NUM_TILES, N_PAD // 32)
    init = jnp.broadcast_to(b2 * 0.5, (NUM_SEG,)).astype(jnp.float32)

    out2 = _build_segsum()(y4, idx4, init)
    return (out2[0] + out2[1]).reshape(NUM_SEG, 1)

# --- scband reference (transcript-rebuilt; emitter-appended) ---
"""Pipeline reference for scband-torch-mdnet-70385924047461 (READ-ONLY COPY).

The authoritative reference and input builder live on the scoring server;
editing this copy changes nothing except your own understanding.
"""

import jax, jax.numpy as jnp
import numpy as np

N = 320000          # total atoms across all molecules in the batch
NUM_SEG = 10000     # number of molecules (segments)
D = 128             # hidden feature dim
ZMAX = 100          # number of atom types


def setup_inputs(seed: int = 0) -> dict:
    key = jax.random.key(seed)
    ks = jax.random.split(key, 8)
    z = jax.random.randint(ks[0], (N,), 0, ZMAX, dtype=jnp.int64) if jax.config.jax_enable_x64 else jax.random.randint(ks[0], (N,), 0, ZMAX)
    pos = jax.random.normal(ks[1], (N, 3), dtype=jnp.float32)
    batch = jnp.sort(jax.random.randint(ks[2], (N,), 0, NUM_SEG))
    # learned parameters (stand-ins for representation_model / output_model)
    embedding = jax.random.normal(ks[3], (ZMAX, D), dtype=jnp.float32) * 0.1   # atom-type embedding table
    Wp = jax.random.normal(ks[4], (3, D), dtype=jnp.float32) * 0.1             # position lift
    w_gate = jax.random.normal(ks[5], (D,), dtype=jnp.float32) * 0.1           # pre_reduce elementwise gate
    W2 = jax.random.normal(ks[6], (D, 1), dtype=jnp.float32) * 0.1             # post_reduce projection
    b2 = jnp.zeros((1,), dtype=jnp.float32)
    return {"z": z, "pos": pos, "batch": batch, "embedding": embedding,
            "Wp": Wp, "w_gate": w_gate, "W2": W2, "b2": b2}


def reference(z, pos, batch, embedding, Wp, w_gate, W2, b2):
    # representation_model(z, pos, batch) -> x (per-atom features)
    x = jnp.take(embedding, z, axis=0)                 # gather: [N, D]
    x = x + jax.nn.silu(pos @ Wp)                      # [N, D]
    # output_model.pre_reduce(x, v, z, pos, batch)
    x = jax.nn.silu(x) * w_gate                        # [N, D]
    # out = scatter(x, batch, dim=0, reduce='add')
    out = jax.ops.segment_sum(x, batch, num_segments=NUM_SEG)   # [NUM_SEG, D]
    # output_model.post_reduce(out)
    out = out @ W2 + b2                                # [NUM_SEG, 1]
    return out

if __name__ == "__main__":
    import jax
    _d = setup_inputs()
    print(jax.jit(kernel)(*tuple(_d.values())))

</pallas_src>

<mosaic_0001>
#map = affine_map<(d0, d1) -> (0, 0, 0)>
#map1 = affine_map<(d0, d1) -> (0)>
#map2 = affine_map<(d0, d1) -> (0, 0)>
module attributes {stable_mosaic.version = 14 : i64} {
  func.func @_segsum_body(%arg0: i32, %arg1: i32, %arg2: memref<2x16x10240xf32, #tpu.memory_space<hbm>>, %arg3: memref<2x16x10240xi32, #tpu.memory_space<hbm>>, %arg4: memref<10000xf32, #tpu.memory_space<hbm>>, %arg5: memref<2x10000xf32, #tpu.memory_space<hbm>>, %arg6: memref<10240xf32, #tpu.memory_space<vmem>>, %arg7: memref<10240xi32, #tpu.memory_space<vmem>>, %arg8: memref<10000xf32, #tpu.memory_space<vmem_shared>>) attributes {dimension_semantics = [#tpu.dimension_semantics<core_parallel>, #tpu.dimension_semantics<subcore_parallel>], iteration_bounds = array<i64: 2, 16>, scalar_prefetch = 0 : i64, scratch_operands = 3 : i64, tpu.core_type = #tpu.core_type<sc_vector_subcore>, window_params = [{transform_indices = #map}, {transform_indices = #map}, {transform_indices = #map1}, {transform_indices = #map2}]} {
    "tpu.region"() ({
      %run_scoped3A = tpu.sem_alloc : memref<!tpu.dma_semaphore, #tpu.memory_space<semaphore_mem>>
      %dma_start3A = arith.constant 0 : i32
      %dma_start3A_8 = tpu.memref_slice %arg2[%arg0, %arg1, %dma_start3A] : memref<2x16x10240xf32, #tpu.memory_space<hbm>> -> memref<1x1x10240xf32, #tpu.memory_space<hbm>>
      %dma_start3A_9 = tpu.memref_squeeze %dma_start3A_8 : memref<1x1x10240xf32, #tpu.memory_space<hbm>> -> memref<10240xf32, #tpu.memory_space<hbm>>
      %dma_start3A_10 = arith.constant 0 : i32
      %dma_start3A_11 = tpu.memref_slice %arg2[%arg0, %arg1, %dma_start3A_10] : memref<2x16x10240xf32, #tpu.memory_space<hbm>> -> memref<1x1x10240xf32, #tpu.memory_space<hbm>>
      %dma_start3A_12 = tpu.memref_squeeze %dma_start3A_11 : memref<1x1x10240xf32, #tpu.memory_space<hbm>> -> memref<10240xf32, #tpu.memory_space<hbm>>
      tpu.enqueue_dma source(%dma_start3A_12 : memref<10240xf32, #tpu.memory_space<hbm>>) target(%arg6 : memref<10240xf32, #tpu.memory_space<vmem>>) target_semaphore(%run_scoped3A : memref<!tpu.dma_semaphore, #tpu.memory_space<semaphore_mem>>)
      %dma_wait3A = arith.constant 0 : i32
      %dma_wait3A_13 = tpu.memref_slice %arg2[%arg0, %arg1, %dma_wait3A] : memref<2x16x10240xf32, #tpu.memory_space<hbm>> -> memref<1x1x10240xf32, #tpu.memory_space<hbm>>
      %dma_wait3A_14 = tpu.memref_squeeze %dma_wait3A_13 : memref<1x1x10240xf32, #tpu.memory_space<hbm>> -> memref<10240xf32, #tpu.memory_space<hbm>>
      %dma_wait3A_15 = arith.constant 0 : i32
      %dma_wait3A_16 = tpu.memref_slice %arg2[%arg0, %arg1, %dma_wait3A_15] : memref<2x16x10240xf32, #tpu.memory_space<hbm>> -> memref<1x1x10240xf32, #tpu.memory_space<hbm>>
      %dma_wait3A_17 = tpu.memref_squeeze %dma_wait3A_16 : memref<1x1x10240xf32, #tpu.memory_space<hbm>> -> memref<10240xf32, #tpu.memory_space<hbm>>
      tpu.wait_dma2 semaphore(%run_scoped3A : memref<!tpu.dma_semaphore, #tpu.memory_space<semaphore_mem>>) src(%dma_wait3A_17 : memref<10240xf32, #tpu.memory_space<hbm>>) dst(%arg6 : memref<10240xf32, #tpu.memory_space<vmem>>)
      tpu.yield
    }) : () -> ()
    "tpu.region"() ({
      %run_scoped3A = tpu.sem_alloc : memref<!tpu.dma_semaphore, #tpu.memory_space<semaphore_mem>>
      %dma_start3A = arith.constant 0 : i32
      %dma_start3A_8 = tpu.memref_slice %arg3[%arg0, %arg1, %dma_start3A] : memref<2x16x10240xi32, #tpu.memory_space<hbm>> -> memref<1x1x10240xi32, #tpu.memory_space<hbm>>
      %dma_start3A_9 = tpu.memref_squeeze %dma_start3A_8 : memref<1x1x10240xi32, #tpu.memory_space<hbm>> -> memref<10240xi32, #tpu.memory_space<hbm>>
      %dma_start3A_10 = arith.constant 0 : i32
      %dma_start3A_11 = tpu.memref_slice %arg3[%arg0, %arg1, %dma_start3A_10] : memref<2x16x10240xi32, #tpu.memory_space<hbm>> -> memref<1x1x10240xi32, #tpu.memory_space<hbm>>
      %dma_start3A_12 = tpu.memref_squeeze %dma_start3A_11 : memref<1x1x10240xi32, #tpu.memory_space<hbm>> -> memref<10240xi32, #tpu.memory_space<hbm>>
      tpu.enqueue_dma source(%dma_start3A_12 : memref<10240xi32, #tpu.memory_space<hbm>>) target(%arg7 : memref<10240xi32, #tpu.memory_space<vmem>>) target_semaphore(%run_scoped3A : memref<!tpu.dma_semaphore, #tpu.memory_space<semaphore_mem>>)
      %dma_wait3A = arith.constant 0 : i32
      %dma_wait3A_13 = tpu.memref_slice %arg3[%arg0, %arg1, %dma_wait3A] : memref<2x16x10240xi32, #tpu.memory_space<hbm>> -> memref<1x1x10240xi32, #tpu.memory_space<hbm>>
      %dma_wait3A_14 = tpu.memref_squeeze %dma_wait3A_13 : memref<1x1x10240xi32, #tpu.memory_space<hbm>> -> memref<10240xi32, #tpu.memory_space<hbm>>
      %dma_wait3A_15 = arith.constant 0 : i32
      %dma_wait3A_16 = tpu.memref_slice %arg3[%arg0, %arg1, %dma_wait3A_15] : memref<2x16x10240xi32, #tpu.memory_space<hbm>> -> memref<1x1x10240xi32, #tpu.memory_space<hbm>>
      %dma_wait3A_17 = tpu.memref_squeeze %dma_wait3A_16 : memref<1x1x10240xi32, #tpu.memory_space<hbm>> -> memref<10240xi32, #tpu.memory_space<hbm>>
      tpu.wait_dma2 semaphore(%run_scoped3A : memref<!tpu.dma_semaphore, #tpu.memory_space<semaphore_mem>>) src(%dma_wait3A_17 : memref<10240xi32, #tpu.memory_space<hbm>>) dst(%arg7 : memref<10240xi32, #tpu.memory_space<vmem>>)
      tpu.yield
    }) : () -> ()
    %eq3A = arith.constant 0 : i32
    %eq3A_0 = arith.cmpi eq, %arg1, %eq3A : i32
    %convert_element_type3A = arith.extui %eq3A_0 : i1 to i32
    %cond3A = arith.constant 0 : i32
    %cond3A_1 = arith.cmpi ne, %convert_element_type3A, %cond3A : i32
    scf.if %cond3A_1 {
      "tpu.region"() ({
        %run_scoped3A = tpu.sem_alloc : memref<!tpu.dma_semaphore, #tpu.memory_space<semaphore_mem>>
        tpu.enqueue_dma source(%arg4 : memref<10000xf32, #tpu.memory_space<hbm>>) target(%arg8 : memref<10000xf32, #tpu.memory_space<vmem_shared>>) target_semaphore(%run_scoped3A : memref<!tpu.dma_semaphore, #tpu.memory_space<semaphore_mem>>)
        tpu.wait_dma2 semaphore(%run_scoped3A : memref<!tpu.dma_semaphore, #tpu.memory_space<semaphore_mem>>) src(%arg4 : memref<10000xf32, #tpu.memory_space<hbm>>) dst(%arg8 : memref<10000xf32, #tpu.memory_space<vmem_shared>>)
        tpu.yield
      }) : () -> ()
    } else {
    }
    %barrier3A = arith.constant 0 : index
    tpu.barrier barrier_id(%barrier3A)
    "tpu.region"() ({
      %run_scoped3A = tpu.sem_alloc : memref<!tpu.dma_semaphore, #tpu.memory_space<semaphore_mem>>
      %dma_start3A = arith.constant 0 : i32
      %dma_start3A_8 = tpu.memref_slice %arg8[%dma_start3A] : memref<10000xf32, #tpu.memory_space<vmem_shared>> -> memref<10000xf32, #tpu.memory_space<vmem_shared>>
      tpu.enqueue_indirect_dma source(%arg6 : memref<10240xf32, #tpu.memory_space<vmem>>) target(%dma_start3A_8 : memref<10000xf32, #tpu.memory_space<vmem_shared>>) offsets(%arg7 : memref<10240xi32, #tpu.memory_space<vmem>>) semaphore(%run_scoped3A : memref<!tpu.dma_semaphore, #tpu.memory_space<semaphore_mem>>) {add = true}
      %dma_wait3A = arith.constant 0 : i32
      %dma_wait3A_9 = tpu.memref_slice %arg8[%dma_wait3A] : memref<10000xf32, #tpu.memory_space<vmem_shared>> -> memref<10000xf32, #tpu.memory_space<vmem_shared>>
      tpu.wait_indirect_dma semaphore(%run_scoped3A : memref<!tpu.dma_semaphore, #tpu.memory_space<semaphore_mem>>) src(%arg6 : memref<10240xf32, #tpu.memory_space<vmem>>) dst(%dma_wait3A_9 : memref<10000xf32, #tpu.memory_space<vmem_shared>>)
      tpu.yield
    }) : () -> ()
    %barrier3A_2 = arith.constant 0 : index
    tpu.barrier barrier_id(%barrier3A_2)
    %eq3A_3 = arith.constant 0 : i32
    %eq3A_4 = arith.cmpi eq, %arg1, %eq3A_3 : i32
    %convert_element_type3A_5 = arith.extui %eq3A_4 : i1 to i32
    %cond3A_6 = arith.constant 0 : i32
    %cond3A_7 = arith.cmpi ne, %convert_element_type3A_5, %cond3A_6 : i32
    scf.if %cond3A_7 {
      "tpu.region"() ({
        %run_scoped3A = tpu.sem_alloc : memref<!tpu.dma_semaphore, #tpu.memory_space<semaphore_mem>>
        %dma_start3A = arith.constant 0 : i32
        %dma_start3A_8 = tpu.memref_slice %arg5[%arg0, %dma_start3A] : memref<2x10000xf32, #tpu.memory_space<hbm>> -> memref<1x10000xf32, #tpu.memory_space<hbm>>
        %dma_start3A_9 = tpu.memref_squeeze %dma_start3A_8 : memref<1x10000xf32, #tpu.memory_space<hbm>> -> memref<10000xf32, #tpu.memory_space<hbm>>
        tpu.enqueue_dma source(%arg8 : memref<10000xf32, #tpu.memory_space<vmem_shared>>) target(%dma_start3A_9 : memref<10000xf32, #tpu.memory_space<hbm>>) target_semaphore(%run_scoped3A : memref<!tpu.dma_semaphore, #tpu.memory_space<semaphore_mem>>)
        %dma_wait3A = arith.constant 0 : i32
        %dma_wait3A_10 = tpu.memref_slice %arg5[%arg0, %dma_wait3A] : memref<2x10000xf32, #tpu.memory_space<hbm>> -> memref<1x10000xf32, #tpu.memory_space<hbm>>
        %dma_wait3A_11 = tpu.memref_squeeze %dma_wait3A_10 : memref<1x10000xf32, #tpu.memory_space<hbm>> -> memref<10000xf32, #tpu.memory_space<hbm>>
        tpu.wait_dma2 semaphore(%run_scoped3A : memref<!tpu.dma_semaphore, #tpu.memory_space<semaphore_mem>>) src(%arg8 : memref<10000xf32, #tpu.memory_space<vmem_shared>>) dst(%dma_wait3A_11 : memref<10000xf32, #tpu.memory_space<hbm>>)
        tpu.yield
      }) : () -> ()
    } else {
    }
    return
  }
}

module attributes {stable_mosaic.version = 14 : i64} {
  func.func @_atom_scalar_body(%arg0: i32, %arg1: memref<256x128xi32, #tpu.memory_space<vmem>>, %arg2: memref<3x256x128xf32, #tpu.memory_space<vmem>>, %arg3: memref<100x128xf32, #tpu.memory_space<vmem>>, %arg4: memref<3x128xf32, #tpu.memory_space<vmem>>, %arg5: memref<128x1xf32, #tpu.memory_space<vmem>>, %arg6: memref<128x1xf32, #tpu.memory_space<vmem>>, %arg7: memref<256x128xf32, #tpu.memory_space<vmem>>) attributes {dimension_semantics = [#tpu.dimension_semantics<arbitrary>], iteration_bounds = array<i64: 10>, scalar_prefetch = 0 : i64, scratch_operands = 0 : i64, tpu.core_type = #tpu.core_type<tc>, window_params = [{transform_indices = @transform_0, window_bounds = array<i64: 256, 128>}, {transform_indices = @transform_1, window_bounds = array<i64: 3, 256, 128>}, {pipeline_mode = #tpu.pipeline_mode<synchronous>, transform_indices = @transform_2, window_bounds = array<i64: 100, 128>}, {pipeline_mode = #tpu.pipeline_mode<synchronous>, transform_indices = @transform_3, window_bounds = array<i64: 3, 128>}, {pipeline_mode = #tpu.pipeline_mode<synchronous>, transform_indices = @transform_4, window_bounds = array<i64: 128, 1>}, {pipeline_mode = #tpu.pipeline_mode<synchronous>, transform_indices = @transform_5, window_bounds = array<i64: 128, 1>}, {transform_indices = @transform_6, window_bounds = array<i64: 256, 128>}]} {
    %get3A = arith.constant 0 : index
    %get3A_0 = arith.constant 0 : index
    %get3A_1 = vector.load %arg3[%get3A, %get3A_0] : memref<100x128xf32, #tpu.memory_space<vmem>>, vector<100x128xf32>
    %transpose3A = tpu.transpose %get3A_1, [1, 0] : vector<100x128xf32> -> vector<128x100xf32>
    %mul3A = arith.constant 5.000000e-01 : f32
    %mul3A_2 = vector.broadcast %mul3A : f32 to vector<128x100xf32>
    %mul3A_3 = arith.mulf %transpose3A, %mul3A_2 : vector<128x100xf32>
    %convert_element_type3A = arith.truncf %mul3A_3 : vector<128x100xf32> to vector<128x100xbf16>
    %get3A_4 = arith.constant 0 : index
    %get3A_5 = arith.constant 0 : index
    %get3A_6 = vector.load %arg4[%get3A_4, %get3A_5] : memref<3x128xf32, #tpu.memory_space<vmem>>, vector<3x128xf32>
    %transpose3A_7 = tpu.transpose %get3A_6, [1, 0] : vector<3x128xf32> -> vector<128x3xf32>
    %mul3A_8 = arith.constant 5.000000e-01 : f32
    %mul3A_9 = vector.broadcast %mul3A_8 : f32 to vector<128x3xf32>
    %mul3A_10 = arith.mulf %transpose3A_7, %mul3A_9 : vector<128x3xf32>
    %get3A_11 = arith.constant 0 : index
    %get3A_12 = arith.constant 0 : index
    %get3A_13 = vector.load %arg5[%get3A_11, %get3A_12] : memref<128x1xf32, #tpu.memory_space<vmem>>, vector<128x1xf32>
    %get3A_14 = arith.constant 0 : index
    %get3A_15 = arith.constant 0 : index
    %get3A_16 = vector.load %arg6[%get3A_14, %get3A_15] : memref<128x1xf32, #tpu.memory_space<vmem>>, vector<128x1xf32>
    %mul3A_17 = arith.mulf %get3A_13, %get3A_16 : vector<128x1xf32>
    %transpose3A_18 = tpu.transpose %mul3A_17, [1, 0] : vector<128x1xf32> -> vector<1x128xf32>
    %iota3A = tpu.iota {dimensions = array<i32: 0>} : vector<100x128xi32>
    %get3A_19 = arith.constant 0 : index
    %get3A_20 = arith.constant 0 : index
    %get3A_21 = vector.load %arg1[%get3A_19, %get3A_20] : memref<256x128xi32, #tpu.memory_space<vmem>>, vector<1x128xi32>
    %eq3A = vector.broadcast %get3A_21 : vector<1x128xi32> to vector<100x128xi32>
    %eq3A_22 = arith.cmpi eq, %iota3A, %eq3A : vector<100x128xi32>
    %get3A_23 = arith.constant 1 : index
    %get3A_24 = arith.constant 0 : index
    %get3A_25 = vector.load %arg1[%get3A_23, %get3A_24] : memref<256x128xi32, #tpu.memory_space<vmem>>, vector<1x128xi32>
    %eq3A_26 = vector.broadcast %get3A_25 : vector<1x128xi32> to vector<100x128xi32>
    %eq3A_27 = arith.cmpi eq, %iota3A, %eq3A_26 : vector<100x128xi32>
    %get3A_28 = arith.constant 2 : index
    %get3A_29 = arith.constant 0 : index
    %get3A_30 = vector.load %arg1[%get3A_28, %get3A_29] : memref<256x128xi32, #tpu.memory_space<vmem>>, vector<1x128xi32>
    %eq3A_31 = vector.broadcast %get3A_30 : vector<1x128xi32> to vector<100x128xi32>
    %eq3A_32 = arith.cmpi eq, %iota3A, %eq3A_31 : vector<100x128xi32>
    %get3A_33 = arith.constant 3 : index
    %get3A_34 = arith.constant 0 : index
    %get3A_35 = vector.load %arg1[%get3A_33, %get3A_34] : memref<256x128xi32, #tpu.memory_space<vmem>>, vector<1x128xi32>
    %eq3A_36 = vector.broadcast %get3A_35 : vector<1x128xi32> to vector<100x128xi32>
    %eq3A_37 = arith.cmpi eq, %iota3A, %eq3A_36 : vector<100x128xi32>
    %get3A_38 = arith.constant 4 : index
    %get3A_39 = arith.constant 0 : index
    %get3A_40 = vector.load %arg1[%get3A_38, %get3A_39] : memref<256x128xi32, #tpu.memory_space<vmem>>, vector<1x128xi32>
    %eq3A_41 = vector.broadcast %get3A_40 : vector<1x128xi32> to vector<100x128xi32>
    %eq3A_42 = arith.cmpi eq, %iota3A, %eq3A_41 : vector<100x128xi32>
    %get3A_43 = arith.constant 5 : index
    %get3A_44 = arith.constant 0 : index
    %get3A_45 = vector.load %arg1[%get3A_43, %get3A_44] : memref<256x128xi32, #tpu.memory_space<vmem>>, vector<1x128xi32>
    %eq3A_46 = vector.broadcast %get3A_45 : vector<1x128xi32> to vector<100x128xi32>
    %eq3A_47 = arith.cmpi eq, %iota3A, %eq3A_46 : vector<100x128xi32>
    %get3A_48 = arith.constant 6 : index
    %get3A_49 = arith.constant 0 : index
    %get3A_50 = vector.load %arg1[%get3A_48, %get3A_49] : memref<256x128xi32, #tpu.memory_space<vmem>>, vector<1x128xi32>
    %eq3A_51 = vector.broadcast %get3A_50 : vector<1x128xi32> to vector<100x128xi32>
    %eq3A_52 = arith.cmpi eq, %iota3A, %eq3A_51 : vector<100x128xi32>
    %get3A_53 = arith.constant 7 : index
    %get3A_54 = arith.constant 0 : index
    %get3A_55 = vector.load %arg1[%get3A_53, %get3A_54] : memref<256x128xi32, #tpu.memory_space<vmem>>, vector<1x128xi32>
    %eq3A_56 = vector.broadcast %get3A_55 : vector<1x128xi32> to vector<100x128xi32>
    %eq3A_57 = arith.cmpi eq, %iota3A, %eq3A_56 : vector<100x128xi32>
    %get3A_58 = arith.constant 8 : index
    %get3A_59 = arith.constant 0 : index
    %get3A_60 = vector.load %arg1[%get3A_58, %get3A_59] : memref<256x128xi32, #tpu.memory_space<vmem>>, vector<1x128xi32>
    %eq3A_61 = vector.broadcast %get3A_60 : vector<1x128xi32> to vector<100x128xi32>
    %eq3A_62 = arith.cmpi eq, %iota3A, %eq3A_61 : vector<100x128xi32>
    %get3A_63 = arith.constant 9 : index
    %get3A_64 = arith.constant 0 : index
    %get3A_65 = vector.load %arg1[%get3A_63, %get3A_64] : memref<256x128xi32, #tpu.memory_space<vmem>>, vector<1x128xi32>
    %eq3A_66 = vector.broadcast %get3A_65 : vector<1x128xi32> to vector<100x128xi32>
    %eq3A_67 = arith.cmpi eq, %iota3A, %eq3A_66 : vector<100x128xi32>
    %get3A_68 = arith.constant 10 : index
    %get3A_69 = arith.constant 0 : index
    %get3A_70 = vector.load %arg1[%get3A_68, %get3A_69] : memref<256x128xi32, #tpu.memory_space<vmem>>, vector<1x128xi32>
    %eq3A_71 = vector.broadcast %get3A_70 : vector<1x128xi32> to vector<100x128xi32>
    %eq3A_72 = arith.cmpi eq, %iota3A, %eq3A_71 : vector<100x128xi32>
    %get3A_73 = arith.constant 11 : index
    %get3A_74 = arith.constant 0 : index
    %get3A_75 = vector.load %arg1[%get3A_73, %get3A_74] : memref<256x128xi32, #tpu.memory_space<vmem>>, vector<1x128xi32>
    %eq3A_76 = vector.broadcast %get3A_75 : vector<1x128xi32> to vector<100x128xi32>
    %eq3A_77 = arith.cmpi eq, %iota3A, %eq3A_76 : vector<100x128xi32>
    %get3A_78 = arith.constant 12 : index
    %get3A_79 = arith.constant 0 : index
    %get3A_80 = vector.load %arg1[%get3A_78, %get3A_79] : memref<256x128xi32, #tpu.memory_space<vmem>>, vector<1x128xi32>
    %eq3A_81 = vector.broadcast %get3A_80 : vector<1x128xi32> to vector<100x128xi32>
    %eq3A_82 = arith.cmpi eq, %iota3A, %eq3A_81 : vector<100x128xi32>
    %get3A_83 = arith.constant 13 : index
    %get3A_84 = arith.constant 0 : index
    %get3A_85 = vector.load %arg1[%get3A_83, %get3A_84] : memref<256x128xi32, #tpu.memory_space<vmem>>, vector<1x128xi32>
    %eq3A_86 = vector.broadcast %get3A_85 : vector<1x128xi32> to vector<100x128xi32>
    %eq3A_87 = arith.cmpi eq, %iota3A, %eq3A_86 : vector<100x128xi32>
    %get3A_88 = arith.constant 14 : index
    %get3A_89 = arith.constant 0 : index
    %get3A_90 = vector.load %arg1[%get3A_88, %get3A_89] : memref<256x128xi32, #tpu.memory_space<vmem>>, vector<1x128xi32>
    %eq3A_91 = vector.broadcast %get3A_90 : vector<1x128xi32> to vector<100x128xi32>
    %eq3A_92 = arith.cmpi eq, %iota3A, %eq3A_91 : vector<100x128xi32>
    %get3A_93 = arith.constant 15 : index
    %get3A_94 = arith.constant 0 : index
    %get3A_95 = vector.load %arg1[%get3A_93, %get3A_94] : memref<256x128xi32, #tpu.memory_space<vmem>>, vector<1x128xi32>
    %eq3A_96 = vector.broadcast %get3A_95 : vector<1x128xi32> to vector<100x128xi32>
    %eq3A_97 = arith.cmpi eq, %iota3A, %eq3A_96 : vector<100x128xi32>
    %get3A_98 = arith.constant 16 : index
    %get3A_99 = arith.constant 0 : index
    %get3A_100 = vector.load %arg1[%get3A_98, %get3A_99] : memref<256x128xi32, #tpu.memory_space<vmem>>, vector<1x128xi32>
    %eq3A_101 = vector.broadcast %get3A_100 : vector<1x128xi32> to vector<100x128xi32>
    %eq3A_102 = arith.cmpi eq, %iota3A, %eq3A_101 : vector<100x128xi32>
    %get3A_103 = arith.constant 17 : index
    %get3A_104 = arith.constant 0 : index
    %get3A_105 = vector.load %arg1[%get3A_103, %get3A_104] : memref<256x128xi32, #tpu.memory_space<vmem>>, vector<1x128xi32>
    %eq3A_106 = vector.broadcast %get3A_105 : vector<1x128xi32> to vector<100x128xi32>
    %eq3A_107 = arith.cmpi eq, %iota3A, %eq3A_106 : vector<100x128xi32>
    %get3A_108 = arith.constant 18 : index
    %get3A_109 = arith.constant 0 : index
    %get3A_110 = vector.load %arg1[%get3A_108, %get3A_109] : memref<256x128xi32, #tpu.memory_space<vmem>>, vector<1x128xi32>
    %eq3A_111 = vector.broadcast %get3A_110 : vector<1x128xi32> to vector<100x128xi32>
    %eq3A_112 = arith.cmpi eq, %iota3A, %eq3A_111 : vector<100x128xi32>
    %get3A_113 = arith.constant 19 : index
    %get3A_114 = arith.constant 0 : index
    %get3A_115 = vector.load %arg1[%get3A_113, %get3A_114] : memref<256x128xi32, #tpu.memory_space<vmem>>, vector<1x128xi32>
    %eq3A_116 = vector.broadcast %get3A_115 : vector<1x128xi32> to vector<100x128xi32>
    %eq3A_117 = arith.cmpi eq, %iota3A, %eq3A_116 : vector<100x128xi32>
    %get3A_118 = arith.constant 20 : index
    %get3A_119 = arith.constant 0 : index
    %get3A_120 = vector.load %arg1[%get3A_118, %get3A_119] : memref<256x128xi32, #tpu.memory_space<vmem>>, vector<1x128xi32>
    %eq3A_121 = vector.broadcast %get3A_120 : vector<1x128xi32> to vector<100x128xi32>
    %eq3A_122 = arith.cmpi eq, %iota3A, %eq3A_121 : vector<100x128xi32>
    %get3A_123 = arith.constant 21 : index
    %get3A_124 = arith.constant 0 : index
    %get3A_125 = vector.load %arg1[%get3A_123, %get3A_124] : memref<256x128xi32, #tpu.memory_space<vmem>>, vector<1x128xi32>
    %eq3A_126 = vector.broadcast %get3A_125 : vector<1x128xi32> to vector<100x128xi32>
    %eq3A_127 = arith.cmpi eq, %iota3A, %eq3A_126 : vector<100x128xi32>
    %get3A_128 = arith.constant 22 : index
    %get3A_129 = arith.constant 0 : index
    %get3A_130 = vector.load %arg1[%get3A_128, %get3A_129] : memref<256x128xi32, #tpu.memory_space<vmem>>, vector<1x128xi32>
    %eq3A_131 = vector.broadcast %get3A_130 : vector<1x128xi32> to vector<100x128xi32>
    %eq3A_132 = arith.cmpi eq, %iota3A, %eq3A_131 : vector<100x128xi32>
    %get3A_133 = arith.constant 23 : index
    %get3A_134 = arith.constant 0 : index
    %get3A_135 = vector.load %arg1[%get3A_133, %get3A_134] : memref<256x128xi32, #tpu.memory_space<vmem>>, vector<1x128xi32>
    %eq3A_136 = vector.broadcast %get3A_135 : vector<1x128xi32> to vector<100x128xi32>
    %eq3A_137 = arith.cmpi eq, %iota3A, %eq3A_136 : vector<100x128xi32>
    %get3A_138 = arith.constant 24 : index
    %get3A_139 = arith.constant 0 : index
    %get3A_140 = vector.load %arg1[%get3A_138, %get3A_139] : memref<256x128xi32, #tpu.memory_space<vmem>>, vector<1x128xi32>
    %eq3A_141 = vector.broadcast %get3A_140 : vector<1x128xi32> to vector<100x128xi32>
    %eq3A_142 = arith.cmpi eq, %iota3A, %eq3A_141 : vector<100x128xi32>
    %get3A_143 = arith.constant 25 : index
    %get3A_144 = arith.constant 0 : index
    %get3A_145 = vector.load %arg1[%get3A_143, %get3A_144] : memref<256x128xi32, #tpu.memory_space<vmem>>, vector<1x128xi32>
    %eq3A_146 = vector.broadcast %get3A_145 : vector<1x128xi32> to vector<100x128xi32>
    %eq3A_147 = arith.cmpi eq, %iota3A, %eq3A_146 : vector<100x128xi32>
    %get3A_148 = arith.constant 26 : index
    %get3A_149 = arith.constant 0 : index
    %get3A_150 = vector.load %arg1[%get3A_148, %get3A_149] : memref<256x128xi32, #tpu.memory_space<vmem>>, vector<1x128xi32>
    %eq3A_151 = vector.broadcast %get3A_150 : vector<1x128xi32> to vector<100x128xi32>
    %eq3A_152 = arith.cmpi eq, %iota3A, %eq3A_151 : vector<100x128xi32>
    %get3A_153 = arith.constant 27 : index
    %get3A_154 = arith.constant 0 : index
    %get3A_155 = vector.load %arg1[%get3A_153, %get3A_154] : memref<256x128xi32, #tpu.memory_space<vmem>>, vector<1x128xi32>
    %eq3A_156 = vector.broadcast %get3A_155 : vector<1x128xi32> to vector<100x128xi32>
    %eq3A_157 = arith.cmpi eq, %iota3A, %eq3A_156 : vector<100x128xi32>
    %get3A_158 = arith.constant 28 : index
    %get3A_159 = arith.constant 0 : index
    %get3A_160 = vector.load %arg1[%get3A_158, %get3A_159] : memref<256x128xi32, #tpu.memory_space<vmem>>, vector<1x128xi32>
    %eq3A_161 = vector.broadcast %get3A_160 : vector<1x128xi32> to vector<100x128xi32>
    %eq3A_162 = arith.cmpi eq, %iota3A, %eq3A_161 : vector<100x128xi32>
    %get3A_163 = arith.constant 29 : index
    %get3A_164 = arith.constant 0 : index
    %get3A_165 = vector.load %arg1[%get3A_163, %get3A_164] : memref<256x128xi32, #tpu.memory_space<vmem>>, vector<1x128xi32>
    %eq3A_166 = vector.broadcast %get3A_165 : vector<1x128xi32> to vector<100x128xi32>
    %eq3A_167 = arith.cmpi eq, %iota3A, %eq3A_166 : vector<100x128xi32>
    %get3A_168 = arith.constant 30 : index
    %get3A_169 = arith.constant 0 : index
    %get3A_170 = vector.load %arg1[%get3A_168, %get3A_169] : memref<256x128xi32, #tpu.memory_space<vmem>>, vector<1x128xi32>
    %eq3A_171 = vector.broadcast %get3A_170 : vector<1x128xi32> to vector<100x128xi32>
    %eq3A_172 = arith.cmpi eq, %iota3A, %eq3A_171 : vector<100x128xi32>
    %get3A_173 = arith.constant 31 : index
    %get3A_174 = arith.constant 0 : index
    %get3A_175 = vector.load %arg1[%get3A_173, %get3A_174] : memref<256x128xi32, #tpu.memory_space<vmem>>, vector<1x128xi32>
    %eq3A_176 = vector.broadcast %get3A_175 : vector<1x128xi32> to vector<100x128xi32>
    %eq3A_177 = arith.cmpi eq, %iota3A, %eq3A_176 : vector<100x128xi32>
    %get3A_178 = arith.constant 32 : index
    %get3A_179 = arith.constant 0 : index
    %get3A_180 = vector.load %arg1[%get3A_178, %get3A_179] : memref<256x128xi32, #tpu.memory_space<vmem>>, vector<1x128xi32>
    %eq3A_181 = vector.broadcast %get3A_180 : vector<1x128xi32> to vector<100x128xi32>
    %eq3A_182 = arith.cmpi eq, %iota3A, %eq3A_181 : vector<100x128xi32>
    %get3A_183 = arith.constant 33 : index
    %get3A_184 = arith.constant 0 : index
    %get3A_185 = vector.load %arg1[%get3A_183, %get3A_184] : memref<256x128xi32, #tpu.memory_space<vmem>>, vector<1x128xi32>
    %eq3A_186 = vector.broadcast %get3A_185 : vector<1x128xi32> to vector<100x128xi32>
    %eq3A_187 = arith.cmpi eq, %iota3A, %eq3A_186 : vector<100x128xi32>
    %get3A_188 = arith.constant 34 : index
    %get3A_189 = arith.constant 0 : index
    %get3A_190 = vector.load %arg1[%get3A_188, %get3A_189] : memref<256x128xi32, #tpu.memory_space<vmem>>, vector<1x128xi32>
    %eq3A_191 = vector.broadcast %get3A_190 : vector<1x128xi32> to vector<100x128xi32>
    %eq3A_192 = arith.cmpi eq, %iota3A, %eq3A_191 : vector<100x128xi32>
    %get3A_193 = arith.constant 35 : index
    %get3A_194 = arith.constant 0 : index
    %get3A_195 = vector.load %arg1[%get3A_193, %get3A_194] : memref<256x128xi32, #tpu.memory_space<vmem>>, vector<1x128xi32>
    %eq3A_196 = vector.broadcast %get3A_195 : vector<1x128xi32> to vector<100x128xi32>
    %eq3A_197 = arith.cmpi eq, %iota3A, %eq3A_196 : vector<100x128xi32>
    %get3A_198 = arith.constant 36 : index
    %get3A_199 = arith.constant 0 : index
    %get3A_200 = vector.load %arg1[%get3A_198, %get3A_199] : memref<256x128xi32, #tpu.memory_space<vmem>>, vector<1x128xi32>
    %eq3A_201 = vector.broadcast %get3A_200 : vector<1x128xi32> to vector<100x128xi32>
    %eq3A_202 = arith.cmpi eq, %iota3A, %eq3A_201 : vector<100x128xi32>
    %get3A_203 = arith.constant 37 : index
    %get3A_204 = arith.constant 0 : index
    %get3A_205 = vector.load %arg1[%get3A_203, %get3A_204] : memref<256x128xi32, #tpu.memory_space<vmem>>, vector<1x128xi32>
    %eq3A_206 = vector.broadcast %get3A_205 : vector<1x128xi32> to vector<100x128xi32>
    %eq3A_207 = arith.cmpi eq, %iota3A, %eq3A_206 : vector<100x128xi32>
    %get3A_208 = arith.constant 38 : index
    %get3A_209 = arith.constant 0 : index
    %get3A_210 = vector.load %arg1[%get3A_208, %get3A_209] : memref<256x128xi32, #tpu.memory_space<vmem>>, vector<1x128xi32>
    %eq3A_211 = vector.broadcast %get3A_210 : vector<1x128xi32> to vector<100x128xi32>
    %eq3A_212 = arith.cmpi eq, %iota3A, %eq3A_211 : vector<100x128xi32>
    %get3A_213 = arith.constant 39 : index
    %get3A_214 = arith.constant 0 : index
    %get3A_215 = vector.load %arg1[%get3A_213, %get3A_214] : memref<256x128xi32, #tpu.memory_space<vmem>>, vector<1x128xi32>
    %eq3A_216 = vector.broadcast %get3A_215 : vector<1x128xi32> to vector<100x128xi32>
    %eq3A_217 = arith.cmpi eq, %iota3A, %eq3A_216 : vector<100x128xi32>
    %get3A_218 = arith.constant 40 : index
    %get3A_219 = arith.constant 0 : index
    %get3A_220 = vector.load %arg1[%get3A_218, %get3A_219] : memref<256x128xi32, #tpu.memory_space<vmem>>, vector<1x128xi32>
    %eq3A_221 = vector.broadcast %get3A_220 : vector<1x128xi32> to vector<100x128xi32>
    %eq3A_222 = arith.cmpi eq, %iota3A, %eq3A_221 : vector<100x128xi32>
    %get3A_223 = arith.constant 41 : index
    %get3A_224 = arith.constant 0 : index
    %get3A_225 = vector.load %arg1[%get3A_223, %get3A_224] : memref<256x128xi32, #tpu.memory_space<vmem>>, vector<1x128xi32>
    %eq3A_226 = vector.broadcast %get3A_225 : vector<1x128xi32> to vector<100x128xi32>
    %eq3A_227 = arith.cmpi eq, %iota3A, %eq3A_226 : vector<100x128xi32>
    %get3A_228 = arith.constant 42 : index
    %get3A_229 = arith.constant 0 : index
    %get3A_230 = vector.load %arg1[%get3A_228, %get3A_229] : memref<256x128xi32, #tpu.memory_space<vmem>>, vector<1x128xi32>
    %eq3A_231 = vector.broadcast %get3A_230 : vector<1x128xi32> to vector<100x128xi32>
    %eq3A_232 = arith.cmpi eq, %iota3A, %eq3A_231 : vector<100x128xi32>
    %get3A_233 = arith.constant 43 : index
    %get3A_234 = arith.constant 0 : index
    %get3A_235 = vector.load %arg1[%get3A_233, %get3A_234] : memref<256x128xi32, #tpu.memory_space<vmem>>, vector<1x128xi32>
    %eq3A_236 = vector.broadcast %get3A_235 : vector<1x128xi32> to vector<100x128xi32>
    %eq3A_237 = arith.cmpi eq, %iota3A, %eq3A_236 : vector<100x128xi32>
    %get3A_238 = arith.constant 44 : index
    %get3A_239 = arith.constant 0 : index
    %get3A_240 = vector.load %arg1[%get3A_238, %get3A_239] : memref<256x128xi32, #tpu.memory_space<vmem>>, vector<1x128xi32>
    %eq3A_241 = vector.broadcast %get3A_240 : vector<1x128xi32> to vector<100x128xi32>
    %eq3A_242 = arith.cmpi eq, %iota3A, %eq3A_241 : vector<100x128xi32>
    %get3A_243 = arith.constant 45 : index
    %get3A_244 = arith.constant 0 : index
    %get3A_245 = vector.load %arg1[%get3A_243, %get3A_244] : memref<256x128xi32, #tpu.memory_space<vmem>>, vector<1x128xi32>
    %eq3A_246 = vector.broadcast %get3A_245 : vector<1x128xi32> to vector<100x128xi32>
    %eq3A_247 = arith.cmpi eq, %iota3A, %eq3A_246 : vector<100x128xi32>
    %get3A_248 = arith.constant 46 : index
    %get3A_249 = arith.constant 0 : index
    %get3A_250 = vector.load %arg1[%get3A_248, %get3A_249] : memref<256x128xi32, #tpu.memory_space<vmem>>, vector<1x128xi32>
    %eq3A_251 = vector.broadcast %get3A_250 : vector<1x128xi32> to vector<100x128xi32>
    %eq3A_252 = arith.cmpi eq, %iota3A, %eq3A_251 : vector<100x128xi32>
    %get3A_253 = arith.constant 47 : index
    %get3A_254 = arith.constant 0 : index
    %get3A_255 = vector.load %arg1[%get3A_253, %get3A_254] : memref<256x128xi32, #tpu.memory_space<vmem>>, vector<1x128xi32>
    %eq3A_256 = vector.broadcast %get3A_255 : vector<1x128xi32> to vector<100x128xi32>
    %eq3A_257 = arith.cmpi eq, %iota3A, %eq3A_256 : vector<100x128xi32>
    %get3A_258 = arith.constant 48 : index
    %get3A_259 = arith.constant 0 : index
    %get3A_260 = vector.load %arg1[%get3A_258, %get3A_259] : memref<256x128xi32, #tpu.memory_space<vmem>>, vector<1x128xi32>
    %eq3A_261 = vector.broadcast %get3A_260 : vector<1x128xi32> to vector<100x128xi32>
    %eq3A_262 = arith.cmpi eq, %iota3A, %eq3A_261 : vector<100x128xi32>
    %get3A_263 = arith.constant 49 : index
    %get3A_264 = arith.constant 0 : index
    %get3A_265 = vector.load %arg1[%get3A_263, %get3A_264] : memref<256x128xi32, #tpu.memory_space<vmem>>, vector<1x128xi32>
    %eq3A_266 = vector.broadcast %get3A_265 : vector<1x128xi32> to vector<100x128xi32>
    %eq3A_267 = arith.cmpi eq, %iota3A, %eq3A_266 : vector<100x128xi32>
    %get3A_268 = arith.constant 50 : index
    %get3A_269 = arith.constant 0 : index
    %get3A_270 = vector.load %arg1[%get3A_268, %get3A_269] : memref<256x128xi32, #tpu.memory_space<vmem>>, vector<1x128xi32>
    %eq3A_271 = vector.broadcast %get3A_270 : vector<1x128xi32> to vector<100x128xi32>
    %eq3A_272 = arith.cmpi eq, %iota3A, %eq3A_271 : vector<100x128xi32>
    %get3A_273 = arith.constant 51 : index
    %get3A_274 = arith.constant 0 : index
    %get3A_275 = vector.load %arg1[%get3A_273, %get3A_274] : memref<256x128xi32, #tpu.memory_space<vmem>>, vector<1x128xi32>
    %eq3A_276 = vector.broadcast %get3A_275 : vector<1x128xi32> to vector<100x128xi32>
    %eq3A_277 = arith.cmpi eq, %iota3A, %eq3A_276 : vector<100x128xi32>
    %get3A_278 = arith.constant 52 : index
    %get3A_279 = arith.constant 0 : index
    %get3A_280 = vector.load %arg1[%get3A_278, %get3A_279] : memref<256x128xi32, #tpu.memory_space<vmem>>, vector<1x128xi32>
    %eq3A_281 = vector.broadcast %get3A_280 : vector<1x128xi32> to vector<100x128xi32>
    %eq3A_282 = arith.cmpi eq, %iota3A, %eq3A_281 : vector<100x128xi32>
    %get3A_283 = arith.constant 53 : index
    %get3A_284 = arith.constant 0 : index
    %get3A_285 = vector.load %arg1[%get3A_283, %get3A_284] : memref<256x128xi32, #tpu.memory_space<vmem>>, vector<1x128xi32>
    %eq3A_286 = vector.broadcast %get3A_285 : vector<1x128xi32> to vector<100x128xi32>
    %eq3A_287 = arith.cmpi eq, %iota3A, %eq3A_286 : vector<100x128xi32>
    %get3A_288 = arith.constant 54 : index
    %get3A_289 = arith.constant 0 : index
    %get3A_290 = vector.load %arg1[%get3A_288, %get3A_289] : memref<256x128xi32, #tpu.memory_space<vmem>>, vector<1x128xi32>
    %eq3A_291 = vector.broadcast %get3A_290 : vector<1x128xi32> to vector<100x128xi32>
    %eq3A_292 = arith.cmpi eq, %iota3A, %eq3A_291 : vector<100x128xi32>
    %get3A_293 = arith.constant 55 : index
    %get3A_294 = arith.constant 0 : index
    %get3A_295 = vector.load %arg1[%get3A_293, %get3A_294] : memref<256x128xi32, #tpu.memory_space<vmem>>, vector<1x128xi32>
    %eq3A_296 = vector.broadcast %get3A_295 : vector<1x128xi32> to vector<100x128xi32>
    %eq3A_297 = arith.cmpi eq, %iota3A, %eq3A_296 : vector<100x128xi32>
    %get3A_298 = arith.constant 56 : index
    %get3A_299 = arith.constant 0 : index
    %get3A_300 = vector.load %arg1[%get3A_298, %get3A_299] : memref<256x128xi32, #tpu.memory_space<vmem>>, vector<1x128xi32>
    %eq3A_301 = vector.broadcast %get3A_300 : vector<1x128xi32> to vector<100x128xi32>
    %eq3A_302 = arith.cmpi eq, %iota3A, %eq3A_301 : vector<100x128xi32>
    %get3A_303 = arith.constant 57 : index
    %get3A_304 = arith.constant 0 : index
    %get3A_305 = vector.load %arg1[%get3A_303, %get3A_304] : memref<256x128xi32, #tpu.memory_space<vmem>>, vector<1x128xi32>
    %eq3A_306 = vector.broadcast %get3A_305 : vector<1x128xi32> to vector<100x128xi32>
    %eq3A_307 = arith.cmpi eq, %iota3A, %eq3A_306 : vector<100x128xi32>
    %get3A_308 = arith.constant 58 : index
    %get3A_309 = arith.constant 0 : index
    %get3A_310 = vector.load %arg1[%get3A_308, %get3A_309] : memref<256x128xi32, #tpu.memory_space<vmem>>, vector<1x128xi32>
    %eq3A_311 = vector.broadcast %get3A_310 : vector<1x128xi32> to vector<100x128xi32>
    %eq3A_312 = arith.cmpi eq, %iota3A, %eq3A_311 : vector<100x128xi32>
    %get3A_313 = arith.constant 59 : index
    %get3A_314 = arith.constant 0 : index
    %get3A_315 = vector.load %arg1[%get3A_313, %get3A_314] : memref<256x128xi32, #tpu.memory_space<vmem>>, vector<1x128xi32>
    %eq3A_316 = vector.broadcast %get3A_315 : vector<1x128xi32> to vector<100x128xi32>
    %eq3A_317 = arith.cmpi eq, %iota3A, %eq3A_316 : vector<100x128xi32>
    %get3A_318 = arith.constant 60 : index
    %get3A_319 = arith.constant 0 : index
    %get3A_320 = vector.load %arg1[%get3A_318, %get3A_319] : memref<256x128xi32, #tpu.memory_space<vmem>>, vector<1x128xi32>
    %eq3A_321 = vector.broadcast %get3A_320 : vector<1x128xi32> to vector<100x128xi32>
    %eq3A_322 = arith.cmpi eq, %iota3A, %eq3A_321 : vector<100x128xi32>
    %get3A_323 = arith.constant 61 : index
    %get3A_324 = arith.constant 0 : index
    %get3A_325 = vector.load %arg1[%get3A_323, %get3A_324] : memref<256x128xi32, #tpu.memory_space<vmem>>, vector<1x128xi32>
    %eq3A_326 = vector.broadcast %get3A_325 : vector<1x128xi32> to vector<100x128xi32>
    %eq3A_327 = arith.cmpi eq, %iota3A, %eq3A_326 : vector<100x128xi32>
    %get3A_328 = arith.constant 62 : index
    %get3A_329 = arith.constant 0 : index
    %get3A_330 = vector.load %arg1[%get3A_328, %get3A_329] : memref<256x128xi32, #tpu.memory_space<vmem>>, vector<1x128xi32>
    %eq3A_331 = vector.broadcast %get3A_330 : vector<1x128xi32> to vector<100x128xi32>
    %eq3A_332 = arith.cmpi eq, %iota3A, %eq3A_331 : vector<100x128xi32>
    %get3A_333 = arith.constant 63 : index
    %get3A_334 = arith.constant 0 : index
    %get3A_335 = vector.load %arg1[%get3A_333, %get3A_334] : memref<256x128xi32, #tpu.memory_space<vmem>>, vector<1x128xi32>
    %eq3A_336 = vector.broadcast %get3A_335 : vector<1x128xi32> to vector<100x128xi32>
    %eq3A_337 = arith.cmpi eq, %iota3A, %eq3A_336 : vector<100x128xi32>
    %get3A_338 = arith.constant 64 : index
    %get3A_339 = arith.constant 0 : index
    %get3A_340 = vector.load %arg1[%get3A_338, %get3A_339] : memref<256x128xi32, #tpu.memory_space<vmem>>, vector<1x128xi32>
    %eq3A_341 = vector.broadcast %get3A_340 : vector<1x128xi32> to vector<100x128xi32>
    %eq3A_342 = arith.cmpi eq, %iota3A, %eq3A_341 : vector<100x128xi32>
    %get3A_343 = arith.constant 65 : index
    %get3A_344 = arith.constant 0 : index
    %get3A_345 = vector.load %arg1[%get3A_343, %get3A_344] : memref<256x128xi32, #tpu.memory_space<vmem>>, vector<1x128xi32>
    %eq3A_346 = vector.broadcast %get3A_345 : vector<1x128xi32> to vector<100x128xi32>
    %eq3A_347 = arith.cmpi eq, %iota3A, %eq3A_346 : vector<100x128xi32>
    %get3A_348 = arith.constant 66 : index
    %get3A_349 = arith.constant 0 : index
    %get3A_350 = vector.load %arg1[%get3A_348, %get3A_349] : memref<256x128xi32, #tpu.memory_space<vmem>>, vector<1x128xi32>
    %eq3A_351 = vector.broadcast %get3A_350 : vector<1x128xi32> to vector<100x128xi32>
    %eq3A_352 = arith.cmpi eq, %iota3A, %eq3A_351 : vector<100x128xi32>
    %get3A_353 = arith.constant 67 : index
    %get3A_354 = arith.constant 0 : index
    %get3A_355 = vector.load %arg1[%get3A_353, %get3A_354] : memref<256x128xi32, #tpu.memory_space<vmem>>, vector<1x128xi32>
    %eq3A_356 = vector.broadcast %get3A_355 : vector<1x128xi32> to vector<100x128xi32>
    %eq3A_357 = arith.cmpi eq, %iota3A, %eq3A_356 : vector<100x128xi32>
    %get3A_358 = arith.constant 68 : index
    %get3A_359 = arith.constant 0 : index
    %get3A_360 = vector.load %arg1[%get3A_358, %get3A_359] : memref<256x128xi32, #tpu.memory_space<vmem>>, vector<1x128xi32>
    %eq3A_361 = vector.broadcast %get3A_360 : vector<1x128xi32> to vector<100x128xi32>
    %eq3A_362 = arith.cmpi eq, %iota3A, %eq3A_361 : vector<100x128xi32>
    %get3A_363 = arith.constant 69 : index
    %get3A_364 = arith.constant 0 : index
    %get3A_365 = vector.load %arg1[%get3A_363, %get3A_364] : memref<256x128xi32, #tpu.memory_space<vmem>>, vector<1x128xi32>
    %eq3A_366 = vector.broadcast %get3A_365 : vector<1x128xi32> to vector<100x128xi32>
    %eq3A_367 = arith.cmpi eq, %iota3A, %eq3A_366 : vector<100x128xi32>
    %get3A_368 = arith.constant 70 : index
    %get3A_369 = arith.constant 0 : index
    %get3A_370 = vector.load %arg1[%get3A_368, %get3A_369] : memref<256x128xi32, #tpu.memory_space<vmem>>, vector<1x128xi32>
    %eq3A_371 = vector.broadcast %get3A_370 : vector<1x128xi32> to vector<100x128xi32>
    %eq3A_372 = arith.cmpi eq, %iota3A, %eq3A_371 : vector<100x128xi32>
    %get3A_373 = arith.constant 71 : index
    %get3A_374 = arith.constant 0 : index
    %get3A_375 = vector.load %arg1[%get3A_373, %get3A_374] : memref<256x128xi32, #tpu.memory_space<vmem>>, vector<1x128xi32>
    %eq3A_376 = vector.broadcast %get3A_375 : vector<1x128xi32> to vector<100x128xi32>
    %eq3A_377 = arith.cmpi eq, %iota3A, %eq3A_376 : vector<100x128xi32>
    %get3A_378 = arith.constant 72 : index
    %get3A_379 = arith.constant 0 : index
    %get3A_380 = vector.load %arg1[%get3A_378, %get3A_379] : memref<256x128xi32, #tpu.memory_space<vmem>>, vector<1x128xi32>
    %eq3A_381 = vector.broadcast %get3A_380 : vector<1x128xi32> to vector<100x128xi32>
    %eq3A_382 = arith.cmpi eq, %iota3A, %eq3A_381 : vector<100x128xi32>
    %get3A_383 = arith.constant 73 : index
    %get3A_384 = arith.constant 0 : index
    %get3A_385 = vector.load %arg1[%get3A_383, %get3A_384] : memref<256x128xi32, #tpu.memory_space<vmem>>, vector<1x128xi32>
    %eq3A_386 = vector.broadcast %get3A_385 : vector<1x128xi32> to vector<100x128xi32>
    %eq3A_387 = arith.cmpi eq, %iota3A, %eq3A_386 : vector<100x128xi32>
    %get3A_388 = arith.constant 74 : index
    %get3A_389 = arith.constant 0 : index
    %get3A_390 = vector.load %arg1[%get3A_388, %get3A_389] : memref<256x128xi32, #tpu.memory_space<vmem>>, vector<1x128xi32>
    %eq3A_391 = vector.broadcast %get3A_390 : vector<1x128xi32> to vector<100x128xi32>
    %eq3A_392 = arith.cmpi eq, %iota3A, %eq3A_391 : vector<100x128xi32>
    %get3A_393 = arith.constant 75 : index
    %get3A_394 = arith.constant 0 : index
    %get3A_395 = vector.load %arg1[%get3A_393, %get3A_394] : memref<256x128xi32, #tpu.memory_space<vmem>>, vector<1x128xi32>
    %eq3A_396 = vector.broadcast %get3A_395 : vector<1x128xi32> to vector<100x128xi32>
    %eq3A_397 = arith.cmpi eq, %iota3A, %eq3A_396 : vector<100x128xi32>
    %get3A_398 = arith.constant 76 : index
    %get3A_399 = arith.constant 0 : index
    %get3A_400 = vector.load %arg1[%get3A_398, %get3A_399] : memref<256x128xi32, #tpu.memory_space<vmem>>, vector<1x128xi32>
    %eq3A_401 = vector.broadcast %get3A_400 : vector<1x128xi32> to vector<100x128xi32>
    %eq3A_402 = arith.cmpi eq, %iota3A, %eq3A_401 : vector<100x128xi32>
    %get3A_403 = arith.constant 77 : index
    %get3A_404 = arith.constant 0 : index
    %get3A_405 = vector.load %arg1[%get3A_403, %get3A_404] : memref<256x128xi32, #tpu.memory_space<vmem>>, vector<1x128xi32>
    %eq3A_406 = vector.broadcast %get3A_405 : vector<1x128xi32> to vector<100x128xi32>
    %eq3A_407 = arith.cmpi eq, %iota3A, %eq3A_406 : vector<100x128xi32>
    %get3A_408 = arith.constant 78 : index
    %get3A_409 = arith.constant 0 : index
    %get3A_410 = vector.load %arg1[%get3A_408, %get3A_409] : memref<256x128xi32, #tpu.memory_space<vmem>>, vector<1x128xi32>
    %eq3A_411 = vector.broadcast %get3A_410 : vector<1x128xi32> to vector<100x128xi32>
    %eq3A_412 = arith.cmpi eq, %iota3A, %eq3A_411 : vector<100x128xi32>
    %get3A_413 = arith.constant 79 : index
    %get3A_414 = arith.constant 0 : index
    %get3A_415 = vector.load %arg1[%get3A_413, %get3A_414] : memref<256x128xi32, #tpu.memory_space<vmem>>, vector<1x128xi32>
    %eq3A_416 = vector.broadcast %get3A_415 : vector<1x128xi32> to vector<100x128xi32>
    %eq3A_417 = arith.cmpi eq, %iota3A, %eq3A_416 : vector<100x128xi32>
    %get3A_418 = arith.constant 80 : index
    %get3A_419 = arith.constant 0 : index
    %get3A_420 = vector.load %arg1[%get3A_418, %get3A_419] : memref<256x128xi32, #tpu.memory_space<vmem>>, vector<1x128xi32>
    %eq3A_421 = vector.broadcast %get3A_420 : vector<1x128xi32> to vector<100x128xi32>
    %eq3A_422 = arith.cmpi eq, %iota3A, %eq3A_421 : vector<100x128xi32>
    %get3A_423 = arith.constant 81 : index
    %get3A_424 = arith.constant 0 : index
    %get3A_425 = vector.load %arg1[%get3A_423, %get3A_424] : memref<256x128xi32, #tpu.memory_space<vmem>>, vector<1x128xi32>
    %eq3A_426 = vector.broadcast %get3A_425 : vector<1x128xi32> to vector<100x128xi32>
    %eq3A_427 = arith.cmpi eq, %iota3A, %eq3A_426 : vector<100x128xi32>
    %get3A_428 = arith.constant 82 : index
    %get3A_429 = arith.constant 0 : index
    %get3A_430 = vector.load %arg1[%get3A_428, %get3A_429] : memref<256x128xi32, #tpu.memory_space<vmem>>, vector<1x128xi32>
    %eq3A_431 = vector.broadcast %get3A_430 : vector<1x128xi32> to vector<100x128xi32>
    %eq3A_432 = arith.cmpi eq, %iota3A, %eq3A_431 : vector<100x128xi32>
    %get3A_433 = arith.constant 83 : index
    %get3A_434 = arith.constant 0 : index
    %get3A_435 = vector.load %arg1[%get3A_433, %get3A_434] : memref<256x128xi32, #tpu.memory_space<vmem>>, vector<1x128xi32>
    %eq3A_436 = vector.broadcast %get3A_435 : vector<1x128xi32> to vector<100x128xi32>
    %eq3A_437 = arith.cmpi eq, %iota3A, %eq3A_436 : vector<100x128xi32>
    %get3A_438 = arith.constant 84 : index
    %get3A_439 = arith.constant 0 : index
    %get3A_440 = vector.load %arg1[%get3A_438, %get3A_439] : memref<256x128xi32, #tpu.memory_space<vmem>>, vector<1x128xi32>
    %eq3A_441 = vector.broadcast %get3A_440 : vector<1x128xi32> to vector<100x128xi32>
    %eq3A_442 = arith.cmpi eq, %iota3A, %eq3A_441 : vector<100x128xi32>
    %get3A_443 = arith.constant 85 : index
    %get3A_444 = arith.constant 0 : index
    %get3A_445 = vector.load %arg1[%get3A_443, %get3A_444] : memref<256x128xi32, #tpu.memory_space<vmem>>, vector<1x128xi32>
    %eq3A_446 = vector.broadcast %get3A_445 : vector<1x128xi32> to vector<100x128xi32>
    %eq3A_447 = arith.cmpi eq, %iota3A, %eq3A_446 : vector<100x128xi32>
    %get3A_448 = arith.constant 86 : index
    %get3A_449 = arith.constant 0 : index
    %get3A_450 = vector.load %arg1[%get3A_448, %get3A_449] : memref<256x128xi32, #tpu.memory_space<vmem>>, vector<1x128xi32>
    %eq3A_451 = vector.broadcast %get3A_450 : vector<1x128xi32> to vector<100x128xi32>
    %eq3A_452 = arith.cmpi eq, %iota3A, %eq3A_451 : vector<100x128xi32>
    %get3A_453 = arith.constant 87 : index
    %get3A_454 = arith.constant 0 : index
    %get3A_455 = vector.load %arg1[%get3A_453, %get3A_454] : memref<256x128xi32, #tpu.memory_space<vmem>>, vector<1x128xi32>
    %eq3A_456 = vector.broadcast %get3A_455 : vector<1x128xi32> to vector<100x128xi32>
    %eq3A_457 = arith.cmpi eq, %iota3A, %eq3A_456 : vector<100x128xi32>
    %get3A_458 = arith.constant 88 : index
    %get3A_459 = arith.constant 0 : index
    %get3A_460 = vector.load %arg1[%get3A_458, %get3A_459] : memref<256x128xi32, #tpu.memory_space<vmem>>, vector<1x128xi32>
    %eq3A_461 = vector.broadcast %get3A_460 : vector<1x128xi32> to vector<100x128xi32>
    %eq3A_462 = arith.cmpi eq, %iota3A, %eq3A_461 : vector<100x128xi32>
    %get3A_463 = arith.constant 89 : index
    %get3A_464 = arith.constant 0 : index
    %get3A_465 = vector.load %arg1[%get3A_463, %get3A_464] : memref<256x128xi32, #tpu.memory_space<vmem>>, vector<1x128xi32>
    %eq3A_466 = vector.broadcast %get3A_465 : vector<1x128xi32> to vector<100x128xi32>
    %eq3A_467 = arith.cmpi eq, %iota3A, %eq3A_466 : vector<100x128xi32>
    %get3A_468 = arith.constant 90 : index
    %get3A_469 = arith.constant 0 : index
    %get3A_470 = vector.load %arg1[%get3A_468, %get3A_469] : memref<256x128xi32, #tpu.memory_space<vmem>>, vector<1x128xi32>
    %eq3A_471 = vector.broadcast %get3A_470 : vector<1x128xi32> to vector<100x128xi32>
    %eq3A_472 = arith.cmpi eq, %iota3A, %eq3A_471 : vector<100x128xi32>
    %get3A_473 = arith.constant 91 : index
    %get3A_474 = arith.constant 0 : index
    %get3A_475 = vector.load %arg1[%get3A_473, %get3A_474] : memref<256x128xi32, #tpu.memory_space<vmem>>, vector<1x128xi32>
    %eq3A_476 = vector.broadcast %get3A_475 : vector<1x128xi32> to vector<100x128xi32>
    %eq3A_477 = arith.cmpi eq, %iota3A, %eq3A_476 : vector<100x128xi32>
    %get3A_478 = arith.constant 92 : index
    %get3A_479 = arith.constant 0 : index
    %get3A_480 = vector.load %arg1[%get3A_478, %get3A_479] : memref<256x128xi32, #tpu.memory_space<vmem>>, vector<1x128xi32>
    %eq3A_481 = vector.broadcast %get3A_480 : vector<1x128xi32> to vector<100x128xi32>
    %eq3A_482 = arith.cmpi eq, %iota3A, %eq3A_481 : vector<100x128xi32>
    %get3A_483 = arith.constant 93 : index
    %get3A_484 = arith.constant 0 : index
    %get3A_485 = vector.load %arg1[%get3A_483, %get3A_484] : memref<256x128xi32, #tpu.memory_space<vmem>>, vector<1x128xi32>
    %eq3A_486 = vector.broadcast %get3A_485 : vector<1x128xi32> to vector<100x128xi32>
    %eq3A_487 = arith.cmpi eq, %iota3A, %eq3A_486 : vector<100x128xi32>
    %get3A_488 = arith.constant 94 : index
    %get3A_489 = arith.constant 0 : index
    %get3A_490 = vector.load %arg1[%get3A_488, %get3A_489] : memref<256x128xi32, #tpu.memory_space<vmem>>, vector<1x128xi32>
    %eq3A_491 = vector.broadcast %get3A_490 : vector<1x128xi32> to vector<100x128xi32>
    %eq3A_492 = arith.cmpi eq, %iota3A, %eq3A_491 : vector<100x128xi32>
    %get3A_493 = arith.constant 95 : index
    %get3A_494 = arith.constant 0 : index
    %get3A_495 = vector.load %arg1[%get3A_493, %get3A_494] : memref<256x128xi32, #tpu.memory_space<vmem>>, vector<1x128xi32>
    %eq3A_496 = vector.broadcast %get3A_495 : vector<1x128xi32> to vector<100x128xi32>
    %eq3A_497 = arith.cmpi eq, %iota3A, %eq3A_496 : vector<100x128xi32>
    %get3A_498 = arith.constant 96 : index
    %get3A_499 = arith.constant 0 : index
    %get3A_500 = vector.load %arg1[%get3A_498, %get3A_499] : memref<256x128xi32, #tpu.memory_space<vmem>>, vector<1x128xi32>
    %eq3A_501 = vector.broadcast %get3A_500 : vector<1x128xi32> to vector<100x128xi32>
    %eq3A_502 = arith.cmpi eq, %iota3A, %eq3A_501 : vector<100x128xi32>
    %get3A_503 = arith.constant 97 : index
    %get3A_504 = arith.constant 0 : index
    %get3A_505 = vector.load %arg1[%get3A_503, %get3A_504] : memref<256x128xi32, #tpu.memory_space<vmem>>, vector<1x128xi32>
    %eq3A_506 = vector.broadcast %get3A_505 : vector<1x128xi32> to vector<100x128xi32>
    %eq3A_507 = arith.cmpi eq, %iota3A, %eq3A_506 : vector<100x128xi32>
    %get3A_508 = arith.constant 98 : index
    %get3A_509 = arith.constant 0 : index
    %get3A_510 = vector.load %arg1[%get3A_508, %get3A_509] : memref<256x128xi32, #tpu.memory_space<vmem>>, vector<1x128xi32>
    %eq3A_511 = vector.broadcast %get3A_510 : vector<1x128xi32> to vector<100x128xi32>
    %eq3A_512 = arith.cmpi eq, %iota3A, %eq3A_511 : vector<100x128xi32>
    %get3A_513 = arith.constant 99 : index
    %get3A_514 = arith.constant 0 : index
    %get3A_515 = vector.load %arg1[%get3A_513, %get3A_514] : memref<256x128xi32, #tpu.memory_space<vmem>>, vector<1x128xi32>
    %eq3A_516 = vector.broadcast %get3A_515 : vector<1x128xi32> to vector<100x128xi32>
    %eq3A_517 = arith.cmpi eq, %iota3A, %eq3A_516 : vector<100x128xi32>
    %get3A_518 = arith.constant 100 : index
    %get3A_519 = arith.constant 0 : index
    %get3A_520 = vector.load %arg1[%get3A_518, %get3A_519] : memref<256x128xi32, #tpu.memory_space<vmem>>, vector<1x128xi32>
    %eq3A_521 = vector.broadcast %get3A_520 : vector<1x128xi32> to vector<100x128xi32>
    %eq3A_522 = arith.cmpi eq, %iota3A, %eq3A_521 : vector<100x128xi32>
    %get3A_523 = arith.constant 101 : index
    %get3A_524 = arith.constant 0 : index
    %get3A_525 = vector.load %arg1[%get3A_523, %get3A_524] : memref<256x128xi32, #tpu.memory_space<vmem>>, vector<1x128xi32>
    %eq3A_526 = vector.broadcast %get3A_525 : vector<1x128xi32> to vector<100x128xi32>
    %eq3A_527 = arith.cmpi eq, %iota3A, %eq3A_526 : vector<100x128xi32>
    %get3A_528 = arith.constant 102 : index
    %get3A_529 = arith.constant 0 : index
    %get3A_530 = vector.load %arg1[%get3A_528, %get3A_529] : memref<256x128xi32, #tpu.memory_space<vmem>>, vector<1x128xi32>
    %eq3A_531 = vector.broadcast %get3A_530 : vector<1x128xi32> to vector<100x128xi32>
    %eq3A_532 = arith.cmpi eq, %iota3A, %eq3A_531 : vector<100x128xi32>
    %get3A_533 = arith.constant 103 : index
    %get3A_534 = arith.constant 0 : index
    %get3A_535 = vector.load %arg1[%get3A_533, %get3A_534] : memref<256x128xi32, #tpu.memory_space<vmem>>, vector<1x128xi32>
    %eq3A_536 = vector.broadcast %get3A_535 : vector<1x128xi32> to vector<100x128xi32>
    %eq3A_537 = arith.cmpi eq, %iota3A, %eq3A_536 : vector<100x128xi32>
    %get3A_538 = arith.constant 104 : index
    %get3A_539 = arith.constant 0 : index
    %get3A_540 = vector.load %arg1[%get3A_538, %get3A_539] : memref<256x128xi32, #tpu.memory_space<vmem>>, vector<1x128xi32>
    %eq3A_541 = vector.broadcast %get3A_540 : vector<1x128xi32> to vector<100x128xi32>
    %eq3A_542 = arith.cmpi eq, %iota3A, %eq3A_541 : vector<100x128xi32>
    %get3A_543 = arith.constant 105 : index
    %get3A_544 = arith.constant 0 : index
    %get3A_545 = vector.load %arg1[%get3A_543, %get3A_544] : memref<256x128xi32, #tpu.memory_space<vmem>>, vector<1x128xi32>
    %eq3A_546 = vector.broadcast %get3A_545 : vector<1x128xi32> to vector<100x128xi32>
    %eq3A_547 = arith.cmpi eq, %iota3A, %eq3A_546 : vector<100x128xi32>
    %get3A_548 = arith.constant 106 : index
    %get3A_549 = arith.constant 0 : index
    %get3A_550 = vector.load %arg1[%get3A_548, %get3A_549] : memref<256x128xi32, #tpu.memory_space<vmem>>, vector<1x128xi32>
    %eq3A_551 = vector.broadcast %get3A_550 : vector<1x128xi32> to vector<100x128xi32>
    %eq3A_552 = arith.cmpi eq, %iota3A, %eq3A_551 : vector<100x128xi32>
    %get3A_553 = arith.constant 107 : index
    %get3A_554 = arith.constant 0 : index
    %get3A_555 = vector.load %arg1[%get3A_553, %get3A_554] : memref<256x128xi32, #tpu.memory_space<vmem>>, vector<1x128xi32>
    %eq3A_556 = vector.broadcast %get3A_555 : vector<1x128xi32> to vector<100x128xi32>
    %eq3A_557 = arith.cmpi eq, %iota3A, %eq3A_556 : vector<100x128xi32>
    %get3A_558 = arith.constant 108 : index
    %get3A_559 = arith.constant 0 : index
    %get3A_560 = vector.load %arg1[%get3A_558, %get3A_559] : memref<256x128xi32, #tpu.memory_space<vmem>>, vector<1x128xi32>
    %eq3A_561 = vector.broadcast %get3A_560 : vector<1x128xi32> to vector<100x128xi32>
    %eq3A_562 = arith.cmpi eq, %iota3A, %eq3A_561 : vector<100x128xi32>
    %get3A_563 = arith.constant 109 : index
    %get3A_564 = arith.constant 0 : index
    %get3A_565 = vector.load %arg1[%get3A_563, %get3A_564] : memref<256x128xi32, #tpu.memory_space<vmem>>, vector<1x128xi32>
    %eq3A_566 = vector.broadcast %get3A_565 : vector<1x128xi32> to vector<100x128xi32>
    %eq3A_567 = arith.cmpi eq, %iota3A, %eq3A_566 : vector<100x128xi32>
    %get3A_568 = arith.constant 110 : index
    %get3A_569 = arith.constant 0 : index
    %get3A_570 = vector.load %arg1[%get3A_568, %get3A_569] : memref<256x128xi32, #tpu.memory_space<vmem>>, vector<1x128xi32>
    %eq3A_571 = vector.broadcast %get3A_570 : vector<1x128xi32> to vector<100x128xi32>
    %eq3A_572 = arith.cmpi eq, %iota3A, %eq3A_571 : vector<100x128xi32>
    %get3A_573 = arith.constant 111 : index
    %get3A_574 = arith.constant 0 : index
    %get3A_575 = vector.load %arg1[%get3A_573, %get3A_574] : memref<256x128xi32, #tpu.memory_space<vmem>>, vector<1x128xi32>
    %eq3A_576 = vector.broadcast %get3A_575 : vector<1x128xi32> to vector<100x128xi32>
    %eq3A_577 = arith.cmpi eq, %iota3A, %eq3A_576 : vector<100x128xi32>
    %get3A_578 = arith.constant 112 : index
    %get3A_579 = arith.constant 0 : index
    %get3A_580 = vector.load %arg1[%get3A_578, %get3A_579] : memref<256x128xi32, #tpu.memory_space<vmem>>, vector<1x128xi32>
    %eq3A_581 = vector.broadcast %get3A_580 : vector<1x128xi32> to vector<100x128xi32>
    %eq3A_582 = arith.cmpi eq, %iota3A, %eq3A_581 : vector<100x128xi32>
    %get3A_583 = arith.constant 113 : index
    %get3A_584 = arith.constant 0 : index
    %get3A_585 = vector.load %arg1[%get3A_583, %get3A_584] : memref<256x128xi32, #tpu.memory_space<vmem>>, vector<1x128xi32>
    %eq3A_586 = vector.broadcast %get3A_585 : vector<1x128xi32> to vector<100x128xi32>
    %eq3A_587 = arith.cmpi eq, %iota3A, %eq3A_586 : vector<100x128xi32>
    %get3A_588 = arith.constant 114 : index
    %get3A_589 = arith.constant 0 : index
    %get3A_590 = vector.load %arg1[%get3A_588, %get3A_589] : memref<256x128xi32, #tpu.memory_space<vmem>>, vector<1x128xi32>
    %eq3A_591 = vector.broadcast %get3A_590 : vector<1x128xi32> to vector<100x128xi32>
    %eq3A_592 = arith.cmpi eq, %iota3A, %eq3A_591 : vector<100x128xi32>
    %get3A_593 = arith.constant 115 : index
    %get3A_594 = arith.constant 0 : index
    %get3A_595 = vector.load %arg1[%get3A_593, %get3A_594] : memref<256x128xi32, #tpu.memory_space<vmem>>, vector<1x128xi32>
    %eq3A_596 = vector.broadcast %get3A_595 : vector<1x128xi32> to vector<100x128xi32>
    %eq3A_597 = arith.cmpi eq, %iota3A, %eq3A_596 : vector<100x128xi32>
    %get3A_598 = arith.constant 116 : index
    %get3A_599 = arith.constant 0 : index
    %get3A_600 = vector.load %arg1[%get3A_598, %get3A_599] : memref<256x128xi32, #tpu.memory_space<vmem>>, vector<1x128xi32>
    %eq3A_601 = vector.broadcast %get3A_600 : vector<1x128xi32> to vector<100x128xi32>
    %eq3A_602 = arith.cmpi eq, %iota3A, %eq3A_601 : vector<100x128xi32>
    %get3A_603 = arith.constant 117 : index
    %get3A_604 = arith.constant 0 : index
    %get3A_605 = vector.load %arg1[%get3A_603, %get3A_604] : memref<256x128xi32, #tpu.memory_space<vmem>>, vector<1x128xi32>
    %eq3A_606 = vector.broadcast %get3A_605 : vector<1x128xi32> to vector<100x128xi32>
    %eq3A_607 = arith.cmpi eq, %iota3A, %eq3A_606 : vector<100x128xi32>
    %get3A_608 = arith.constant 118 : index
    %get3A_609 = arith.constant 0 : index
    %get3A_610 = vector.load %arg1[%get3A_608, %get3A_609] : memref<256x128xi32, #tpu.memory_space<vmem>>, vector<1x128xi32>
    %eq3A_611 = vector.broadcast %get3A_610 : vector<1x128xi32> to vector<100x128xi32>
    %eq3A_612 = arith.cmpi eq, %iota3A, %eq3A_611 : vector<100x128xi32>
    %get3A_613 = arith.constant 119 : index
    %get3A_614 = arith.constant 0 : index
    %get3A_615 = vector.load %arg1[%get3A_613, %get3A_614] : memref<256x128xi32, #tpu.memory_space<vmem>>, vector<1x128xi32>
    %eq3A_616 = vector.broadcast %get3A_615 : vector<1x128xi32> to vector<100x128xi32>
    %eq3A_617 = arith.cmpi eq, %iota3A, %eq3A_616 : vector<100x128xi32>
    %get3A_618 = arith.constant 120 : index
    %get3A_619 = arith.constant 0 : index
    %get3A_620 = vector.load %arg1[%get3A_618, %get3A_619] : memref<256x128xi32, #tpu.memory_space<vmem>>, vector<1x128xi32>
    %eq3A_621 = vector.broadcast %get3A_620 : vector<1x128xi32> to vector<100x128xi32>
    %eq3A_622 = arith.cmpi eq, %iota3A, %eq3A_621 : vector<100x128xi32>
    %get3A_623 = arith.constant 121 : index
    %get3A_624 = arith.constant 0 : index
    %get3A_625 = vector.load %arg1[%get3A_623, %get3A_624] : memref<256x128xi32, #tpu.memory_space<vmem>>, vector<1x128xi32>
    %eq3A_626 = vector.broadcast %get3A_625 : vector<1x128xi32> to vector<100x128xi32>
    %eq3A_627 = arith.cmpi eq, %iota3A, %eq3A_626 : vector<100x128xi32>
    %get3A_628 = arith.constant 122 : index
    %get3A_629 = arith.constant 0 : index
    %get3A_630 = vector.load %arg1[%get3A_628, %get3A_629] : memref<256x128xi32, #tpu.memory_space<vmem>>, vector<1x128xi32>
    %eq3A_631 = vector.broadcast %get3A_630 : vector<1x128xi32> to vector<100x128xi32>
    %eq3A_632 = arith.cmpi eq, %iota3A, %eq3A_631 : vector<100x128xi32>
    %get3A_633 = arith.constant 123 : index
    %get3A_634 = arith.constant 0 : index
    %get3A_635 = vector.load %arg1[%get3A_633, %get3A_634] : memref<256x128xi32, #tpu.memory_space<vmem>>, vector<1x128xi32>
    %eq3A_636 = vector.broadcast %get3A_635 : vector<1x128xi32> to vector<100x128xi32>
    %eq3A_637 = arith.cmpi eq, %iota3A, %eq3A_636 : vector<100x128xi32>
    %get3A_638 = arith.constant 124 : index
    %get3A_639 = arith.constant 0 : index
    %get3A_640 = vector.load %arg1[%get3A_638, %get3A_639] : memref<256x128xi32, #tpu.memory_space<vmem>>, vector<1x128xi32>
    %eq3A_641 = vector.broadcast %get3A_640 : vector<1x128xi32> to vector<100x128xi32>
    %eq3A_642 = arith.cmpi eq, %iota3A, %eq3A_641 : vector<100x128xi32>
    %get3A_643 = arith.constant 125 : index
    %get3A_644 = arith.constant 0 : index
    %get3A_645 = vector.load %arg1[%get3A_643, %get3A_644] : memref<256x128xi32, #tpu.memory_space<vmem>>, vector<1x128xi32>
    %eq3A_646 = vector.broadcast %get3A_645 : vector<1x128xi32> to vector<100x128xi32>
    %eq3A_647 = arith.cmpi eq, %iota3A, %eq3A_646 : vector<100x128xi32>
    %get3A_648 = arith.constant 126 : index
    %get3A_649 = arith.constant 0 : index
    %get3A_650 = vector.load %arg1[%get3A_648, %get3A_649] : memref<256x128xi32, #tpu.memory_space<vmem>>, vector<1x128xi32>
    %eq3A_651 = vector.broadcast %get3A_650 : vector<1x128xi32> to vector<100x128xi32>
    %eq3A_652 = arith.cmpi eq, %iota3A, %eq3A_651 : vector<100x128xi32>
    %get3A_653 = arith.constant 127 : index
    %get3A_654 = arith.constant 0 : index
    %get3A_655 = vector.load %arg1[%get3A_653, %get3A_654] : memref<256x128xi32, #tpu.memory_space<vmem>>, vector<1x128xi32>
    %eq3A_656 = vector.broadcast %get3A_655 : vector<1x128xi32> to vector<100x128xi32>
    %eq3A_657 = arith.cmpi eq, %iota3A, %eq3A_656 : vector<100x128xi32>
    %get3A_658 = arith.constant 128 : index
    %get3A_659 = arith.constant 0 : index
    %get3A_660 = vector.load %arg1[%get3A_658, %get3A_659] : memref<256x128xi32, #tpu.memory_space<vmem>>, vector<1x128xi32>
    %eq3A_661 = vector.broadcast %get3A_660 : vector<1x128xi32> to vector<100x128xi32>
    %eq3A_662 = arith.cmpi eq, %iota3A, %eq3A_661 : vector<100x128xi32>
    %get3A_663 = arith.constant 129 : index
    %get3A_664 = arith.constant 0 : index
    %get3A_665 = vector.load %arg1[%get3A_663, %get3A_664] : memref<256x128xi32, #tpu.memory_space<vmem>>, vector<1x128xi32>
    %eq3A_666 = vector.broadcast %get3A_665 : vector<1x128xi32> to vector<100x128xi32>
    %eq3A_667 = arith.cmpi eq, %iota3A, %eq3A_666 : vector<100x128xi32>
    %get3A_668 = arith.constant 130 : index
    %get3A_669 = arith.constant 0 : index
    %get3A_670 = vector.load %arg1[%get3A_668, %get3A_669] : memref<256x128xi32, #tpu.memory_space<vmem>>, vector<1x128xi32>
    %eq3A_671 = vector.broadcast %get3A_670 : vector<1x128xi32> to vector<100x128xi32>
    %eq3A_672 = arith.cmpi eq, %iota3A, %eq3A_671 : vector<100x128xi32>
    %get3A_673 = arith.constant 131 : index
    %get3A_674 = arith.constant 0 : index
    %get3A_675 = vector.load %arg1[%get3A_673, %get3A_674] : memref<256x128xi32, #tpu.memory_space<vmem>>, vector<1x128xi32>
    %eq3A_676 = vector.broadcast %get3A_675 : vector<1x128xi32> to vector<100x128xi32>
    %eq3A_677 = arith.cmpi eq, %iota3A, %eq3A_676 : vector<100x128xi32>
    %get3A_678 = arith.constant 132 : index
    %get3A_679 = arith.constant 0 : index
    %get3A_680 = vector.load %arg1[%get3A_678, %get3A_679] : memref<256x128xi32, #tpu.memory_space<vmem>>, vector<1x128xi32>
    %eq3A_681 = vector.broadcast %get3A_680 : vector<1x128xi32> to vector<100x128xi32>
    %eq3A_682 = arith.cmpi eq, %iota3A, %eq3A_681 : vector<100x128xi32>
    %get3A_683 = arith.constant 133 : index
    %get3A_684 = arith.constant 0 : index
    %get3A_685 = vector.load %arg1[%get3A_683, %get3A_684] : memref<256x128xi32, #tpu.memory_space<vmem>>, vector<1x128xi32>
    %eq3A_686 = vector.broadcast %get3A_685 : vector<1x128xi32> to vector<100x128xi32>
    %eq3A_687 = arith.cmpi eq, %iota3A, %eq3A_686 : vector<100x128xi32>
    %get3A_688 = arith.constant 134 : index
    %get3A_689 = arith.constant 0 : index
    %get3A_690 = vector.load %arg1[%get3A_688, %get3A_689] : memref<256x128xi32, #tpu.memory_space<vmem>>, vector<1x128xi32>
    %eq3A_691 = vector.broadcast %get3A_690 : vector<1x128xi32> to vector<100x128xi32>
    %eq3A_692 = arith.cmpi eq, %iota3A, %eq3A_691 : vector<100x128xi32>
    %get3A_693 = arith.constant 135 : index
    %get3A_694 = arith.constant 0 : index
    %get3A_695 = vector.load %arg1[%get3A_693, %get3A_694] : memref<256x128xi32, #tpu.memory_space<vmem>>, vector<1x128xi32>
    %eq3A_696 = vector.broadcast %get3A_695 : vector<1x128xi32> to vector<100x128xi32>
    %eq3A_697 = arith.cmpi eq, %iota3A, %eq3A_696 : vector<100x128xi32>
    %get3A_698 = arith.constant 136 : index
    %get3A_699 = arith.constant 0 : index
    %get3A_700 = vector.load %arg1[%get3A_698, %get3A_699] : memref<256x128xi32, #tpu.memory_space<vmem>>, vector<1x128xi32>
    %eq3A_701 = vector.broadcast %get3A_700 : vector<1x128xi32> to vector<100x128xi32>
    %eq3A_702 = arith.cmpi eq, %iota3A, %eq3A_701 : vector<100x128xi32>
    %get3A_703 = arith.constant 137 : index
    %get3A_704 = arith.constant 0 : index
    %get3A_705 = vector.load %arg1[%get3A_703, %get3A_704] : memref<256x128xi32, #tpu.memory_space<vmem>>, vector<1x128xi32>
    %eq3A_706 = vector.broadcast %get3A_705 : vector<1x128xi32> to vector<100x128xi32>
    %eq3A_707 = arith.cmpi eq, %iota3A, %eq3A_706 : vector<100x128xi32>
    %get3A_708 = arith.constant 138 : index
    %get3A_709 = arith.constant 0 : index
    %get3A_710 = vector.load %arg1[%get3A_708, %get3A_709] : memref<256x128xi32, #tpu.memory_space<vmem>>, vector<1x128xi32>
    %eq3A_711 = vector.broadcast %get3A_710 : vector<1x128xi32> to vector<100x128xi32>
    %eq3A_712 = arith.cmpi eq, %iota3A, %eq3A_711 : vector<100x128xi32>
    %get3A_713 = arith.constant 139 : index
    %get3A_714 = arith.constant 0 : index
    %get3A_715 = vector.load %arg1[%get3A_713, %get3A_714] : memref<256x128xi32, #tpu.memory_space<vmem>>, vector<1x128xi32>
    %eq3A_716 = vector.broadcast %get3A_715 : vector<1x128xi32> to vector<100x128xi32>
    %eq3A_717 = arith.cmpi eq, %iota3A, %eq3A_716 : vector<100x128xi32>
    %get3A_718 = arith.constant 140 : index
    %get3A_719 = arith.constant 0 : index
    %get3A_720 = vector.load %arg1[%get3A_718, %get3A_719] : memref<256x128xi32, #tpu.memory_space<vmem>>, vector<1x128xi32>
    %eq3A_721 = vector.broadcast %get3A_720 : vector<1x128xi32> to vector<100x128xi32>
    %eq3A_722 = arith.cmpi eq, %iota3A, %eq3A_721 : vector<100x128xi32>
    %get3A_723 = arith.constant 141 : index
    %get3A_724 = arith.constant 0 : index
    %get3A_725 = vector.load %arg1[%get3A_723, %get3A_724] : memref<256x128xi32, #tpu.memory_space<vmem>>, vector<1x128xi32>
    %eq3A_726 = vector.broadcast %get3A_725 : vector<1x128xi32> to vector<100x128xi32>
    %eq3A_727 = arith.cmpi eq, %iota3A, %eq3A_726 : vector<100x128xi32>
    %get3A_728 = arith.constant 142 : index
    %get3A_729 = arith.constant 0 : index
    %get3A_730 = vector.load %arg1[%get3A_728, %get3A_729] : memref<256x128xi32, #tpu.memory_space<vmem>>, vector<1x128xi32>
    %eq3A_731 = vector.broadcast %get3A_730 : vector<1x128xi32> to vector<100x128xi32>
    %eq3A_732 = arith.cmpi eq, %iota3A, %eq3A_731 : vector<100x128xi32>
    %get3A_733 = arith.constant 143 : index
    %get3A_734 = arith.constant 0 : index
    %get3A_735 = vector.load %arg1[%get3A_733, %get3A_734] : memref<256x128xi32, #tpu.memory_space<vmem>>, vector<1x128xi32>
    %eq3A_736 = vector.broadcast %get3A_735 : vector<1x128xi32> to vector<100x128xi32>
    %eq3A_737 = arith.cmpi eq, %iota3A, %eq3A_736 : vector<100x128xi32>
    %get3A_738 = arith.constant 144 : index
    %get3A_739 = arith.constant 0 : index
    %get3A_740 = vector.load %arg1[%get3A_738, %get3A_739] : memref<256x128xi32, #tpu.memory_space<vmem>>, vector<1x128xi32>
    %eq3A_741 = vector.broadcast %get3A_740 : vector<1x128xi32> to vector<100x128xi32>
    %eq3A_742 = arith.cmpi eq, %iota3A, %eq3A_741 : vector<100x128xi32>
    %get3A_743 = arith.constant 145 : index
    %get3A_744 = arith.constant 0 : index
    %get3A_745 = vector.load %arg1[%get3A_743, %get3A_744] : memref<256x128xi32, #tpu.memory_space<vmem>>, vector<1x128xi32>
    %eq3A_746 = vector.broadcast %get3A_745 : vector<1x128xi32> to vector<100x128xi32>
    %eq3A_747 = arith.cmpi eq, %iota3A, %eq3A_746 : vector<100x128xi32>
    %get3A_748 = arith.constant 146 : index
    %get3A_749 = arith.constant 0 : index
    %get3A_750 = vector.load %arg1[%get3A_748, %get3A_749] : memref<256x128xi32, #tpu.memory_space<vmem>>, vector<1x128xi32>
    %eq3A_751 = vector.broadcast %get3A_750 : vector<1x128xi32> to vector<100x128xi32>
    %eq3A_752 = arith.cmpi eq, %iota3A, %eq3A_751 : vector<100x128xi32>
    %get3A_753 = arith.constant 147 : index
    %get3A_754 = arith.constant 0 : index
    %get3A_755 = vector.load %arg1[%get3A_753, %get3A_754] : memref<256x128xi32, #tpu.memory_space<vmem>>, vector<1x128xi32>
    %eq3A_756 = vector.broadcast %get3A_755 : vector<1x128xi32> to vector<100x128xi32>
    %eq3A_757 = arith.cmpi eq, %iota3A, %eq3A_756 : vector<100x128xi32>
    %get3A_758 = arith.constant 148 : index
    %get3A_759 = arith.constant 0 : index
    %get3A_760 = vector.load %arg1[%get3A_758, %get3A_759] : memref<256x128xi32, #tpu.memory_space<vmem>>, vector<1x128xi32>
    %eq3A_761 = vector.broadcast %get3A_760 : vector<1x128xi32> to vector<100x128xi32>
    %eq3A_762 = arith.cmpi eq, %iota3A, %eq3A_761 : vector<100x128xi32>
    %get3A_763 = arith.constant 149 : index
    %get3A_764 = arith.constant 0 : index
    %get3A_765 = vector.load %arg1[%get3A_763, %get3A_764] : memref<256x128xi32, #tpu.memory_space<vmem>>, vector<1x128xi32>
    %eq3A_766 = vector.broadcast %get3A_765 : vector<1x128xi32> to vector<100x128xi32>
    %eq3A_767 = arith.cmpi eq, %iota3A, %eq3A_766 : vector<100x128xi32>
    %get3A_768 = arith.constant 150 : index
    %get3A_769 = arith.constant 0 : index
    %get3A_770 = vector.load %arg1[%get3A_768, %get3A_769] : memref<256x128xi32, #tpu.memory_space<vmem>>, vector<1x128xi32>
    %eq3A_771 = vector.broadcast %get3A_770 : vector<1x128xi32> to vector<100x128xi32>
    %eq3A_772 = arith.cmpi eq, %iota3A, %eq3A_771 : vector<100x128xi32>
    %get3A_773 = arith.constant 151 : index
    %get3A_774 = arith.constant 0 : index
    %get3A_775 = vector.load %arg1[%get3A_773, %get3A_774] : memref<256x128xi32, #tpu.memory_space<vmem>>, vector<1x128xi32>
    %eq3A_776 = vector.broadcast %get3A_775 : vector<1x128xi32> to vector<100x128xi32>
    %eq3A_777 = arith.cmpi eq, %iota3A, %eq3A_776 : vector<100x128xi32>
    %get3A_778 = arith.constant 152 : index
    %get3A_779 = arith.constant 0 : index
    %get3A_780 = vector.load %arg1[%get3A_778, %get3A_779] : memref<256x128xi32, #tpu.memory_space<vmem>>, vector<1x128xi32>
    %eq3A_781 = vector.broadcast %get3A_780 : vector<1x128xi32> to vector<100x128xi32>
    %eq3A_782 = arith.cmpi eq, %iota3A, %eq3A_781 : vector<100x128xi32>
    %get3A_783 = arith.constant 153 : index
    %get3A_784 = arith.constant 0 : index
    %get3A_785 = vector.load %arg1[%get3A_783, %get3A_784] : memref<256x128xi32, #tpu.memory_space<vmem>>, vector<1x128xi32>
    %eq3A_786 = vector.broadcast %get3A_785 : vector<1x128xi32> to vector<100x128xi32>
    %eq3A_787 = arith.cmpi eq, %iota3A, %eq3A_786 : vector<100x128xi32>
    %get3A_788 = arith.constant 154 : index
    %get3A_789 = arith.constant 0 : index
    %get3A_790 = vector.load %arg1[%get3A_788, %get3A_789] : memref<256x128xi32, #tpu.memory_space<vmem>>, vector<1x128xi32>
    %eq3A_791 = vector.broadcast %get3A_790 : vector<1x128xi32> to vector<100x128xi32>
    %eq3A_792 = arith.cmpi eq, %iota3A, %eq3A_791 : vector<100x128xi32>
    %get3A_793 = arith.constant 155 : index
    %get3A_794 = arith.constant 0 : index
    %get3A_795 = vector.load %arg1[%get3A_793, %get3A_794] : memref<256x128xi32, #tpu.memory_space<vmem>>, vector<1x128xi32>
    %eq3A_796 = vector.broadcast %get3A_795 : vector<1x128xi32> to vector<100x128xi32>
    %eq3A_797 = arith.cmpi eq, %iota3A, %eq3A_796 : vector<100x128xi32>
    %get3A_798 = arith.constant 156 : index
    %get3A_799 = arith.constant 0 : index
    %get3A_800 = vector.load %arg1[%get3A_798, %get3A_799] : memref<256x128xi32, #tpu.memory_space<vmem>>, vector<1x128xi32>
    %eq3A_801 = vector.broadcast %get3A_800 : vector<1x128xi32> to vector<100x128xi32>
    %eq3A_802 = arith.cmpi eq, %iota3A, %eq3A_801 : vector<100x128xi32>
    %get3A_803 = arith.constant 157 : index
    %get3A_804 = arith.constant 0 : index
    %get3A_805 = vector.load %arg1[%get3A_803, %get3A_804] : memref<256x128xi32, #tpu.memory_space<vmem>>, vector<1x128xi32>
    %eq3A_806 = vector.broadcast %get3A_805 : vector<1x128xi32> to vector<100x128xi32>
    %eq3A_807 = arith.cmpi eq, %iota3A, %eq3A_806 : vector<100x128xi32>
    %get3A_808 = arith.constant 158 : index
    %get3A_809 = arith.constant 0 : index
    %get3A_810 = vector.load %arg1[%get3A_808, %get3A_809] : memref<256x128xi32, #tpu.memory_space<vmem>>, vector<1x128xi32>
    %eq3A_811 = vector.broadcast %get3A_810 : vector<1x128xi32> to vector<100x128xi32>
    %eq3A_812 = arith.cmpi eq, %iota3A, %eq3A_811 : vector<100x128xi32>
    %get3A_813 = arith.constant 159 : index
    %get3A_814 = arith.constant 0 : index
    %get3A_815 = vector.load %arg1[%get3A_813, %get3A_814] : memref<256x128xi32, #tpu.memory_space<vmem>>, vector<1x128xi32>
    %eq3A_816 = vector.broadcast %get3A_815 : vector<1x128xi32> to vector<100x128xi32>
    %eq3A_817 = arith.cmpi eq, %iota3A, %eq3A_816 : vector<100x128xi32>
    %get3A_818 = arith.constant 160 : index
    %get3A_819 = arith.constant 0 : index
    %get3A_820 = vector.load %arg1[%get3A_818, %get3A_819] : memref<256x128xi32, #tpu.memory_space<vmem>>, vector<1x128xi32>
    %eq3A_821 = vector.broadcast %get3A_820 : vector<1x128xi32> to vector<100x128xi32>
    %eq3A_822 = arith.cmpi eq, %iota3A, %eq3A_821 : vector<100x128xi32>
    %get3A_823 = arith.constant 161 : index
    %get3A_824 = arith.constant 0 : index
    %get3A_825 = vector.load %arg1[%get3A_823, %get3A_824] : memref<256x128xi32, #tpu.memory_space<vmem>>, vector<1x128xi32>
    %eq3A_826 = vector.broadcast %get3A_825 : vector<1x128xi32> to vector<100x128xi32>
    %eq3A_827 = arith.cmpi eq, %iota3A, %eq3A_826 : vector<100x128xi32>
    %get3A_828 = arith.constant 162 : index
    %get3A_829 = arith.constant 0 : index
    %get3A_830 = vector.load %arg1[%get3A_828, %get3A_829] : memref<256x128xi32, #tpu.memory_space<vmem>>, vector<1x128xi32>
    %eq3A_831 = vector.broadcast %get3A_830 : vector<1x128xi32> to vector<100x128xi32>
    %eq3A_832 = arith.cmpi eq, %iota3A, %eq3A_831 : vector<100x128xi32>
    %get3A_833 = arith.constant 163 : index
    %get3A_834 = arith.constant 0 : index
    %get3A_835 = vector.load %arg1[%get3A_833, %get3A_834] : memref<256x128xi32, #tpu.memory_space<vmem>>, vector<1x128xi32>
    %eq3A_836 = vector.broadcast %get3A_835 : vector<1x128xi32> to vector<100x128xi32>
    %eq3A_837 = arith.cmpi eq, %iota3A, %eq3A_836 : vector<100x128xi32>
    %get3A_838 = arith.constant 164 : index
    %get3A_839 = arith.constant 0 : index
    %get3A_840 = vector.load %arg1[%get3A_838, %get3A_839] : memref<256x128xi32, #tpu.memory_space<vmem>>, vector<1x128xi32>
    %eq3A_841 = vector.broadcast %get3A_840 : vector<1x128xi32> to vector<100x128xi32>
    %eq3A_842 = arith.cmpi eq, %iota3A, %eq3A_841 : vector<100x128xi32>
    %get3A_843 = arith.constant 165 : index
    %get3A_844 = arith.constant 0 : index
    %get3A_845 = vector.load %arg1[%get3A_843, %get3A_844] : memref<256x128xi32, #tpu.memory_space<vmem>>, vector<1x128xi32>
    %eq3A_846 = vector.broadcast %get3A_845 : vector<1x128xi32> to vector<100x128xi32>
    %eq3A_847 = arith.cmpi eq, %iota3A, %eq3A_846 : vector<100x128xi32>
    %get3A_848 = arith.constant 166 : index
    %get3A_849 = arith.constant 0 : index
    %get3A_850 = vector.load %arg1[%get3A_848, %get3A_849] : memref<256x128xi32, #tpu.memory_space<vmem>>, vector<1x128xi32>
    %eq3A_851 = vector.broadcast %get3A_850 : vector<1x128xi32> to vector<100x128xi32>
    %eq3A_852 = arith.cmpi eq, %iota3A, %eq3A_851 : vector<100x128xi32>
    %get3A_853 = arith.constant 167 : index
    %get3A_854 = arith.constant 0 : index
    %get3A_855 = vector.load %arg1[%get3A_853, %get3A_854] : memref<256x128xi32, #tpu.memory_space<vmem>>, vector<1x128xi32>
    %eq3A_856 = vector.broadcast %get3A_855 : vector<1x128xi32> to vector<100x128xi32>
    %eq3A_857 = arith.cmpi eq, %iota3A, %eq3A_856 : vector<100x128xi32>
    %get3A_858 = arith.constant 168 : index
    %get3A_859 = arith.constant 0 : index
    %get3A_860 = vector.load %arg1[%get3A_858, %get3A_859] : memref<256x128xi32, #tpu.memory_space<vmem>>, vector<1x128xi32>
    %eq3A_861 = vector.broadcast %get3A_860 : vector<1x128xi32> to vector<100x128xi32>
    %eq3A_862 = arith.cmpi eq, %iota3A, %eq3A_861 : vector<100x128xi32>
    %get3A_863 = arith.constant 169 : index
    %get3A_864 = arith.constant 0 : index
    %get3A_865 = vector.load %arg1[%get3A_863, %get3A_864] : memref<256x128xi32, #tpu.memory_space<vmem>>, vector<1x128xi32>
    %eq3A_866 = vector.broadcast %get3A_865 : vector<1x128xi32> to vector<100x128xi32>
    %eq3A_867 = arith.cmpi eq, %iota3A, %eq3A_866 : vector<100x128xi32>
    %get3A_868 = arith.constant 170 : index
    %get3A_869 = arith.constant 0 : index
    %get3A_870 = vector.load %arg1[%get3A_868, %get3A_869] : memref<256x128xi32, #tpu.memory_space<vmem>>, vector<1x128xi32>
    %eq3A_871 = vector.broadcast %get3A_870 : vector<1x128xi32> to vector<100x128xi32>
    %eq3A_872 = arith.cmpi eq, %iota3A, %eq3A_871 : vector<100x128xi32>
    %get3A_873 = arith.constant 171 : index
    %get3A_874 = arith.constant 0 : index
    %get3A_875 = vector.load %arg1[%get3A_873, %get3A_874] : memref<256x128xi32, #tpu.memory_space<vmem>>, vector<1x128xi32>
    %eq3A_876 = vector.broadcast %get3A_875 : vector<1x128xi32> to vector<100x128xi32>
    %eq3A_877 = arith.cmpi eq, %iota3A, %eq3A_876 : vector<100x128xi32>
    %get3A_878 = arith.constant 172 : index
    %get3A_879 = arith.constant 0 : index
    %get3A_880 = vector.load %arg1[%get3A_878, %get3A_879] : memref<256x128xi32, #tpu.memory_space<vmem>>, vector<1x128xi32>
    %eq3A_881 = vector.broadcast %get3A_880 : vector<1x128xi32> to vector<100x128xi32>
    %eq3A_882 = arith.cmpi eq, %iota3A, %eq3A_881 : vector<100x128xi32>
    %get3A_883 = arith.constant 173 : index
    %get3A_884 = arith.constant 0 : index
    %get3A_885 = vector.load %arg1[%get3A_883, %get3A_884] : memref<256x128xi32, #tpu.memory_space<vmem>>, vector<1x128xi32>
    %eq3A_886 = vector.broadcast %get3A_885 : vector<1x128xi32> to vector<100x128xi32>
    %eq3A_887 = arith.cmpi eq, %iota3A, %eq3A_886 : vector<100x128xi32>
    %get3A_888 = arith.constant 174 : index
    %get3A_889 = arith.constant 0 : index
    %get3A_890 = vector.load %arg1[%get3A_888, %get3A_889] : memref<256x128xi32, #tpu.memory_space<vmem>>, vector<1x128xi32>
    %eq3A_891 = vector.broadcast %get3A_890 : vector<1x128xi32> to vector<100x128xi32>
    %eq3A_892 = arith.cmpi eq, %iota3A, %eq3A_891 : vector<100x128xi32>
    %get3A_893 = arith.constant 175 : index
    %get3A_894 = arith.constant 0 : index
    %get3A_895 = vector.load %arg1[%get3A_893, %get3A_894] : memref<256x128xi32, #tpu.memory_space<vmem>>, vector<1x128xi32>
    %eq3A_896 = vector.broadcast %get3A_895 : vector<1x128xi32> to vector<100x128xi32>
    %eq3A_897 = arith.cmpi eq, %iota3A, %eq3A_896 : vector<100x128xi32>
    %get3A_898 = arith.constant 176 : index
    %get3A_899 = arith.constant 0 : index
    %get3A_900 = vector.load %arg1[%get3A_898, %get3A_899] : memref<256x128xi32, #tpu.memory_space<vmem>>, vector<1x128xi32>
    %eq3A_901 = vector.broadcast %get3A_900 : vector<1x128xi32> to vector<100x128xi32>
    %eq3A_902 = arith.cmpi eq, %iota3A, %eq3A_901 : vector<100x128xi32>
    %get3A_903 = arith.constant 177 : index
    %get3A_904 = arith.constant 0 : index
    %get3A_905 = vector.load %arg1[%get3A_903, %get3A_904] : memref<256x128xi32, #tpu.memory_space<vmem>>, vector<1x128xi32>
    %eq3A_906 = vector.broadcast %get3A_905 : vector<1x128xi32> to vector<100x128xi32>
    %eq3A_907 = arith.cmpi eq, %iota3A, %eq3A_906 : vector<100x128xi32>
    %get3A_908 = arith.constant 178 : index
    %get3A_909 = arith.constant 0 : index
    %get3A_910 = vector.load %arg1[%get3A_908, %get3A_909] : memref<256x128xi32, #tpu.memory_space<vmem>>, vector<1x128xi32>
    %eq3A_911 = vector.broadcast %get3A_910 : vector<1x128xi32> to vector<100x128xi32>
    %eq3A_912 = arith.cmpi eq, %iota3A, %eq3A_911 : vector<100x128xi32>
    %get3A_913 = arith.constant 179 : index
    %get3A_914 = arith.constant 0 : index
    %get3A_915 = vector.load %arg1[%get3A_913, %get3A_914] : memref<256x128xi32, #tpu.memory_space<vmem>>, vector<1x128xi32>
    %eq3A_916 = vector.broadcast %get3A_915 : vector<1x128xi32> to vector<100x128xi32>
    %eq3A_917 = arith.cmpi eq, %iota3A, %eq3A_916 : vector<100x128xi32>
    %get3A_918 = arith.constant 180 : index
    %get3A_919 = arith.constant 0 : index
    %get3A_920 = vector.load %arg1[%get3A_918, %get3A_919] : memref<256x128xi32, #tpu.memory_space<vmem>>, vector<1x128xi32>
    %eq3A_921 = vector.broadcast %get3A_920 : vector<1x128xi32> to vector<100x128xi32>
    %eq3A_922 = arith.cmpi eq, %iota3A, %eq3A_921 : vector<100x128xi32>
    %get3A_923 = arith.constant 181 : index
    %get3A_924 = arith.constant 0 : index
    %get3A_925 = vector.load %arg1[%get3A_923, %get3A_924] : memref<256x128xi32, #tpu.memory_space<vmem>>, vector<1x128xi32>
    %eq3A_926 = vector.broadcast %get3A_925 : vector<1x128xi32> to vector<100x128xi32>
    %eq3A_927 = arith.cmpi eq, %iota3A, %eq3A_926 : vector<100x128xi32>
    %get3A_928 = arith.constant 182 : index
    %get3A_929 = arith.constant 0 : index
    %get3A_930 = vector.load %arg1[%get3A_928, %get3A_929] : memref<256x128xi32, #tpu.memory_space<vmem>>, vector<1x128xi32>
    %eq3A_931 = vector.broadcast %get3A_930 : vector<1x128xi32> to vector<100x128xi32>
    %eq3A_932 = arith.cmpi eq, %iota3A, %eq3A_931 : vector<100x128xi32>
    %get3A_933 = arith.constant 183 : index
    %get3A_934 = arith.constant 0 : index
    %get3A_935 = vector.load %arg1[%get3A_933, %get3A_934] : memref<256x128xi32, #tpu.memory_space<vmem>>, vector<1x128xi32>
    %eq3A_936 = vector.broadcast %get3A_935 : vector<1x128xi32> to vector<100x128xi32>
    %eq3A_937 = arith.cmpi eq, %iota3A, %eq3A_936 : vector<100x128xi32>
    %get3A_938 = arith.constant 184 : index
    %get3A_939 = arith.constant 0 : index
    %get3A_940 = vector.load %arg1[%get3A_938, %get3A_939] : memref<256x128xi32, #tpu.memory_space<vmem>>, vector<1x128xi32>
    %eq3A_941 = vector.broadcast %get3A_940 : vector<1x128xi32> to vector<100x128xi32>
    %eq3A_942 = arith.cmpi eq, %iota3A, %eq3A_941 : vector<100x128xi32>
    %get3A_943 = arith.constant 185 : index
    %get3A_944 = arith.constant 0 : index
    %get3A_945 = vector.load %arg1[%get3A_943, %get3A_944] : memref<256x128xi32, #tpu.memory_space<vmem>>, vector<1x128xi32>
    %eq3A_946 = vector.broadcast %get3A_945 : vector<1x128xi32> to vector<100x128xi32>
    %eq3A_947 = arith.cmpi eq, %iota3A, %eq3A_946 : vector<100x128xi32>
    %get3A_948 = arith.constant 186 : index
    %get3A_949 = arith.constant 0 : index
    %get3A_950 = vector.load %arg1[%get3A_948, %get3A_949] : memref<256x128xi32, #tpu.memory_space<vmem>>, vector<1x128xi32>
    %eq3A_951 = vector.broadcast %get3A_950 : vector<1x128xi32> to vector<100x128xi32>
    %eq3A_952 = arith.cmpi eq, %iota3A, %eq3A_951 : vector<100x128xi32>
    %get3A_953 = arith.constant 187 : index
    %get3A_954 = arith.constant 0 : index
    %get3A_955 = vector.load %arg1[%get3A_953, %get3A_954] : memref<256x128xi32, #tpu.memory_space<vmem>>, vector<1x128xi32>
    %eq3A_956 = vector.broadcast %get3A_955 : vector<1x128xi32> to vector<100x128xi32>
    %eq3A_957 = arith.cmpi eq, %iota3A, %eq3A_956 : vector<100x128xi32>
    %get3A_958 = arith.constant 188 : index
    %get3A_959 = arith.constant 0 : index
    %get3A_960 = vector.load %arg1[%get3A_958, %get3A_959] : memref<256x128xi32, #tpu.memory_space<vmem>>, vector<1x128xi32>
    %eq3A_961 = vector.broadcast %get3A_960 : vector<1x128xi32> to vector<100x128xi32>
    %eq3A_962 = arith.cmpi eq, %iota3A, %eq3A_961 : vector<100x128xi32>
    %get3A_963 = arith.constant 189 : index
    %get3A_964 = arith.constant 0 : index
    %get3A_965 = vector.load %arg1[%get3A_963, %get3A_964] : memref<256x128xi32, #tpu.memory_space<vmem>>, vector<1x128xi32>
    %eq3A_966 = vector.broadcast %get3A_965 : vector<1x128xi32> to vector<100x128xi32>
    %eq3A_967 = arith.cmpi eq, %iota3A, %eq3A_966 : vector<100x128xi32>
    %get3A_968 = arith.constant 190 : index
    %get3A_969 = arith.constant 0 : index
    %get3A_970 = vector.load %arg1[%get3A_968, %get3A_969] : memref<256x128xi32, #tpu.memory_space<vmem>>, vector<1x128xi32>
    %eq3A_971 = vector.broadcast %get3A_970 : vector<1x128xi32> to vector<100x128xi32>
    %eq3A_972 = arith.cmpi eq, %iota3A, %eq3A_971 : vector<100x128xi32>
    %get3A_973 = arith.constant 191 : index
    %get3A_974 = arith.constant 0 : index
    %get3A_975 = vector.load %arg1[%get3A_973, %get3A_974] : memref<256x128xi32, #tpu.memory_space<vmem>>, vector<1x128xi32>
    %eq3A_976 = vector.broadcast %get3A_975 : vector<1x128xi32> to vector<100x128xi32>
    %eq3A_977 = arith.cmpi eq, %iota3A, %eq3A_976 : vector<100x128xi32>
    %get3A_978 = arith.constant 192 : index
    %get3A_979 = arith.constant 0 : index
    %get3A_980 = vector.load %arg1[%get3A_978, %get3A_979] : memref<256x128xi32, #tpu.memory_space<vmem>>, vector<1x128xi32>
    %eq3A_981 = vector.broadcast %get3A_980 : vector<1x128xi32> to vector<100x128xi32>
    %eq3A_982 = arith.cmpi eq, %iota3A, %eq3A_981 : vector<100x128xi32>
    %get3A_983 = arith.constant 193 : index
    %get3A_984 = arith.constant 0 : index
    %get3A_985 = vector.load %arg1[%get3A_983, %get3A_984] : memref<256x128xi32, #tpu.memory_space<vmem>>, vector<1x128xi32>
    %eq3A_986 = vector.broadcast %get3A_985 : vector<1x128xi32> to vector<100x128xi32>
    %eq3A_987 = arith.cmpi eq, %iota3A, %eq3A_986 : vector<100x128xi32>
    %get3A_988 = arith.constant 194 : index
    %get3A_989 = arith.constant 0 : index
    %get3A_990 = vector.load %arg1[%get3A_988, %get3A_989] : memref<256x128xi32, #tpu.memory_space<vmem>>, vector<1x128xi32>
    %eq3A_991 = vector.broadcast %get3A_990 : vector<1x128xi32> to vector<100x128xi32>
    %eq3A_992 = arith.cmpi eq, %iota3A, %eq3A_991 : vector<100x128xi32>
    %get3A_993 = arith.constant 195 : index
    %get3A_994 = arith.constant 0 : index
    %get3A_995 = vector.load %arg1[%get3A_993, %get3A_994] : memref<256x128xi32, #tpu.memory_space<vmem>>, vector<1x128xi32>
    %eq3A_996 = vector.broadcast %get3A_995 : vector<1x128xi32> to vector<100x128xi32>
    %eq3A_997 = arith.cmpi eq, %iota3A, %eq3A_996 : vector<100x128xi32>
    %get3A_998 = arith.constant 196 : index
    %get3A_999 = arith.constant 0 : index
    %get3A_1000 = vector.load %arg1[%get3A_998, %get3A_999] : memref<256x128xi32, #tpu.memory_space<vmem>>, vector<1x128xi32>
    %eq3A_1001 = vector.broadcast %get3A_1000 : vector<1x128xi32> to vector<100x128xi32>
    %eq3A_1002 = arith.cmpi eq, %iota3A, %eq3A_1001 : vector<100x128xi32>
    %get3A_1003 = arith.constant 197 : index
    %get3A_1004 = arith.constant 0 : index
    %get3A_1005 = vector.load %arg1[%get3A_1003, %get3A_1004] : memref<256x128xi32, #tpu.memory_space<vmem>>, vector<1x128xi32>
    %eq3A_1006 = vector.broadcast %get3A_1005 : vector<1x128xi32> to vector<100x128xi32>
    %eq3A_1007 = arith.cmpi eq, %iota3A, %eq3A_1006 : vector<100x128xi32>
    %get3A_1008 = arith.constant 198 : index
    %get3A_1009 = arith.constant 0 : index
    %get3A_1010 = vector.load %arg1[%get3A_1008, %get3A_1009] : memref<256x128xi32, #tpu.memory_space<vmem>>, vector<1x128xi32>
    %eq3A_1011 = vector.broadcast %get3A_1010 : vector<1x128xi32> to vector<100x128xi32>
    %eq3A_1012 = arith.cmpi eq, %iota3A, %eq3A_1011 : vector<100x128xi32>
    %get3A_1013 = arith.constant 199 : index
    %get3A_1014 = arith.constant 0 : index
    %get3A_1015 = vector.load %arg1[%get3A_1013, %get3A_1014] : memref<256x128xi32, #tpu.memory_space<vmem>>, vector<1x128xi32>
    %eq3A_1016 = vector.broadcast %get3A_1015 : vector<1x128xi32> to vector<100x128xi32>
    %eq3A_1017 = arith.cmpi eq, %iota3A, %eq3A_1016 : vector<100x128xi32>
    %get3A_1018 = arith.constant 200 : index
    %get3A_1019 = arith.constant 0 : index
    %get3A_1020 = vector.load %arg1[%get3A_1018, %get3A_1019] : memref<256x128xi32, #tpu.memory_space<vmem>>, vector<1x128xi32>
    %eq3A_1021 = vector.broadcast %get3A_1020 : vector<1x128xi32> to vector<100x128xi32>
    %eq3A_1022 = arith.cmpi eq, %iota3A, %eq3A_1021 : vector<100x128xi32>
    %get3A_1023 = arith.constant 201 : index
    %get3A_1024 = arith.constant 0 : index
    %get3A_1025 = vector.load %arg1[%get3A_1023, %get3A_1024] : memref<256x128xi32, #tpu.memory_space<vmem>>, vector<1x128xi32>
    %eq3A_1026 = vector.broadcast %get3A_1025 : vector<1x128xi32> to vector<100x128xi32>
    %eq3A_1027 = arith.cmpi eq, %iota3A, %eq3A_1026 : vector<100x128xi32>
    %get3A_1028 = arith.constant 202 : index
    %get3A_1029 = arith.constant 0 : index
    %get3A_1030 = vector.load %arg1[%get3A_1028, %get3A_1029] : memref<256x128xi32, #tpu.memory_space<vmem>>, vector<1x128xi32>
    %eq3A_1031 = vector.broadcast %get3A_1030 : vector<1x128xi32> to vector<100x128xi32>
    %eq3A_1032 = arith.cmpi eq, %iota3A, %eq3A_1031 : vector<100x128xi32>
    %get3A_1033 = arith.constant 203 : index
    %get3A_1034 = arith.constant 0 : index
    %get3A_1035 = vector.load %arg1[%get3A_1033, %get3A_1034] : memref<256x128xi32, #tpu.memory_space<vmem>>, vector<1x128xi32>
    %eq3A_1036 = vector.broadcast %get3A_1035 : vector<1x128xi32> to vector<100x128xi32>
    %eq3A_1037 = arith.cmpi eq, %iota3A, %eq3A_1036 : vector<100x128xi32>
    %get3A_1038 = arith.constant 204 : index
    %get3A_1039 = arith.constant 0 : index
    %get3A_1040 = vector.load %arg1[%get3A_1038, %get3A_1039] : memref<256x128xi32, #tpu.memory_space<vmem>>, vector<1x128xi32>
    %eq3A_1041 = vector.broadcast %get3A_1040 : vector<1x128xi32> to vector<100x128xi32>
    %eq3A_1042 = arith.cmpi eq, %iota3A, %eq3A_1041 : vector<100x128xi32>
    %get3A_1043 = arith.constant 205 : index
    %get3A_1044 = arith.constant 0 : index
    %get3A_1045 = vector.load %arg1[%get3A_1043, %get3A_1044] : memref<256x128xi32, #tpu.memory_space<vmem>>, vector<1x128xi32>
    %eq3A_1046 = vector.broadcast %get3A_1045 : vector<1x128xi32> to vector<100x128xi32>
    %eq3A_1047 = arith.cmpi eq, %iota3A, %eq3A_1046 : vector<100x128xi32>
    %get3A_1048 = arith.constant 206 : index
    %get3A_1049 = arith.constant 0 : index
    %get3A_1050 = vector.load %arg1[%get3A_1048, %get3A_1049] : memref<256x128xi32, #tpu.memory_space<vmem>>, vector<1x128xi32>
    %eq3A_1051 = vector.broadcast %get3A_1050 : vector<1x128xi32> to vector<100x128xi32>
    %eq3A_1052 = arith.cmpi eq, %iota3A, %eq3A_1051 : vector<100x128xi32>
    %get3A_1053 = arith.constant 207 : index
    %get3A_1054 = arith.constant 0 : index
    %get3A_1055 = vector.load %arg1[%get3A_1053, %get3A_1054] : memref<256x128xi32, #tpu.memory_space<vmem>>, vector<1x128xi32>
    %eq3A_1056 = vector.broadcast %get3A_1055 : vector<1x128xi32> to vector<100x128xi32>
    %eq3A_1057 = arith.cmpi eq, %iota3A, %eq3A_1056 : vector<100x128xi32>
    %get3A_1058 = arith.constant 208 : index
    %get3A_1059 = arith.constant 0 : index
    %get3A_1060 = vector.load %arg1[%get3A_1058, %get3A_1059] : memref<256x128xi32, #tpu.memory_space<vmem>>, vector<1x128xi32>
    %eq3A_1061 = vector.broadcast %get3A_1060 : vector<1x128xi32> to vector<100x128xi32>
    %eq3A_1062 = arith.cmpi eq, %iota3A, %eq3A_1061 : vector<100x128xi32>
    %get3A_1063 = arith.constant 209 : index
    %get3A_1064 = arith.constant 0 : index
    %get3A_1065 = vector.load %arg1[%get3A_1063, %get3A_1064] : memref<256x128xi32, #tpu.memory_space<vmem>>, vector<1x128xi32>
    %eq3A_1066 = vector.broadcast %get3A_1065 : vector<1x128xi32> to vector<100x128xi32>
    %eq3A_1067 = arith.cmpi eq, %iota3A, %eq3A_1066 : vector<100x128xi32>
    %get3A_1068 = arith.constant 210 : index
    %get3A_1069 = arith.constant 0 : index
    %get3A_1070 = vector.load %arg1[%get3A_1068, %get3A_1069] : memref<256x128xi32, #tpu.memory_space<vmem>>, vector<1x128xi32>
    %eq3A_1071 = vector.broadcast %get3A_1070 : vector<1x128xi32> to vector<100x128xi32>
    %eq3A_1072 = arith.cmpi eq, %iota3A, %eq3A_1071 : vector<100x128xi32>
    %get3A_1073 = arith.constant 211 : index
    %get3A_1074 = arith.constant 0 : index
    %get3A_1075 = vector.load %arg1[%get3A_1073, %get3A_1074] : memref<256x128xi32, #tpu.memory_space<vmem>>, vector<1x128xi32>
    %eq3A_1076 = vector.broadcast %get3A_1075 : vector<1x128xi32> to vector<100x128xi32>
    %eq3A_1077 = arith.cmpi eq, %iota3A, %eq3A_1076 : vector<100x128xi32>
    %get3A_1078 = arith.constant 212 : index
    %get3A_1079 = arith.constant 0 : index
    %get3A_1080 = vector.load %arg1[%get3A_1078, %get3A_1079] : memref<256x128xi32, #tpu.memory_space<vmem>>, vector<1x128xi32>
    %eq3A_1081 = vector.broadcast %get3A_1080 : vector<1x128xi32> to vector<100x128xi32>
    %eq3A_1082 = arith.cmpi eq, %iota3A, %eq3A_1081 : vector<100x128xi32>
    %get3A_1083 = arith.constant 213 : index
    %get3A_1084 = arith.constant 0 : index
    %get3A_1085 = vector.load %arg1[%get3A_1083, %get3A_1084] : memref<256x128xi32, #tpu.memory_space<vmem>>, vector<1x128xi32>
    %eq3A_1086 = vector.broadcast %get3A_1085 : vector<1x128xi32> to vector<100x128xi32>
    %eq3A_1087 = arith.cmpi eq, %iota3A, %eq3A_1086 : vector<100x128xi32>
    %get3A_1088 = arith.constant 214 : index
    %get3A_1089 = arith.constant 0 : index
    %get3A_1090 = vector.load %arg1[%get3A_1088, %get3A_1089] : memref<256x128xi32, #tpu.memory_space<vmem>>, vector<1x128xi32>
    %eq3A_1091 = vector.broadcast %get3A_1090 : vector<1x128xi32> to vector<100x128xi32>
    %eq3A_1092 = arith.cmpi eq, %iota3A, %eq3A_1091 : vector<100x128xi32>
    %get3A_1093 = arith.constant 215 : index
    %get3A_1094 = arith.constant 0 : index
    %get3A_1095 = vector.load %arg1[%get3A_1093, %get3A_1094] : memref<256x128xi32, #tpu.memory_space<vmem>>, vector<1x128xi32>
    %eq3A_1096 = vector.broadcast %get3A_1095 : vector<1x128xi32> to vector<100x128xi32>
    %eq3A_1097 = arith.cmpi eq, %iota3A, %eq3A_1096 : vector<100x128xi32>
    %get3A_1098 = arith.constant 216 : index
    %get3A_1099 = arith.constant 0 : index
    %get3A_1100 = vector.load %arg1[%get3A_1098, %get3A_1099] : memref<256x128xi32, #tpu.memory_space<vmem>>, vector<1x128xi32>
    %eq3A_1101 = vector.broadcast %get3A_1100 : vector<1x128xi32> to vector<100x128xi32>
    %eq3A_1102 = arith.cmpi eq, %iota3A, %eq3A_1101 : vector<100x128xi32>
    %get3A_1103 = arith.constant 217 : index
    %get3A_1104 = arith.constant 0 : index
    %get3A_1105 = vector.load %arg1[%get3A_1103, %get3A_1104] : memref<256x128xi32, #tpu.memory_space<vmem>>, vector<1x128xi32>
    %eq3A_1106 = vector.broadcast %get3A_1105 : vector<1x128xi32> to vector<100x128xi32>
    %eq3A_1107 = arith.cmpi eq, %iota3A, %eq3A_1106 : vector<100x128xi32>
    %get3A_1108 = arith.constant 218 : index
    %get3A_1109 = arith.constant 0 : index
    %get3A_1110 = vector.load %arg1[%get3A_1108, %get3A_1109] : memref<256x128xi32, #tpu.memory_space<vmem>>, vector<1x128xi32>
    %eq3A_1111 = vector.broadcast %get3A_1110 : vector<1x128xi32> to vector<100x128xi32>
    %eq3A_1112 = arith.cmpi eq, %iota3A, %eq3A_1111 : vector<100x128xi32>
    %get3A_1113 = arith.constant 219 : index
    %get3A_1114 = arith.constant 0 : index
    %get3A_1115 = vector.load %arg1[%get3A_1113, %get3A_1114] : memref<256x128xi32, #tpu.memory_space<vmem>>, vector<1x128xi32>
    %eq3A_1116 = vector.broadcast %get3A_1115 : vector<1x128xi32> to vector<100x128xi32>
    %eq3A_1117 = arith.cmpi eq, %iota3A, %eq3A_1116 : vector<100x128xi32>
    %get3A_1118 = arith.constant 220 : index
    %get3A_1119 = arith.constant 0 : index
    %get3A_1120 = vector.load %arg1[%get3A_1118, %get3A_1119] : memref<256x128xi32, #tpu.memory_space<vmem>>, vector<1x128xi32>
    %eq3A_1121 = vector.broadcast %get3A_1120 : vector<1x128xi32> to vector<100x128xi32>
    %eq3A_1122 = arith.cmpi eq, %iota3A, %eq3A_1121 : vector<100x128xi32>
    %get3A_1123 = arith.constant 221 : index
    %get3A_1124 = arith.constant 0 : index
    %get3A_1125 = vector.load %arg1[%get3A_1123, %get3A_1124] : memref<256x128xi32, #tpu.memory_space<vmem>>, vector<1x128xi32>
    %eq3A_1126 = vector.broadcast %get3A_1125 : vector<1x128xi32> to vector<100x128xi32>
    %eq3A_1127 = arith.cmpi eq, %iota3A, %eq3A_1126 : vector<100x128xi32>
    %get3A_1128 = arith.constant 222 : index
    %get3A_1129 = arith.constant 0 : index
    %get3A_1130 = vector.load %arg1[%get3A_1128, %get3A_1129] : memref<256x128xi32, #tpu.memory_space<vmem>>, vector<1x128xi32>
    %eq3A_1131 = vector.broadcast %get3A_1130 : vector<1x128xi32> to vector<100x128xi32>
    %eq3A_1132 = arith.cmpi eq, %iota3A, %eq3A_1131 : vector<100x128xi32>
    %get3A_1133 = arith.constant 223 : index
    %get3A_1134 = arith.constant 0 : index
    %get3A_1135 = vector.load %arg1[%get3A_1133, %get3A_1134] : memref<256x128xi32, #tpu.memory_space<vmem>>, vector<1x128xi32>
    %eq3A_1136 = vector.broadcast %get3A_1135 : vector<1x128xi32> to vector<100x128xi32>
    %eq3A_1137 = arith.cmpi eq, %iota3A, %eq3A_1136 : vector<100x128xi32>
    %get3A_1138 = arith.constant 224 : index
    %get3A_1139 = arith.constant 0 : index
    %get3A_1140 = vector.load %arg1[%get3A_1138, %get3A_1139] : memref<256x128xi32, #tpu.memory_space<vmem>>, vector<1x128xi32>
    %eq3A_1141 = vector.broadcast %get3A_1140 : vector<1x128xi32> to vector<100x128xi32>
    %eq3A_1142 = arith.cmpi eq, %iota3A, %eq3A_1141 : vector<100x128xi32>
    %get3A_1143 = arith.constant 225 : index
    %get3A_1144 = arith.constant 0 : index
    %get3A_1145 = vector.load %arg1[%get3A_1143, %get3A_1144] : memref<256x128xi32, #tpu.memory_space<vmem>>, vector<1x128xi32>
    %eq3A_1146 = vector.broadcast %get3A_1145 : vector<1x128xi32> to vector<100x128xi32>
    %eq3A_1147 = arith.cmpi eq, %iota3A, %eq3A_1146 : vector<100x128xi32>
    %get3A_1148 = arith.constant 226 : index
    %get3A_1149 = arith.constant 0 : index
    %get3A_1150 = vector.load %arg1[%get3A_1148, %get3A_1149] : memref<256x128xi32, #tpu.memory_space<vmem>>, vector<1x128xi32>
    %eq3A_1151 = vector.broadcast %get3A_1150 : vector<1x128xi32> to vector<100x128xi32>
    %eq3A_1152 = arith.cmpi eq, %iota3A, %eq3A_1151 : vector<100x128xi32>
    %get3A_1153 = arith.constant 227 : index
    %get3A_1154 = arith.constant 0 : index
    %get3A_1155 = vector.load %arg1[%get3A_1153, %get3A_1154] : memref<256x128xi32, #tpu.memory_space<vmem>>, vector<1x128xi32>
    %eq3A_1156 = vector.broadcast %get3A_1155 : vector<1x128xi32> to vector<100x128xi32>
    %eq3A_1157 = arith.cmpi eq, %iota3A, %eq3A_1156 : vector<100x128xi32>
    %get3A_1158 = arith.constant 228 : index
    %get3A_1159 = arith.constant 0 : index
    %get3A_1160 = vector.load %arg1[%get3A_1158, %get3A_1159] : memref<256x128xi32, #tpu.memory_space<vmem>>, vector<1x128xi32>
    %eq3A_1161 = vector.broadcast %get3A_1160 : vector<1x128xi32> to vector<100x128xi32>
    %eq3A_1162 = arith.cmpi eq, %iota3A, %eq3A_1161 : vector<100x128xi32>
    %get3A_1163 = arith.constant 229 : index
    %get3A_1164 = arith.constant 0 : index
    %get3A_1165 = vector.load %arg1[%get3A_1163, %get3A_1164] : memref<256x128xi32, #tpu.memory_space<vmem>>, vector<1x128xi32>
    %eq3A_1166 = vector.broadcast %get3A_1165 : vector<1x128xi32> to vector<100x128xi32>
    %eq3A_1167 = arith.cmpi eq, %iota3A, %eq3A_1166 : vector<100x128xi32>
    %get3A_1168 = arith.constant 230 : index
    %get3A_1169 = arith.constant 0 : index
    %get3A_1170 = vector.load %arg1[%get3A_1168, %get3A_1169] : memref<256x128xi32, #tpu.memory_space<vmem>>, vector<1x128xi32>
    %eq3A_1171 = vector.broadcast %get3A_1170 : vector<1x128xi32> to vector<100x128xi32>
    %eq3A_1172 = arith.cmpi eq, %iota3A, %eq3A_1171 : vector<100x128xi32>
    %get3A_1173 = arith.constant 231 : index
    %get3A_1174 = arith.constant 0 : index
    %get3A_1175 = vector.load %arg1[%get3A_1173, %get3A_1174] : memref<256x128xi32, #tpu.memory_space<vmem>>, vector<1x128xi32>
    %eq3A_1176 = vector.broadcast %get3A_1175 : vector<1x128xi32> to vector<100x128xi32>
    %eq3A_1177 = arith.cmpi eq, %iota3A, %eq3A_1176 : vector<100x128xi32>
    %get3A_1178 = arith.constant 232 : index
    %get3A_1179 = arith.constant 0 : index
    %get3A_1180 = vector.load %arg1[%get3A_1178, %get3A_1179] : memref<256x128xi32, #tpu.memory_space<vmem>>, vector<1x128xi32>
    %eq3A_1181 = vector.broadcast %get3A_1180 : vector<1x128xi32> to vector<100x128xi32>
    %eq3A_1182 = arith.cmpi eq, %iota3A, %eq3A_1181 : vector<100x128xi32>
    %get3A_1183 = arith.constant 233 : index
    %get3A_1184 = arith.constant 0 : index
    %get3A_1185 = vector.load %arg1[%get3A_1183, %get3A_1184] : memref<256x128xi32, #tpu.memory_space<vmem>>, vector<1x128xi32>
    %eq3A_1186 = vector.broadcast %get3A_1185 : vector<1x128xi32> to vector<100x128xi32>
    %eq3A_1187 = arith.cmpi eq, %iota3A, %eq3A_1186 : vector<100x128xi32>
    %get3A_1188 = arith.constant 234 : index
    %get3A_1189 = arith.constant 0 : index
    %get3A_1190 = vector.load %arg1[%get3A_1188, %get3A_1189] : memref<256x128xi32, #tpu.memory_space<vmem>>, vector<1x128xi32>
    %eq3A_1191 = vector.broadcast %get3A_1190 : vector<1x128xi32> to vector<100x128xi32>
    %eq3A_1192 = arith.cmpi eq, %iota3A, %eq3A_1191 : vector<100x128xi32>
    %get3A_1193 = arith.constant 235 : index
    %get3A_1194 = arith.constant 0 : index
    %get3A_1195 = vector.load %arg1[%get3A_1193, %get3A_1194] : memref<256x128xi32, #tpu.memory_space<vmem>>, vector<1x128xi32>
    %eq3A_1196 = vector.broadcast %get3A_1195 : vector<1x128xi32> to vector<100x128xi32>
    %eq3A_1197 = arith.cmpi eq, %iota3A, %eq3A_1196 : vector<100x128xi32>
    %get3A_1198 = arith.constant 236 : index
    %get3A_1199 = arith.constant 0 : index
    %get3A_1200 = vector.load %arg1[%get3A_1198, %get3A_1199] : memref<256x128xi32, #tpu.memory_space<vmem>>, vector<1x128xi32>
    %eq3A_1201 = vector.broadcast %get3A_1200 : vector<1x128xi32> to vector<100x128xi32>
    %eq3A_1202 = arith.cmpi eq, %iota3A, %eq3A_1201 : vector<100x128xi32>
    %get3A_1203 = arith.constant 237 : index
    %get3A_1204 = arith.constant 0 : index
    %get3A_1205 = vector.load %arg1[%get3A_1203, %get3A_1204] : memref<256x128xi32, #tpu.memory_space<vmem>>, vector<1x128xi32>
    %eq3A_1206 = vector.broadcast %get3A_1205 : vector<1x128xi32> to vector<100x128xi32>
    %eq3A_1207 = arith.cmpi eq, %iota3A, %eq3A_1206 : vector<100x128xi32>
    %get3A_1208 = arith.constant 238 : index
    %get3A_1209 = arith.constant 0 : index
    %get3A_1210 = vector.load %arg1[%get3A_1208, %get3A_1209] : memref<256x128xi32, #tpu.memory_space<vmem>>, vector<1x128xi32>
    %eq3A_1211 = vector.broadcast %get3A_1210 : vector<1x128xi32> to vector<100x128xi32>
    %eq3A_1212 = arith.cmpi eq, %iota3A, %eq3A_1211 : vector<100x128xi32>
    %get3A_1213 = arith.constant 239 : index
    %get3A_1214 = arith.constant 0 : index
    %get3A_1215 = vector.load %arg1[%get3A_1213, %get3A_1214] : memref<256x128xi32, #tpu.memory_space<vmem>>, vector<1x128xi32>
    %eq3A_1216 = vector.broadcast %get3A_1215 : vector<1x128xi32> to vector<100x128xi32>
    %eq3A_1217 = arith.cmpi eq, %iota3A, %eq3A_1216 : vector<100x128xi32>
    %get3A_1218 = arith.constant 240 : index
    %get3A_1219 = arith.constant 0 : index
    %get3A_1220 = vector.load %arg1[%get3A_1218, %get3A_1219] : memref<256x128xi32, #tpu.memory_space<vmem>>, vector<1x128xi32>
    %eq3A_1221 = vector.broadcast %get3A_1220 : vector<1x128xi32> to vector<100x128xi32>
    %eq3A_1222 = arith.cmpi eq, %iota3A, %eq3A_1221 : vector<100x128xi32>
    %get3A_1223 = arith.constant 241 : index
    %get3A_1224 = arith.constant 0 : index
    %get3A_1225 = vector.load %arg1[%get3A_1223, %get3A_1224] : memref<256x128xi32, #tpu.memory_space<vmem>>, vector<1x128xi32>
    %eq3A_1226 = vector.broadcast %get3A_1225 : vector<1x128xi32> to vector<100x128xi32>
    %eq3A_1227 = arith.cmpi eq, %iota3A, %eq3A_1226 : vector<100x128xi32>
    %get3A_1228 = arith.constant 242 : index
    %get3A_1229 = arith.constant 0 : index
    %get3A_1230 = vector.load %arg1[%get3A_1228, %get3A_1229] : memref<256x128xi32, #tpu.memory_space<vmem>>, vector<1x128xi32>
    %eq3A_1231 = vector.broadcast %get3A_1230 : vector<1x128xi32> to vector<100x128xi32>
    %eq3A_1232 = arith.cmpi eq, %iota3A, %eq3A_1231 : vector<100x128xi32>
    %get3A_1233 = arith.constant 243 : index
    %get3A_1234 = arith.constant 0 : index
    %get3A_1235 = vector.load %arg1[%get3A_1233, %get3A_1234] : memref<256x128xi32, #tpu.memory_space<vmem>>, vector<1x128xi32>
    %eq3A_1236 = vector.broadcast %get3A_1235 : vector<1x128xi32> to vector<100x128xi32>
    %eq3A_1237 = arith.cmpi eq, %iota3A, %eq3A_1236 : vector<100x128xi32>
    %get3A_1238 = arith.constant 244 : index
    %get3A_1239 = arith.constant 0 : index
    %get3A_1240 = vector.load %arg1[%get3A_1238, %get3A_1239] : memref<256x128xi32, #tpu.memory_space<vmem>>, vector<1x128xi32>
    %eq3A_1241 = vector.broadcast %get3A_1240 : vector<1x128xi32> to vector<100x128xi32>
    %eq3A_1242 = arith.cmpi eq, %iota3A, %eq3A_1241 : vector<100x128xi32>
    %get3A_1243 = arith.constant 245 : index
    %get3A_1244 = arith.constant 0 : index
    %get3A_1245 = vector.load %arg1[%get3A_1243, %get3A_1244] : memref<256x128xi32, #tpu.memory_space<vmem>>, vector<1x128xi32>
    %eq3A_1246 = vector.broadcast %get3A_1245 : vector<1x128xi32> to vector<100x128xi32>
    %eq3A_1247 = arith.cmpi eq, %iota3A, %eq3A_1246 : vector<100x128xi32>
    %get3A_1248 = arith.constant 246 : index
    %get3A_1249 = arith.constant 0 : index
    %get3A_1250 = vector.load %arg1[%get3A_1248, %get3A_1249] : memref<256x128xi32, #tpu.memory_space<vmem>>, vector<1x128xi32>
    %eq3A_1251 = vector.broadcast %get3A_1250 : vector<1x128xi32> to vector<100x128xi32>
    %eq3A_1252 = arith.cmpi eq, %iota3A, %eq3A_1251 : vector<100x128xi32>
    %get3A_1253 = arith.constant 247 : index
    %get3A_1254 = arith.constant 0 : index
    %get3A_1255 = vector.load %arg1[%get3A_1253, %get3A_1254] : memref<256x128xi32, #tpu.memory_space<vmem>>, vector<1x128xi32>
    %eq3A_1256 = vector.broadcast %get3A_1255 : vector<1x128xi32> to vector<100x128xi32>
    %eq3A_1257 = arith.cmpi eq, %iota3A, %eq3A_1256 : vector<100x128xi32>
    %get3A_1258 = arith.constant 248 : index
    %get3A_1259 = arith.constant 0 : index
    %get3A_1260 = vector.load %arg1[%get3A_1258, %get3A_1259] : memref<256x128xi32, #tpu.memory_space<vmem>>, vector<1x128xi32>
    %eq3A_1261 = vector.broadcast %get3A_1260 : vector<1x128xi32> to vector<100x128xi32>
    %eq3A_1262 = arith.cmpi eq, %iota3A, %eq3A_1261 : vector<100x128xi32>
    %get3A_1263 = arith.constant 249 : index
    %get3A_1264 = arith.constant 0 : index
    %get3A_1265 = vector.load %arg1[%get3A_1263, %get3A_1264] : memref<256x128xi32, #tpu.memory_space<vmem>>, vector<1x128xi32>
    %eq3A_1266 = vector.broadcast %get3A_1265 : vector<1x128xi32> to vector<100x128xi32>
    %eq3A_1267 = arith.cmpi eq, %iota3A, %eq3A_1266 : vector<100x128xi32>
    %get3A_1268 = arith.constant 250 : index
    %get3A_1269 = arith.constant 0 : index
    %get3A_1270 = vector.load %arg1[%get3A_1268, %get3A_1269] : memref<256x128xi32, #tpu.memory_space<vmem>>, vector<1x128xi32>
    %eq3A_1271 = vector.broadcast %get3A_1270 : vector<1x128xi32> to vector<100x128xi32>
    %eq3A_1272 = arith.cmpi eq, %iota3A, %eq3A_1271 : vector<100x128xi32>
    %get3A_1273 = arith.constant 251 : index
    %get3A_1274 = arith.constant 0 : index
    %get3A_1275 = vector.load %arg1[%get3A_1273, %get3A_1274] : memref<256x128xi32, #tpu.memory_space<vmem>>, vector<1x128xi32>
    %eq3A_1276 = vector.broadcast %get3A_1275 : vector<1x128xi32> to vector<100x128xi32>
    %eq3A_1277 = arith.cmpi eq, %iota3A, %eq3A_1276 : vector<100x128xi32>
    %get3A_1278 = arith.constant 252 : index
    %get3A_1279 = arith.constant 0 : index
    %get3A_1280 = vector.load %arg1[%get3A_1278, %get3A_1279] : memref<256x128xi32, #tpu.memory_space<vmem>>, vector<1x128xi32>
    %eq3A_1281 = vector.broadcast %get3A_1280 : vector<1x128xi32> to vector<100x128xi32>
    %eq3A_1282 = arith.cmpi eq, %iota3A, %eq3A_1281 : vector<100x128xi32>
    %get3A_1283 = arith.constant 253 : index
    %get3A_1284 = arith.constant 0 : index
    %get3A_1285 = vector.load %arg1[%get3A_1283, %get3A_1284] : memref<256x128xi32, #tpu.memory_space<vmem>>, vector<1x128xi32>
    %eq3A_1286 = vector.broadcast %get3A_1285 : vector<1x128xi32> to vector<100x128xi32>
    %eq3A_1287 = arith.cmpi eq, %iota3A, %eq3A_1286 : vector<100x128xi32>
    %get3A_1288 = arith.constant 254 : index
    %get3A_1289 = arith.constant 0 : index
    %get3A_1290 = vector.load %arg1[%get3A_1288, %get3A_1289] : memref<256x128xi32, #tpu.memory_space<vmem>>, vector<1x128xi32>
    %eq3A_1291 = vector.broadcast %get3A_1290 : vector<1x128xi32> to vector<100x128xi32>
    %eq3A_1292 = arith.cmpi eq, %iota3A, %eq3A_1291 : vector<100x128xi32>
    %get3A_1293 = arith.constant 255 : index
    %get3A_1294 = arith.constant 0 : index
    %get3A_1295 = vector.load %arg1[%get3A_1293, %get3A_1294] : memref<256x128xi32, #tpu.memory_space<vmem>>, vector<1x128xi32>
    %eq3A_1296 = vector.broadcast %get3A_1295 : vector<1x128xi32> to vector<100x128xi32>
    %eq3A_1297 = arith.cmpi eq, %iota3A, %eq3A_1296 : vector<100x128xi32>
    %concatenate3A = tpu.concatenate %eq3A_22, %eq3A_27, %eq3A_32, %eq3A_37, %eq3A_42, %eq3A_47, %eq3A_52, %eq3A_57, %eq3A_62, %eq3A_67, %eq3A_72, %eq3A_77, %eq3A_82, %eq3A_87, %eq3A_92, %eq3A_97, %eq3A_102, %eq3A_107, %eq3A_112, %eq3A_117, %eq3A_122, %eq3A_127, %eq3A_132, %eq3A_137, %eq3A_142, %eq3A_147, %eq3A_152, %eq3A_157, %eq3A_162, %eq3A_167, %eq3A_172, %eq3A_177, %eq3A_182, %eq3A_187, %eq3A_192, %eq3A_197, %eq3A_202, %eq3A_207, %eq3A_212, %eq3A_217, %eq3A_222, %eq3A_227, %eq3A_232, %eq3A_237, %eq3A_242, %eq3A_247, %eq3A_252, %eq3A_257, %eq3A_262, %eq3A_267, %eq3A_272, %eq3A_277, %eq3A_282, %eq3A_287, %eq3A_292, %eq3A_297, %eq3A_302, %eq3A_307, %eq3A_312, %eq3A_317, %eq3A_322, %eq3A_327, %eq3A_332, %eq3A_337, %eq3A_342, %eq3A_347, %eq3A_352, %eq3A_357, %eq3A_362, %eq3A_367, %eq3A_372, %eq3A_377, %eq3A_382, %eq3A_387, %eq3A_392, %eq3A_397, %eq3A_402, %eq3A_407, %eq3A_412, %eq3A_417, %eq3A_422, %eq3A_427, %eq3A_432, %eq3A_437, %eq3A_442, %eq3A_447, %eq3A_452, %eq3A_457, %eq3A_462, %eq3A_467, %eq3A_472, %eq3A_477, %eq3A_482, %eq3A_487, %eq3A_492, %eq3A_497, %eq3A_502, %eq3A_507, %eq3A_512, %eq3A_517, %eq3A_522, %eq3A_527, %eq3A_532, %eq3A_537, %eq3A_542, %eq3A_547, %eq3A_552, %eq3A_557, %eq3A_562, %eq3A_567, %eq3A_572, %eq3A_577, %eq3A_582, %eq3A_587, %eq3A_592, %eq3A_597, %eq3A_602, %eq3A_607, %eq3A_612, %eq3A_617, %eq3A_622, %eq3A_627, %eq3A_632, %eq3A_637, %eq3A_642, %eq3A_647, %eq3A_652, %eq3A_657, %eq3A_662, %eq3A_667, %eq3A_672, %eq3A_677, %eq3A_682, %eq3A_687, %eq3A_692, %eq3A_697, %eq3A_702, %eq3A_707, %eq3A_712, %eq3A_717, %eq3A_722, %eq3A_727, %eq3A_732, %eq3A_737, %eq3A_742, %eq3A_747, %eq3A_752, %eq3A_757, %eq3A_762, %eq3A_767, %eq3A_772, %eq3A_777, %eq3A_782, %eq3A_787, %eq3A_792, %eq3A_797, %eq3A_802, %eq3A_807, %eq3A_812, %eq3A_817, %eq3A_822, %eq3A_827, %eq3A_832, %eq3A_837, %eq3A_842, %eq3A_847, %eq3A_852, %eq3A_857, %eq3A_862, %eq3A_867, %eq3A_872, %eq3A_877, %eq3A_882, %eq3A_887, %eq3A_892, %eq3A_897, %eq3A_902, %eq3A_907, %eq3A_912, %eq3A_917, %eq3A_922, %eq3A_927, %eq3A_932, %eq3A_937, %eq3A_942, %eq3A_947, %eq3A_952, %eq3A_957, %eq3A_962, %eq3A_967, %eq3A_972, %eq3A_977, %eq3A_982, %eq3A_987, %eq3A_992, %eq3A_997, %eq3A_1002, %eq3A_1007, %eq3A_1012, %eq3A_1017, %eq3A_1022, %eq3A_1027, %eq3A_1032, %eq3A_1037, %eq3A_1042, %eq3A_1047, %eq3A_1052, %eq3A_1057, %eq3A_1062, %eq3A_1067, %eq3A_1072, %eq3A_1077, %eq3A_1082, %eq3A_1087, %eq3A_1092, %eq3A_1097, %eq3A_1102, %eq3A_1107, %eq3A_1112, %eq3A_1117, %eq3A_1122, %eq3A_1127, %eq3A_1132, %eq3A_1137, %eq3A_1142, %eq3A_1147, %eq3A_1152, %eq3A_1157, %eq3A_1162, %eq3A_1167, %eq3A_1172, %eq3A_1177, %eq3A_1182, %eq3A_1187, %eq3A_1192, %eq3A_1197, %eq3A_1202, %eq3A_1207, %eq3A_1212, %eq3A_1217, %eq3A_1222, %eq3A_1227, %eq3A_1232, %eq3A_1237, %eq3A_1242, %eq3A_1247, %eq3A_1252, %eq3A_1257, %eq3A_1262, %eq3A_1267, %eq3A_1272, %eq3A_1277, %eq3A_1282, %eq3A_1287, %eq3A_1292, %eq3A_1297 in 1 : vector<100x128xi1>, vector<100x128xi1>, vector<100x128xi1>, vector<100x128xi1>, vector<100x128xi1>, vector<100x128xi1>, vector<100x128xi1>, vector<100x128xi1>, vector<100x128xi1>, vector<100x128xi1>, vector<100x128xi1>, vector<100x128xi1>, vector<100x128xi1>, vector<100x128xi1>, vector<100x128xi1>, vector<100x128xi1>, vector<100x128xi1>, vector<100x128xi1>, vector<100x128xi1>, vector<100x128xi1>, vector<100x128xi1>, vector<100x128xi1>, vector<100x128xi1>, vector<100x128xi1>, vector<100x128xi1>, vector<100x128xi1>, vector<100x128xi1>, vector<100x128xi1>, vector<100x128xi1>, vector<100x128xi1>, vector<100x128xi1>, vector<100x128xi1>, vector<100x128xi1>, vector<100x128xi1>, vector<100x128xi1>, vector<100x128xi1>, vector<100x128xi1>, vector<100x128xi1>, vector<100x128xi1>, vector<100x128xi1>, vector<100x128xi1>, vector<100x128xi1>, vector<100x128xi1>, vector<100x128xi1>, vector<100x128xi1>, vector<100x128xi1>, vector<100x128xi1>, vector<100x128xi1>, vector<100x128xi1>, vector<100x128xi1>, vector<100x128xi1>, vector<100x128xi1>, vector<100x128xi1>, vector<100x128xi1>, vector<100x128xi1>, vector<100x128xi1>, vector<100x128xi1>, vector<100x128xi1>, vector<100x128xi1>, vector<100x128xi1>, vector<100x128xi1>, vector<100x128xi1>, vector<100x128xi1>, vector<100x128xi1>, vector<100x128xi1>, vector<100x128xi1>, vector<100x128xi1>, vector<100x128xi1>, vector<100x128xi1>, vector<100x128xi1>, vector<100x128xi1>, vector<100x128xi1>, vector<100x128xi1>, vector<100x128xi1>, vector<100x128xi1>, vector<100x128xi1>, vector<100x128xi1>, vector<100x128xi1>, vector<100x128xi1>, vector<100x128xi1>, vector<100x128xi1>, vector<100x128xi1>, vector<100x128xi1>, vector<100x128xi1>, vector<100x128xi1>, vector<100x128xi1>, vector<100x128xi1>, vector<100x128xi1>, vector<100x128xi1>, vector<100x128xi1>, vector<100x128xi1>, vector<100x128xi1>, vector<100x128xi1>, vector<100x128xi1>, vector<100x128xi1>, vector<100x128xi1>, vector<100x128xi1>, vector<100x128xi1>, vector<100x128xi1>, vector<100x128xi1>, vector<100x128xi1>, vector<100x128xi1>, vector<100x128xi1>, vector<100x128xi1>, vector<100x128xi1>, vector<100x128xi1>, vector<100x128xi1>, vector<100x128xi1>, vector<100x128xi1>, vector<100x128xi1>, vector<100x128xi1>, vector<100x128xi1>, vector<100x128xi1>, vector<100x128xi1>, vector<100x128xi1>, vector<100x128xi1>, vector<100x128xi1>, vector<100x128xi1>, vector<100x128xi1>, vector<100x128xi1>, vector<100x128xi1>, vector<100x128xi1>, vector<100x128xi1>, vector<100x128xi1>, vector<100x128xi1>, vector<100x128xi1>, vector<100x128xi1>, vector<100x128xi1>, vector<100x128xi1>, vector<100x128xi1>, vector<100x128xi1>, vector<100x128xi1>, vector<100x128xi1>, vector<100x128xi1>, vector<100x128xi1>, vector<100x128xi1>, vector<100x128xi1>, vector<100x128xi1>, vector<100x128xi1>, vector<100x128xi1>, vector<100x128xi1>, vector<100x128xi1>, vector<100x128xi1>, vector<100x128xi1>, vector<100x128xi1>, vector<100x128xi1>, vector<100x128xi1>, vector<100x128xi1>, vector<100x128xi1>, vector<100x128xi1>, vector<100x128xi1>, vector<100x128xi1>, vector<100x128xi1>, vector<100x128xi1>, vector<100x128xi1>, vector<100x128xi1>, vector<100x128xi1>, vector<100x128xi1>, vector<100x128xi1>, vector<100x128xi1>, vector<100x128xi1>, vector<100x128xi1>, vector<100x128xi1>, vector<100x128xi1>, vector<100x128xi1>, vector<100x128xi1>, vector<100x128xi1>, vector<100x128xi1>, vector<100x128xi1>, vector<100x128xi1>, vector<100x128xi1>, vector<100x128xi1>, vector<100x128xi1>, vector<100x128xi1>, vector<100x128xi1>, vector<100x128xi1>, vector<100x128xi1>, vector<100x128xi1>, vector<100x128xi1>, vector<100x128xi1>, vector<100x128xi1>, vector<100x128xi1>, vector<100x128xi1>, vector<100x128xi1>, vector<100x128xi1>, vector<100x128xi1>, vector<100x128xi1>, vector<100x128xi1>, vector<100x128xi1>, vector<100x128xi1>, vector<100x128xi1>, vector<100x128xi1>, vector<100x128xi1>, vector<100x128xi1>, vector<100x128xi1>, vector<100x128xi1>, vector<100x128xi1>, vector<100x128xi1>, vector<100x128xi1>, vector<100x128xi1>, vector<100x128xi1>, vector<100x128xi1>, vector<100x128xi1>, vector<100x128xi1>, vector<100x128xi1>, vector<100x128xi1>, vector<100x128xi1>, vector<100x128xi1>, vector<100x128xi1>, vector<100x128xi1>, vector<100x128xi1>, vector<100x128xi1>, vector<100x128xi1>, vector<100x128xi1>, vector<100x128xi1>, vector<100x128xi1>, vector<100x128xi1>, vector<100x128xi1>, vector<100x128xi1>, vector<100x128xi1>, vector<100x128xi1>, vector<100x128xi1>, vector<100x128xi1>, vector<100x128xi1>, vector<100x128xi1>, vector<100x128xi1>, vector<100x128xi1>, vector<100x128xi1>, vector<100x128xi1>, vector<100x128xi1>, vector<100x128xi1>, vector<100x128xi1>, vector<100x128xi1>, vector<100x128xi1>, vector<100x128xi1>, vector<100x128xi1>, vector<100x128xi1>, vector<100x128xi1>, vector<100x128xi1>, vector<100x128xi1>, vector<100x128xi1>, vector<100x128xi1>, vector<100x128xi1>, vector<100x128xi1>, vector<100x128xi1>, vector<100x128xi1>, vector<100x128xi1>, vector<100x128xi1>, vector<100x128xi1>, vector<100x128xi1>, vector<100x128xi1>, vector<100x128xi1>, vector<100x128xi1>, vector<100x128xi1>, vector<100x128xi1>, vector<100x128xi1> -> vector<100x32768xi1>
    %convert_element_type3A_1298 = arith.extui %concatenate3A : vector<100x32768xi1> to vector<100x32768xi32>
    %convert_element_type3A_1299 = arith.sitofp %convert_element_type3A_1298 : vector<100x32768xi32> to vector<100x32768xf32>
    %convert_element_type3A_1300 = arith.truncf %convert_element_type3A_1299 : vector<100x32768xf32> to vector<100x32768xbf16>
    %get3A_1301 = arith.constant 0 : index
    %get3A_1302 = arith.constant 0 : index
    %get3A_1303 = arith.constant 0 : index
    %get3A_1304 = vector.load %arg2[%get3A_1301, %get3A_1302, %get3A_1303] : memref<3x256x128xf32, #tpu.memory_space<vmem>>, vector<1x1x128xf32>
    %get3A_1305 = vector.shape_cast %get3A_1304 : vector<1x1x128xf32> to vector<1x128xf32>
    %get3A_1306 = arith.constant 0 : index
    %get3A_1307 = arith.constant 1 : index
    %get3A_1308 = arith.constant 0 : index
    %get3A_1309 = vector.load %arg2[%get3A_1306, %get3A_1307, %get3A_1308] : memref<3x256x128xf32, #tpu.memory_space<vmem>>, vector<1x1x128xf32>
    %get3A_1310 = vector.shape_cast %get3A_1309 : vector<1x1x128xf32> to vector<1x128xf32>
    %get3A_1311 = arith.constant 0 : index
    %get3A_1312 = arith.constant 2 : index
    %get3A_1313 = arith.constant 0 : index
    %get3A_1314 = vector.load %arg2[%get3A_1311, %get3A_1312, %get3A_1313] : memref<3x256x128xf32, #tpu.memory_space<vmem>>, vector<1x1x128xf32>
    %get3A_1315 = vector.shape_cast %get3A_1314 : vector<1x1x128xf32> to vector<1x128xf32>
    %get3A_1316 = arith.constant 0 : index
    %get3A_1317 = arith.constant 3 : index
    %get3A_1318 = arith.constant 0 : index
    %get3A_1319 = vector.load %arg2[%get3A_1316, %get3A_1317, %get3A_1318] : memref<3x256x128xf32, #tpu.memory_space<vmem>>, vector<1x1x128xf32>
    %get3A_1320 = vector.shape_cast %get3A_1319 : vector<1x1x128xf32> to vector<1x128xf32>
    %get3A_1321 = arith.constant 0 : index
    %get3A_1322 = arith.constant 4 : index
    %get3A_1323 = arith.constant 0 : index
    %get3A_1324 = vector.load %arg2[%get3A_1321, %get3A_1322, %get3A_1323] : memref<3x256x128xf32, #tpu.memory_space<vmem>>, vector<1x1x128xf32>
    %get3A_1325 = vector.shape_cast %get3A_1324 : vector<1x1x128xf32> to vector<1x128xf32>
    %get3A_1326 = arith.constant 0 : index
    %get3A_1327 = arith.constant 5 : index
    %get3A_1328 = arith.constant 0 : index
    %get3A_1329 = vector.load %arg2[%get3A_1326, %get3A_1327, %get3A_1328] : memref<3x256x128xf32, #tpu.memory_space<vmem>>, vector<1x1x128xf32>
    %get3A_1330 = vector.shape_cast %get3A_1329 : vector<1x1x128xf32> to vector<1x128xf32>
    %get3A_1331 = arith.constant 0 : index
    %get3A_1332 = arith.constant 6 : index
    %get3A_1333 = arith.constant 0 : index
    %get3A_1334 = vector.load %arg2[%get3A_1331, %get3A_1332, %get3A_1333] : memref<3x256x128xf32, #tpu.memory_space<vmem>>, vector<1x1x128xf32>
    %get3A_1335 = vector.shape_cast %get3A_1334 : vector<1x1x128xf32> to vector<1x128xf32>
    %get3A_1336 = arith.constant 0 : index
    %get3A_1337 = arith.constant 7 : index
    %get3A_1338 = arith.constant 0 : index
    %get3A_1339 = vector.load %arg2[%get3A_1336, %get3A_1337, %get3A_1338] : memref<3x256x128xf32, #tpu.memory_space<vmem>>, vector<1x1x128xf32>
    %get3A_1340 = vector.shape_cast %get3A_1339 : vector<1x1x128xf32> to vector<1x128xf32>
    %get3A_1341 = arith.constant 0 : index
    %get3A_1342 = arith.constant 8 : index
    %get3A_1343 = arith.constant 0 : index
    %get3A_1344 = vector.load %arg2[%get3A_1341, %get3A_1342, %get3A_1343] : memref<3x256x128xf32, #tpu.memory_space<vmem>>, vector<1x1x128xf32>
    %get3A_1345 = vector.shape_cast %get3A_1344 : vector<1x1x128xf32> to vector<1x128xf32>
    %get3A_1346 = arith.constant 0 : index
    %get3A_1347 = arith.constant 9 : index
    %get3A_1348 = arith.constant 0 : index
    %get3A_1349 = vector.load %arg2[%get3A_1346, %get3A_1347, %get3A_1348] : memref<3x256x128xf32, #tpu.memory_space<vmem>>, vector<1x1x128xf32>
    %get3A_1350 = vector.shape_cast %get3A_1349 : vector<1x1x128xf32> to vector<1x128xf32>
    %get3A_1351 = arith.constant 0 : index
    %get3A_1352 = arith.constant 10 : index
    %get3A_1353 = arith.constant 0 : index
    %get3A_1354 = vector.load %arg2[%get3A_1351, %get3A_1352, %get3A_1353] : memref<3x256x128xf32, #tpu.memory_space<vmem>>, vector<1x1x128xf32>
    %get3A_1355 = vector.shape_cast %get3A_1354 : vector<1x1x128xf32> to vector<1x128xf32>
    %get3A_1356 = arith.constant 0 : index
    %get3A_1357 = arith.constant 11 : index
    %get3A_1358 = arith.constant 0 : index
    %get3A_1359 = vector.load %arg2[%get3A_1356, %get3A_1357, %get3A_1358] : memref<3x256x128xf32, #tpu.memory_space<vmem>>, vector<1x1x128xf32>
    %get3A_1360 = vector.shape_cast %get3A_1359 : vector<1x1x128xf32> to vector<1x128xf32>
    %get3A_1361 = arith.constant 0 : index
    %get3A_1362 = arith.constant 12 : index
    %get3A_1363 = arith.constant 0 : index
    %get3A_1364 = vector.load %arg2[%get3A_1361, %get3A_1362, %get3A_1363] : memref<3x256x128xf32, #tpu.memory_space<vmem>>, vector<1x1x128xf32>
    %get3A_1365 = vector.shape_cast %get3A_1364 : vector<1x1x128xf32> to vector<1x128xf32>
    %get3A_1366 = arith.constant 0 : index
    %get3A_1367 = arith.constant 13 : index
    %get3A_1368 = arith.constant 0 : index
    %get3A_1369 = vector.load %arg2[%get3A_1366, %get3A_1367, %get3A_1368] : memref<3x256x128xf32, #tpu.memory_space<vmem>>, vector<1x1x128xf32>
    %get3A_1370 = vector.shape_cast %get3A_1369 : vector<1x1x128xf32> to vector<1x128xf32>
    %get3A_1371 = arith.constant 0 : index
    %get3A_1372 = arith.constant 14 : index
    %get3A_1373 = arith.constant 0 : index
    %get3A_1374 = vector.load %arg2[%get3A_1371, %get3A_1372, %get3A_1373] : memref<3x256x128xf32, #tpu.memory_space<vmem>>, vector<1x1x128xf32>
    %get3A_1375 = vector.shape_cast %get3A_1374 : vector<1x1x128xf32> to vector<1x128xf32>
    %get3A_1376 = arith.constant 0 : index
    %get3A_1377 = arith.constant 15 : index
    %get3A_1378 = arith.constant 0 : index
    %get3A_1379 = vector.load %arg2[%get3A_1376, %get3A_1377, %get3A_1378] : memref<3x256x128xf32, #tpu.memory_space<vmem>>, vector<1x1x128xf32>
    %get3A_1380 = vector.shape_cast %get3A_1379 : vector<1x1x128xf32> to vector<1x128xf32>
    %get3A_1381 = arith.constant 0 : index
    %get3A_1382 = arith.constant 16 : index
    %get3A_1383 = arith.constant 0 : index
    %get3A_1384 = vector.load %arg2[%get3A_1381, %get3A_1382, %get3A_1383] : memref<3x256x128xf32, #tpu.memory_space<vmem>>, vector<1x1x128xf32>
    %get3A_1385 = vector.shape_cast %get3A_1384 : vector<1x1x128xf32> to vector<1x128xf32>
    %get3A_1386 = arith.constant 0 : index
    %get3A_1387 = arith.constant 17 : index
    %get3A_1388 = arith.constant 0 : index
    %get3A_1389 = vector.load %arg2[%get3A_1386, %get3A_1387, %get3A_1388] : memref<3x256x128xf32, #tpu.memory_space<vmem>>, vector<1x1x128xf32>
    %get3A_1390 = vector.shape_cast %get3A_1389 : vector<1x1x128xf32> to vector<1x128xf32>
    %get3A_1391 = arith.constant 0 : index
    %get3A_1392 = arith.constant 18 : index
    %get3A_1393 = arith.constant 0 : index
    %get3A_1394 = vector.load %arg2[%get3A_1391, %get3A_1392, %get3A_1393] : memref<3x256x128xf32, #tpu.memory_space<vmem>>, vector<1x1x128xf32>
    %get3A_1395 = vector.shape_cast %get3A_1394 : vector<1x1x128xf32> to vector<1x128xf32>
    %get3A_1396 = arith.constant 0 : index
    %get3A_1397 = arith.constant 19 : index
    %get3A_1398 = arith.constant 0 : index
    %get3A_1399 = vector.load %arg2[%get3A_1396, %get3A_1397, %get3A_1398] : memref<3x256x128xf32, #tpu.memory_space<vmem>>, vector<1x1x128xf32>
    %get3A_1400 = vector.shape_cast %get3A_1399 : vector<1x1x128xf32> to vector<1x128xf32>
    %get3A_1401 = arith.constant 0 : index
    %get3A_1402 = arith.constant 20 : index
    %get3A_1403 = arith.constant 0 : index
    %get3A_1404 = vector.load %arg2[%get3A_1401, %get3A_1402, %get3A_1403] : memref<3x256x128xf32, #tpu.memory_space<vmem>>, vector<1x1x128xf32>
    %get3A_1405 = vector.shape_cast %get3A_1404 : vector<1x1x128xf32> to vector<1x128xf32>
    %get3A_1406 = arith.constant 0 : index
    %get3A_1407 = arith.constant 21 : index
    %get3A_1408 = arith.constant 0 : index
    %get3A_1409 = vector.load %arg2[%get3A_1406, %get3A_1407, %get3A_1408] : memref<3x256x128xf32, #tpu.memory_space<vmem>>, vector<1x1x128xf32>
    %get3A_1410 = vector.shape_cast %get3A_1409 : vector<1x1x128xf32> to vector<1x128xf32>
    %get3A_1411 = arith.constant 0 : index
    %get3A_1412 = arith.constant 22 : index
    %get3A_1413 = arith.constant 0 : index
    %get3A_1414 = vector.load %arg2[%get3A_1411, %get3A_1412, %get3A_1413] : memref<3x256x128xf32, #tpu.memory_space<vmem>>, vector<1x1x128xf32>
    %get3A_1415 = vector.shape_cast %get3A_1414 : vector<1x1x128xf32> to vector<1x128xf32>
    %get3A_1416 = arith.constant 0 : index
    %get3A_1417 = arith.constant 23 : index
    %get3A_1418 = arith.constant 0 : index
    %get3A_1419 = vector.load %arg2[%get3A_1416, %get3A_1417, %get3A_1418] : memref<3x256x128xf32, #tpu.memory_space<vmem>>, vector<1x1x128xf32>
    %get3A_1420 = vector.shape_cast %get3A_1419 : vector<1x1x128xf32> to vector<1x128xf32>
    %get3A_1421 = arith.constant 0 : index
    %get3A_1422 = arith.constant 24 : index
    %get3A_1423 = arith.constant 0 : index
    %get3A_1424 = vector.load %arg2[%get3A_1421, %get3A_1422, %get3A_1423] : memref<3x256x128xf32, #tpu.memory_space<vmem>>, vector<1x1x128xf32>
    %get3A_1425 = vector.shape_cast %get3A_1424 : vector<1x1x128xf32> to vector<1x128xf32>
    %get3A_1426 = arith.constant 0 : index
    %get3A_1427 = arith.constant 25 : index
    %get3A_1428 = arith.constant 0 : index
    %get3A_1429 = vector.load %arg2[%get3A_1426, %get3A_1427, %get3A_1428] : memref<3x256x128xf32, #tpu.memory_space<vmem>>, vector<1x1x128xf32>
    %get3A_1430 = vector.shape_cast %get3A_1429 : vector<1x1x128xf32> to vector<1x128xf32>
    %get3A_1431 = arith.constant 0 : index
    %get3A_1432 = arith.constant 26 : index
    %get3A_1433 = arith.constant 0 : index
    %get3A_1434 = vector.load %arg2[%get3A_1431, %get3A_1432, %get3A_1433] : memref<3x256x128xf32, #tpu.memory_space<vmem>>, vector<1x1x128xf32>
    %get3A_1435 = vector.shape_cast %get3A_1434 : vector<1x1x128xf32> to vector<1x128xf32>
    %get3A_1436 = arith.constant 0 : index
    %get3A_1437 = arith.constant 27 : index
    %get3A_1438 = arith.constant 0 : index
    %get3A_1439 = vector.load %arg2[%get3A_1436, %get3A_1437, %get3A_1438] : memref<3x256x128xf32, #tpu.memory_space<vmem>>, vector<1x1x128xf32>
    %get3A_1440 = vector.shape_cast %get3A_1439 : vector<1x1x128xf32> to vector<1x128xf32>
    %get3A_1441 = arith.constant 0 : index
    %get3A_1442 = arith.constant 28 : index
    %get3A_1443 = arith.constant 0 : index
    %get3A_1444 = vector.load %arg2[%get3A_1441, %get3A_1442, %get3A_1443] : memref<3x256x128xf32, #tpu.memory_space<vmem>>, vector<1x1x128xf32>
    %get3A_1445 = vector.shape_cast %get3A_1444 : vector<1x1x128xf32> to vector<1x128xf32>
    %get3A_1446 = arith.constant 0 : index
    %get3A_1447 = arith.constant 29 : index
    %get3A_1448 = arith.constant 0 : index
    %get3A_1449 = vector.load %arg2[%get3A_1446, %get3A_1447, %get3A_1448] : memref<3x256x128xf32, #tpu.memory_space<vmem>>, vector<1x1x128xf32>
    %get3A_1450 = vector.shape_cast %get3A_1449 : vector<1x1x128xf32> to vector<1x128xf32>
    %get3A_1451 = arith.constant 0 : index
    %get3A_1452 = arith.constant 30 : index
    %get3A_1453 = arith.constant 0 : index
    %get3A_1454 = vector.load %arg2[%get3A_1451, %get3A_1452, %get3A_1453] : memref<3x256x128xf32, #tpu.memory_space<vmem>>, vector<1x1x128xf32>
    %get3A_1455 = vector.shape_cast %get3A_1454 : vector<1x1x128xf32> to vector<1x128xf32>
    %get3A_1456 = arith.constant 0 : index
    %get3A_1457 = arith.constant 31 : index
    %get3A_1458 = arith.constant 0 : index
    %get3A_1459 = vector.load %arg2[%get3A_1456, %get3A_1457, %get3A_1458] : memref<3x256x128xf32, #tpu.memory_space<vmem>>, vector<1x1x128xf32>
    %get3A_1460 = vector.shape_cast %get3A_1459 : vector<1x1x128xf32> to vector<1x128xf32>
    %get3A_1461 = arith.constant 0 : index
    %get3A_1462 = arith.constant 32 : index
    %get3A_1463 = arith.constant 0 : index
    %get3A_1464 = vector.load %arg2[%get3A_1461, %get3A_1462, %get3A_1463] : memref<3x256x128xf32, #tpu.memory_space<vmem>>, vector<1x1x128xf32>
    %get3A_1465 = vector.shape_cast %get3A_1464 : vector<1x1x128xf32> to vector<1x128xf32>
    %get3A_1466 = arith.constant 0 : index
    %get3A_1467 = arith.constant 33 : index
    %get3A_1468 = arith.constant 0 : index
    %get3A_1469 = vector.load %arg2[%get3A_1466, %get3A_1467, %get3A_1468] : memref<3x256x128xf32, #tpu.memory_space<vmem>>, vector<1x1x128xf32>
    %get3A_1470 = vector.shape_cast %get3A_1469 : vector<1x1x128xf32> to vector<1x128xf32>
    %get3A_1471 = arith.constant 0 : index
    %get3A_1472 = arith.constant 34 : index
    %get3A_1473 = arith.constant 0 : index
    %get3A_1474 = vector.load %arg2[%get3A_1471, %get3A_1472, %get3A_1473] : memref<3x256x128xf32, #tpu.memory_space<vmem>>, vector<1x1x128xf32>
    %get3A_1475 = vector.shape_cast %get3A_1474 : vector<1x1x128xf32> to vector<1x128xf32>
    %get3A_1476 = arith.constant 0 : index
    %get3A_1477 = arith.constant 35 : index
    %get3A_1478 = arith.constant 0 : index
    %get3A_1479 = vector.load %arg2[%get3A_1476, %get3A_1477, %get3A_1478] : memref<3x256x128xf32, #tpu.memory_space<vmem>>, vector<1x1x128xf32>
    %get3A_1480 = vector.shape_cast %get3A_1479 : vector<1x1x128xf32> to vector<1x128xf32>
    %get3A_1481 = arith.constant 0 : index
    %get3A_1482 = arith.constant 36 : index
    %get3A_1483 = arith.constant 0 : index
    %get3A_1484 = vector.load %arg2[%get3A_1481, %get3A_1482, %get3A_1483] : memref<3x256x128xf32, #tpu.memory_space<vmem>>, vector<1x1x128xf32>
    %get3A_1485 = vector.shape_cast %get3A_1484 : vector<1x1x128xf32> to vector<1x128xf32>
    %get3A_1486 = arith.constant 0 : index
    %get3A_1487 = arith.constant 37 : index
    %get3A_1488 = arith.constant 0 : index
    %get3A_1489 = vector.load %arg2[%get3A_1486, %get3A_1487, %get3A_1488] : memref<3x256x128xf32, #tpu.memory_space<vmem>>, vector<1x1x128xf32>
    %get3A_1490 = vector.shape_cast %get3A_1489 : vector<1x1x128xf32> to vector<1x128xf32>
    %get3A_1491 = arith.constant 0 : index
    %get3A_1492 = arith.constant 38 : index
    %get3A_1493 = arith.constant 0 : index
    %get3A_1494 = vector.load %arg2[%get3A_1491, %get3A_1492, %get3A_1493] : memref<3x256x128xf32, #tpu.memory_space<vmem>>, vector<1x1x128xf32>
    %get3A_1495 = vector.shape_cast %get3A_1494 : vector<1x1x128xf32> to vector<1x128xf32>
    %get3A_1496 = arith.constant 0 : index
    %get3A_1497 = arith.constant 39 : index
    %get3A_1498 = arith.constant 0 : index
    %get3A_1499 = vector.load %arg2[%get3A_1496, %get3A_1497, %get3A_1498] : memref<3x256x128xf32, #tpu.memory_space<vmem>>, vector<1x1x128xf32>
    %get3A_1500 = vector.shape_cast %get3A_1499 : vector<1x1x128xf32> to vector<1x128xf32>
    %get3A_1501 = arith.constant 0 : index
    %get3A_1502 = arith.constant 40 : index
    %get3A_1503 = arith.constant 0 : index
    %get3A_1504 = vector.load %arg2[%get3A_1501, %get3A_1502, %get3A_1503] : memref<3x256x128xf32, #tpu.memory_space<vmem>>, vector<1x1x128xf32>
    %get3A_1505 = vector.shape_cast %get3A_1504 : vector<1x1x128xf32> to vector<1x128xf32>
    %get3A_1506 = arith.constant 0 : index
    %get3A_1507 = arith.constant 41 : index
    %get3A_1508 = arith.constant 0 : index
    %get3A_1509 = vector.load %arg2[%get3A_1506, %get3A_1507, %get3A_1508] : memref<3x256x128xf32, #tpu.memory_space<vmem>>, vector<1x1x128xf32>
    %get3A_1510 = vector.shape_cast %get3A_1509 : vector<1x1x128xf32> to vector<1x128xf32>
    %get3A_1511 = arith.constant 0 : index
    %get3A_1512 = arith.constant 42 : index
    %get3A_1513 = arith.constant 0 : index
    %get3A_1514 = vector.load %arg2[%get3A_1511, %get3A_1512, %get3A_1513] : memref<3x256x128xf32, #tpu.memory_space<vmem>>, vector<1x1x128xf32>
    %get3A_1515 = vector.shape_cast %get3A_1514 : vector<1x1x128xf32> to vector<1x128xf32>
    %get3A_1516 = arith.constant 0 : index
    %get3A_1517 = arith.constant 43 : index
    %get3A_1518 = arith.constant 0 : index
    %get3A_1519 = vector.load %arg2[%get3A_1516, %get3A_1517, %get3A_1518] : memref<3x256x128xf32, #tpu.memory_space<vmem>>, vector<1x1x128xf32>
    %get3A_1520 = vector.shape_cast %get3A_1519 : vector<1x1x128xf32> to vector<1x128xf32>
    %get3A_1521 = arith.constant 0 : index
    %get3A_1522 = arith.constant 44 : index
    %get3A_1523 = arith.constant 0 : index
    %get3A_1524 = vector.load %arg2[%get3A_1521, %get3A_1522, %get3A_1523] : memref<3x256x128xf32, #tpu.memory_space<vmem>>, vector<1x1x128xf32>
    %get3A_1525 = vector.shape_cast %get3A_1524 : vector<1x1x128xf32> to vector<1x128xf32>
    %get3A_1526 = arith.constant 0 : index
    %get3A_1527 = arith.constant 45 : index
    %get3A_1528 = arith.constant 0 : index
    %get3A_1529 = vector.load %arg2[%get3A_1526, %get3A_1527, %get3A_1528] : memref<3x256x128xf32, #tpu.memory_space<vmem>>, vector<1x1x128xf32>
    %get3A_1530 = vector.shape_cast %get3A_1529 : vector<1x1x128xf32> to vector<1x128xf32>
    %get3A_1531 = arith.constant 0 : index
    %get3A_1532 = arith.constant 46 : index
    %get3A_1533 = arith.constant 0 : index
    %get3A_1534 = vector.load %arg2[%get3A_1531, %get3A_1532, %get3A_1533] : memref<3x256x128xf32, #tpu.memory_space<vmem>>, vector<1x1x128xf32>
    %get3A_1535 = vector.shape_cast %get3A_1534 : vector<1x1x128xf32> to vector<1x128xf32>
    %get3A_1536 = arith.constant 0 : index
    %get3A_1537 = arith.constant 47 : index
    %get3A_1538 = arith.constant 0 : index
    %get3A_1539 = vector.load %arg2[%get3A_1536, %get3A_1537, %get3A_1538] : memref<3x256x128xf32, #tpu.memory_space<vmem>>, vector<1x1x128xf32>
    %get3A_1540 = vector.shape_cast %get3A_1539 : vector<1x1x128xf32> to vector<1x128xf32>
    %get3A_1541 = arith.constant 0 : index
    %get3A_1542 = arith.constant 48 : index
    %get3A_1543 = arith.constant 0 : index
    %get3A_1544 = vector.load %arg2[%get3A_1541, %get3A_1542, %get3A_1543] : memref<3x256x128xf32, #tpu.memory_space<vmem>>, vector<1x1x128xf32>
    %get3A_1545 = vector.shape_cast %get3A_1544 : vector<1x1x128xf32> to vector<1x128xf32>
    %get3A_1546 = arith.constant 0 : index
    %get3A_1547 = arith.constant 49 : index
    %get3A_1548 = arith.constant 0 : index
    %get3A_1549 = vector.load %arg2[%get3A_1546, %get3A_1547, %get3A_1548] : memref<3x256x128xf32, #tpu.memory_space<vmem>>, vector<1x1x128xf32>
    %get3A_1550 = vector.shape_cast %get3A_1549 : vector<1x1x128xf32> to vector<1x128xf32>
    %get3A_1551 = arith.constant 0 : index
    %get3A_1552 = arith.constant 50 : index
    %get3A_1553 = arith.constant 0 : index
    %get3A_1554 = vector.load %arg2[%get3A_1551, %get3A_1552, %get3A_1553] : memref<3x256x128xf32, #tpu.memory_space<vmem>>, vector<1x1x128xf32>
    %get3A_1555 = vector.shape_cast %get3A_1554 : vector<1x1x128xf32> to vector<1x128xf32>
    %get3A_1556 = arith.constant 0 : index
    %get3A_1557 = arith.constant 51 : index
    %get3A_1558 = arith.constant 0 : index
    %get3A_1559 = vector.load %arg2[%get3A_1556, %get3A_1557, %get3A_1558] : memref<3x256x128xf32, #tpu.memory_space<vmem>>, vector<1x1x128xf32>
    %get3A_1560 = vector.shape_cast %get3A_1559 : vector<1x1x128xf32> to vector<1x128xf32>
    %get3A_1561 = arith.constant 0 : index
    %get3A_1562 = arith.constant 52 : index
    %get3A_1563 = arith.constant 0 : index
    %get3A_1564 = vector.load %arg2[%get3A_1561, %get3A_1562, %get3A_1563] : memref<3x256x128xf32, #tpu.memory_space<vmem>>, vector<1x1x128xf32>
    %get3A_1565 = vector.shape_cast %get3A_1564 : vector<1x1x128xf32> to vector<1x128xf32>
    %get3A_1566 = arith.constant 0 : index
    %get3A_1567 = arith.constant 53 : index
    %get3A_1568 = arith.constant 0 : index
    %get3A_1569 = vector.load %arg2[%get3A_1566, %get3A_1567, %get3A_1568] : memref<3x256x128xf32, #tpu.memory_space<vmem>>, vector<1x1x128xf32>
    %get3A_1570 = vector.shape_cast %get3A_1569 : vector<1x1x128xf32> to vector<1x128xf32>
    %get3A_1571 = arith.constant 0 : index
    %get3A_1572 = arith.constant 54 : index
    %get3A_1573 = arith.constant 0 : index
    %get3A_1574 = vector.load %arg2[%get3A_1571, %get3A_1572, %get3A_1573] : memref<3x256x128xf32, #tpu.memory_space<vmem>>, vector<1x1x128xf32>
    %get3A_1575 = vector.shape_cast %get3A_1574 : vector<1x1x128xf32> to vector<1x128xf32>
    %get3A_1576 = arith.constant 0 : index
    %get3A_1577 = arith.constant 55 : index
    %get3A_1578 = arith.constant 0 : index
    %get3A_1579 = vector.load %arg2[%get3A_1576, %get3A_1577, %get3A_1578] : memref<3x256x128xf32, #tpu.memory_space<vmem>>, vector<1x1x128xf32>
    %get3A_1580 = vector.shape_cast %get3A_1579 : vector<1x1x128xf32> to vector<1x128xf32>
    %get3A_1581 = arith.constant 0 : index
    %get3A_1582 = arith.constant 56 : index
    %get3A_1583 = arith.constant 0 : index
    %get3A_1584 = vector.load %arg2[%get3A_1581, %get3A_1582, %get3A_1583] : memref<3x256x128xf32, #tpu.memory_space<vmem>>, vector<1x1x128xf32>
    %get3A_1585 = vector.shape_cast %get3A_1584 : vector<1x1x128xf32> to vector<1x128xf32>
    %get3A_1586 = arith.constant 0 : index
    %get3A_1587 = arith.constant 57 : index
    %get3A_1588 = arith.constant 0 : index
    %get3A_1589 = vector.load %arg2[%get3A_1586, %get3A_1587, %get3A_1588] : memref<3x256x128xf32, #tpu.memory_space<vmem>>, vector<1x1x128xf32>
    %get3A_1590 = vector.shape_cast %get3A_1589 : vector<1x1x128xf32> to vector<1x128xf32>
    %get3A_1591 = arith.constant 0 : index
    %get3A_1592 = arith.constant 58 : index
    %get3A_1593 = arith.constant 0 : index
    %get3A_1594 = vector.load %arg2[%get3A_1591, %get3A_1592, %get3A_1593] : memref<3x256x128xf32, #tpu.memory_space<vmem>>, vector<1x1x128xf32>
    %get3A_1595 = vector.shape_cast %get3A_1594 : vector<1x1x128xf32> to vector<1x128xf32>
    %get3A_1596 = arith.constant 0 : index
    %get3A_1597 = arith.constant 59 : index
    %get3A_1598 = arith.constant 0 : index
    %get3A_1599 = vector.load %arg2[%get3A_1596, %get3A_1597, %get3A_1598] : memref<3x256x128xf32, #tpu.memory_space<vmem>>, vector<1x1x128xf32>
    %get3A_1600 = vector.shape_cast %get3A_1599 : vector<1x1x128xf32> to vector<1x128xf32>
    %get3A_1601 = arith.constant 0 : index
    %get3A_1602 = arith.constant 60 : index
    %get3A_1603 = arith.constant 0 : index
    %get3A_1604 = vector.load %arg2[%get3A_1601, %get3A_1602, %get3A_1603] : memref<3x256x128xf32, #tpu.memory_space<vmem>>, vector<1x1x128xf32>
    %get3A_1605 = vector.shape_cast %get3A_1604 : vector<1x1x128xf32> to vector<1x128xf32>
    %get3A_1606 = arith.constant 0 : index
    %get3A_1607 = arith.constant 61 : index
    %get3A_1608 = arith.constant 0 : index
    %get3A_1609 = vector.load %arg2[%get3A_1606, %get3A_1607, %get3A_1608] : memref<3x256x128xf32, #tpu.memory_space<vmem>>, vector<1x1x128xf32>
    %get3A_1610 = vector.shape_cast %get3A_1609 : vector<1x1x128xf32> to vector<1x128xf32>
    %get3A_1611 = arith.constant 0 : index
    %get3A_1612 = arith.constant 62 : index
    %get3A_1613 = arith.constant 0 : index
    %get3A_1614 = vector.load %arg2[%get3A_1611, %get3A_1612, %get3A_1613] : memref<3x256x128xf32, #tpu.memory_space<vmem>>, vector<1x1x128xf32>
    %get3A_1615 = vector.shape_cast %get3A_1614 : vector<1x1x128xf32> to vector<1x128xf32>
    %get3A_1616 = arith.constant 0 : index
    %get3A_1617 = arith.constant 63 : index
    %get3A_1618 = arith.constant 0 : index
    %get3A_1619 = vector.load %arg2[%get3A_1616, %get3A_1617, %get3A_1618] : memref<3x256x128xf32, #tpu.memory_space<vmem>>, vector<1x1x128xf32>
    %get3A_1620 = vector.shape_cast %get3A_1619 : vector<1x1x128xf32> to vector<1x128xf32>
    %get3A_1621 = arith.constant 0 : index
    %get3A_1622 = arith.constant 64 : index
    %get3A_1623 = arith.constant 0 : index
    %get3A_1624 = vector.load %arg2[%get3A_1621, %get3A_1622, %get3A_1623] : memref<3x256x128xf32, #tpu.memory_space<vmem>>, vector<1x1x128xf32>
    %get3A_1625 = vector.shape_cast %get3A_1624 : vector<1x1x128xf32> to vector<1x128xf32>
    %get3A_1626 = arith.constant 0 : index
    %get3A_1627 = arith.constant 65 : index
    %get3A_1628 = arith.constant 0 : index
    %get3A_1629 = vector.load %arg2[%get3A_1626, %get3A_1627, %get3A_1628] : memref<3x256x128xf32, #tpu.memory_space<vmem>>, vector<1x1x128xf32>
    %get3A_1630 = vector.shape_cast %get3A_1629 : vector<1x1x128xf32> to vector<1x128xf32>
    %get3A_1631 = arith.constant 0 : index
    %get3A_1632 = arith.constant 66 : index
    %get3A_1633 = arith.constant 0 : index
    %get3A_1634 = vector.load %arg2[%get3A_1631, %get3A_1632, %get3A_1633] : memref<3x256x128xf32, #tpu.memory_space<vmem>>, vector<1x1x128xf32>
    %get3A_1635 = vector.shape_cast %get3A_1634 : vector<1x1x128xf32> to vector<1x128xf32>
    %get3A_1636 = arith.constant 0 : index
    %get3A_1637 = arith.constant 67 : index
    %get3A_1638 = arith.constant 0 : index
    %get3A_1639 = vector.load %arg2[%get3A_1636, %get3A_1637, %get3A_1638] : memref<3x256x128xf32, #tpu.memory_space<vmem>>, vector<1x1x128xf32>
    %get3A_1640 = vector.shape_cast %get3A_1639 : vector<1x1x128xf32> to vector<1x128xf32>
    %get3A_1641 = arith.constant 0 : index
    %get3A_1642 = arith.constant 68 : index
    %get3A_1643 = arith.constant 0 : index
    %get3A_1644 = vector.load %arg2[%get3A_1641, %get3A_1642, %get3A_1643] : memref<3x256x128xf32, #tpu.memory_space<vmem>>, vector<1x1x128xf32>
    %get3A_1645 = vector.shape_cast %get3A_1644 : vector<1x1x128xf32> to vector<1x128xf32>
    %get3A_1646 = arith.constant 0 : index
    %get3A_1647 = arith.constant 69 : index
    %get3A_1648 = arith.constant 0 : index
    %get3A_1649 = vector.load %arg2[%get3A_1646, %get3A_1647, %get3A_1648] : memref<3x256x128xf32, #tpu.memory_space<vmem>>, vector<1x1x128xf32>
    %get3A_1650 = vector.shape_cast %get3A_1649 : vector<1x1x128xf32> to vector<1x128xf32>
    %get3A_1651 = arith.constant 0 : index
    %get3A_1652 = arith.constant 70 : index
    %get3A_1653 = arith.constant 0 : index
    %get3A_1654 = vector.load %arg2[%get3A_1651, %get3A_1652, %get3A_1653] : memref<3x256x128xf32, #tpu.memory_space<vmem>>, vector<1x1x128xf32>
    %get3A_1655 = vector.shape_cast %get3A_1654 : vector<1x1x128xf32> to vector<1x128xf32>
    %get3A_1656 = arith.constant 0 : index
    %get3A_1657 = arith.constant 71 : index
    %get3A_1658 = arith.constant 0 : index
    %get3A_1659 = vector.load %arg2[%get3A_1656, %get3A_1657, %get3A_1658] : memref<3x256x128xf32, #tpu.memory_space<vmem>>, vector<1x1x128xf32>
    %get3A_1660 = vector.shape_cast %get3A_1659 : vector<1x1x128xf32> to vector<1x128xf32>
    %get3A_1661 = arith.constant 0 : index
    %get3A_1662 = arith.constant 72 : index
    %get3A_1663 = arith.constant 0 : index
    %get3A_1664 = vector.load %arg2[%get3A_1661, %get3A_1662, %get3A_1663] : memref<3x256x128xf32, #tpu.memory_space<vmem>>, vector<1x1x128xf32>
    %get3A_1665 = vector.shape_cast %get3A_1664 : vector<1x1x128xf32> to vector<1x128xf32>
    %get3A_1666 = arith.constant 0 : index
    %get3A_1667 = arith.constant 73 : index
    %get3A_1668 = arith.constant 0 : index
    %get3A_1669 = vector.load %arg2[%get3A_1666, %get3A_1667, %get3A_1668] : memref<3x256x128xf32, #tpu.memory_space<vmem>>, vector<1x1x128xf32>
    %get3A_1670 = vector.shape_cast %get3A_1669 : vector<1x1x128xf32> to vector<1x128xf32>
    %get3A_1671 = arith.constant 0 : index
    %get3A_1672 = arith.constant 74 : index
    %get3A_1673 = arith.constant 0 : index
    %get3A_1674 = vector.load %arg2[%get3A_1671, %get3A_1672, %get3A_1673] : memref<3x256x128xf32, #tpu.memory_space<vmem>>, vector<1x1x128xf32>
    %get3A_1675 = vector.shape_cast %get3A_1674 : vector<1x1x128xf32> to vector<1x128xf32>
    %get3A_1676 = arith.constant 0 : index
    %get3A_1677 = arith.constant 75 : index
    %get3A_1678 = arith.constant 0 : index
    %get3A_1679 = vector.load %arg2[%get3A_1676, %get3A_1677, %get3A_1678] : memref<3x256x128xf32, #tpu.memory_space<vmem>>, vector<1x1x128xf32>
    %get3A_1680 = vector.shape_cast %get3A_1679 : vector<1x1x128xf32> to vector<1x128xf32>
    %get3A_1681 = arith.constant 0 : index
    %get3A_1682 = arith.constant 76 : index
    %get3A_1683 = arith.constant 0 : index
    %get3A_1684 = vector.load %arg2[%get3A_1681, %get3A_1682, %get3A_1683] : memref<3x256x128xf32, #tpu.memory_space<vmem>>, vector<1x1x128xf32>
    %get3A_1685 = vector.shape_cast %get3A_1684 : vector<1x1x128xf32> to vector<1x128xf32>
    %get3A_1686 = arith.constant 0 : index
    %get3A_1687 = arith.constant 77 : index
    %get3A_1688 = arith.constant 0 : index
    %get3A_1689 = vector.load %arg2[%get3A_1686, %get3A_1687, %get3A_1688] : memref<3x256x128xf32, #tpu.memory_space<vmem>>, vector<1x1x128xf32>
    %get3A_1690 = vector.shape_cast %get3A_1689 : vector<1x1x128xf32> to vector<1x128xf32>
    %get3A_1691 = arith.constant 0 : index
    %get3A_1692 = arith.constant 78 : index
    %get3A_1693 = arith.constant 0 : index
    %get3A_1694 = vector.load %arg2[%get3A_1691, %get3A_1692, %get3A_1693] : memref<3x256x128xf32, #tpu.memory_space<vmem>>, vector<1x1x128xf32>
    %get3A_1695 = vector.shape_cast %get3A_1694 : vector<1x1x128xf32> to vector<1x128xf32>
    %get3A_1696 = arith.constant 0 : index
    %get3A_1697 = arith.constant 79 : index
    %get3A_1698 = arith.constant 0 : index
    %get3A_1699 = vector.load %arg2[%get3A_1696, %get3A_1697, %get3A_1698] : memref<3x256x128xf32, #tpu.memory_space<vmem>>, vector<1x1x128xf32>
    %get3A_1700 = vector.shape_cast %get3A_1699 : vector<1x1x128xf32> to vector<1x128xf32>
    %get3A_1701 = arith.constant 0 : index
    %get3A_1702 = arith.constant 80 : index
    %get3A_1703 = arith.constant 0 : index
    %get3A_1704 = vector.load %arg2[%get3A_1701, %get3A_1702, %get3A_1703] : memref<3x256x128xf32, #tpu.memory_space<vmem>>, vector<1x1x128xf32>
    %get3A_1705 = vector.shape_cast %get3A_1704 : vector<1x1x128xf32> to vector<1x128xf32>
    %get3A_1706 = arith.constant 0 : index
    %get3A_1707 = arith.constant 81 : index
    %get3A_1708 = arith.constant 0 : index
    %get3A_1709 = vector.load %arg2[%get3A_1706, %get3A_1707, %get3A_1708] : memref<3x256x128xf32, #tpu.memory_space<vmem>>, vector<1x1x128xf32>
    %get3A_1710 = vector.shape_cast %get3A_1709 : vector<1x1x128xf32> to vector<1x128xf32>
    %get3A_1711 = arith.constant 0 : index
    %get3A_1712 = arith.constant 82 : index
    %get3A_1713 = arith.constant 0 : index
    %get3A_1714 = vector.load %arg2[%get3A_1711, %get3A_1712, %get3A_1713] : memref<3x256x128xf32, #tpu.memory_space<vmem>>, vector<1x1x128xf32>
    %get3A_1715 = vector.shape_cast %get3A_1714 : vector<1x1x128xf32> to vector<1x128xf32>
    %get3A_1716 = arith.constant 0 : index
    %get3A_1717 = arith.constant 83 : index
    %get3A_1718 = arith.constant 0 : index
    %get3A_1719 = vector.load %arg2[%get3A_1716, %get3A_1717, %get3A_1718] : memref<3x256x128xf32, #tpu.memory_space<vmem>>, vector<1x1x128xf32>
    %get3A_1720 = vector.shape_cast %get3A_1719 : vector<1x1x128xf32> to vector<1x128xf32>
    %get3A_1721 = arith.constant 0 : index
    %get3A_1722 = arith.constant 84 : index
    %get3A_1723 = arith.constant 0 : index
    %get3A_1724 = vector.load %arg2[%get3A_1721, %get3A_1722, %get3A_1723] : memref<3x256x128xf32, #tpu.memory_space<vmem>>, vector<1x1x128xf32>
    %get3A_1725 = vector.shape_cast %get3A_1724 : vector<1x1x128xf32> to vector<1x128xf32>
    %get3A_1726 = arith.constant 0 : index
    %get3A_1727 = arith.constant 85 : index
    %get3A_1728 = arith.constant 0 : index
    %get3A_1729 = vector.load %arg2[%get3A_1726, %get3A_1727, %get3A_1728] : memref<3x256x128xf32, #tpu.memory_space<vmem>>, vector<1x1x128xf32>
    %get3A_1730 = vector.shape_cast %get3A_1729 : vector<1x1x128xf32> to vector<1x128xf32>
    %get3A_1731 = arith.constant 0 : index
    %get3A_1732 = arith.constant 86 : index
    %get3A_1733 = arith.constant 0 : index
    %get3A_1734 = vector.load %arg2[%get3A_1731, %get3A_1732, %get3A_1733] : memref<3x256x128xf32, #tpu.memory_space<vmem>>, vector<1x1x128xf32>
    %get3A_1735 = vector.shape_cast %get3A_1734 : vector<1x1x128xf32> to vector<1x128xf32>
    %get3A_1736 = arith.constant 0 : index
    %get3A_1737 = arith.constant 87 : index
    %get3A_1738 = arith.constant 0 : index
    %get3A_1739 = vector.load %arg2[%get3A_1736, %get3A_1737, %get3A_1738] : memref<3x256x128xf32, #tpu.memory_space<vmem>>, vector<1x1x128xf32>
    %get3A_1740 = vector.shape_cast %get3A_1739 : vector<1x1x128xf32> to vector<1x128xf32>
    %get3A_1741 = arith.constant 0 : index
    %get3A_1742 = arith.constant 88 : index
    %get3A_1743 = arith.constant 0 : index
    %get3A_1744 = vector.load %arg2[%get3A_1741, %get3A_1742, %get3A_1743] : memref<3x256x128xf32, #tpu.memory_space<vmem>>, vector<1x1x128xf32>
    %get3A_1745 = vector.shape_cast %get3A_1744 : vector<1x1x128xf32> to vector<1x128xf32>
    %get3A_1746 = arith.constant 0 : index
    %get3A_1747 = arith.constant 89 : index
    %get3A_1748 = arith.constant 0 : index
    %get3A_1749 = vector.load %arg2[%get3A_1746, %get3A_1747, %get3A_1748] : memref<3x256x128xf32, #tpu.memory_space<vmem>>, vector<1x1x128xf32>
    %get3A_1750 = vector.shape_cast %get3A_1749 : vector<1x1x128xf32> to vector<1x128xf32>
    %get3A_1751 = arith.constant 0 : index
    %get3A_1752 = arith.constant 90 : index
    %get3A_1753 = arith.constant 0 : index
    %get3A_1754 = vector.load %arg2[%get3A_1751, %get3A_1752, %get3A_1753] : memref<3x256x128xf32, #tpu.memory_space<vmem>>, vector<1x1x128xf32>
    %get3A_1755 = vector.shape_cast %get3A_1754 : vector<1x1x128xf32> to vector<1x128xf32>
    %get3A_1756 = arith.constant 0 : index
    %get3A_1757 = arith.constant 91 : index
    %get3A_1758 = arith.constant 0 : index
    %get3A_1759 = vector.load %arg2[%get3A_1756, %get3A_1757, %get3A_1758] : memref<3x256x128xf32, #tpu.memory_space<vmem>>, vector<1x1x128xf32>
    %get3A_1760 = vector.shape_cast %get3A_1759 : vector<1x1x128xf32> to vector<1x128xf32>
    %get3A_1761 = arith.constant 0 : index
    %get3A_1762 = arith.constant 92 : index
    %get3A_1763 = arith.constant 0 : index
    %get3A_1764 = vector.load %arg2[%get3A_1761, %get3A_1762, %get3A_1763] : memref<3x256x128xf32, #tpu.memory_space<vmem>>, vector<1x1x128xf32>
    %get3A_1765 = vector.shape_cast %get3A_1764 : vector<1x1x128xf32> to vector<1x128xf32>
    %get3A_1766 = arith.constant 0 : index
    %get3A_1767 = arith.constant 93 : index
    %get3A_1768 = arith.constant 0 : index
    %get3A_1769 = vector.load %arg2[%get3A_1766, %get3A_1767, %get3A_1768] : memref<3x256x128xf32, #tpu.memory_space<vmem>>, vector<1x1x128xf32>
    %get3A_1770 = vector.shape_cast %get3A_1769 : vector<1x1x128xf32> to vector<1x128xf32>
    %get3A_1771 = arith.constant 0 : index
    %get3A_1772 = arith.constant 94 : index
    %get3A_1773 = arith.constant 0 : index
    %get3A_1774 = vector.load %arg2[%get3A_1771, %get3A_1772, %get3A_1773] : memref<3x256x128xf32, #tpu.memory_space<vmem>>, vector<1x1x128xf32>
    %get3A_1775 = vector.shape_cast %get3A_1774 : vector<1x1x128xf32> to vector<1x128xf32>
    %get3A_1776 = arith.constant 0 : index
    %get3A_1777 = arith.constant 95 : index
    %get3A_1778 = arith.constant 0 : index
    %get3A_1779 = vector.load %arg2[%get3A_1776, %get3A_1777, %get3A_1778] : memref<3x256x128xf32, #tpu.memory_space<vmem>>, vector<1x1x128xf32>
    %get3A_1780 = vector.shape_cast %get3A_1779 : vector<1x1x128xf32> to vector<1x128xf32>
    %get3A_1781 = arith.constant 0 : index
    %get3A_1782 = arith.constant 96 : index
    %get3A_1783 = arith.constant 0 : index
    %get3A_1784 = vector.load %arg2[%get3A_1781, %get3A_1782, %get3A_1783] : memref<3x256x128xf32, #tpu.memory_space<vmem>>, vector<1x1x128xf32>
    %get3A_1785 = vector.shape_cast %get3A_1784 : vector<1x1x128xf32> to vector<1x128xf32>
    %get3A_1786 = arith.constant 0 : index
    %get3A_1787 = arith.constant 97 : index
    %get3A_1788 = arith.constant 0 : index
    %get3A_1789 = vector.load %arg2[%get3A_1786, %get3A_1787, %get3A_1788] : memref<3x256x128xf32, #tpu.memory_space<vmem>>, vector<1x1x128xf32>
    %get3A_1790 = vector.shape_cast %get3A_1789 : vector<1x1x128xf32> to vector<1x128xf32>
    %get3A_1791 = arith.constant 0 : index
    %get3A_1792 = arith.constant 98 : index
    %get3A_1793 = arith.constant 0 : index
    %get3A_1794 = vector.load %arg2[%get3A_1791, %get3A_1792, %get3A_1793] : memref<3x256x128xf32, #tpu.memory_space<vmem>>, vector<1x1x128xf32>
    %get3A_1795 = vector.shape_cast %get3A_1794 : vector<1x1x128xf32> to vector<1x128xf32>
    %get3A_1796 = arith.constant 0 : index
    %get3A_1797 = arith.constant 99 : index
    %get3A_1798 = arith.constant 0 : index
    %get3A_1799 = vector.load %arg2[%get3A_1796, %get3A_1797, %get3A_1798] : memref<3x256x128xf32, #tpu.memory_space<vmem>>, vector<1x1x128xf32>
    %get3A_1800 = vector.shape_cast %get3A_1799 : vector<1x1x128xf32> to vector<1x128xf32>
    %get3A_1801 = arith.constant 0 : index
    %get3A_1802 = arith.constant 100 : index
    %get3A_1803 = arith.constant 0 : index
    %get3A_1804 = vector.load %arg2[%get3A_1801, %get3A_1802, %get3A_1803] : memref<3x256x128xf32, #tpu.memory_space<vmem>>, vector<1x1x128xf32>
    %get3A_1805 = vector.shape_cast %get3A_1804 : vector<1x1x128xf32> to vector<1x128xf32>
    %get3A_1806 = arith.constant 0 : index
    %get3A_1807 = arith.constant 101 : index
    %get3A_1808 = arith.constant 0 : index
    %get3A_1809 = vector.load %arg2[%get3A_1806, %get3A_1807, %get3A_1808] : memref<3x256x128xf32, #tpu.memory_space<vmem>>, vector<1x1x128xf32>
    %get3A_1810 = vector.shape_cast %get3A_1809 : vector<1x1x128xf32> to vector<1x128xf32>
    %get3A_1811 = arith.constant 0 : index
    %get3A_1812 = arith.constant 102 : index
    %get3A_1813 = arith.constant 0 : index
    %get3A_1814 = vector.load %arg2[%get3A_1811, %get3A_1812, %get3A_1813] : memref<3x256x128xf32, #tpu.memory_space<vmem>>, vector<1x1x128xf32>
    %get3A_1815 = vector.shape_cast %get3A_1814 : vector<1x1x128xf32> to vector<1x128xf32>
    %get3A_1816 = arith.constant 0 : index
    %get3A_1817 = arith.constant 103 : index
    %get3A_1818 = arith.constant 0 : index
    %get3A_1819 = vector.load %arg2[%get3A_1816, %get3A_1817, %get3A_1818] : memref<3x256x128xf32, #tpu.memory_space<vmem>>, vector<1x1x128xf32>
    %get3A_1820 = vector.shape_cast %get3A_1819 : vector<1x1x128xf32> to vector<1x128xf32>
    %get3A_1821 = arith.constant 0 : index
    %get3A_1822 = arith.constant 104 : index
    %get3A_1823 = arith.constant 0 : index
    %get3A_1824 = vector.load %arg2[%get3A_1821, %get3A_1822, %get3A_1823] : memref<3x256x128xf32, #tpu.memory_space<vmem>>, vector<1x1x128xf32>
    %get3A_1825 = vector.shape_cast %get3A_1824 : vector<1x1x128xf32> to vector<1x128xf32>
    %get3A_1826 = arith.constant 0 : index
    %get3A_1827 = arith.constant 105 : index
    %get3A_1828 = arith.constant 0 : index
    %get3A_1829 = vector.load %arg2[%get3A_1826, %get3A_1827, %get3A_1828] : memref<3x256x128xf32, #tpu.memory_space<vmem>>, vector<1x1x128xf32>
    %get3A_1830 = vector.shape_cast %get3A_1829 : vector<1x1x128xf32> to vector<1x128xf32>
    %get3A_1831 = arith.constant 0 : index
    %get3A_1832 = arith.constant 106 : index
    %get3A_1833 = arith.constant 0 : index
    %get3A_1834 = vector.load %arg2[%get3A_1831, %get3A_1832, %get3A_1833] : memref<3x256x128xf32, #tpu.memory_space<vmem>>, vector<1x1x128xf32>
    %get3A_1835 = vector.shape_cast %get3A_1834 : vector<1x1x128xf32> to vector<1x128xf32>
    %get3A_1836 = arith.constant 0 : index
    %get3A_1837 = arith.constant 107 : index
    %get3A_1838 = arith.constant 0 : index
    %get3A_1839 = vector.load %arg2[%get3A_1836, %get3A_1837, %get3A_1838] : memref<3x256x128xf32, #tpu.memory_space<vmem>>, vector<1x1x128xf32>
    %get3A_1840 = vector.shape_cast %get3A_1839 : vector<1x1x128xf32> to vector<1x128xf32>
    %get3A_1841 = arith.constant 0 : index
    %get3A_1842 = arith.constant 108 : index
    %get3A_1843 = arith.constant 0 : index
    %get3A_1844 = vector.load %arg2[%get3A_1841, %get3A_1842, %get3A_1843] : memref<3x256x128xf32, #tpu.memory_space<vmem>>, vector<1x1x128xf32>
    %get3A_1845 = vector.shape_cast %get3A_1844 : vector<1x1x128xf32> to vector<1x128xf32>
    %get3A_1846 = arith.constant 0 : index
    %get3A_1847 = arith.constant 109 : index
    %get3A_1848 = arith.constant 0 : index
    %get3A_1849 = vector.load %arg2[%get3A_1846, %get3A_1847, %get3A_1848] : memref<3x256x128xf32, #tpu.memory_space<vmem>>, vector<1x1x128xf32>
    %get3A_1850 = vector.shape_cast %get3A_1849 : vector<1x1x128xf32> to vector<1x128xf32>
    %get3A_1851 = arith.constant 0 : index
    %get3A_1852 = arith.constant 110 : index
    %get3A_1853 = arith.constant 0 : index
    %get3A_1854 = vector.load %arg2[%get3A_1851, %get3A_1852, %get3A_1853] : memref<3x256x128xf32, #tpu.memory_space<vmem>>, vector<1x1x128xf32>
    %get3A_1855 = vector.shape_cast %get3A_1854 : vector<1x1x128xf32> to vector<1x128xf32>
    %get3A_1856 = arith.constant 0 : index
    %get3A_1857 = arith.constant 111 : index
    %get3A_1858 = arith.constant 0 : index
    %get3A_1859 = vector.load %arg2[%get3A_1856, %get3A_1857, %get3A_1858] : memref<3x256x128xf32, #tpu.memory_space<vmem>>, vector<1x1x128xf32>
    %get3A_1860 = vector.shape_cast %get3A_1859 : vector<1x1x128xf32> to vector<1x128xf32>
    %get3A_1861 = arith.constant 0 : index
    %get3A_1862 = arith.constant 112 : index
    %get3A_1863 = arith.constant 0 : index
    %get3A_1864 = vector.load %arg2[%get3A_1861, %get3A_1862, %get3A_1863] : memref<3x256x128xf32, #tpu.memory_space<vmem>>, vector<1x1x128xf32>
    %get3A_1865 = vector.shape_cast %get3A_1864 : vector<1x1x128xf32> to vector<1x128xf32>
    %get3A_1866 = arith.constant 0 : index
    %get3A_1867 = arith.constant 113 : index
    %get3A_1868 = arith.constant 0 : index
    %get3A_1869 = vector.load %arg2[%get3A_1866, %get3A_1867, %get3A_1868] : memref<3x256x128xf32, #tpu.memory_space<vmem>>, vector<1x1x128xf32>
    %get3A_1870 = vector.shape_cast %get3A_1869 : vector<1x1x128xf32> to vector<1x128xf32>
    %get3A_1871 = arith.constant 0 : index
    %get3A_1872 = arith.constant 114 : index
    %get3A_1873 = arith.constant 0 : index
    %get3A_1874 = vector.load %arg2[%get3A_1871, %get3A_1872, %get3A_1873] : memref<3x256x128xf32, #tpu.memory_space<vmem>>, vector<1x1x128xf32>
    %get3A_1875 = vector.shape_cast %get3A_1874 : vector<1x1x128xf32> to vector<1x128xf32>
    %get3A_1876 = arith.constant 0 : index
    %get3A_1877 = arith.constant 115 : index
    %get3A_1878 = arith.constant 0 : index
    %get3A_1879 = vector.load %arg2[%get3A_1876, %get3A_1877, %get3A_1878] : memref<3x256x128xf32, #tpu.memory_space<vmem>>, vector<1x1x128xf32>
    %get3A_1880 = vector.shape_cast %get3A_1879 : vector<1x1x128xf32> to vector<1x128xf32>
    %get3A_1881 = arith.constant 0 : index
    %get3A_1882 = arith.constant 116 : index
    %get3A_1883 = arith.constant 0 : index
    %get3A_1884 = vector.load %arg2[%get3A_1881, %get3A_1882, %get3A_1883] : memref<3x256x128xf32, #tpu.memory_space<vmem>>, vector<1x1x128xf32>
    %get3A_1885 = vector.shape_cast %get3A_1884 : vector<1x1x128xf32> to vector<1x128xf32>
    %get3A_1886 = arith.constant 0 : index
    %get3A_1887 = arith.constant 117 : index
    %get3A_1888 = arith.constant 0 : index
    %get3A_1889 = vector.load %arg2[%get3A_1886, %get3A_1887, %get3A_1888] : memref<3x256x128xf32, #tpu.memory_space<vmem>>, vector<1x1x128xf32>
    %get3A_1890 = vector.shape_cast %get3A_1889 : vector<1x1x128xf32> to vector<1x128xf32>
    %get3A_1891 = arith.constant 0 : index
    %get3A_1892 = arith.constant 118 : index
    %get3A_1893 = arith.constant 0 : index
    %get3A_1894 = vector.load %arg2[%get3A_1891, %get3A_1892, %get3A_1893] : memref<3x256x128xf32, #tpu.memory_space<vmem>>, vector<1x1x128xf32>
    %get3A_1895 = vector.shape_cast %get3A_1894 : vector<1x1x128xf32> to vector<1x128xf32>
    %get3A_1896 = arith.constant 0 : index
    %get3A_1897 = arith.constant 119 : index
    %get3A_1898 = arith.constant 0 : index
    %get3A_1899 = vector.load %arg2[%get3A_1896, %get3A_1897, %get3A_1898] : memref<3x256x128xf32, #tpu.memory_space<vmem>>, vector<1x1x128xf32>
    %get3A_1900 = vector.shape_cast %get3A_1899 : vector<1x1x128xf32> to vector<1x128xf32>
    %get3A_1901 = arith.constant 0 : index
    %get3A_1902 = arith.constant 120 : index
    %get3A_1903 = arith.constant 0 : index
    %get3A_1904 = vector.load %arg2[%get3A_1901, %get3A_1902, %get3A_1903] : memref<3x256x128xf32, #tpu.memory_space<vmem>>, vector<1x1x128xf32>
    %get3A_1905 = vector.shape_cast %get3A_1904 : vector<1x1x128xf32> to vector<1x128xf32>
    %get3A_1906 = arith.constant 0 : index
    %get3A_1907 = arith.constant 121 : index
    %get3A_1908 = arith.constant 0 : index
    %get3A_1909 = vector.load %arg2[%get3A_1906, %get3A_1907, %get3A_1908] : memref<3x256x128xf32, #tpu.memory_space<vmem>>, vector<1x1x128xf32>
    %get3A_1910 = vector.shape_cast %get3A_1909 : vector<1x1x128xf32> to vector<1x128xf32>
    %get3A_1911 = arith.constant 0 : index
    %get3A_1912 = arith.constant 122 : index
    %get3A_1913 = arith.constant 0 : index
    %get3A_1914 = vector.load %arg2[%get3A_1911, %get3A_1912, %get3A_1913] : memref<3x256x128xf32, #tpu.memory_space<vmem>>, vector<1x1x128xf32>
    %get3A_1915 = vector.shape_cast %get3A_1914 : vector<1x1x128xf32> to vector<1x128xf32>
    %get3A_1916 = arith.constant 0 : index
    %get3A_1917 = arith.constant 123 : index
    %get3A_1918 = arith.constant 0 : index
    %get3A_1919 = vector.load %arg2[%get3A_1916, %get3A_1917, %get3A_1918] : memref<3x256x128xf32, #tpu.memory_space<vmem>>, vector<1x1x128xf32>
    %get3A_1920 = vector.shape_cast %get3A_1919 : vector<1x1x128xf32> to vector<1x128xf32>
    %get3A_1921 = arith.constant 0 : index
    %get3A_1922 = arith.constant 124 : index
    %get3A_1923 = arith.constant 0 : index
    %get3A_1924 = vector.load %arg2[%get3A_1921, %get3A_1922, %get3A_1923] : memref<3x256x128xf32, #tpu.memory_space<vmem>>, vector<1x1x128xf32>
    %get3A_1925 = vector.shape_cast %get3A_1924 : vector<1x1x128xf32> to vector<1x128xf32>
    %get3A_1926 = arith.constant 0 : index
    %get3A_1927 = arith.constant 125 : index
    %get3A_1928 = arith.constant 0 : index
    %get3A_1929 = vector.load %arg2[%get3A_1926, %get3A_1927, %get3A_1928] : memref<3x256x128xf32, #tpu.memory_space<vmem>>, vector<1x1x128xf32>
    %get3A_1930 = vector.shape_cast %get3A_1929 : vector<1x1x128xf32> to vector<1x128xf32>
    %get3A_1931 = arith.constant 0 : index
    %get3A_1932 = arith.constant 126 : index
    %get3A_1933 = arith.constant 0 : index
    %get3A_1934 = vector.load %arg2[%get3A_1931, %get3A_1932, %get3A_1933] : memref<3x256x128xf32, #tpu.memory_space<vmem>>, vector<1x1x128xf32>
    %get3A_1935 = vector.shape_cast %get3A_1934 : vector<1x1x128xf32> to vector<1x128xf32>
    %get3A_1936 = arith.constant 0 : index
    %get3A_1937 = arith.constant 127 : index
    %get3A_1938 = arith.constant 0 : index
    %get3A_1939 = vector.load %arg2[%get3A_1936, %get3A_1937, %get3A_1938] : memref<3x256x128xf32, #tpu.memory_space<vmem>>, vector<1x1x128xf32>
    %get3A_1940 = vector.shape_cast %get3A_1939 : vector<1x1x128xf32> to vector<1x128xf32>
    %get3A_1941 = arith.constant 0 : index
    %get3A_1942 = arith.constant 128 : index
    %get3A_1943 = arith.constant 0 : index
    %get3A_1944 = vector.load %arg2[%get3A_1941, %get3A_1942, %get3A_1943] : memref<3x256x128xf32, #tpu.memory_space<vmem>>, vector<1x1x128xf32>
    %get3A_1945 = vector.shape_cast %get3A_1944 : vector<1x1x128xf32> to vector<1x128xf32>
    %get3A_1946 = arith.constant 0 : index
    %get3A_1947 = arith.constant 129 : index
    %get3A_1948 = arith.constant 0 : index
    %get3A_1949 = vector.load %arg2[%get3A_1946, %get3A_1947, %get3A_1948] : memref<3x256x128xf32, #tpu.memory_space<vmem>>, vector<1x1x128xf32>
    %get3A_1950 = vector.shape_cast %get3A_1949 : vector<1x1x128xf32> to vector<1x128xf32>
    %get3A_1951 = arith.constant 0 : index
    %get3A_1952 = arith.constant 130 : index
    %get3A_1953 = arith.constant 0 : index
    %get3A_1954 = vector.load %arg2[%get3A_1951, %get3A_1952, %get3A_1953] : memref<3x256x128xf32, #tpu.memory_space<vmem>>, vector<1x1x128xf32>
    %get3A_1955 = vector.shape_cast %get3A_1954 : vector<1x1x128xf32> to vector<1x128xf32>
    %get3A_1956 = arith.constant 0 : index
    %get3A_1957 = arith.constant 131 : index
    %get3A_1958 = arith.constant 0 : index
    %get3A_1959 = vector.load %arg2[%get3A_1956, %get3A_1957, %get3A_1958] : memref<3x256x128xf32, #tpu.memory_space<vmem>>, vector<1x1x128xf32>
    %get3A_1960 = vector.shape_cast %get3A_1959 : vector<1x1x128xf32> to vector<1x128xf32>
    %get3A_1961 = arith.constant 0 : index
    %get3A_1962 = arith.constant 132 : index
    %get3A_1963 = arith.constant 0 : index
    %get3A_1964 = vector.load %arg2[%get3A_1961, %get3A_1962, %get3A_1963] : memref<3x256x128xf32, #tpu.memory_space<vmem>>, vector<1x1x128xf32>
    %get3A_1965 = vector.shape_cast %get3A_1964 : vector<1x1x128xf32> to vector<1x128xf32>
    %get3A_1966 = arith.constant 0 : index
    %get3A_1967 = arith.constant 133 : index
    %get3A_1968 = arith.constant 0 : index
    %get3A_1969 = vector.load %arg2[%get3A_1966, %get3A_1967, %get3A_1968] : memref<3x256x128xf32, #tpu.memory_space<vmem>>, vector<1x1x128xf32>
    %get3A_1970 = vector.shape_cast %get3A_1969 : vector<1x1x128xf32> to vector<1x128xf32>
    %get3A_1971 = arith.constant 0 : index
    %get3A_1972 = arith.constant 134 : index
    %get3A_1973 = arith.constant 0 : index
    %get3A_1974 = vector.load %arg2[%get3A_1971, %get3A_1972, %get3A_1973] : memref<3x256x128xf32, #tpu.memory_space<vmem>>, vector<1x1x128xf32>
    %get3A_1975 = vector.shape_cast %get3A_1974 : vector<1x1x128xf32> to vector<1x128xf32>
    %get3A_1976 = arith.constant 0 : index
    %get3A_1977 = arith.constant 135 : index
    %get3A_1978 = arith.constant 0 : index
    %get3A_1979 = vector.load %arg2[%get3A_1976, %get3A_1977, %get3A_1978] : memref<3x256x128xf32, #tpu.memory_space<vmem>>, vector<1x1x128xf32>
    %get3A_1980 = vector.shape_cast %get3A_1979 : vector<1x1x128xf32> to vector<1x128xf32>
    %get3A_1981 = arith.constant 0 : index
    %get3A_1982 = arith.constant 136 : index
    %get3A_1983 = arith.constant 0 : index
    %get3A_1984 = vector.load %arg2[%get3A_1981, %get3A_1982, %get3A_1983] : memref<3x256x128xf32, #tpu.memory_space<vmem>>, vector<1x1x128xf32>
    %get3A_1985 = vector.shape_cast %get3A_1984 : vector<1x1x128xf32> to vector<1x128xf32>
    %get3A_1986 = arith.constant 0 : index
    %get3A_1987 = arith.constant 137 : index
    %get3A_1988 = arith.constant 0 : index
    %get3A_1989 = vector.load %arg2[%get3A_1986, %get3A_1987, %get3A_1988] : memref<3x256x128xf32, #tpu.memory_space<vmem>>, vector<1x1x128xf32>
    %get3A_1990 = vector.shape_cast %get3A_1989 : vector<1x1x128xf32> to vector<1x128xf32>
    %get3A_1991 = arith.constant 0 : index
    %get3A_1992 = arith.constant 138 : index
    %get3A_1993 = arith.constant 0 : index
    %get3A_1994 = vector.load %arg2[%get3A_1991, %get3A_1992, %get3A_1993] : memref<3x256x128xf32, #tpu.memory_space<vmem>>, vector<1x1x128xf32>
    %get3A_1995 = vector.shape_cast %get3A_1994 : vector<1x1x128xf32> to vector<1x128xf32>
    %get3A_1996 = arith.constant 0 : index
    %get3A_1997 = arith.constant 139 : index
    %get3A_1998 = arith.constant 0 : index
    %get3A_1999 = vector.load %arg2[%get3A_1996, %get3A_1997, %get3A_1998] : memref<3x256x128xf32, #tpu.memory_space<vmem>>, vector<1x1x128xf32>
    %get3A_2000 = vector.shape_cast %get3A_1999 : vector<1x1x128xf32> to vector<1x128xf32>
    %get3A_2001 = arith.constant 0 : index
    %get3A_2002 = arith.constant 140 : index
    %get3A_2003 = arith.constant 0 : index
    %get3A_2004 = vector.load %arg2[%get3A_2001, %get3A_2002, %get3A_2003] : memref<3x256x128xf32, #tpu.memory_space<vmem>>, vector<1x1x128xf32>
    %get3A_2005 = vector.shape_cast %get3A_2004 : vector<1x1x128xf32> to vector<1x128xf32>
    %get3A_2006 = arith.constant 0 : index
    %get3A_2007 = arith.constant 141 : index
    %get3A_2008 = arith.constant 0 : index
    %get3A_2009 = vector.load %arg2[%get3A_2006, %get3A_2007, %get3A_2008] : memref<3x256x128xf32, #tpu.memory_space<vmem>>, vector<1x1x128xf32>
    %get3A_2010 = vector.shape_cast %get3A_2009 : vector<1x1x128xf32> to vector<1x128xf32>
    %get3A_2011 = arith.constant 0 : index
    %get3A_2012 = arith.constant 142 : index
    %get3A_2013 = arith.constant 0 : index
    %get3A_2014 = vector.load %arg2[%get3A_2011, %get3A_2012, %get3A_2013] : memref<3x256x128xf32, #tpu.memory_space<vmem>>, vector<1x1x128xf32>
    %get3A_2015 = vector.shape_cast %get3A_2014 : vector<1x1x128xf32> to vector<1x128xf32>
    %get3A_2016 = arith.constant 0 : index
    %get3A_2017 = arith.constant 143 : index
    %get3A_2018 = arith.constant 0 : index
    %get3A_2019 = vector.load %arg2[%get3A_2016, %get3A_2017, %get3A_2018] : memref<3x256x128xf32, #tpu.memory_space<vmem>>, vector<1x1x128xf32>
    %get3A_2020 = vector.shape_cast %get3A_2019 : vector<1x1x128xf32> to vector<1x128xf32>
    %get3A_2021 = arith.constant 0 : index
    %get3A_2022 = arith.constant 144 : index
    %get3A_2023 = arith.constant 0 : index
    %get3A_2024 = vector.load %arg2[%get3A_2021, %get3A_2022, %get3A_2023] : memref<3x256x128xf32, #tpu.memory_space<vmem>>, vector<1x1x128xf32>
    %get3A_2025 = vector.shape_cast %get3A_2024 : vector<1x1x128xf32> to vector<1x128xf32>
    %get3A_2026 = arith.constant 0 : index
    %get3A_2027 = arith.constant 145 : index
    %get3A_2028 = arith.constant 0 : index
    %get3A_2029 = vector.load %arg2[%get3A_2026, %get3A_2027, %get3A_2028] : memref<3x256x128xf32, #tpu.memory_space<vmem>>, vector<1x1x128xf32>
    %get3A_2030 = vector.shape_cast %get3A_2029 : vector<1x1x128xf32> to vector<1x128xf32>
    %get3A_2031 = arith.constant 0 : index
    %get3A_2032 = arith.constant 146 : index
    %get3A_2033 = arith.constant 0 : index
    %get3A_2034 = vector.load %arg2[%get3A_2031, %get3A_2032, %get3A_2033] : memref<3x256x128xf32, #tpu.memory_space<vmem>>, vector<1x1x128xf32>
    %get3A_2035 = vector.shape_cast %get3A_2034 : vector<1x1x128xf32> to vector<1x128xf32>
    %get3A_2036 = arith.constant 0 : index
    %get3A_2037 = arith.constant 147 : index
    %get3A_2038 = arith.constant 0 : index
    %get3A_2039 = vector.load %arg2[%get3A_2036, %get3A_2037, %get3A_2038] : memref<3x256x128xf32, #tpu.memory_space<vmem>>, vector<1x1x128xf32>
    %get3A_2040 = vector.shape_cast %get3A_2039 : vector<1x1x128xf32> to vector<1x128xf32>
    %get3A_2041 = arith.constant 0 : index
    %get3A_2042 = arith.constant 148 : index
    %get3A_2043 = arith.constant 0 : index
    %get3A_2044 = vector.load %arg2[%get3A_2041, %get3A_2042, %get3A_2043] : memref<3x256x128xf32, #tpu.memory_space<vmem>>, vector<1x1x128xf32>
    %get3A_2045 = vector.shape_cast %get3A_2044 : vector<1x1x128xf32> to vector<1x128xf32>
    %get3A_2046 = arith.constant 0 : index
    %get3A_2047 = arith.constant 149 : index
    %get3A_2048 = arith.constant 0 : index
    %get3A_2049 = vector.load %arg2[%get3A_2046, %get3A_2047, %get3A_2048] : memref<3x256x128xf32, #tpu.memory_space<vmem>>, vector<1x1x128xf32>
    %get3A_2050 = vector.shape_cast %get3A_2049 : vector<1x1x128xf32> to vector<1x128xf32>
    %get3A_2051 = arith.constant 0 : index
    %get3A_2052 = arith.constant 150 : index
    %get3A_2053 = arith.constant 0 : index
    %get3A_2054 = vector.load %arg2[%get3A_2051, %get3A_2052, %get3A_2053] : memref<3x256x128xf32, #tpu.memory_space<vmem>>, vector<1x1x128xf32>
    %get3A_2055 = vector.shape_cast %get3A_2054 : vector<1x1x128xf32> to vector<1x128xf32>
    %get3A_2056 = arith.constant 0 : index
    %get3A_2057 = arith.constant 151 : index
    %get3A_2058 = arith.constant 0 : index
    %get3A_2059 = vector.load %arg2[%get3A_2056, %get3A_2057, %get3A_2058] : memref<3x256x128xf32, #tpu.memory_space<vmem>>, vector<1x1x128xf32>
    %get3A_2060 = vector.shape_cast %get3A_2059 : vector<1x1x128xf32> to vector<1x128xf32>
    %get3A_2061 = arith.constant 0 : index
    %get3A_2062 = arith.constant 152 : index
    %get3A_2063 = arith.constant 0 : index
    %get3A_2064 = vector.load %arg2[%get3A_2061, %get3A_2062, %get3A_2063] : memref<3x256x128xf32, #tpu.memory_space<vmem>>, vector<1x1x128xf32>
    %get3A_2065 = vector.shape_cast %get3A_2064 : vector<1x1x128xf32> to vector<1x128xf32>
    %get3A_2066 = arith.constant 0 : index
    %get3A_2067 = arith.constant 153 : index
    %get3A_2068 = arith.constant 0 : index
    %get3A_2069 = vector.load %arg2[%get3A_2066, %get3A_2067, %get3A_2068] : memref<3x256x128xf32, #tpu.memory_space<vmem>>, vector<1x1x128xf32>
    %get3A_2070 = vector.shape_cast %get3A_2069 : vector<1x1x128xf32> to vector<1x128xf32>
    %get3A_2071 = arith.constant 0 : index
    %get3A_2072 = arith.constant 154 : index
    %get3A_2073 = arith.constant 0 : index
    %get3A_2074 = vector.load %arg2[%get3A_2071, %get3A_2072, %get3A_2073] : memref<3x256x128xf32, #tpu.memory_space<vmem>>, vector<1x1x128xf32>
    %get3A_2075 = vector.shape_cast %get3A_2074 : vector<1x1x128xf32> to vector<1x128xf32>
    %get3A_2076 = arith.constant 0 : index
    %get3A_2077 = arith.constant 155 : index
    %get3A_2078 = arith.constant 0 : index
    %get3A_2079 = vector.load %arg2[%get3A_2076, %get3A_2077, %get3A_2078] : memref<3x256x128xf32, #tpu.memory_space<vmem>>, vector<1x1x128xf32>
    %get3A_2080 = vector.shape_cast %get3A_2079 : vector<1x1x128xf32> to vector<1x128xf32>
    %get3A_2081 = arith.constant 0 : index
    %get3A_2082 = arith.constant 156 : index
    %get3A_2083 = arith.constant 0 : index
    %get3A_2084 = vector.load %arg2[%get3A_2081, %get3A_2082, %get3A_2083] : memref<3x256x128xf32, #tpu.memory_space<vmem>>, vector<1x1x128xf32>
    %get3A_2085 = vector.shape_cast %get3A_2084 : vector<1x1x128xf32> to vector<1x128xf32>
    %get3A_2086 = arith.constant 0 : index
    %get3A_2087 = arith.constant 157 : index
    %get3A_2088 = arith.constant 0 : index
    %get3A_2089 = vector.load %arg2[%get3A_2086, %get3A_2087, %get3A_2088] : memref<3x256x128xf32, #tpu.memory_space<vmem>>, vector<1x1x128xf32>
    %get3A_2090 = vector.shape_cast %get3A_2089 : vector<1x1x128xf32> to vector<1x128xf32>
    %get3A_2091 = arith.constant 0 : index
    %get3A_2092 = arith.constant 158 : index
    %get3A_2093 = arith.constant 0 : index
    %get3A_2094 = vector.load %arg2[%get3A_2091, %get3A_2092, %get3A_2093] : memref<3x256x128xf32, #tpu.memory_space<vmem>>, vector<1x1x128xf32>
    %get3A_2095 = vector.shape_cast %get3A_2094 : vector<1x1x128xf32> to vector<1x128xf32>
    %get3A_2096 = arith.constant 0 : index
    %get3A_2097 = arith.constant 159 : index
    %get3A_2098 = arith.constant 0 : index
    %get3A_2099 = vector.load %arg2[%get3A_2096, %get3A_2097, %get3A_2098] : memref<3x256x128xf32, #tpu.memory_space<vmem>>, vector<1x1x128xf32>
    %get3A_2100 = vector.shape_cast %get3A_2099 : vector<1x1x128xf32> to vector<1x128xf32>
    %get3A_2101 = arith.constant 0 : index
    %get3A_2102 = arith.constant 160 : index
    %get3A_2103 = arith.constant 0 : index
    %get3A_2104 = vector.load %arg2[%get3A_2101, %get3A_2102, %get3A_2103] : memref<3x256x128xf32, #tpu.memory_space<vmem>>, vector<1x1x128xf32>
    %get3A_2105 = vector.shape_cast %get3A_2104 : vector<1x1x128xf32> to vector<1x128xf32>
    %get3A_2106 = arith.constant 0 : index
    %get3A_2107 = arith.constant 161 : index
    %get3A_2108 = arith.constant 0 : index
    %get3A_2109 = vector.load %arg2[%get3A_2106, %get3A_2107, %get3A_2108] : memref<3x256x128xf32, #tpu.memory_space<vmem>>, vector<1x1x128xf32>
    %get3A_2110 = vector.shape_cast %get3A_2109 : vector<1x1x128xf32> to vector<1x128xf32>
    %get3A_2111 = arith.constant 0 : index
    %get3A_2112 = arith.constant 162 : index
    %get3A_2113 = arith.constant 0 : index
    %get3A_2114 = vector.load %arg2[%get3A_2111, %get3A_2112, %get3A_2113] : memref<3x256x128xf32, #tpu.memory_space<vmem>>, vector<1x1x128xf32>
    %get3A_2115 = vector.shape_cast %get3A_2114 : vector<1x1x128xf32> to vector<1x128xf32>
    %get3A_2116 = arith.constant 0 : index
    %get3A_2117 = arith.constant 163 : index
    %get3A_2118 = arith.constant 0 : index
    %get3A_2119 = vector.load %arg2[%get3A_2116, %get3A_2117, %get3A_2118] : memref<3x256x128xf32, #tpu.memory_space<vmem>>, vector<1x1x128xf32>
    %get3A_2120 = vector.shape_cast %get3A_2119 : vector<1x1x128xf32> to vector<1x128xf32>
    %get3A_2121 = arith.constant 0 : index
    %get3A_2122 = arith.constant 164 : index
    %get3A_2123 = arith.constant 0 : index
    %get3A_2124 = vector.load %arg2[%get3A_2121, %get3A_2122, %get3A_2123] : memref<3x256x128xf32, #tpu.memory_space<vmem>>, vector<1x1x128xf32>
    %get3A_2125 = vector.shape_cast %get3A_2124 : vector<1x1x128xf32> to vector<1x128xf32>
    %get3A_2126 = arith.constant 0 : index
    %get3A_2127 = arith.constant 165 : index
    %get3A_2128 = arith.constant 0 : index
    %get3A_2129 = vector.load %arg2[%get3A_2126, %get3A_2127, %get3A_2128] : memref<3x256x128xf32, #tpu.memory_space<vmem>>, vector<1x1x128xf32>
    %get3A_2130 = vector.shape_cast %get3A_2129 : vector<1x1x128xf32> to vector<1x128xf32>
    %get3A_2131 = arith.constant 0 : index
    %get3A_2132 = arith.constant 166 : index
    %get3A_2133 = arith.constant 0 : index
    %get3A_2134 = vector.load %arg2[%get3A_2131, %get3A_2132, %get3A_2133] : memref<3x256x128xf32, #tpu.memory_space<vmem>>, vector<1x1x128xf32>
    %get3A_2135 = vector.shape_cast %get3A_2134 : vector<1x1x128xf32> to vector<1x128xf32>
    %get3A_2136 = arith.constant 0 : index
    %get3A_2137 = arith.constant 167 : index
    %get3A_2138 = arith.constant 0 : index
    %get3A_2139 = vector.load %arg2[%get3A_2136, %get3A_2137, %get3A_2138] : memref<3x256x128xf32, #tpu.memory_space<vmem>>, vector<1x1x128xf32>
    %get3A_2140 = vector.shape_cast %get3A_2139 : vector<1x1x128xf32> to vector<1x128xf32>
    %get3A_2141 = arith.constant 0 : index
    %get3A_2142 = arith.constant 168 : index
    %get3A_2143 = arith.constant 0 : index
    %get3A_2144 = vector.load %arg2[%get3A_2141, %get3A_2142, %get3A_2143] : memref<3x256x128xf32, #tpu.memory_space<vmem>>, vector<1x1x128xf32>
    %get3A_2145 = vector.shape_cast %get3A_2144 : vector<1x1x128xf32> to vector<1x128xf32>
    %get3A_2146 = arith.constant 0 : index
    %get3A_2147 = arith.constant 169 : index
    %get3A_2148 = arith.constant 0 : index
    %get3A_2149 = vector.load %arg2[%get3A_2146, %get3A_2147, %get3A_2148] : memref<3x256x128xf32, #tpu.memory_space<vmem>>, vector<1x1x128xf32>
    %get3A_2150 = vector.shape_cast %get3A_2149 : vector<1x1x128xf32> to vector<1x128xf32>
    %get3A_2151 = arith.constant 0 : index
    %get3A_2152 = arith.constant 170 : index
    %get3A_2153 = arith.constant 0 : index
    %get3A_2154 = vector.load %arg2[%get3A_2151, %get3A_2152, %get3A_2153] : memref<3x256x128xf32, #tpu.memory_space<vmem>>, vector<1x1x128xf32>
    %get3A_2155 = vector.shape_cast %get3A_2154 : vector<1x1x128xf32> to vector<1x128xf32>
    %get3A_2156 = arith.constant 0 : index
    %get3A_2157 = arith.constant 171 : index
    %get3A_2158 = arith.constant 0 : index
    %get3A_2159 = vector.load %arg2[%get3A_2156, %get3A_2157, %get3A_2158] : memref<3x256x128xf32, #tpu.memory_space<vmem>>, vector<1x1x128xf32>
    %get3A_2160 = vector.shape_cast %get3A_2159 : vector<1x1x128xf32> to vector<1x128xf32>
    %get3A_2161 = arith.constant 0 : index
    %get3A_2162 = arith.constant 172 : index
    %get3A_2163 = arith.constant 0 : index
    %get3A_2164 = vector.load %arg2[%get3A_2161, %get3A_2162, %get3A_2163] : memref<3x256x128xf32, #tpu.memory_space<vmem>>, vector<1x1x128xf32>
    %get3A_2165 = vector.shape_cast %get3A_2164 : vector<1x1x128xf32> to vector<1x128xf32>
    %get3A_2166 = arith.constant 0 : index
    %get3A_2167 = arith.constant 173 : index
    %get3A_2168 = arith.constant 0 : index
    %get3A_2169 = vector.load %arg2[%get3A_2166, %get3A_2167, %get3A_2168] : memref<3x256x128xf32, #tpu.memory_space<vmem>>, vector<1x1x128xf32>
    %get3A_2170 = vector.shape_cast %get3A_2169 : vector<1x1x128xf32> to vector<1x128xf32>
    %get3A_2171 = arith.constant 0 : index
    %get3A_2172 = arith.constant 174 : index
    %get3A_2173 = arith.constant 0 : index
    %get3A_2174 = vector.load %arg2[%get3A_2171, %get3A_2172, %get3A_2173] : memref<3x256x128xf32, #tpu.memory_space<vmem>>, vector<1x1x128xf32>
    %get3A_2175 = vector.shape_cast %get3A_2174 : vector<1x1x128xf32> to vector<1x128xf32>
    %get3A_2176 = arith.constant 0 : index
    %get3A_2177 = arith.constant 175 : index
    %get3A_2178 = arith.constant 0 : index
    %get3A_2179 = vector.load %arg2[%get3A_2176, %get3A_2177, %get3A_2178] : memref<3x256x128xf32, #tpu.memory_space<vmem>>, vector<1x1x128xf32>
    %get3A_2180 = vector.shape_cast %get3A_2179 : vector<1x1x128xf32> to vector<1x128xf32>
    %get3A_2181 = arith.constant 0 : index
    %get3A_2182 = arith.constant 176 : index
    %get3A_2183 = arith.constant 0 : index
    %get3A_2184 = vector.load %arg2[%get3A_2181, %get3A_2182, %get3A_2183] : memref<3x256x128xf32, #tpu.memory_space<vmem>>, vector<1x1x128xf32>
    %get3A_2185 = vector.shape_cast %get3A_2184 : vector<1x1x128xf32> to vector<1x128xf32>
    %get3A_2186 = arith.constant 0 : index
    %get3A_2187 = arith.constant 177 : index
    %get3A_2188 = arith.constant 0 : index
    %get3A_2189 = vector.load %arg2[%get3A_2186, %get3A_2187, %get3A_2188] : memref<3x256x128xf32, #tpu.memory_space<vmem>>, vector<1x1x128xf32>
    %get3A_2190 = vector.shape_cast %get3A_2189 : vector<1x1x128xf32> to vector<1x128xf32>
    %get3A_2191 = arith.constant 0 : index
    %get3A_2192 = arith.constant 178 : index
    %get3A_2193 = arith.constant 0 : index
    %get3A_2194 = vector.load %arg2[%get3A_2191, %get3A_2192, %get3A_2193] : memref<3x256x128xf32, #tpu.memory_space<vmem>>, vector<1x1x128xf32>
    %get3A_2195 = vector.shape_cast %get3A_2194 : vector<1x1x128xf32> to vector<1x128xf32>
    %get3A_2196 = arith.constant 0 : index
    %get3A_2197 = arith.constant 179 : index
    %get3A_2198 = arith.constant 0 : index
    %get3A_2199 = vector.load %arg2[%get3A_2196, %get3A_2197, %get3A_2198] : memref<3x256x128xf32, #tpu.memory_space<vmem>>, vector<1x1x128xf32>
    %get3A_2200 = vector.shape_cast %get3A_2199 : vector<1x1x128xf32> to vector<1x128xf32>
    %get3A_2201 = arith.constant 0 : index
    %get3A_2202 = arith.constant 180 : index
    %get3A_2203 = arith.constant 0 : index
    %get3A_2204 = vector.load %arg2[%get3A_2201, %get3A_2202, %get3A_2203] : memref<3x256x128xf32, #tpu.memory_space<vmem>>, vector<1x1x128xf32>
    %get3A_2205 = vector.shape_cast %get3A_2204 : vector<1x1x128xf32> to vector<1x128xf32>
    %get3A_2206 = arith.constant 0 : index
    %get3A_2207 = arith.constant 181 : index
    %get3A_2208 = arith.constant 0 : index
    %get3A_2209 = vector.load %arg2[%get3A_2206, %get3A_2207, %get3A_2208] : memref<3x256x128xf32, #tpu.memory_space<vmem>>, vector<1x1x128xf32>
    %get3A_2210 = vector.shape_cast %get3A_2209 : vector<1x1x128xf32> to vector<1x128xf32>
    %get3A_2211 = arith.constant 0 : index
    %get3A_2212 = arith.constant 182 : index
    %get3A_2213 = arith.constant 0 : index
    %get3A_2214 = vector.load %arg2[%get3A_2211, %get3A_2212, %get3A_2213] : memref<3x256x128xf32, #tpu.memory_space<vmem>>, vector<1x1x128xf32>
    %get3A_2215 = vector.shape_cast %get3A_2214 : vector<1x1x128xf32> to vector<1x128xf32>
    %get3A_2216 = arith.constant 0 : index
    %get3A_2217 = arith.constant 183 : index
    %get3A_2218 = arith.constant 0 : index
    %get3A_2219 = vector.load %arg2[%get3A_2216, %get3A_2217, %get3A_2218] : memref<3x256x128xf32, #tpu.memory_space<vmem>>, vector<1x1x128xf32>
    %get3A_2220 = vector.shape_cast %get3A_2219 : vector<1x1x128xf32> to vector<1x128xf32>
    %get3A_2221 = arith.constant 0 : index
    %get3A_2222 = arith.constant 184 : index
    %get3A_2223 = arith.constant 0 : index
    %get3A_2224 = vector.load %arg2[%get3A_2221, %get3A_2222, %get3A_2223] : memref<3x256x128xf32, #tpu.memory_space<vmem>>, vector<1x1x128xf32>
    %get3A_2225 = vector.shape_cast %get3A_2224 : vector<1x1x128xf32> to vector<1x128xf32>
    %get3A_2226 = arith.constant 0 : index
    %get3A_2227 = arith.constant 185 : index
    %get3A_2228 = arith.constant 0 : index
    %get3A_2229 = vector.load %arg2[%get3A_2226, %get3A_2227, %get3A_2228] : memref<3x256x128xf32, #tpu.memory_space<vmem>>, vector<1x1x128xf32>
    %get3A_2230 = vector.shape_cast %get3A_2229 : vector<1x1x128xf32> to vector<1x128xf32>
    %get3A_2231 = arith.constant 0 : index
    %get3A_2232 = arith.constant 186 : index
    %get3A_2233 = arith.constant 0 : index
    %get3A_2234 = vector.load %arg2[%get3A_2231, %get3A_2232, %get3A_2233] : memref<3x256x128xf32, #tpu.memory_space<vmem>>, vector<1x1x128xf32>
    %get3A_2235 = vector.shape_cast %get3A_2234 : vector<1x1x128xf32> to vector<1x128xf32>
    %get3A_2236 = arith.constant 0 : index
    %get3A_2237 = arith.constant 187 : index
    %get3A_2238 = arith.constant 0 : index
    %get3A_2239 = vector.load %arg2[%get3A_2236, %get3A_2237, %get3A_2238] : memref<3x256x128xf32, #tpu.memory_space<vmem>>, vector<1x1x128xf32>
    %get3A_2240 = vector.shape_cast %get3A_2239 : vector<1x1x128xf32> to vector<1x128xf32>
    %get3A_2241 = arith.constant 0 : index
    %get3A_2242 = arith.constant 188 : index
    %get3A_2243 = arith.constant 0 : index
    %get3A_2244 = vector.load %arg2[%get3A_2241, %get3A_2242, %get3A_2243] : memref<3x256x128xf32, #tpu.memory_space<vmem>>, vector<1x1x128xf32>
    %get3A_2245 = vector.shape_cast %get3A_2244 : vector<1x1x128xf32> to vector<1x128xf32>
    %get3A_2246 = arith.constant 0 : index
    %get3A_2247 = arith.constant 189 : index
    %get3A_2248 = arith.constant 0 : index
    %get3A_2249 = vector.load %arg2[%get3A_2246, %get3A_2247, %get3A_2248] : memref<3x256x128xf32, #tpu.memory_space<vmem>>, vector<1x1x128xf32>
    %get3A_2250 = vector.shape_cast %get3A_2249 : vector<1x1x128xf32> to vector<1x128xf32>
    %get3A_2251 = arith.constant 0 : index
    %get3A_2252 = arith.constant 190 : index
    %get3A_2253 = arith.constant 0 : index
    %get3A_2254 = vector.load %arg2[%get3A_2251, %get3A_2252, %get3A_2253] : memref<3x256x128xf32, #tpu.memory_space<vmem>>, vector<1x1x128xf32>
    %get3A_2255 = vector.shape_cast %get3A_2254 : vector<1x1x128xf32> to vector<1x128xf32>
    %get3A_2256 = arith.constant 0 : index
    %get3A_2257 = arith.constant 191 : index
    %get3A_2258 = arith.constant 0 : index
    %get3A_2259 = vector.load %arg2[%get3A_2256, %get3A_2257, %get3A_2258] : memref<3x256x128xf32, #tpu.memory_space<vmem>>, vector<1x1x128xf32>
    %get3A_2260 = vector.shape_cast %get3A_2259 : vector<1x1x128xf32> to vector<1x128xf32>
    %get3A_2261 = arith.constant 0 : index
    %get3A_2262 = arith.constant 192 : index
    %get3A_2263 = arith.constant 0 : index
    %get3A_2264 = vector.load %arg2[%get3A_2261, %get3A_2262, %get3A_2263] : memref<3x256x128xf32, #tpu.memory_space<vmem>>, vector<1x1x128xf32>
    %get3A_2265 = vector.shape_cast %get3A_2264 : vector<1x1x128xf32> to vector<1x128xf32>
    %get3A_2266 = arith.constant 0 : index
    %get3A_2267 = arith.constant 193 : index
    %get3A_2268 = arith.constant 0 : index
    %get3A_2269 = vector.load %arg2[%get3A_2266, %get3A_2267, %get3A_2268] : memref<3x256x128xf32, #tpu.memory_space<vmem>>, vector<1x1x128xf32>
    %get3A_2270 = vector.shape_cast %get3A_2269 : vector<1x1x128xf32> to vector<1x128xf32>
    %get3A_2271 = arith.constant 0 : index
    %get3A_2272 = arith.constant 194 : index
    %get3A_2273 = arith.constant 0 : index
    %get3A_2274 = vector.load %arg2[%get3A_2271, %get3A_2272, %get3A_2273] : memref<3x256x128xf32, #tpu.memory_space<vmem>>, vector<1x1x128xf32>
    %get3A_2275 = vector.shape_cast %get3A_2274 : vector<1x1x128xf32> to vector<1x128xf32>
    %get3A_2276 = arith.constant 0 : index
    %get3A_2277 = arith.constant 195 : index
    %get3A_2278 = arith.constant 0 : index
    %get3A_2279 = vector.load %arg2[%get3A_2276, %get3A_2277, %get3A_2278] : memref<3x256x128xf32, #tpu.memory_space<vmem>>, vector<1x1x128xf32>
    %get3A_2280 = vector.shape_cast %get3A_2279 : vector<1x1x128xf32> to vector<1x128xf32>
    %get3A_2281 = arith.constant 0 : index
    %get3A_2282 = arith.constant 196 : index
    %get3A_2283 = arith.constant 0 : index
    %get3A_2284 = vector.load %arg2[%get3A_2281, %get3A_2282, %get3A_2283] : memref<3x256x128xf32, #tpu.memory_space<vmem>>, vector<1x1x128xf32>
    %get3A_2285 = vector.shape_cast %get3A_2284 : vector<1x1x128xf32> to vector<1x128xf32>
    %get3A_2286 = arith.constant 0 : index
    %get3A_2287 = arith.constant 197 : index
    %get3A_2288 = arith.constant 0 : index
    %get3A_2289 = vector.load %arg2[%get3A_2286, %get3A_2287, %get3A_2288] : memref<3x256x128xf32, #tpu.memory_space<vmem>>, vector<1x1x128xf32>
    %get3A_2290 = vector.shape_cast %get3A_2289 : vector<1x1x128xf32> to vector<1x128xf32>
    %get3A_2291 = arith.constant 0 : index
    %get3A_2292 = arith.constant 198 : index
    %get3A_2293 = arith.constant 0 : index
    %get3A_2294 = vector.load %arg2[%get3A_2291, %get3A_2292, %get3A_2293] : memref<3x256x128xf32, #tpu.memory_space<vmem>>, vector<1x1x128xf32>
    %get3A_2295 = vector.shape_cast %get3A_2294 : vector<1x1x128xf32> to vector<1x128xf32>
    %get3A_2296 = arith.constant 0 : index
    %get3A_2297 = arith.constant 199 : index
    %get3A_2298 = arith.constant 0 : index
    %get3A_2299 = vector.load %arg2[%get3A_2296, %get3A_2297, %get3A_2298] : memref<3x256x128xf32, #tpu.memory_space<vmem>>, vector<1x1x128xf32>
    %get3A_2300 = vector.shape_cast %get3A_2299 : vector<1x1x128xf32> to vector<1x128xf32>
    %get3A_2301 = arith.constant 0 : index
    %get3A_2302 = arith.constant 200 : index
    %get3A_2303 = arith.constant 0 : index
    %get3A_2304 = vector.load %arg2[%get3A_2301, %get3A_2302, %get3A_2303] : memref<3x256x128xf32, #tpu.memory_space<vmem>>, vector<1x1x128xf32>
    %get3A_2305 = vector.shape_cast %get3A_2304 : vector<1x1x128xf32> to vector<1x128xf32>
    %get3A_2306 = arith.constant 0 : index
    %get3A_2307 = arith.constant 201 : index
    %get3A_2308 = arith.constant 0 : index
    %get3A_2309 = vector.load %arg2[%get3A_2306, %get3A_2307, %get3A_2308] : memref<3x256x128xf32, #tpu.memory_space<vmem>>, vector<1x1x128xf32>
    %get3A_2310 = vector.shape_cast %get3A_2309 : vector<1x1x128xf32> to vector<1x128xf32>
    %get3A_2311 = arith.constant 0 : index
    %get3A_2312 = arith.constant 202 : index
    %get3A_2313 = arith.constant 0 : index
    %get3A_2314 = vector.load %arg2[%get3A_2311, %get3A_2312, %get3A_2313] : memref<3x256x128xf32, #tpu.memory_space<vmem>>, vector<1x1x128xf32>
    %get3A_2315 = vector.shape_cast %get3A_2314 : vector<1x1x128xf32> to vector<1x128xf32>
    %get3A_2316 = arith.constant 0 : index
    %get3A_2317 = arith.constant 203 : index
    %get3A_2318 = arith.constant 0 : index
    %get3A_2319 = vector.load %arg2[%get3A_2316, %get3A_2317, %get3A_2318] : memref<3x256x128xf32, #tpu.memory_space<vmem>>, vector<1x1x128xf32>
    %get3A_2320 = vector.shape_cast %get3A_2319 : vector<1x1x128xf32> to vector<1x128xf32>
    %get3A_2321 = arith.constant 0 : index
    %get3A_2322 = arith.constant 204 : index
    %get3A_2323 = arith.constant 0 : index
    %get3A_2324 = vector.load %arg2[%get3A_2321, %get3A_2322, %get3A_2323] : memref<3x256x128xf32, #tpu.memory_space<vmem>>, vector<1x1x128xf32>
    %get3A_2325 = vector.shape_cast %get3A_2324 : vector<1x1x128xf32> to vector<1x128xf32>
    %get3A_2326 = arith.constant 0 : index
    %get3A_2327 = arith.constant 205 : index
    %get3A_2328 = arith.constant 0 : index
    %get3A_2329 = vector.load %arg2[%get3A_2326, %get3A_2327, %get3A_2328] : memref<3x256x128xf32, #tpu.memory_space<vmem>>, vector<1x1x128xf32>
    %get3A_2330 = vector.shape_cast %get3A_2329 : vector<1x1x128xf32> to vector<1x128xf32>
    %get3A_2331 = arith.constant 0 : index
    %get3A_2332 = arith.constant 206 : index
    %get3A_2333 = arith.constant 0 : index
    %get3A_2334 = vector.load %arg2[%get3A_2331, %get3A_2332, %get3A_2333] : memref<3x256x128xf32, #tpu.memory_space<vmem>>, vector<1x1x128xf32>
    %get3A_2335 = vector.shape_cast %get3A_2334 : vector<1x1x128xf32> to vector<1x128xf32>
    %get3A_2336 = arith.constant 0 : index
    %get3A_2337 = arith.constant 207 : index
    %get3A_2338 = arith.constant 0 : index
    %get3A_2339 = vector.load %arg2[%get3A_2336, %get3A_2337, %get3A_2338] : memref<3x256x128xf32, #tpu.memory_space<vmem>>, vector<1x1x128xf32>
    %get3A_2340 = vector.shape_cast %get3A_2339 : vector<1x1x128xf32> to vector<1x128xf32>
    %get3A_2341 = arith.constant 0 : index
    %get3A_2342 = arith.constant 208 : index
    %get3A_2343 = arith.constant 0 : index
    %get3A_2344 = vector.load %arg2[%get3A_2341, %get3A_2342, %get3A_2343] : memref<3x256x128xf32, #tpu.memory_space<vmem>>, vector<1x1x128xf32>
    %get3A_2345 = vector.shape_cast %get3A_2344 : vector<1x1x128xf32> to vector<1x128xf32>
    %get3A_2346 = arith.constant 0 : index
    %get3A_2347 = arith.constant 209 : index
    %get3A_2348 = arith.constant 0 : index
    %get3A_2349 = vector.load %arg2[%get3A_2346, %get3A_2347, %get3A_2348] : memref<3x256x128xf32, #tpu.memory_space<vmem>>, vector<1x1x128xf32>
    %get3A_2350 = vector.shape_cast %get3A_2349 : vector<1x1x128xf32> to vector<1x128xf32>
    %get3A_2351 = arith.constant 0 : index
    %get3A_2352 = arith.constant 210 : index
    %get3A_2353 = arith.constant 0 : index
    %get3A_2354 = vector.load %arg2[%get3A_2351, %get3A_2352, %get3A_2353] : memref<3x256x128xf32, #tpu.memory_space<vmem>>, vector<1x1x128xf32>
    %get3A_2355 = vector.shape_cast %get3A_2354 : vector<1x1x128xf32> to vector<1x128xf32>
    %get3A_2356 = arith.constant 0 : index
    %get3A_2357 = arith.constant 211 : index
    %get3A_2358 = arith.constant 0 : index
    %get3A_2359 = vector.load %arg2[%get3A_2356, %get3A_2357, %get3A_2358] : memref<3x256x128xf32, #tpu.memory_space<vmem>>, vector<1x1x128xf32>
    %get3A_2360 = vector.shape_cast %get3A_2359 : vector<1x1x128xf32> to vector<1x128xf32>
    %get3A_2361 = arith.constant 0 : index
    %get3A_2362 = arith.constant 212 : index
    %get3A_2363 = arith.constant 0 : index
    %get3A_2364 = vector.load %arg2[%get3A_2361, %get3A_2362, %get3A_2363] : memref<3x256x128xf32, #tpu.memory_space<vmem>>, vector<1x1x128xf32>
    %get3A_2365 = vector.shape_cast %get3A_2364 : vector<1x1x128xf32> to vector<1x128xf32>
    %get3A_2366 = arith.constant 0 : index
    %get3A_2367 = arith.constant 213 : index
    %get3A_2368 = arith.constant 0 : index
    %get3A_2369 = vector.load %arg2[%get3A_2366, %get3A_2367, %get3A_2368] : memref<3x256x128xf32, #tpu.memory_space<vmem>>, vector<1x1x128xf32>
    %get3A_2370 = vector.shape_cast %get3A_2369 : vector<1x1x128xf32> to vector<1x128xf32>
    %get3A_2371 = arith.constant 0 : index
    %get3A_2372 = arith.constant 214 : index
    %get3A_2373 = arith.constant 0 : index
    %get3A_2374 = vector.load %arg2[%get3A_2371, %get3A_2372, %get3A_2373] : memref<3x256x128xf32, #tpu.memory_space<vmem>>, vector<1x1x128xf32>
    %get3A_2375 = vector.shape_cast %get3A_2374 : vector<1x1x128xf32> to vector<1x128xf32>
    %get3A_2376 = arith.constant 0 : index
    %get3A_2377 = arith.constant 215 : index
    %get3A_2378 = arith.constant 0 : index
    %get3A_2379 = vector.load %arg2[%get3A_2376, %get3A_2377, %get3A_2378] : memref<3x256x128xf32, #tpu.memory_space<vmem>>, vector<1x1x128xf32>
    %get3A_2380 = vector.shape_cast %get3A_2379 : vector<1x1x128xf32> to vector<1x128xf32>
    %get3A_2381 = arith.constant 0 : index
    %get3A_2382 = arith.constant 216 : index
    %get3A_2383 = arith.constant 0 : index
    %get3A_2384 = vector.load %arg2[%get3A_2381, %get3A_2382, %get3A_2383] : memref<3x256x128xf32, #tpu.memory_space<vmem>>, vector<1x1x128xf32>
    %get3A_2385 = vector.shape_cast %get3A_2384 : vector<1x1x128xf32> to vector<1x128xf32>
    %get3A_2386 = arith.constant 0 : index
    %get3A_2387 = arith.constant 217 : index
    %get3A_2388 = arith.constant 0 : index
    %get3A_2389 = vector.load %arg2[%get3A_2386, %get3A_2387, %get3A_2388] : memref<3x256x128xf32, #tpu.memory_space<vmem>>, vector<1x1x128xf32>
    %get3A_2390 = vector.shape_cast %get3A_2389 : vector<1x1x128xf32> to vector<1x128xf32>
    %get3A_2391 = arith.constant 0 : index
    %get3A_2392 = arith.constant 218 : index
    %get3A_2393 = arith.constant 0 : index
    %get3A_2394 = vector.load %arg2[%get3A_2391, %get3A_2392, %get3A_2393] : memref<3x256x128xf32, #tpu.memory_space<vmem>>, vector<1x1x128xf32>
    %get3A_2395 = vector.shape_cast %get3A_2394 : vector<1x1x128xf32> to vector<1x128xf32>
    %get3A_2396 = arith.constant 0 : index
    %get3A_2397 = arith.constant 219 : index
    %get3A_2398 = arith.constant 0 : index
    %get3A_2399 = vector.load %arg2[%get3A_2396, %get3A_2397, %get3A_2398] : memref<3x256x128xf32, #tpu.memory_space<vmem>>, vector<1x1x128xf32>
    %get3A_2400 = vector.shape_cast %get3A_2399 : vector<1x1x128xf32> to vector<1x128xf32>
    %get3A_2401 = arith.constant 0 : index
    %get3A_2402 = arith.constant 220 : index
    %get3A_2403 = arith.constant 0 : index
    %get3A_2404 = vector.load %arg2[%get3A_2401, %get3A_2402, %get3A_2403] : memref<3x256x128xf32, #tpu.memory_space<vmem>>, vector<1x1x128xf32>
    %get3A_2405 = vector.shape_cast %get3A_2404 : vector<1x1x128xf32> to vector<1x128xf32>
    %get3A_2406 = arith.constant 0 : index
    %get3A_2407 = arith.constant 221 : index
    %get3A_2408 = arith.constant 0 : index
    %get3A_2409 = vector.load %arg2[%get3A_2406, %get3A_2407, %get3A_2408] : memref<3x256x128xf32, #tpu.memory_space<vmem>>, vector<1x1x128xf32>
    %get3A_2410 = vector.shape_cast %get3A_2409 : vector<1x1x128xf32> to vector<1x128xf32>
    %get3A_2411 = arith.constant 0 : index
    %get3A_2412 = arith.constant 222 : index
    %get3A_2413 = arith.constant 0 : index
    %get3A_2414 = vector.load %arg2[%get3A_2411, %get3A_2412, %get3A_2413] : memref<3x256x128xf32, #tpu.memory_space<vmem>>, vector<1x1x128xf32>
    %get3A_2415 = vector.shape_cast %get3A_2414 : vector<1x1x128xf32> to vector<1x128xf32>
    %get3A_2416 = arith.constant 0 : index
    %get3A_2417 = arith.constant 223 : index
    %get3A_2418 = arith.constant 0 : index
    %get3A_2419 = vector.load %arg2[%get3A_2416, %get3A_2417, %get3A_2418] : memref<3x256x128xf32, #tpu.memory_space<vmem>>, vector<1x1x128xf32>
    %get3A_2420 = vector.shape_cast %get3A_2419 : vector<1x1x128xf32> to vector<1x128xf32>
    %get3A_2421 = arith.constant 0 : index
    %get3A_2422 = arith.constant 224 : index
    %get3A_2423 = arith.constant 0 : index
    %get3A_2424 = vector.load %arg2[%get3A_2421, %get3A_2422, %get3A_2423] : memref<3x256x128xf32, #tpu.memory_space<vmem>>, vector<1x1x128xf32>
    %get3A_2425 = vector.shape_cast %get3A_2424 : vector<1x1x128xf32> to vector<1x128xf32>
    %get3A_2426 = arith.constant 0 : index
    %get3A_2427 = arith.constant 225 : index
    %get3A_2428 = arith.constant 0 : index
    %get3A_2429 = vector.load %arg2[%get3A_2426, %get3A_2427, %get3A_2428] : memref<3x256x128xf32, #tpu.memory_space<vmem>>, vector<1x1x128xf32>
    %get3A_2430 = vector.shape_cast %get3A_2429 : vector<1x1x128xf32> to vector<1x128xf32>
    %get3A_2431 = arith.constant 0 : index
    %get3A_2432 = arith.constant 226 : index
    %get3A_2433 = arith.constant 0 : index
    %get3A_2434 = vector.load %arg2[%get3A_2431, %get3A_2432, %get3A_2433] : memref<3x256x128xf32, #tpu.memory_space<vmem>>, vector<1x1x128xf32>
    %get3A_2435 = vector.shape_cast %get3A_2434 : vector<1x1x128xf32> to vector<1x128xf32>
    %get3A_2436 = arith.constant 0 : index
    %get3A_2437 = arith.constant 227 : index
    %get3A_2438 = arith.constant 0 : index
    %get3A_2439 = vector.load %arg2[%get3A_2436, %get3A_2437, %get3A_2438] : memref<3x256x128xf32, #tpu.memory_space<vmem>>, vector<1x1x128xf32>
    %get3A_2440 = vector.shape_cast %get3A_2439 : vector<1x1x128xf32> to vector<1x128xf32>
    %get3A_2441 = arith.constant 0 : index
    %get3A_2442 = arith.constant 228 : index
    %get3A_2443 = arith.constant 0 : index
    %get3A_2444 = vector.load %arg2[%get3A_2441, %get3A_2442, %get3A_2443] : memref<3x256x128xf32, #tpu.memory_space<vmem>>, vector<1x1x128xf32>
    %get3A_2445 = vector.shape_cast %get3A_2444 : vector<1x1x128xf32> to vector<1x128xf32>
    %get3A_2446 = arith.constant 0 : index
    %get3A_2447 = arith.constant 229 : index
    %get3A_2448 = arith.constant 0 : index
    %get3A_2449 = vector.load %arg2[%get3A_2446, %get3A_2447, %get3A_2448] : memref<3x256x128xf32, #tpu.memory_space<vmem>>, vector<1x1x128xf32>
    %get3A_2450 = vector.shape_cast %get3A_2449 : vector<1x1x128xf32> to vector<1x128xf32>
    %get3A_2451 = arith.constant 0 : index
    %get3A_2452 = arith.constant 230 : index
    %get3A_2453 = arith.constant 0 : index
    %get3A_2454 = vector.load %arg2[%get3A_2451, %get3A_2452, %get3A_2453] : memref<3x256x128xf32, #tpu.memory_space<vmem>>, vector<1x1x128xf32>
    %get3A_2455 = vector.shape_cast %get3A_2454 : vector<1x1x128xf32> to vector<1x128xf32>
    %get3A_2456 = arith.constant 0 : index
    %get3A_2457 = arith.constant 231 : index
    %get3A_2458 = arith.constant 0 : index
    %get3A_2459 = vector.load %arg2[%get3A_2456, %get3A_2457, %get3A_2458] : memref<3x256x128xf32, #tpu.memory_space<vmem>>, vector<1x1x128xf32>
    %get3A_2460 = vector.shape_cast %get3A_2459 : vector<1x1x128xf32> to vector<1x128xf32>
    %get3A_2461 = arith.constant 0 : index
    %get3A_2462 = arith.constant 232 : index
    %get3A_2463 = arith.constant 0 : index
    %get3A_2464 = vector.load %arg2[%get3A_2461, %get3A_2462, %get3A_2463] : memref<3x256x128xf32, #tpu.memory_space<vmem>>, vector<1x1x128xf32>
    %get3A_2465 = vector.shape_cast %get3A_2464 : vector<1x1x128xf32> to vector<1x128xf32>
    %get3A_2466 = arith.constant 0 : index
    %get3A_2467 = arith.constant 233 : index
    %get3A_2468 = arith.constant 0 : index
    %get3A_2469 = vector.load %arg2[%get3A_2466, %get3A_2467, %get3A_2468] : memref<3x256x128xf32, #tpu.memory_space<vmem>>, vector<1x1x128xf32>
    %get3A_2470 = vector.shape_cast %get3A_2469 : vector<1x1x128xf32> to vector<1x128xf32>
    %get3A_2471 = arith.constant 0 : index
    %get3A_2472 = arith.constant 234 : index
    %get3A_2473 = arith.constant 0 : index
    %get3A_2474 = vector.load %arg2[%get3A_2471, %get3A_2472, %get3A_2473] : memref<3x256x128xf32, #tpu.memory_space<vmem>>, vector<1x1x128xf32>
    %get3A_2475 = vector.shape_cast %get3A_2474 : vector<1x1x128xf32> to vector<1x128xf32>
    %get3A_2476 = arith.constant 0 : index
    %get3A_2477 = arith.constant 235 : index
    %get3A_2478 = arith.constant 0 : index
    %get3A_2479 = vector.load %arg2[%get3A_2476, %get3A_2477, %get3A_2478] : memref<3x256x128xf32, #tpu.memory_space<vmem>>, vector<1x1x128xf32>
    %get3A_2480 = vector.shape_cast %get3A_2479 : vector<1x1x128xf32> to vector<1x128xf32>
    %get3A_2481 = arith.constant 0 : index
    %get3A_2482 = arith.constant 236 : index
    %get3A_2483 = arith.constant 0 : index
    %get3A_2484 = vector.load %arg2[%get3A_2481, %get3A_2482, %get3A_2483] : memref<3x256x128xf32, #tpu.memory_space<vmem>>, vector<1x1x128xf32>
    %get3A_2485 = vector.shape_cast %get3A_2484 : vector<1x1x128xf32> to vector<1x128xf32>
    %get3A_2486 = arith.constant 0 : index
    %get3A_2487 = arith.constant 237 : index
    %get3A_2488 = arith.constant 0 : index
    %get3A_2489 = vector.load %arg2[%get3A_2486, %get3A_2487, %get3A_2488] : memref<3x256x128xf32, #tpu.memory_space<vmem>>, vector<1x1x128xf32>
    %get3A_2490 = vector.shape_cast %get3A_2489 : vector<1x1x128xf32> to vector<1x128xf32>
    %get3A_2491 = arith.constant 0 : index
    %get3A_2492 = arith.constant 238 : index
    %get3A_2493 = arith.constant 0 : index
    %get3A_2494 = vector.load %arg2[%get3A_2491, %get3A_2492, %get3A_2493] : memref<3x256x128xf32, #tpu.memory_space<vmem>>, vector<1x1x128xf32>
    %get3A_2495 = vector.shape_cast %get3A_2494 : vector<1x1x128xf32> to vector<1x128xf32>
    %get3A_2496 = arith.constant 0 : index
    %get3A_2497 = arith.constant 239 : index
    %get3A_2498 = arith.constant 0 : index
    %get3A_2499 = vector.load %arg2[%get3A_2496, %get3A_2497, %get3A_2498] : memref<3x256x128xf32, #tpu.memory_space<vmem>>, vector<1x1x128xf32>
    %get3A_2500 = vector.shape_cast %get3A_2499 : vector<1x1x128xf32> to vector<1x128xf32>
    %get3A_2501 = arith.constant 0 : index
    %get3A_2502 = arith.constant 240 : index
    %get3A_2503 = arith.constant 0 : index
    %get3A_2504 = vector.load %arg2[%get3A_2501, %get3A_2502, %get3A_2503] : memref<3x256x128xf32, #tpu.memory_space<vmem>>, vector<1x1x128xf32>
    %get3A_2505 = vector.shape_cast %get3A_2504 : vector<1x1x128xf32> to vector<1x128xf32>
    %get3A_2506 = arith.constant 0 : index
    %get3A_2507 = arith.constant 241 : index
    %get3A_2508 = arith.constant 0 : index
    %get3A_2509 = vector.load %arg2[%get3A_2506, %get3A_2507, %get3A_2508] : memref<3x256x128xf32, #tpu.memory_space<vmem>>, vector<1x1x128xf32>
    %get3A_2510 = vector.shape_cast %get3A_2509 : vector<1x1x128xf32> to vector<1x128xf32>
    %get3A_2511 = arith.constant 0 : index
    %get3A_2512 = arith.constant 242 : index
    %get3A_2513 = arith.constant 0 : index
    %get3A_2514 = vector.load %arg2[%get3A_2511, %get3A_2512, %get3A_2513] : memref<3x256x128xf32, #tpu.memory_space<vmem>>, vector<1x1x128xf32>
    %get3A_2515 = vector.shape_cast %get3A_2514 : vector<1x1x128xf32> to vector<1x128xf32>
    %get3A_2516 = arith.constant 0 : index
    %get3A_2517 = arith.constant 243 : index
    %get3A_2518 = arith.constant 0 : index
    %get3A_2519 = vector.load %arg2[%get3A_2516, %get3A_2517, %get3A_2518] : memref<3x256x128xf32, #tpu.memory_space<vmem>>, vector<1x1x128xf32>
    %get3A_2520 = vector.shape_cast %get3A_2519 : vector<1x1x128xf32> to vector<1x128xf32>
    %get3A_2521 = arith.constant 0 : index
    %get3A_2522 = arith.constant 244 : index
    %get3A_2523 = arith.constant 0 : index
    %get3A_2524 = vector.load %arg2[%get3A_2521, %get3A_2522, %get3A_2523] : memref<3x256x128xf32, #tpu.memory_space<vmem>>, vector<1x1x128xf32>
    %get3A_2525 = vector.shape_cast %get3A_2524 : vector<1x1x128xf32> to vector<1x128xf32>
    %get3A_2526 = arith.constant 0 : index
    %get3A_2527 = arith.constant 245 : index
    %get3A_2528 = arith.constant 0 : index
    %get3A_2529 = vector.load %arg2[%get3A_2526, %get3A_2527, %get3A_2528] : memref<3x256x128xf32, #tpu.memory_space<vmem>>, vector<1x1x128xf32>
    %get3A_2530 = vector.shape_cast %get3A_2529 : vector<1x1x128xf32> to vector<1x128xf32>
    %get3A_2531 = arith.constant 0 : index
    %get3A_2532 = arith.constant 246 : index
    %get3A_2533 = arith.constant 0 : index
    %get3A_2534 = vector.load %arg2[%get3A_2531, %get3A_2532, %get3A_2533] : memref<3x256x128xf32, #tpu.memory_space<vmem>>, vector<1x1x128xf32>
    %get3A_2535 = vector.shape_cast %get3A_2534 : vector<1x1x128xf32> to vector<1x128xf32>
    %get3A_2536 = arith.constant 0 : index
    %get3A_2537 = arith.constant 247 : index
    %get3A_2538 = arith.constant 0 : index
    %get3A_2539 = vector.load %arg2[%get3A_2536, %get3A_2537, %get3A_2538] : memref<3x256x128xf32, #tpu.memory_space<vmem>>, vector<1x1x128xf32>
    %get3A_2540 = vector.shape_cast %get3A_2539 : vector<1x1x128xf32> to vector<1x128xf32>
    %get3A_2541 = arith.constant 0 : index
    %get3A_2542 = arith.constant 248 : index
    %get3A_2543 = arith.constant 0 : index
    %get3A_2544 = vector.load %arg2[%get3A_2541, %get3A_2542, %get3A_2543] : memref<3x256x128xf32, #tpu.memory_space<vmem>>, vector<1x1x128xf32>
    %get3A_2545 = vector.shape_cast %get3A_2544 : vector<1x1x128xf32> to vector<1x128xf32>
    %get3A_2546 = arith.constant 0 : index
    %get3A_2547 = arith.constant 249 : index
    %get3A_2548 = arith.constant 0 : index
    %get3A_2549 = vector.load %arg2[%get3A_2546, %get3A_2547, %get3A_2548] : memref<3x256x128xf32, #tpu.memory_space<vmem>>, vector<1x1x128xf32>
    %get3A_2550 = vector.shape_cast %get3A_2549 : vector<1x1x128xf32> to vector<1x128xf32>
    %get3A_2551 = arith.constant 0 : index
    %get3A_2552 = arith.constant 250 : index
    %get3A_2553 = arith.constant 0 : index
    %get3A_2554 = vector.load %arg2[%get3A_2551, %get3A_2552, %get3A_2553] : memref<3x256x128xf32, #tpu.memory_space<vmem>>, vector<1x1x128xf32>
    %get3A_2555 = vector.shape_cast %get3A_2554 : vector<1x1x128xf32> to vector<1x128xf32>
    %get3A_2556 = arith.constant 0 : index
    %get3A_2557 = arith.constant 251 : index
    %get3A_2558 = arith.constant 0 : index
    %get3A_2559 = vector.load %arg2[%get3A_2556, %get3A_2557, %get3A_2558] : memref<3x256x128xf32, #tpu.memory_space<vmem>>, vector<1x1x128xf32>
    %get3A_2560 = vector.shape_cast %get3A_2559 : vector<1x1x128xf32> to vector<1x128xf32>
    %get3A_2561 = arith.constant 0 : index
    %get3A_2562 = arith.constant 252 : index
    %get3A_2563 = arith.constant 0 : index
    %get3A_2564 = vector.load %arg2[%get3A_2561, %get3A_2562, %get3A_2563] : memref<3x256x128xf32, #tpu.memory_space<vmem>>, vector<1x1x128xf32>
    %get3A_2565 = vector.shape_cast %get3A_2564 : vector<1x1x128xf32> to vector<1x128xf32>
    %get3A_2566 = arith.constant 0 : index
    %get3A_2567 = arith.constant 253 : index
    %get3A_2568 = arith.constant 0 : index
    %get3A_2569 = vector.load %arg2[%get3A_2566, %get3A_2567, %get3A_2568] : memref<3x256x128xf32, #tpu.memory_space<vmem>>, vector<1x1x128xf32>
    %get3A_2570 = vector.shape_cast %get3A_2569 : vector<1x1x128xf32> to vector<1x128xf32>
    %get3A_2571 = arith.constant 0 : index
    %get3A_2572 = arith.constant 254 : index
    %get3A_2573 = arith.constant 0 : index
    %get3A_2574 = vector.load %arg2[%get3A_2571, %get3A_2572, %get3A_2573] : memref<3x256x128xf32, #tpu.memory_space<vmem>>, vector<1x1x128xf32>
    %get3A_2575 = vector.shape_cast %get3A_2574 : vector<1x1x128xf32> to vector<1x128xf32>
    %get3A_2576 = arith.constant 0 : index
    %get3A_2577 = arith.constant 255 : index
    %get3A_2578 = arith.constant 0 : index
    %get3A_2579 = vector.load %arg2[%get3A_2576, %get3A_2577, %get3A_2578] : memref<3x256x128xf32, #tpu.memory_space<vmem>>, vector<1x1x128xf32>
    %get3A_2580 = vector.shape_cast %get3A_2579 : vector<1x1x128xf32> to vector<1x128xf32>
    %concatenate3A_2581 = tpu.concatenate %get3A_1305, %get3A_1310, %get3A_1315, %get3A_1320, %get3A_1325, %get3A_1330, %get3A_1335, %get3A_1340, %get3A_1345, %get3A_1350, %get3A_1355, %get3A_1360, %get3A_1365, %get3A_1370, %get3A_1375, %get3A_1380, %get3A_1385, %get3A_1390, %get3A_1395, %get3A_1400, %get3A_1405, %get3A_1410, %get3A_1415, %get3A_1420, %get3A_1425, %get3A_1430, %get3A_1435, %get3A_1440, %get3A_1445, %get3A_1450, %get3A_1455, %get3A_1460, %get3A_1465, %get3A_1470, %get3A_1475, %get3A_1480, %get3A_1485, %get3A_1490, %get3A_1495, %get3A_1500, %get3A_1505, %get3A_1510, %get3A_1515, %get3A_1520, %get3A_1525, %get3A_1530, %get3A_1535, %get3A_1540, %get3A_1545, %get3A_1550, %get3A_1555, %get3A_1560, %get3A_1565, %get3A_1570, %get3A_1575, %get3A_1580, %get3A_1585, %get3A_1590, %get3A_1595, %get3A_1600, %get3A_1605, %get3A_1610, %get3A_1615, %get3A_1620, %get3A_1625, %get3A_1630, %get3A_1635, %get3A_1640, %get3A_1645, %get3A_1650, %get3A_1655, %get3A_1660, %get3A_1665, %get3A_1670, %get3A_1675, %get3A_1680, %get3A_1685, %get3A_1690, %get3A_1695, %get3A_1700, %get3A_1705, %get3A_1710, %get3A_1715, %get3A_1720, %get3A_1725, %get3A_1730, %get3A_1735, %get3A_1740, %get3A_1745, %get3A_1750, %get3A_1755, %get3A_1760, %get3A_1765, %get3A_1770, %get3A_1775, %get3A_1780, %get3A_1785, %get3A_1790, %get3A_1795, %get3A_1800, %get3A_1805, %get3A_1810, %get3A_1815, %get3A_1820, %get3A_1825, %get3A_1830, %get3A_1835, %get3A_1840, %get3A_1845, %get3A_1850, %get3A_1855, %get3A_1860, %get3A_1865, %get3A_1870, %get3A_1875, %get3A_1880, %get3A_1885, %get3A_1890, %get3A_1895, %get3A_1900, %get3A_1905, %get3A_1910, %get3A_1915, %get3A_1920, %get3A_1925, %get3A_1930, %get3A_1935, %get3A_1940, %get3A_1945, %get3A_1950, %get3A_1955, %get3A_1960, %get3A_1965, %get3A_1970, %get3A_1975, %get3A_1980, %get3A_1985, %get3A_1990, %get3A_1995, %get3A_2000, %get3A_2005, %get3A_2010, %get3A_2015, %get3A_2020, %get3A_2025, %get3A_2030, %get3A_2035, %get3A_2040, %get3A_2045, %get3A_2050, %get3A_2055, %get3A_2060, %get3A_2065, %get3A_2070, %get3A_2075, %get3A_2080, %get3A_2085, %get3A_2090, %get3A_2095, %get3A_2100, %get3A_2105, %get3A_2110, %get3A_2115, %get3A_2120, %get3A_2125, %get3A_2130, %get3A_2135, %get3A_2140, %get3A_2145, %get3A_2150, %get3A_2155, %get3A_2160, %get3A_2165, %get3A_2170, %get3A_2175, %get3A_2180, %get3A_2185, %get3A_2190, %get3A_2195, %get3A_2200, %get3A_2205, %get3A_2210, %get3A_2215, %get3A_2220, %get3A_2225, %get3A_2230, %get3A_2235, %get3A_2240, %get3A_2245, %get3A_2250, %get3A_2255, %get3A_2260, %get3A_2265, %get3A_2270, %get3A_2275, %get3A_2280, %get3A_2285, %get3A_2290, %get3A_2295, %get3A_2300, %get3A_2305, %get3A_2310, %get3A_2315, %get3A_2320, %get3A_2325, %get3A_2330, %get3A_2335, %get3A_2340, %get3A_2345, %get3A_2350, %get3A_2355, %get3A_2360, %get3A_2365, %get3A_2370, %get3A_2375, %get3A_2380, %get3A_2385, %get3A_2390, %get3A_2395, %get3A_2400, %get3A_2405, %get3A_2410, %get3A_2415, %get3A_2420, %get3A_2425, %get3A_2430, %get3A_2435, %get3A_2440, %get3A_2445, %get3A_2450, %get3A_2455, %get3A_2460, %get3A_2465, %get3A_2470, %get3A_2475, %get3A_2480, %get3A_2485, %get3A_2490, %get3A_2495, %get3A_2500, %get3A_2505, %get3A_2510, %get3A_2515, %get3A_2520, %get3A_2525, %get3A_2530, %get3A_2535, %get3A_2540, %get3A_2545, %get3A_2550, %get3A_2555, %get3A_2560, %get3A_2565, %get3A_2570, %get3A_2575, %get3A_2580 in 1 : vector<1x128xf32>, vector<1x128xf32>, vector<1x128xf32>, vector<1x128xf32>, vector<1x128xf32>, vector<1x128xf32>, vector<1x128xf32>, vector<1x128xf32>, vector<1x128xf32>, vector<1x128xf32>, vector<1x128xf32>, vector<1x128xf32>, vector<1x128xf32>, vector<1x128xf32>, vector<1x128xf32>, vector<1x128xf32>, vector<1x128xf32>, vector<1x128xf32>, vector<1x128xf32>, vector<1x128xf32>, vector<1x128xf32>, vector<1x128xf32>, vector<1x128xf32>, vector<1x128xf32>, vector<1x128xf32>, vector<1x128xf32>, vector<1x128xf32>, vector<1x128xf32>, vector<1x128xf32>, vector<1x128xf32>, vector<1x128xf32>, vector<1x128xf32>, vector<1x128xf32>, vector<1x128xf32>, vector<1x128xf32>, vector<1x128xf32>, vector<1x128xf32>, vector<1x128xf32>, vector<1x128xf32>, vector<1x128xf32>, vector<1x128xf32>, vector<1x128xf32>, vector<1x128xf32>, vector<1x128xf32>, vector<1x128xf32>, vector<1x128xf32>, vector<1x128xf32>, vector<1x128xf32>, vector<1x128xf32>, vector<1x128xf32>, vector<1x128xf32>, vector<1x128xf32>, vector<1x128xf32>, vector<1x128xf32>, vector<1x128xf32>, vector<1x128xf32>, vector<1x128xf32>, vector<1x128xf32>, vector<1x128xf32>, vector<1x128xf32>, vector<1x128xf32>, vector<1x128xf32>, vector<1x128xf32>, vector<1x128xf32>, vector<1x128xf32>, vector<1x128xf32>, vector<1x128xf32>, vector<1x128xf32>, vector<1x128xf32>, vector<1x128xf32>, vector<1x128xf32>, vector<1x128xf32>, vector<1x128xf32>, vector<1x128xf32>, vector<1x128xf32>, vector<1x128xf32>, vector<1x128xf32>, vector<1x128xf32>, vector<1x128xf32>, vector<1x128xf32>, vector<1x128xf32>, vector<1x128xf32>, vector<1x128xf32>, vector<1x128xf32>, vector<1x128xf32>, vector<1x128xf32>, vector<1x128xf32>, vector<1x128xf32>, vector<1x128xf32>, vector<1x128xf32>, vector<1x128xf32>, vector<1x128xf32>, vector<1x128xf32>, vector<1x128xf32>, vector<1x128xf32>, vector<1x128xf32>, vector<1x128xf32>, vector<1x128xf32>, vector<1x128xf32>, vector<1x128xf32>, vector<1x128xf32>, vector<1x128xf32>, vector<1x128xf32>, vector<1x128xf32>, vector<1x128xf32>, vector<1x128xf32>, vector<1x128xf32>, vector<1x128xf32>, vector<1x128xf32>, vector<1x128xf32>, vector<1x128xf32>, vector<1x128xf32>, vector<1x128xf32>, vector<1x128xf32>, vector<1x128xf32>, vector<1x128xf32>, vector<1x128xf32>, vector<1x128xf32>, vector<1x128xf32>, vector<1x128xf32>, vector<1x128xf32>, vector<1x128xf32>, vector<1x128xf32>, vector<1x128xf32>, vector<1x128xf32>, vector<1x128xf32>, vector<1x128xf32>, vector<1x128xf32>, vector<1x128xf32>, vector<1x128xf32>, vector<1x128xf32>, vector<1x128xf32>, vector<1x128xf32>, vector<1x128xf32>, vector<1x128xf32>, vector<1x128xf32>, vector<1x128xf32>, vector<1x128xf32>, vector<1x128xf32>, vector<1x128xf32>, vector<1x128xf32>, vector<1x128xf32>, vector<1x128xf32>, vector<1x128xf32>, vector<1x128xf32>, vector<1x128xf32>, vector<1x128xf32>, vector<1x128xf32>, vector<1x128xf32>, vector<1x128xf32>, vector<1x128xf32>, vector<1x128xf32>, vector<1x128xf32>, vector<1x128xf32>, vector<1x128xf32>, vector<1x128xf32>, vector<1x128xf32>, vector<1x128xf32>, vector<1x128xf32>, vector<1x128xf32>, vector<1x128xf32>, vector<1x128xf32>, vector<1x128xf32>, vector<1x128xf32>, vector<1x128xf32>, vector<1x128xf32>, vector<1x128xf32>, vector<1x128xf32>, vector<1x128xf32>, vector<1x128xf32>, vector<1x128xf32>, vector<1x128xf32>, vector<1x128xf32>, vector<1x128xf32>, vector<1x128xf32>, vector<1x128xf32>, vector<1x128xf32>, vector<1x128xf32>, vector<1x128xf32>, vector<1x128xf32>, vector<1x128xf32>, vector<1x128xf32>, vector<1x128xf32>, vector<1x128xf32>, vector<1x128xf32>, vector<1x128xf32>, vector<1x128xf32>, vector<1x128xf32>, vector<1x128xf32>, vector<1x128xf32>, vector<1x128xf32>, vector<1x128xf32>, vector<1x128xf32>, vector<1x128xf32>, vector<1x128xf32>, vector<1x128xf32>, vector<1x128xf32>, vector<1x128xf32>, vector<1x128xf32>, vector<1x128xf32>, vector<1x128xf32>, vector<1x128xf32>, vector<1x128xf32>, vector<1x128xf32>, vector<1x128xf32>, vector<1x128xf32>, vector<1x128xf32>, vector<1x128xf32>, vector<1x128xf32>, vector<1x128xf32>, vector<1x128xf32>, vector<1x128xf32>, vector<1x128xf32>, vector<1x128xf32>, vector<1x128xf32>, vector<1x128xf32>, vector<1x128xf32>, vector<1x128xf32>, vector<1x128xf32>, vector<1x128xf32>, vector<1x128xf32>, vector<1x128xf32>, vector<1x128xf32>, vector<1x128xf32>, vector<1x128xf32>, vector<1x128xf32>, vector<1x128xf32>, vector<1x128xf32>, vector<1x128xf32>, vector<1x128xf32>, vector<1x128xf32>, vector<1x128xf32>, vector<1x128xf32>, vector<1x128xf32>, vector<1x128xf32>, vector<1x128xf32>, vector<1x128xf32>, vector<1x128xf32>, vector<1x128xf32>, vector<1x128xf32>, vector<1x128xf32>, vector<1x128xf32>, vector<1x128xf32>, vector<1x128xf32>, vector<1x128xf32>, vector<1x128xf32>, vector<1x128xf32>, vector<1x128xf32>, vector<1x128xf32>, vector<1x128xf32>, vector<1x128xf32>, vector<1x128xf32>, vector<1x128xf32>, vector<1x128xf32>, vector<1x128xf32>, vector<1x128xf32> -> vector<1x32768xf32>
    %get3A_2582 = arith.constant 1 : index
    %get3A_2583 = arith.constant 0 : index
    %get3A_2584 = arith.constant 0 : index
    %get3A_2585 = vector.load %arg2[%get3A_2582, %get3A_2583, %get3A_2584] : memref<3x256x128xf32, #tpu.memory_space<vmem>>, vector<1x1x128xf32>
    %get3A_2586 = vector.shape_cast %get3A_2585 : vector<1x1x128xf32> to vector<1x128xf32>
    %get3A_2587 = arith.constant 1 : index
    %get3A_2588 = arith.constant 1 : index
    %get3A_2589 = arith.constant 0 : index
    %get3A_2590 = vector.load %arg2[%get3A_2587, %get3A_2588, %get3A_2589] : memref<3x256x128xf32, #tpu.memory_space<vmem>>, vector<1x1x128xf32>
    %get3A_2591 = vector.shape_cast %get3A_2590 : vector<1x1x128xf32> to vector<1x128xf32>
    %get3A_2592 = arith.constant 1 : index
    %get3A_2593 = arith.constant 2 : index
    %get3A_2594 = arith.constant 0 : index
    %get3A_2595 = vector.load %arg2[%get3A_2592, %get3A_2593, %get3A_2594] : memref<3x256x128xf32, #tpu.memory_space<vmem>>, vector<1x1x128xf32>
    %get3A_2596 = vector.shape_cast %get3A_2595 : vector<1x1x128xf32> to vector<1x128xf32>
    %get3A_2597 = arith.constant 1 : index
    %get3A_2598 = arith.constant 3 : index
    %get3A_2599 = arith.constant 0 : index
    %get3A_2600 = vector.load %arg2[%get3A_2597, %get3A_2598, %get3A_2599] : memref<3x256x128xf32, #tpu.memory_space<vmem>>, vector<1x1x128xf32>
    %get3A_2601 = vector.shape_cast %get3A_2600 : vector<1x1x128xf32> to vector<1x128xf32>
    %get3A_2602 = arith.constant 1 : index
    %get3A_2603 = arith.constant 4 : index
    %get3A_2604 = arith.constant 0 : index
    %get3A_2605 = vector.load %arg2[%get3A_2602, %get3A_2603, %get3A_2604] : memref<3x256x128xf32, #tpu.memory_space<vmem>>, vector<1x1x128xf32>
    %get3A_2606 = vector.shape_cast %get3A_2605 : vector<1x1x128xf32> to vector<1x128xf32>
    %get3A_2607 = arith.constant 1 : index
    %get3A_2608 = arith.constant 5 : index
    %get3A_2609 = arith.constant 0 : index
    %get3A_2610 = vector.load %arg2[%get3A_2607, %get3A_2608, %get3A_2609] : memref<3x256x128xf32, #tpu.memory_space<vmem>>, vector<1x1x128xf32>
    %get3A_2611 = vector.shape_cast %get3A_2610 : vector<1x1x128xf32> to vector<1x128xf32>
    %get3A_2612 = arith.constant 1 : index
    %get3A_2613 = arith.constant 6 : index
    %get3A_2614 = arith.constant 0 : index
    %get3A_2615 = vector.load %arg2[%get3A_2612, %get3A_2613, %get3A_2614] : memref<3x256x128xf32, #tpu.memory_space<vmem>>, vector<1x1x128xf32>
    %get3A_2616 = vector.shape_cast %get3A_2615 : vector<1x1x128xf32> to vector<1x128xf32>
    %get3A_2617 = arith.constant 1 : index
    %get3A_2618 = arith.constant 7 : index
    %get3A_2619 = arith.constant 0 : index
    %get3A_2620 = vector.load %arg2[%get3A_2617, %get3A_2618, %get3A_2619] : memref<3x256x128xf32, #tpu.memory_space<vmem>>, vector<1x1x128xf32>
    %get3A_2621 = vector.shape_cast %get3A_2620 : vector<1x1x128xf32> to vector<1x128xf32>
    %get3A_2622 = arith.constant 1 : index
    %get3A_2623 = arith.constant 8 : index
    %get3A_2624 = arith.constant 0 : index
    %get3A_2625 = vector.load %arg2[%get3A_2622, %get3A_2623, %get3A_2624] : memref<3x256x128xf32, #tpu.memory_space<vmem>>, vector<1x1x128xf32>
    %get3A_2626 = vector.shape_cast %get3A_2625 : vector<1x1x128xf32> to vector<1x128xf32>
    %get3A_2627 = arith.constant 1 : index
    %get3A_2628 = arith.constant 9 : index
    %get3A_2629 = arith.constant 0 : index
    %get3A_2630 = vector.load %arg2[%get3A_2627, %get3A_2628, %get3A_2629] : memref<3x256x128xf32, #tpu.memory_space<vmem>>, vector<1x1x128xf32>
    %get3A_2631 = vector.shape_cast %get3A_2630 : vector<1x1x128xf32> to vector<1x128xf32>
    %get3A_2632 = arith.constant 1 : index
    %get3A_2633 = arith.constant 10 : index
    %get3A_2634 = arith.constant 0 : index
    %get3A_2635 = vector.load %arg2[%get3A_2632, %get3A_2633, %get3A_2634] : memref<3x256x128xf32, #tpu.memory_space<vmem>>, vector<1x1x128xf32>
    %get3A_2636 = vector.shape_cast %get3A_2635 : vector<1x1x128xf32> to vector<1x128xf32>
    %get3A_2637 = arith.constant 1 : index
    %get3A_2638 = arith.constant 11 : index
    %get3A_2639 = arith.constant 0 : index
    %get3A_2640 = vector.load %arg2[%get3A_2637, %get3A_2638, %get3A_2639] : memref<3x256x128xf32, #tpu.memory_space<vmem>>, vector<1x1x128xf32>
    %get3A_2641 = vector.shape_cast %get3A_2640 : vector<1x1x128xf32> to vector<1x128xf32>
    %get3A_2642 = arith.constant 1 : index
    %get3A_2643 = arith.constant 12 : index
    %get3A_2644 = arith.constant 0 : index
    %get3A_2645 = vector.load %arg2[%get3A_2642, %get3A_2643, %get3A_2644] : memref<3x256x128xf32, #tpu.memory_space<vmem>>, vector<1x1x128xf32>
    %get3A_2646 = vector.shape_cast %get3A_2645 : vector<1x1x128xf32> to vector<1x128xf32>
    %get3A_2647 = arith.constant 1 : index
    %get3A_2648 = arith.constant 13 : index
    %get3A_2649 = arith.constant 0 : index
    %get3A_2650 = vector.load %arg2[%get3A_2647, %get3A_2648, %get3A_2649] : memref<3x256x128xf32, #tpu.memory_space<vmem>>, vector<1x1x128xf32>
    %get3A_2651 = vector.shape_cast %get3A_2650 : vector<1x1x128xf32> to vector<1x128xf32>
    %get3A_2652 = arith.constant 1 : index
    %get3A_2653 = arith.constant 14 : index
    %get3A_2654 = arith.constant 0 : index
    %get3A_2655 = vector.load %arg2[%get3A_2652, %get3A_2653, %get3A_2654] : memref<3x256x128xf32, #tpu.memory_space<vmem>>, vector<1x1x128xf32>
    %get3A_2656 = vector.shape_cast %get3A_2655 : vector<1x1x128xf32> to vector<1x128xf32>
    %get3A_2657 = arith.constant 1 : index
    %get3A_2658 = arith.constant 15 : index
    %get3A_2659 = arith.constant 0 : index
    %get3A_2660 = vector.load %arg2[%get3A_2657, %get3A_2658, %get3A_2659] : memref<3x256x128xf32, #tpu.memory_space<vmem>>, vector<1x1x128xf32>
    %get3A_2661 = vector.shape_cast %get3A_2660 : vector<1x1x128xf32> to vector<1x128xf32>
    %get3A_2662 = arith.constant 1 : index
    %get3A_2663 = arith.constant 16 : index
    %get3A_2664 = arith.constant 0 : index
    %get3A_2665 = vector.load %arg2[%get3A_2662, %get3A_2663, %get3A_2664] : memref<3x256x128xf32, #tpu.memory_space<vmem>>, vector<1x1x128xf32>
    %get3A_2666 = vector.shape_cast %get3A_2665 : vector<1x1x128xf32> to vector<1x128xf32>
    %get3A_2667 = arith.constant 1 : index
    %get3A_2668 = arith.constant 17 : index
    %get3A_2669 = arith.constant 0 : index
    %get3A_2670 = vector.load %arg2[%get3A_2667, %get3A_2668, %get3A_2669] : memref<3x256x128xf32, #tpu.memory_space<vmem>>, vector<1x1x128xf32>
    %get3A_2671 = vector.shape_cast %get3A_2670 : vector<1x1x128xf32> to vector<1x128xf32>
    %get3A_2672 = arith.constant 1 : index
    %get3A_2673 = arith.constant 18 : index
    %get3A_2674 = arith.constant 0 : index
    %get3A_2675 = vector.load %arg2[%get3A_2672, %get3A_2673, %get3A_2674] : memref<3x256x128xf32, #tpu.memory_space<vmem>>, vector<1x1x128xf32>
    %get3A_2676 = vector.shape_cast %get3A_2675 : vector<1x1x128xf32> to vector<1x128xf32>
    %get3A_2677 = arith.constant 1 : index
    %get3A_2678 = arith.constant 19 : index
    %get3A_2679 = arith.constant 0 : index
    %get3A_2680 = vector.load %arg2[%get3A_2677, %get3A_2678, %get3A_2679] : memref<3x256x128xf32, #tpu.memory_space<vmem>>, vector<1x1x128xf32>
    %get3A_2681 = vector.shape_cast %get3A_2680 : vector<1x1x128xf32> to vector<1x128xf32>
    %get3A_2682 = arith.constant 1 : index
    %get3A_2683 = arith.constant 20 : index
    %get3A_2684 = arith.constant 0 : index
    %get3A_2685 = vector.load %arg2[%get3A_2682, %get3A_2683, %get3A_2684] : memref<3x256x128xf32, #tpu.memory_space<vmem>>, vector<1x1x128xf32>
    %get3A_2686 = vector.shape_cast %get3A_2685 : vector<1x1x128xf32> to vector<1x128xf32>
    %get3A_2687 = arith.constant 1 : index
    %get3A_2688 = arith.constant 21 : index
    %get3A_2689 = arith.constant 0 : index
    %get3A_2690 = vector.load %arg2[%get3A_2687, %get3A_2688, %get3A_2689] : memref<3x256x128xf32, #tpu.memory_space<vmem>>, vector<1x1x128xf32>
    %get3A_2691 = vector.shape_cast %get3A_2690 : vector<1x1x128xf32> to vector<1x128xf32>
    %get3A_2692 = arith.constant 1 : index
    %get3A_2693 = arith.constant 22 : index
    %get3A_2694 = arith.constant 0 : index
    %get3A_2695 = vector.load %arg2[%get3A_2692, %get3A_2693, %get3A_2694] : memref<3x256x128xf32, #tpu.memory_space<vmem>>, vector<1x1x128xf32>
    %get3A_2696 = vector.shape_cast %get3A_2695 : vector<1x1x128xf32> to vector<1x128xf32>
    %get3A_2697 = arith.constant 1 : index
    %get3A_2698 = arith.constant 23 : index
    %get3A_2699 = arith.constant 0 : index
    %get3A_2700 = vector.load %arg2[%get3A_2697, %get3A_2698, %get3A_2699] : memref<3x256x128xf32, #tpu.memory_space<vmem>>, vector<1x1x128xf32>
    %get3A_2701 = vector.shape_cast %get3A_2700 : vector<1x1x128xf32> to vector<1x128xf32>
    %get3A_2702 = arith.constant 1 : index
    %get3A_2703 = arith.constant 24 : index
    %get3A_2704 = arith.constant 0 : index
    %get3A_2705 = vector.load %arg2[%get3A_2702, %get3A_2703, %get3A_2704] : memref<3x256x128xf32, #tpu.memory_space<vmem>>, vector<1x1x128xf32>
    %get3A_2706 = vector.shape_cast %get3A_2705 : vector<1x1x128xf32> to vector<1x128xf32>
    %get3A_2707 = arith.constant 1 : index
    %get3A_2708 = arith.constant 25 : index
    %get3A_2709 = arith.constant 0 : index
    %get3A_2710 = vector.load %arg2[%get3A_2707, %get3A_2708, %get3A_2709] : memref<3x256x128xf32, #tpu.memory_space<vmem>>, vector<1x1x128xf32>
    %get3A_2711 = vector.shape_cast %get3A_2710 : vector<1x1x128xf32> to vector<1x128xf32>
    %get3A_2712 = arith.constant 1 : index
    %get3A_2713 = arith.constant 26 : index
    %get3A_2714 = arith.constant 0 : index
    %get3A_2715 = vector.load %arg2[%get3A_2712, %get3A_2713, %get3A_2714] : memref<3x256x128xf32, #tpu.memory_space<vmem>>, vector<1x1x128xf32>
    %get3A_2716 = vector.shape_cast %get3A_2715 : vector<1x1x128xf32> to vector<1x128xf32>
    %get3A_2717 = arith.constant 1 : index
    %get3A_2718 = arith.constant 27 : index
    %get3A_2719 = arith.constant 0 : index
    %get3A_2720 = vector.load %arg2[%get3A_2717, %get3A_2718, %get3A_2719] : memref<3x256x128xf32, #tpu.memory_space<vmem>>, vector<1x1x128xf32>
    %get3A_2721 = vector.shape_cast %get3A_2720 : vector<1x1x128xf32> to vector<1x128xf32>
    %get3A_2722 = arith.constant 1 : index
    %get3A_2723 = arith.constant 28 : index
    %get3A_2724 = arith.constant 0 : index
    %get3A_2725 = vector.load %arg2[%get3A_2722, %get3A_2723, %get3A_2724] : memref<3x256x128xf32, #tpu.memory_space<vmem>>, vector<1x1x128xf32>
    %get3A_2726 = vector.shape_cast %get3A_2725 : vector<1x1x128xf32> to vector<1x128xf32>
    %get3A_2727 = arith.constant 1 : index
    %get3A_2728 = arith.constant 29 : index
    %get3A_2729 = arith.constant 0 : index
    %get3A_2730 = vector.load %arg2[%get3A_2727, %get3A_2728, %get3A_2729] : memref<3x256x128xf32, #tpu.memory_space<vmem>>, vector<1x1x128xf32>
    %get3A_2731 = vector.shape_cast %get3A_2730 : vector<1x1x128xf32> to vector<1x128xf32>
    %get3A_2732 = arith.constant 1 : index
    %get3A_2733 = arith.constant 30 : index
    %get3A_2734 = arith.constant 0 : index
    %get3A_2735 = vector.load %arg2[%get3A_2732, %get3A_2733, %get3A_2734] : memref<3x256x128xf32, #tpu.memory_space<vmem>>, vector<1x1x128xf32>
    %get3A_2736 = vector.shape_cast %get3A_2735 : vector<1x1x128xf32> to vector<1x128xf32>
    %get3A_2737 = arith.constant 1 : index
    %get3A_2738 = arith.constant 31 : index
    %get3A_2739 = arith.constant 0 : index
    %get3A_2740 = vector.load %arg2[%get3A_2737, %get3A_2738, %get3A_2739] : memref<3x256x128xf32, #tpu.memory_space<vmem>>, vector<1x1x128xf32>
    %get3A_2741 = vector.shape_cast %get3A_2740 : vector<1x1x128xf32> to vector<1x128xf32>
    %get3A_2742 = arith.constant 1 : index
    %get3A_2743 = arith.constant 32 : index
    %get3A_2744 = arith.constant 0 : index
    %get3A_2745 = vector.load %arg2[%get3A_2742, %get3A_2743, %get3A_2744] : memref<3x256x128xf32, #tpu.memory_space<vmem>>, vector<1x1x128xf32>
    %get3A_2746 = vector.shape_cast %get3A_2745 : vector<1x1x128xf32> to vector<1x128xf32>
    %get3A_2747 = arith.constant 1 : index
    %get3A_2748 = arith.constant 33 : index
    %get3A_2749 = arith.constant 0 : index
    %get3A_2750 = vector.load %arg2[%get3A_2747, %get3A_2748, %get3A_2749] : memref<3x256x128xf32, #tpu.memory_space<vmem>>, vector<1x1x128xf32>
    %get3A_2751 = vector.shape_cast %get3A_2750 : vector<1x1x128xf32> to vector<1x128xf32>
    %get3A_2752 = arith.constant 1 : index
    %get3A_2753 = arith.constant 34 : index
    %get3A_2754 = arith.constant 0 : index
    %get3A_2755 = vector.load %arg2[%get3A_2752, %get3A_2753, %get3A_2754] : memref<3x256x128xf32, #tpu.memory_space<vmem>>, vector<1x1x128xf32>
    %get3A_2756 = vector.shape_cast %get3A_2755 : vector<1x1x128xf32> to vector<1x128xf32>
    %get3A_2757 = arith.constant 1 : index
    %get3A_2758 = arith.constant 35 : index
    %get3A_2759 = arith.constant 0 : index
    %get3A_2760 = vector.load %arg2[%get3A_2757, %get3A_2758, %get3A_2759] : memref<3x256x128xf32, #tpu.memory_space<vmem>>, vector<1x1x128xf32>
    %get3A_2761 = vector.shape_cast %get3A_2760 : vector<1x1x128xf32> to vector<1x128xf32>
    %get3A_2762 = arith.constant 1 : index
    %get3A_2763 = arith.constant 36 : index
    %get3A_2764 = arith.constant 0 : index
    %get3A_2765 = vector.load %arg2[%get3A_2762, %get3A_2763, %get3A_2764] : memref<3x256x128xf32, #tpu.memory_space<vmem>>, vector<1x1x128xf32>
    %get3A_2766 = vector.shape_cast %get3A_2765 : vector<1x1x128xf32> to vector<1x128xf32>
    %get3A_2767 = arith.constant 1 : index
    %get3A_2768 = arith.constant 37 : index
    %get3A_2769 = arith.constant 0 : index
    %get3A_2770 = vector.load %arg2[%get3A_2767, %get3A_2768, %get3A_2769] : memref<3x256x128xf32, #tpu.memory_space<vmem>>, vector<1x1x128xf32>
    %get3A_2771 = vector.shape_cast %get3A_2770 : vector<1x1x128xf32> to vector<1x128xf32>
    %get3A_2772 = arith.constant 1 : index
    %get3A_2773 = arith.constant 38 : index
    %get3A_2774 = arith.constant 0 : index
    %get3A_2775 = vector.load %arg2[%get3A_2772, %get3A_2773, %get3A_2774] : memref<3x256x128xf32, #tpu.memory_space<vmem>>, vector<1x1x128xf32>
    %get3A_2776 = vector.shape_cast %get3A_2775 : vector<1x1x128xf32> to vector<1x128xf32>
    %get3A_2777 = arith.constant 1 : index
    %get3A_2778 = arith.constant 39 : index
    %get3A_2779 = arith.constant 0 : index
    %get3A_2780 = vector.load %arg2[%get3A_2777, %get3A_2778, %get3A_2779] : memref<3x256x128xf32, #tpu.memory_space<vmem>>, vector<1x1x128xf32>
    %get3A_2781 = vector.shape_cast %get3A_2780 : vector<1x1x128xf32> to vector<1x128xf32>
    %get3A_2782 = arith.constant 1 : index
    %get3A_2783 = arith.constant 40 : index
    %get3A_2784 = arith.constant 0 : index
    %get3A_2785 = vector.load %arg2[%get3A_2782, %get3A_2783, %get3A_2784] : memref<3x256x128xf32, #tpu.memory_space<vmem>>, vector<1x1x128xf32>
    %get3A_2786 = vector.shape_cast %get3A_2785 : vector<1x1x128xf32> to vector<1x128xf32>
    %get3A_2787 = arith.constant 1 : index
    %get3A_2788 = arith.constant 41 : index
    %get3A_2789 = arith.constant 0 : index
    %get3A_2790 = vector.load %arg2[%get3A_2787, %get3A_2788, %get3A_2789] : memref<3x256x128xf32, #tpu.memory_space<vmem>>, vector<1x1x128xf32>
    %get3A_2791 = vector.shape_cast %get3A_2790 : vector<1x1x128xf32> to vector<1x128xf32>
    %get3A_2792 = arith.constant 1 : index
    %get3A_2793 = arith.constant 42 : index
    %get3A_2794 = arith.constant 0 : index
    %get3A_2795 = vector.load %arg2[%get3A_2792, %get3A_2793, %get3A_2794] : memref<3x256x128xf32, #tpu.memory_space<vmem>>, vector<1x1x128xf32>
    %get3A_2796 = vector.shape_cast %get3A_2795 : vector<1x1x128xf32> to vector<1x128xf32>
    %get3A_2797 = arith.constant 1 : index
    %get3A_2798 = arith.constant 43 : index
    %get3A_2799 = arith.constant 0 : index
    %get3A_2800 = vector.load %arg2[%get3A_2797, %get3A_2798, %get3A_2799] : memref<3x256x128xf32, #tpu.memory_space<vmem>>, vector<1x1x128xf32>
    %get3A_2801 = vector.shape_cast %get3A_2800 : vector<1x1x128xf32> to vector<1x128xf32>
    %get3A_2802 = arith.constant 1 : index
    %get3A_2803 = arith.constant 44 : index
    %get3A_2804 = arith.constant 0 : index
    %get3A_2805 = vector.load %arg2[%get3A_2802, %get3A_2803, %get3A_2804] : memref<3x256x128xf32, #tpu.memory_space<vmem>>, vector<1x1x128xf32>
    %get3A_2806 = vector.shape_cast %get3A_2805 : vector<1x1x128xf32> to vector<1x128xf32>
    %get3A_2807 = arith.constant 1 : index
    %get3A_2808 = arith.constant 45 : index
    %get3A_2809 = arith.constant 0 : index
    %get3A_2810 = vector.load %arg2[%get3A_2807, %get3A_2808, %get3A_2809] : memref<3x256x128xf32, #tpu.memory_space<vmem>>, vector<1x1x128xf32>
    %get3A_2811 = vector.shape_cast %get3A_2810 : vector<1x1x128xf32> to vector<1x128xf32>
    %get3A_2812 = arith.constant 1 : index
    %get3A_2813 = arith.constant 46 : index
    %get3A_2814 = arith.constant 0 : index
    %get3A_2815 = vector.load %arg2[%get3A_2812, %get3A_2813, %get3A_2814] : memref<3x256x128xf32, #tpu.memory_space<vmem>>, vector<1x1x128xf32>
    %get3A_2816 = vector.shape_cast %get3A_2815 : vector<1x1x128xf32> to vector<1x128xf32>
    %get3A_2817 = arith.constant 1 : index
    %get3A_2818 = arith.constant 47 : index
    %get3A_2819 = arith.constant 0 : index
    %get3A_2820 = vector.load %arg2[%get3A_2817, %get3A_2818, %get3A_2819] : memref<3x256x128xf32, #tpu.memory_space<vmem>>, vector<1x1x128xf32>
    %get3A_2821 = vector.shape_cast %get3A_2820 : vector<1x1x128xf32> to vector<1x128xf32>
    %get3A_2822 = arith.constant 1 : index
    %get3A_2823 = arith.constant 48 : index
    %get3A_2824 = arith.constant 0 : index
    %get3A_2825 = vector.load %arg2[%get3A_2822, %get3A_2823, %get3A_2824] : memref<3x256x128xf32, #tpu.memory_space<vmem>>, vector<1x1x128xf32>
    %get3A_2826 = vector.shape_cast %get3A_2825 : vector<1x1x128xf32> to vector<1x128xf32>
    %get3A_2827 = arith.constant 1 : index
    %get3A_2828 = arith.constant 49 : index
    %get3A_2829 = arith.constant 0 : index
    %get3A_2830 = vector.load %arg2[%get3A_2827, %get3A_2828, %get3A_2829] : memref<3x256x128xf32, #tpu.memory_space<vmem>>, vector<1x1x128xf32>
    %get3A_2831 = vector.shape_cast %get3A_2830 : vector<1x1x128xf32> to vector<1x128xf32>
    %get3A_2832 = arith.constant 1 : index
    %get3A_2833 = arith.constant 50 : index
    %get3A_2834 = arith.constant 0 : index
    %get3A_2835 = vector.load %arg2[%get3A_2832, %get3A_2833, %get3A_2834] : memref<3x256x128xf32, #tpu.memory_space<vmem>>, vector<1x1x128xf32>
    %get3A_2836 = vector.shape_cast %get3A_2835 : vector<1x1x128xf32> to vector<1x128xf32>
    %get3A_2837 = arith.constant 1 : index
    %get3A_2838 = arith.constant 51 : index
    %get3A_2839 = arith.constant 0 : index
    %get3A_2840 = vector.load %arg2[%get3A_2837, %get3A_2838, %get3A_2839] : memref<3x256x128xf32, #tpu.memory_space<vmem>>, vector<1x1x128xf32>
    %get3A_2841 = vector.shape_cast %get3A_2840 : vector<1x1x128xf32> to vector<1x128xf32>
    %get3A_2842 = arith.constant 1 : index
    %get3A_2843 = arith.constant 52 : index
    %get3A_2844 = arith.constant 0 : index
    %get3A_2845 = vector.load %arg2[%get3A_2842, %get3A_2843, %get3A_2844] : memref<3x256x128xf32, #tpu.memory_space<vmem>>, vector<1x1x128xf32>
    %get3A_2846 = vector.shape_cast %get3A_2845 : vector<1x1x128xf32> to vector<1x128xf32>
    %get3A_2847 = arith.constant 1 : index
    %get3A_2848 = arith.constant 53 : index
    %get3A_2849 = arith.constant 0 : index
    %get3A_2850 = vector.load %arg2[%get3A_2847, %get3A_2848, %get3A_2849] : memref<3x256x128xf32, #tpu.memory_space<vmem>>, vector<1x1x128xf32>
    %get3A_2851 = vector.shape_cast %get3A_2850 : vector<1x1x128xf32> to vector<1x128xf32>
    %get3A_2852 = arith.constant 1 : index
    %get3A_2853 = arith.constant 54 : index
    %get3A_2854 = arith.constant 0 : index
    %get3A_2855 = vector.load %arg2[%get3A_2852, %get3A_2853, %get3A_2854] : memref<3x256x128xf32, #tpu.memory_space<vmem>>, vector<1x1x128xf32>
    %get3A_2856 = vector.shape_cast %get3A_2855 : vector<1x1x128xf32> to vector<1x128xf32>
    %get3A_2857 = arith.constant 1 : index
    %get3A_2858 = arith.constant 55 : index
    %get3A_2859 = arith.constant 0 : index
    %get3A_2860 = vector.load %arg2[%get3A_2857, %get3A_2858, %get3A_2859] : memref<3x256x128xf32, #tpu.memory_space<vmem>>, vector<1x1x128xf32>
    %get3A_2861 = vector.shape_cast %get3A_2860 : vector<1x1x128xf32> to vector<1x128xf32>
    %get3A_2862 = arith.constant 1 : index
    %get3A_2863 = arith.constant 56 : index
    %get3A_2864 = arith.constant 0 : index
    %get3A_2865 = vector.load %arg2[%get3A_2862, %get3A_2863, %get3A_2864] : memref<3x256x128xf32, #tpu.memory_space<vmem>>, vector<1x1x128xf32>
    %get3A_2866 = vector.shape_cast %get3A_2865 : vector<1x1x128xf32> to vector<1x128xf32>
    %get3A_2867 = arith.constant 1 : index
    %get3A_2868 = arith.constant 57 : index
    %get3A_2869 = arith.constant 0 : index
    %get3A_2870 = vector.load %arg2[%get3A_2867, %get3A_2868, %get3A_2869] : memref<3x256x128xf32, #tpu.memory_space<vmem>>, vector<1x1x128xf32>
    %get3A_2871 = vector.shape_cast %get3A_2870 : vector<1x1x128xf32> to vector<1x128xf32>
    %get3A_2872 = arith.constant 1 : index
    %get3A_2873 = arith.constant 58 : index
    %get3A_2874 = arith.constant 0 : index
    %get3A_2875 = vector.load %arg2[%get3A_2872, %get3A_2873, %get3A_2874] : memref<3x256x128xf32, #tpu.memory_space<vmem>>, vector<1x1x128xf32>
    %get3A_2876 = vector.shape_cast %get3A_2875 : vector<1x1x128xf32> to vector<1x128xf32>
    %get3A_2877 = arith.constant 1 : index
    %get3A_2878 = arith.constant 59 : index
    %get3A_2879 = arith.constant 0 : index
    %get3A_2880 = vector.load %arg2[%get3A_2877, %get3A_2878, %get3A_2879] : memref<3x256x128xf32, #tpu.memory_space<vmem>>, vector<1x1x128xf32>
    %get3A_2881 = vector.shape_cast %get3A_2880 : vector<1x1x128xf32> to vector<1x128xf32>
    %get3A_2882 = arith.constant 1 : index
    %get3A_2883 = arith.constant 60 : index
    %get3A_2884 = arith.constant 0 : index
    %get3A_2885 = vector.load %arg2[%get3A_2882, %get3A_2883, %get3A_2884] : memref<3x256x128xf32, #tpu.memory_space<vmem>>, vector<1x1x128xf32>
    %get3A_2886 = vector.shape_cast %get3A_2885 : vector<1x1x128xf32> to vector<1x128xf32>
    %get3A_2887 = arith.constant 1 : index
    %get3A_2888 = arith.constant 61 : index
    %get3A_2889 = arith.constant 0 : index
    %get3A_2890 = vector.load %arg2[%get3A_2887, %get3A_2888, %get3A_2889] : memref<3x256x128xf32, #tpu.memory_space<vmem>>, vector<1x1x128xf32>
    %get3A_2891 = vector.shape_cast %get3A_2890 : vector<1x1x128xf32> to vector<1x128xf32>
    %get3A_2892 = arith.constant 1 : index
    %get3A_2893 = arith.constant 62 : index
    %get3A_2894 = arith.constant 0 : index
    %get3A_2895 = vector.load %arg2[%get3A_2892, %get3A_2893, %get3A_2894] : memref<3x256x128xf32, #tpu.memory_space<vmem>>, vector<1x1x128xf32>
    %get3A_2896 = vector.shape_cast %get3A_2895 : vector<1x1x128xf32> to vector<1x128xf32>
    %get3A_2897 = arith.constant 1 : index
    %get3A_2898 = arith.constant 63 : index
    %get3A_2899 = arith.constant 0 : index
    %get3A_2900 = vector.load %arg2[%get3A_2897, %get3A_2898, %get3A_2899] : memref<3x256x128xf32, #tpu.memory_space<vmem>>, vector<1x1x128xf32>
    %get3A_2901 = vector.shape_cast %get3A_2900 : vector<1x1x128xf32> to vector<1x128xf32>
    %get3A_2902 = arith.constant 1 : index
    %get3A_2903 = arith.constant 64 : index
    %get3A_2904 = arith.constant 0 : index
    %get3A_2905 = vector.load %arg2[%get3A_2902, %get3A_2903, %get3A_2904] : memref<3x256x128xf32, #tpu.memory_space<vmem>>, vector<1x1x128xf32>
    %get3A_2906 = vector.shape_cast %get3A_2905 : vector<1x1x128xf32> to vector<1x128xf32>
    %get3A_2907 = arith.constant 1 : index
    %get3A_2908 = arith.constant 65 : index
    %get3A_2909 = arith.constant 0 : index
    %get3A_2910 = vector.load %arg2[%get3A_2907, %get3A_2908, %get3A_2909] : memref<3x256x128xf32, #tpu.memory_space<vmem>>, vector<1x1x128xf32>
    %get3A_2911 = vector.shape_cast %get3A_2910 : vector<1x1x128xf32> to vector<1x128xf32>
    %get3A_2912 = arith.constant 1 : index
    %get3A_2913 = arith.constant 66 : index
    %get3A_2914 = arith.constant 0 : index
    %get3A_2915 = vector.load %arg2[%get3A_2912, %get3A_2913, %get3A_2914] : memref<3x256x128xf32, #tpu.memory_space<vmem>>, vector<1x1x128xf32>
    %get3A_2916 = vector.shape_cast %get3A_2915 : vector<1x1x128xf32> to vector<1x128xf32>
    %get3A_2917 = arith.constant 1 : index
    %get3A_2918 = arith.constant 67 : index
    %get3A_2919 = arith.constant 0 : index
    %get3A_2920 = vector.load %arg2[%get3A_2917, %get3A_2918, %get3A_2919] : memref<3x256x128xf32, #tpu.memory_space<vmem>>, vector<1x1x128xf32>
    %get3A_2921 = vector.shape_cast %get3A_2920 : vector<1x1x128xf32> to vector<1x128xf32>
    %get3A_2922 = arith.constant 1 : index
    %get3A_2923 = arith.constant 68 : index
    %get3A_2924 = arith.constant 0 : index
    %get3A_2925 = vector.load %arg2[%get3A_2922, %get3A_2923, %get3A_2924] : memref<3x256x128xf32, #tpu.memory_space<vmem>>, vector<1x1x128xf32>
    %get3A_2926 = vector.shape_cast %get3A_2925 : vector<1x1x128xf32> to vector<1x128xf32>
    %get3A_2927 = arith.constant 1 : index
    %get3A_2928 = arith.constant 69 : index
    %get3A_2929 = arith.constant 0 : index
    %get3A_2930 = vector.load %arg2[%get3A_2927, %get3A_2928, %get3A_2929] : memref<3x256x128xf32, #tpu.memory_space<vmem>>, vector<1x1x128xf32>
    %get3A_2931 = vector.shape_cast %get3A_2930 : vector<1x1x128xf32> to vector<1x128xf32>
    %get3A_2932 = arith.constant 1 : index
    %get3A_2933 = arith.constant 70 : index
    %get3A_2934 = arith.constant 0 : index
    %get3A_2935 = vector.load %arg2[%get3A_2932, %get3A_2933, %get3A_2934] : memref<3x256x128xf32, #tpu.memory_space<vmem>>, vector<1x1x128xf32>
    %get3A_2936 = vector.shape_cast %get3A_2935 : vector<1x1x128xf32> to vector<1x128xf32>
    %get3A_2937 = arith.constant 1 : index
    %get3A_2938 = arith.constant 71 : index
    %get3A_2939 = arith.constant 0 : index
    %get3A_2940 = vector.load %arg2[%get3A_2937, %get3A_2938, %get3A_2939] : memref<3x256x128xf32, #tpu.memory_space<vmem>>, vector<1x1x128xf32>
    %get3A_2941 = vector.shape_cast %get3A_2940 : vector<1x1x128xf32> to vector<1x128xf32>
    %get3A_2942 = arith.constant 1 : index
    %get3A_2943 = arith.constant 72 : index
    %get3A_2944 = arith.constant 0 : index
    %get3A_2945 = vector.load %arg2[%get3A_2942, %get3A_2943, %get3A_2944] : memref<3x256x128xf32, #tpu.memory_space<vmem>>, vector<1x1x128xf32>
    %get3A_2946 = vector.shape_cast %get3A_2945 : vector<1x1x128xf32> to vector<1x128xf32>
    %get3A_2947 = arith.constant 1 : index
    %get3A_2948 = arith.constant 73 : index
    %get3A_2949 = arith.constant 0 : index
    %get3A_2950 = vector.load %arg2[%get3A_2947, %get3A_2948, %get3A_2949] : memref<3x256x128xf32, #tpu.memory_space<vmem>>, vector<1x1x128xf32>
    %get3A_2951 = vector.shape_cast %get3A_2950 : vector<1x1x128xf32> to vector<1x128xf32>
    %get3A_2952 = arith.constant 1 : index
    %get3A_2953 = arith.constant 74 : index
    %get3A_2954 = arith.constant 0 : index
    %get3A_2955 = vector.load %arg2[%get3A_2952, %get3A_2953, %get3A_2954] : memref<3x256x128xf32, #tpu.memory_space<vmem>>, vector<1x1x128xf32>
    %get3A_2956 = vector.shape_cast %get3A_2955 : vector<1x1x128xf32> to vector<1x128xf32>
    %get3A_2957 = arith.constant 1 : index
    %get3A_2958 = arith.constant 75 : index
    %get3A_2959 = arith.constant 0 : index
    %get3A_2960 = vector.load %arg2[%get3A_2957, %get3A_2958, %get3A_2959] : memref<3x256x128xf32, #tpu.memory_space<vmem>>, vector<1x1x128xf32>
    %get3A_2961 = vector.shape_cast %get3A_2960 : vector<1x1x128xf32> to vector<1x128xf32>
    %get3A_2962 = arith.constant 1 : index
    %get3A_2963 = arith.constant 76 : index
    %get3A_2964 = arith.constant 0 : index
    %get3A_2965 = vector.load %arg2[%get3A_2962, %get3A_2963, %get3A_2964] : memref<3x256x128xf32, #tpu.memory_space<vmem>>, vector<1x1x128xf32>
    %get3A_2966 = vector.shape_cast %get3A_2965 : vector<1x1x128xf32> to vector<1x128xf32>
    %get3A_2967 = arith.constant 1 : index
    %get3A_2968 = arith.constant 77 : index
    %get3A_2969 = arith.constant 0 : index
    %get3A_2970 = vector.load %arg2[%get3A_2967, %get3A_2968, %get3A_2969] : memref<3x256x128xf32, #tpu.memory_space<vmem>>, vector<1x1x128xf32>
    %get3A_2971 = vector.shape_cast %get3A_2970 : vector<1x1x128xf32> to vector<1x128xf32>
    %get3A_2972 = arith.constant 1 : index
    %get3A_2973 = arith.constant 78 : index
    %get3A_2974 = arith.constant 0 : index
    %get3A_2975 = vector.load %arg2[%get3A_2972, %get3A_2973, %get3A_2974] : memref<3x256x128xf32, #tpu.memory_space<vmem>>, vector<1x1x128xf32>
    %get3A_2976 = vector.shape_cast %get3A_2975 : vector<1x1x128xf32> to vector<1x128xf32>
    %get3A_2977 = arith.constant 1 : index
    %get3A_2978 = arith.constant 79 : index
    %get3A_2979 = arith.constant 0 : index
    %get3A_2980 = vector.load %arg2[%get3A_2977, %get3A_2978, %get3A_2979] : memref<3x256x128xf32, #tpu.memory_space<vmem>>, vector<1x1x128xf32>
    %get3A_2981 = vector.shape_cast %get3A_2980 : vector<1x1x128xf32> to vector<1x128xf32>
    %get3A_2982 = arith.constant 1 : index
    %get3A_2983 = arith.constant 80 : index
    %get3A_2984 = arith.constant 0 : index
    %get3A_2985 = vector.load %arg2[%get3A_2982, %get3A_2983, %get3A_2984] : memref<3x256x128xf32, #tpu.memory_space<vmem>>, vector<1x1x128xf32>
    %get3A_2986 = vector.shape_cast %get3A_2985 : vector<1x1x128xf32> to vector<1x128xf32>
    %get3A_2987 = arith.constant 1 : index
    %get3A_2988 = arith.constant 81 : index
    %get3A_2989 = arith.constant 0 : index
    %get3A_2990 = vector.load %arg2[%get3A_2987, %get3A_2988, %get3A_2989] : memref<3x256x128xf32, #tpu.memory_space<vmem>>, vector<1x1x128xf32>
    %get3A_2991 = vector.shape_cast %get3A_2990 : vector<1x1x128xf32> to vector<1x128xf32>
    %get3A_2992 = arith.constant 1 : index
    %get3A_2993 = arith.constant 82 : index
    %get3A_2994 = arith.constant 0 : index
    %get3A_2995 = vector.load %arg2[%get3A_2992, %get3A_2993, %get3A_2994] : memref<3x256x128xf32, #tpu.memory_space<vmem>>, vector<1x1x128xf32>
    %get3A_2996 = vector.shape_cast %get3A_2995 : vector<1x1x128xf32> to vector<1x128xf32>
    %get3A_2997 = arith.constant 1 : index
    %get3A_2998 = arith.constant 83 : index
    %get3A_2999 = arith.constant 0 : index
    %get3A_3000 = vector.load %arg2[%get3A_2997, %get3A_2998, %get3A_2999] : memref<3x256x128xf32, #tpu.memory_space<vmem>>, vector<1x1x128xf32>
    %get3A_3001 = vector.shape_cast %get3A_3000 : vector<1x1x128xf32> to vector<1x128xf32>
    %get3A_3002 = arith.constant 1 : index
    %get3A_3003 = arith.constant 84 : index
    %get3A_3004 = arith.constant 0 : index
    %get3A_3005 = vector.load %arg2[%get3A_3002, %get3A_3003, %get3A_3004] : memref<3x256x128xf32, #tpu.memory_space<vmem>>, vector<1x1x128xf32>
    %get3A_3006 = vector.shape_cast %get3A_3005 : vector<1x1x128xf32> to vector<1x128xf32>
    %get3A_3007 = arith.constant 1 : index
    %get3A_3008 = arith.constant 85 : index
    %get3A_3009 = arith.constant 0 : index
    %get3A_3010 = vector.load %arg2[%get3A_3007, %get3A_3008, %get3A_3009] : memref<3x256x128xf32, #tpu.memory_space<vmem>>, vector<1x1x128xf32>
    %get3A_3011 = vector.shape_cast %get3A_3010 : vector<1x1x128xf32> to vector<1x128xf32>
    %get3A_3012 = arith.constant 1 : index
    %get3A_3013 = arith.constant 86 : index
    %get3A_3014 = arith.constant 0 : index
    %get3A_3015 = vector.load %arg2[%get3A_3012, %get3A_3013, %get3A_3014] : memref<3x256x128xf32, #tpu.memory_space<vmem>>, vector<1x1x128xf32>
    %get3A_3016 = vector.shape_cast %get3A_3015 : vector<1x1x128xf32> to vector<1x128xf32>
    %get3A_3017 = arith.constant 1 : index
    %get3A_3018 = arith.constant 87 : index
    %get3A_3019 = arith.constant 0 : index
    %get3A_3020 = vector.load %arg2[%get3A_3017, %get3A_3018, %get3A_3019] : memref<3x256x128xf32, #tpu.memory_space<vmem>>, vector<1x1x128xf32>
    %get3A_3021 = vector.shape_cast %get3A_3020 : vector<1x1x128xf32> to vector<1x128xf32>
    %get3A_3022 = arith.constant 1 : index
    %get3A_3023 = arith.constant 88 : index
    %get3A_3024 = arith.constant 0 : index
    %get3A_3025 = vector.load %arg2[%get3A_3022, %get3A_3023, %get3A_3024] : memref<3x256x128xf32, #tpu.memory_space<vmem>>, vector<1x1x128xf32>
    %get3A_3026 = vector.shape_cast %get3A_3025 : vector<1x1x128xf32> to vector<1x128xf32>
    %get3A_3027 = arith.constant 1 : index
    %get3A_3028 = arith.constant 89 : index
    %get3A_3029 = arith.constant 0 : index
    %get3A_3030 = vector.load %arg2[%get3A_3027, %get3A_3028, %get3A_3029] : memref<3x256x128xf32, #tpu.memory_space<vmem>>, vector<1x1x128xf32>
    %get3A_3031 = vector.shape_cast %get3A_3030 : vector<1x1x128xf32> to vector<1x128xf32>
    %get3A_3032 = arith.constant 1 : index
    %get3A_3033 = arith.constant 90 : index
    %get3A_3034 = arith.constant 0 : index
    %get3A_3035 = vector.load %arg2[%get3A_3032, %get3A_3033, %get3A_3034] : memref<3x256x128xf32, #tpu.memory_space<vmem>>, vector<1x1x128xf32>
    %get3A_3036 = vector.shape_cast %get3A_3035 : vector<1x1x128xf32> to vector<1x128xf32>
    %get3A_3037 = arith.constant 1 : index
    %get3A_3038 = arith.constant 91 : index
    %get3A_3039 = arith.constant 0 : index
    %get3A_3040 = vector.load %arg2[%get3A_3037, %get3A_3038, %get3A_3039] : memref<3x256x128xf32, #tpu.memory_space<vmem>>, vector<1x1x128xf32>
    %get3A_3041 = vector.shape_cast %get3A_3040 : vector<1x1x128xf32> to vector<1x128xf32>
    %get3A_3042 = arith.constant 1 : index
    %get3A_3043 = arith.constant 92 : index
    %get3A_3044 = arith.constant 0 : index
    %get3A_3045 = vector.load %arg2[%get3A_3042, %get3A_3043, %get3A_3044] : memref<3x256x128xf32, #tpu.memory_space<vmem>>, vector<1x1x128xf32>
    %get3A_3046 = vector.shape_cast %get3A_3045 : vector<1x1x128xf32> to vector<1x128xf32>
    %get3A_3047 = arith.constant 1 : index
    %get3A_3048 = arith.constant 93 : index
    %get3A_3049 = arith.constant 0 : index
    %get3A_3050 = vector.load %arg2[%get3A_3047, %get3A_3048, %get3A_3049] : memref<3x256x128xf32, #tpu.memory_space<vmem>>, vector<1x1x128xf32>
    %get3A_3051 = vector.shape_cast %get3A_3050 : vector<1x1x128xf32> to vector<1x128xf32>
    %get3A_3052 = arith.constant 1 : index
    %get3A_3053 = arith.constant 94 : index
    %get3A_3054 = arith.constant 0 : index
    %get3A_3055 = vector.load %arg2[%get3A_3052, %get3A_3053, %get3A_3054] : memref<3x256x128xf32, #tpu.memory_space<vmem>>, vector<1x1x128xf32>
    %get3A_3056 = vector.shape_cast %get3A_3055 : vector<1x1x128xf32> to vector<1x128xf32>
    %get3A_3057 = arith.constant 1 : index
    %get3A_3058 = arith.constant 95 : index
    %get3A_3059 = arith.constant 0 : index
    %get3A_3060 = vector.load %arg2[%get3A_3057, %get3A_3058, %get3A_3059] : memref<3x256x128xf32, #tpu.memory_space<vmem>>, vector<1x1x128xf32>
    %get3A_3061 = vector.shape_cast %get3A_3060 : vector<1x1x128xf32> to vector<1x128xf32>
    %get3A_3062 = arith.constant 1 : index
    %get3A_3063 = arith.constant 96 : index
    %get3A_3064 = arith.constant 0 : index
    %get3A_3065 = vector.load %arg2[%get3A_3062, %get3A_3063, %get3A_3064] : memref<3x256x128xf32, #tpu.memory_space<vmem>>, vector<1x1x128xf32>
    %get3A_3066 = vector.shape_cast %get3A_3065 : vector<1x1x128xf32> to vector<1x128xf32>
    %get3A_3067 = arith.constant 1 : index
    %get3A_3068 = arith.constant 97 : index
    %get3A_3069 = arith.constant 0 : index
    %get3A_3070 = vector.load %arg2[%get3A_3067, %get3A_3068, %get3A_3069] : memref<3x256x128xf32, #tpu.memory_space<vmem>>, vector<1x1x128xf32>
    %get3A_3071 = vector.shape_cast %get3A_3070 : vector<1x1x128xf32> to vector<1x128xf32>
    %get3A_3072 = arith.constant 1 : index
    %get3A_3073 = arith.constant 98 : index
    %get3A_3074 = arith.constant 0 : index
    %get3A_3075 = vector.load %arg2[%get3A_3072, %get3A_3073, %get3A_3074] : memref<3x256x128xf32, #tpu.memory_space<vmem>>, vector<1x1x128xf32>
    %get3A_3076 = vector.shape_cast %get3A_3075 : vector<1x1x128xf32> to vector<1x128xf32>
    %get3A_3077 = arith.constant 1 : index
    %get3A_3078 = arith.constant 99 : index
    %get3A_3079 = arith.constant 0 : index
    %get3A_3080 = vector.load %arg2[%get3A_3077, %get3A_3078, %get3A_3079] : memref<3x256x128xf32, #tpu.memory_space<vmem>>, vector<1x1x128xf32>
    %get3A_3081 = vector.shape_cast %get3A_3080 : vector<1x1x128xf32> to vector<1x128xf32>
    %get3A_3082 = arith.constant 1 : index
    %get3A_3083 = arith.constant 100 : index
    %get3A_3084 = arith.constant 0 : index
    %get3A_3085 = vector.load %arg2[%get3A_3082, %get3A_3083, %get3A_3084] : memref<3x256x128xf32, #tpu.memory_space<vmem>>, vector<1x1x128xf32>
    %get3A_3086 = vector.shape_cast %get3A_3085 : vector<1x1x128xf32> to vector<1x128xf32>
    %get3A_3087 = arith.constant 1 : index
    %get3A_3088 = arith.constant 101 : index
    %get3A_3089 = arith.constant 0 : index
    %get3A_3090 = vector.load %arg2[%get3A_3087, %get3A_3088, %get3A_3089] : memref<3x256x128xf32, #tpu.memory_space<vmem>>, vector<1x1x128xf32>
    %get3A_3091 = vector.shape_cast %get3A_3090 : vector<1x1x128xf32> to vector<1x128xf32>
    %get3A_3092 = arith.constant 1 : index
    %get3A_3093 = arith.constant 102 : index
    %get3A_3094 = arith.constant 0 : index
    %get3A_3095 = vector.load %arg2[%get3A_3092, %get3A_3093, %get3A_3094] : memref<3x256x128xf32, #tpu.memory_space<vmem>>, vector<1x1x128xf32>
    %get3A_3096 = vector.shape_cast %get3A_3095 : vector<1x1x128xf32> to vector<1x128xf32>
    %get3A_3097 = arith.constant 1 : index
    %get3A_3098 = arith.constant 103 : index
    %get3A_3099 = arith.constant 0 : index
    %get3A_3100 = vector.load %arg2[%get3A_3097, %get3A_3098, %get3A_3099] : memref<3x256x128xf32, #tpu.memory_space<vmem>>, vector<1x1x128xf32>
    %get3A_3101 = vector.shape_cast %get3A_3100 : vector<1x1x128xf32> to vector<1x128xf32>
    %get3A_3102 = arith.constant 1 : index
    %get3A_3103 = arith.constant 104 : index
    %get3A_3104 = arith.constant 0 : index
    %get3A_3105 = vector.load %arg2[%get3A_3102, %get3A_3103, %get3A_3104] : memref<3x256x128xf32, #tpu.memory_space<vmem>>, vector<1x1x128xf32>
    %get3A_3106 = vector.shape_cast %get3A_3105 : vector<1x1x128xf32> to vector<1x128xf32>
    %get3A_3107 = arith.constant 1 : index
    %get3A_3108 = arith.constant 105 : index
    %get3A_3109 = arith.constant 0 : index
    %get3A_3110 = vector.load %arg2[%get3A_3107, %get3A_3108, %get3A_3109] : memref<3x256x128xf32, #tpu.memory_space<vmem>>, vector<1x1x128xf32>
    %get3A_3111 = vector.shape_cast %get3A_3110 : vector<1x1x128xf32> to vector<1x128xf32>
    %get3A_3112 = arith.constant 1 : index
    %get3A_3113 = arith.constant 106 : index
    %get3A_3114 = arith.constant 0 : index
    %get3A_3115 = vector.load %arg2[%get3A_3112, %get3A_3113, %get3A_3114] : memref<3x256x128xf32, #tpu.memory_space<vmem>>, vector<1x1x128xf32>
    %get3A_3116 = vector.shape_cast %get3A_3115 : vector<1x1x128xf32> to vector<1x128xf32>
    %get3A_3117 = arith.constant 1 : index
    %get3A_3118 = arith.constant 107 : index
    %get3A_3119 = arith.constant 0 : index
    %get3A_3120 = vector.load %arg2[%get3A_3117, %get3A_3118, %get3A_3119] : memref<3x256x128xf32, #tpu.memory_space<vmem>>, vector<1x1x128xf32>
    %get3A_3121 = vector.shape_cast %get3A_3120 : vector<1x1x128xf32> to vector<1x128xf32>
    %get3A_3122 = arith.constant 1 : index
    %get3A_3123 = arith.constant 108 : index
    %get3A_3124 = arith.constant 0 : index
    %get3A_3125 = vector.load %arg2[%get3A_3122, %get3A_3123, %get3A_3124] : memref<3x256x128xf32, #tpu.memory_space<vmem>>, vector<1x1x128xf32>
    %get3A_3126 = vector.shape_cast %get3A_3125 : vector<1x1x128xf32> to vector<1x128xf32>
    %get3A_3127 = arith.constant 1 : index
    %get3A_3128 = arith.constant 109 : index
    %get3A_3129 = arith.constant 0 : index
    %get3A_3130 = vector.load %arg2[%get3A_3127, %get3A_3128, %get3A_3129] : memref<3x256x128xf32, #tpu.memory_space<vmem>>, vector<1x1x128xf32>
    %get3A_3131 = vector.shape_cast %get3A_3130 : vector<1x1x128xf32> to vector<1x128xf32>
    %get3A_3132 = arith.constant 1 : index
    %get3A_3133 = arith.constant 110 : index
    %get3A_3134 = arith.constant 0 : index
    %get3A_3135 = vector.load %arg2[%get3A_3132, %get3A_3133, %get3A_3134] : memref<3x256x128xf32, #tpu.memory_space<vmem>>, vector<1x1x128xf32>
    %get3A_3136 = vector.shape_cast %get3A_3135 : vector<1x1x128xf32> to vector<1x128xf32>
    %get3A_3137 = arith.constant 1 : index
    %get3A_3138 = arith.constant 111 : index
    %get3A_3139 = arith.constant 0 : index
    %get3A_3140 = vector.load %arg2[%get3A_3137, %get3A_3138, %get3A_3139] : memref<3x256x128xf32, #tpu.memory_space<vmem>>, vector<1x1x128xf32>
    %get3A_3141 = vector.shape_cast %get3A_3140 : vector<1x1x128xf32> to vector<1x128xf32>
    %get3A_3142 = arith.constant 1 : index
    %get3A_3143 = arith.constant 112 : index
    %get3A_3144 = arith.constant 0 : index
    %get3A_3145 = vector.load %arg2[%get3A_3142, %get3A_3143, %get3A_3144] : memref<3x256x128xf32, #tpu.memory_space<vmem>>, vector<1x1x128xf32>
    %get3A_3146 = vector.shape_cast %get3A_3145 : vector<1x1x128xf32> to vector<1x128xf32>
    %get3A_3147 = arith.constant 1 : index
    %get3A_3148 = arith.constant 113 : index
    %get3A_3149 = arith.constant 0 : index
    %get3A_3150 = vector.load %arg2[%get3A_3147, %get3A_3148, %get3A_3149] : memref<3x256x128xf32, #tpu.memory_space<vmem>>, vector<1x1x128xf32>
    %get3A_3151 = vector.shape_cast %get3A_3150 : vector<1x1x128xf32> to vector<1x128xf32>
    %get3A_3152 = arith.constant 1 : index
    %get3A_3153 = arith.constant 114 : index
    %get3A_3154 = arith.constant 0 : index
    %get3A_3155 = vector.load %arg2[%get3A_3152, %get3A_3153, %get3A_3154] : memref<3x256x128xf32, #tpu.memory_space<vmem>>, vector<1x1x128xf32>
    %get3A_3156 = vector.shape_cast %get3A_3155 : vector<1x1x128xf32> to vector<1x128xf32>
    %get3A_3157 = arith.constant 1 : index
    %get3A_3158 = arith.constant 115 : index
    %get3A_3159 = arith.constant 0 : index
    %get3A_3160 = vector.load %arg2[%get3A_3157, %get3A_3158, %get3A_3159] : memref<3x256x128xf32, #tpu.memory_space<vmem>>, vector<1x1x128xf32>
    %get3A_3161 = vector.shape_cast %get3A_3160 : vector<1x1x128xf32> to vector<1x128xf32>
    %get3A_3162 = arith.constant 1 : index
    %get3A_3163 = arith.constant 116 : index
    %get3A_3164 = arith.constant 0 : index
    %get3A_3165 = vector.load %arg2[%get3A_3162, %get3A_3163, %get3A_3164] : memref<3x256x128xf32, #tpu.memory_space<vmem>>, vector<1x1x128xf32>
    %get3A_3166 = vector.shape_cast %get3A_3165 : vector<1x1x128xf32> to vector<1x128xf32>
    %get3A_3167 = arith.constant 1 : index
    %get3A_3168 = arith.constant 117 : index
    %get3A_3169 = arith.constant 0 : index
    %get3A_3170 = vector.load %arg2[%get3A_3167, %get3A_3168, %get3A_3169] : memref<3x256x128xf32, #tpu.memory_space<vmem>>, vector<1x1x128xf32>
    %get3A_3171 = vector.shape_cast %get3A_3170 : vector<1x1x128xf32> to vector<1x128xf32>
    %get3A_3172 = arith.constant 1 : index
    %get3A_3173 = arith.constant 118 : index
    %get3A_3174 = arith.constant 0 : index
    %get3A_3175 = vector.load %arg2[%get3A_3172, %get3A_3173, %get3A_3174] : memref<3x256x128xf32, #tpu.memory_space<vmem>>, vector<1x1x128xf32>
    %get3A_3176 = vector.shape_cast %get3A_3175 : vector<1x1x128xf32> to vector<1x128xf32>
    %get3A_3177 = arith.constant 1 : index
    %get3A_3178 = arith.constant 119 : index
    %get3A_3179 = arith.constant 0 : index
    %get3A_3180 = vector.load %arg2[%get3A_3177, %get3A_3178, %get3A_3179] : memref<3x256x128xf32, #tpu.memory_space<vmem>>, vector<1x1x128xf32>
    %get3A_3181 = vector.shape_cast %get3A_3180 : vector<1x1x128xf32> to vector<1x128xf32>
    %get3A_3182 = arith.constant 1 : index
    %get3A_3183 = arith.constant 120 : index
    %get3A_3184 = arith.constant 0 : index
    %get3A_3185 = vector.load %arg2[%get3A_3182, %get3A_3183, %get3A_3184] : memref<3x256x128xf32, #tpu.memory_space<vmem>>, vector<1x1x128xf32>
    %get3A_3186 = vector.shape_cast %get3A_3185 : vector<1x1x128xf32> to vector<1x128xf32>
    %get3A_3187 = arith.constant 1 : index
    %get3A_3188 = arith.constant 121 : index
    %get3A_3189 = arith.constant 0 : index
    %get3A_3190 = vector.load %arg2[%get3A_3187, %get3A_3188, %get3A_3189] : memref<3x256x128xf32, #tpu.memory_space<vmem>>, vector<1x1x128xf32>
    %get3A_3191 = vector.shape_cast %get3A_3190 : vector<1x1x128xf32> to vector<1x128xf32>
    %get3A_3192 = arith.constant 1 : index
    %get3A_3193 = arith.constant 122 : index
    %get3A_3194 = arith.constant 0 : index
    %get3A_3195 = vector.load %arg2[%get3A_3192, %get3A_3193, %get3A_3194] : memref<3x256x128xf32, #tpu.memory_space<vmem>>, vector<1x1x128xf32>
    %get3A_3196 = vector.shape_cast %get3A_3195 : vector<1x1x128xf32> to vector<1x128xf32>
    %get3A_3197 = arith.constant 1 : index
    %get3A_3198 = arith.constant 123 : index
    %get3A_3199 = arith.constant 0 : index
    %get3A_3200 = vector.load %arg2[%get3A_3197, %get3A_3198, %get3A_3199] : memref<3x256x128xf32, #tpu.memory_space<vmem>>, vector<1x1x128xf32>
    %get3A_3201 = vector.shape_cast %get3A_3200 : vector<1x1x128xf32> to vector<1x128xf32>
    %get3A_3202 = arith.constant 1 : index
    %get3A_3203 = arith.constant 124 : index
    %get3A_3204 = arith.constant 0 : index
    %get3A_3205 = vector.load %arg2[%get3A_3202, %get3A_3203, %get3A_3204] : memref<3x256x128xf32, #tpu.memory_space<vmem>>, vector<1x1x128xf32>
    %get3A_3206 = vector.shape_cast %get3A_3205 : vector<1x1x128xf32> to vector<1x128xf32>
    %get3A_3207 = arith.constant 1 : index
    %get3A_3208 = arith.constant 125 : index
    %get3A_3209 = arith.constant 0 : index
    %get3A_3210 = vector.load %arg2[%get3A_3207, %get3A_3208, %get3A_3209] : memref<3x256x128xf32, #tpu.memory_space<vmem>>, vector<1x1x128xf32>
    %get3A_3211 = vector.shape_cast %get3A_3210 : vector<1x1x128xf32> to vector<1x128xf32>
    %get3A_3212 = arith.constant 1 : index
    %get3A_3213 = arith.constant 126 : index
    %get3A_3214 = arith.constant 0 : index
    %get3A_3215 = vector.load %arg2[%get3A_3212, %get3A_3213, %get3A_3214] : memref<3x256x128xf32, #tpu.memory_space<vmem>>, vector<1x1x128xf32>
    %get3A_3216 = vector.shape_cast %get3A_3215 : vector<1x1x128xf32> to vector<1x128xf32>
    %get3A_3217 = arith.constant 1 : index
    %get3A_3218 = arith.constant 127 : index
    %get3A_3219 = arith.constant 0 : index
    %get3A_3220 = vector.load %arg2[%get3A_3217, %get3A_3218, %get3A_3219] : memref<3x256x128xf32, #tpu.memory_space<vmem>>, vector<1x1x128xf32>
    %get3A_3221 = vector.shape_cast %get3A_3220 : vector<1x1x128xf32> to vector<1x128xf32>
    %get3A_3222 = arith.constant 1 : index
    %get3A_3223 = arith.constant 128 : index
    %get3A_3224 = arith.constant 0 : index
    %get3A_3225 = vector.load %arg2[%get3A_3222, %get3A_3223, %get3A_3224] : memref<3x256x128xf32, #tpu.memory_space<vmem>>, vector<1x1x128xf32>
    %get3A_3226 = vector.shape_cast %get3A_3225 : vector<1x1x128xf32> to vector<1x128xf32>
    %get3A_3227 = arith.constant 1 : index
    %get3A_3228 = arith.constant 129 : index
    %get3A_3229 = arith.constant 0 : index
    %get3A_3230 = vector.load %arg2[%get3A_3227, %get3A_3228, %get3A_3229] : memref<3x256x128xf32, #tpu.memory_space<vmem>>, vector<1x1x128xf32>
    %get3A_3231 = vector.shape_cast %get3A_3230 : vector<1x1x128xf32> to vector<1x128xf32>
    %get3A_3232 = arith.constant 1 : index
    %get3A_3233 = arith.constant 130 : index
    %get3A_3234 = arith.constant 0 : index
    %get3A_3235 = vector.load %arg2[%get3A_3232, %get3A_3233, %get3A_3234] : memref<3x256x128xf32, #tpu.memory_space<vmem>>, vector<1x1x128xf32>
    %get3A_3236 = vector.shape_cast %get3A_3235 : vector<1x1x128xf32> to vector<1x128xf32>
    %get3A_3237 = arith.constant 1 : index
    %get3A_3238 = arith.constant 131 : index
    %get3A_3239 = arith.constant 0 : index
    %get3A_3240 = vector.load %arg2[%get3A_3237, %get3A_3238, %get3A_3239] : memref<3x256x128xf32, #tpu.memory_space<vmem>>, vector<1x1x128xf32>
    %get3A_3241 = vector.shape_cast %get3A_3240 : vector<1x1x128xf32> to vector<1x128xf32>
    %get3A_3242 = arith.constant 1 : index
    %get3A_3243 = arith.constant 132 : index
    %get3A_3244 = arith.constant 0 : index
    %get3A_3245 = vector.load %arg2[%get3A_3242, %get3A_3243, %get3A_3244] : memref<3x256x128xf32, #tpu.memory_space<vmem>>, vector<1x1x128xf32>
    %get3A_3246 = vector.shape_cast %get3A_3245 : vector<1x1x128xf32> to vector<1x128xf32>
    %get3A_3247 = arith.constant 1 : index
    %get3A_3248 = arith.constant 133 : index
    %get3A_3249 = arith.constant 0 : index
    %get3A_3250 = vector.load %arg2[%get3A_3247, %get3A_3248, %get3A_3249] : memref<3x256x128xf32, #tpu.memory_space<vmem>>, vector<1x1x128xf32>
    %get3A_3251 = vector.shape_cast %get3A_3250 : vector<1x1x128xf32> to vector<1x128xf32>
    %get3A_3252 = arith.constant 1 : index
    %get3A_3253 = arith.constant 134 : index
    %get3A_3254 = arith.constant 0 : index
    %get3A_3255 = vector.load %arg2[%get3A_3252, %get3A_3253, %get3A_3254] : memref<3x256x128xf32, #tpu.memory_space<vmem>>, vector<1x1x128xf32>
    %get3A_3256 = vector.shape_cast %get3A_3255 : vector<1x1x128xf32> to vector<1x128xf32>
    %get3A_3257 = arith.constant 1 : index
    %get3A_3258 = arith.constant 135 : index
    %get3A_3259 = arith.constant 0 : index
    %get3A_3260 = vector.load %arg2[%get3A_3257, %get3A_3258, %get3A_3259] : memref<3x256x128xf32, #tpu.memory_space<vmem>>, vector<1x1x128xf32>
    %get3A_3261 = vector.shape_cast %get3A_3260 : vector<1x1x128xf32> to vector<1x128xf32>
    %get3A_3262 = arith.constant 1 : index
    %get3A_3263 = arith.constant 136 : index
    %get3A_3264 = arith.constant 0 : index
    %get3A_3265 = vector.load %arg2[%get3A_3262, %get3A_3263, %get3A_3264] : memref<3x256x128xf32, #tpu.memory_space<vmem>>, vector<1x1x128xf32>
    %get3A_3266 = vector.shape_cast %get3A_3265 : vector<1x1x128xf32> to vector<1x128xf32>
    %get3A_3267 = arith.constant 1 : index
    %get3A_3268 = arith.constant 137 : index
    %get3A_3269 = arith.constant 0 : index
    %get3A_3270 = vector.load %arg2[%get3A_3267, %get3A_3268, %get3A_3269] : memref<3x256x128xf32, #tpu.memory_space<vmem>>, vector<1x1x128xf32>
    %get3A_3271 = vector.shape_cast %get3A_3270 : vector<1x1x128xf32> to vector<1x128xf32>
    %get3A_3272 = arith.constant 1 : index
    %get3A_3273 = arith.constant 138 : index
    %get3A_3274 = arith.constant 0 : index
    %get3A_3275 = vector.load %arg2[%get3A_3272, %get3A_3273, %get3A_3274] : memref<3x256x128xf32, #tpu.memory_space<vmem>>, vector<1x1x128xf32>
    %get3A_3276 = vector.shape_cast %get3A_3275 : vector<1x1x128xf32> to vector<1x128xf32>
    %get3A_3277 = arith.constant 1 : index
    %get3A_3278 = arith.constant 139 : index
    %get3A_3279 = arith.constant 0 : index
    %get3A_3280 = vector.load %arg2[%get3A_3277, %get3A_3278, %get3A_3279] : memref<3x256x128xf32, #tpu.memory_space<vmem>>, vector<1x1x128xf32>
    %get3A_3281 = vector.shape_cast %get3A_3280 : vector<1x1x128xf32> to vector<1x128xf32>
    %get3A_3282 = arith.constant 1 : index
    %get3A_3283 = arith.constant 140 : index
    %get3A_3284 = arith.constant 0 : index
    %get3A_3285 = vector.load %arg2[%get3A_3282, %get3A_3283, %get3A_3284] : memref<3x256x128xf32, #tpu.memory_space<vmem>>, vector<1x1x128xf32>
    %get3A_3286 = vector.shape_cast %get3A_3285 : vector<1x1x128xf32> to vector<1x128xf32>
    %get3A_3287 = arith.constant 1 : index
    %get3A_3288 = arith.constant 141 : index
    %get3A_3289 = arith.constant 0 : index
    %get3A_3290 = vector.load %arg2[%get3A_3287, %get3A_3288, %get3A_3289] : memref<3x256x128xf32, #tpu.memory_space<vmem>>, vector<1x1x128xf32>
    %get3A_3291 = vector.shape_cast %get3A_3290 : vector<1x1x128xf32> to vector<1x128xf32>
    %get3A_3292 = arith.constant 1 : index
    %get3A_3293 = arith.constant 142 : index
    %get3A_3294 = arith.constant 0 : index
    %get3A_3295 = vector.load %arg2[%get3A_3292, %get3A_3293, %get3A_3294] : memref<3x256x128xf32, #tpu.memory_space<vmem>>, vector<1x1x128xf32>
    %get3A_3296 = vector.shape_cast %get3A_3295 : vector<1x1x128xf32> to vector<1x128xf32>
    %get3A_3297 = arith.constant 1 : index
    %get3A_3298 = arith.constant 143 : index
    %get3A_3299 = arith.constant 0 : index
    %get3A_3300 = vector.load %arg2[%get3A_3297, %get3A_3298, %get3A_3299] : memref<3x256x128xf32, #tpu.memory_space<vmem>>, vector<1x1x128xf32>
    %get3A_3301 = vector.shape_cast %get3A_3300 : vector<1x1x128xf32> to vector<1x128xf32>
    %get3A_3302 = arith.constant 1 : index
    %get3A_3303 = arith.constant 144 : index
    %get3A_3304 = arith.constant 0 : index
    %get3A_3305 = vector.load %arg2[%get3A_3302, %get3A_3303, %get3A_3304] : memref<3x256x128xf32, #tpu.memory_space<vmem>>, vector<1x1x128xf32>
    %get3A_3306 = vector.shape_cast %get3A_3305 : vector<1x1x128xf32> to vector<1x128xf32>
    %get3A_3307 = arith.constant 1 : index
    %get3A_3308 = arith.constant 145 : index
    %get3A_3309 = arith.constant 0 : index
    %get3A_3310 = vector.load %arg2[%get3A_3307, %get3A_3308, %get3A_3309] : memref<3x256x128xf32, #tpu.memory_space<vmem>>, vector<1x1x128xf32>
    %get3A_3311 = vector.shape_cast %get3A_3310 : vector<1x1x128xf32> to vector<1x128xf32>
    %get3A_3312 = arith.constant 1 : index
    %get3A_3313 = arith.constant 146 : index
    %get3A_3314 = arith.constant 0 : index
    %get3A_3315 = vector.load %arg2[%get3A_3312, %get3A_3313, %get3A_3314] : memref<3x256x128xf32, #tpu.memory_space<vmem>>, vector<1x1x128xf32>
    %get3A_3316 = vector.shape_cast %get3A_3315 : vector<1x1x128xf32> to vector<1x128xf32>
    %get3A_3317 = arith.constant 1 : index
    %get3A_3318 = arith.constant 147 : index
    %get3A_3319 = arith.constant 0 : index
    %get3A_3320 = vector.load %arg2[%get3A_3317, %get3A_3318, %get3A_3319] : memref<3x256x128xf32, #tpu.memory_space<vmem>>, vector<1x1x128xf32>
    %get3A_3321 = vector.shape_cast %get3A_3320 : vector<1x1x128xf32> to vector<1x128xf32>
    %get3A_3322 = arith.constant 1 : index
    %get3A_3323 = arith.constant 148 : index
    %get3A_3324 = arith.constant 0 : index
    %get3A_3325 = vector.load %arg2[%get3A_3322, %get3A_3323, %get3A_3324] : memref<3x256x128xf32, #tpu.memory_space<vmem>>, vector<1x1x128xf32>
    %get3A_3326 = vector.shape_cast %get3A_3325 : vector<1x1x128xf32> to vector<1x128xf32>
    %get3A_3327 = arith.constant 1 : index
    %get3A_3328 = arith.constant 149 : index
    %get3A_3329 = arith.constant 0 : index
    %get3A_3330 = vector.load %arg2[%get3A_3327, %get3A_3328, %get3A_3329] : memref<3x256x128xf32, #tpu.memory_space<vmem>>, vector<1x1x128xf32>
    %get3A_3331 = vector.shape_cast %get3A_3330 : vector<1x1x128xf32> to vector<1x128xf32>
    %get3A_3332 = arith.constant 1 : index
    %get3A_3333 = arith.constant 150 : index
    %get3A_3334 = arith.constant 0 : index
    %get3A_3335 = vector.load %arg2[%get3A_3332, %get3A_3333, %get3A_3334] : memref<3x256x128xf32, #tpu.memory_space<vmem>>, vector<1x1x128xf32>
    %get3A_3336 = vector.shape_cast %get3A_3335 : vector<1x1x128xf32> to vector<1x128xf32>
    %get3A_3337 = arith.constant 1 : index
    %get3A_3338 = arith.constant 151 : index
    %get3A_3339 = arith.constant 0 : index
    %get3A_3340 = vector.load %arg2[%get3A_3337, %get3A_3338, %get3A_3339] : memref<3x256x128xf32, #tpu.memory_space<vmem>>, vector<1x1x128xf32>
    %get3A_3341 = vector.shape_cast %get3A_3340 : vector<1x1x128xf32> to vector<1x128xf32>
    %get3A_3342 = arith.constant 1 : index
    %get3A_3343 = arith.constant 152 : index
    %get3A_3344 = arith.constant 0 : index
    %get3A_3345 = vector.load %arg2[%get3A_3342, %get3A_3343, %get3A_3344] : memref<3x256x128xf32, #tpu.memory_space<vmem>>, vector<1x1x128xf32>
    %get3A_3346 = vector.shape_cast %get3A_3345 : vector<1x1x128xf32> to vector<1x128xf32>
    %get3A_3347 = arith.constant 1 : index
    %get3A_3348 = arith.constant 153 : index
    %get3A_3349 = arith.constant 0 : index
    %get3A_3350 = vector.load %arg2[%get3A_3347, %get3A_3348, %get3A_3349] : memref<3x256x128xf32, #tpu.memory_space<vmem>>, vector<1x1x128xf32>
    %get3A_3351 = vector.shape_cast %get3A_3350 : vector<1x1x128xf32> to vector<1x128xf32>
    %get3A_3352 = arith.constant 1 : index
    %get3A_3353 = arith.constant 154 : index
    %get3A_3354 = arith.constant 0 : index
    %get3A_3355 = vector.load %arg2[%get3A_3352, %get3A_3353, %get3A_3354] : memref<3x256x128xf32, #tpu.memory_space<vmem>>, vector<1x1x128xf32>
    %get3A_3356 = vector.shape_cast %get3A_3355 : vector<1x1x128xf32> to vector<1x128xf32>
    %get3A_3357 = arith.constant 1 : index
    %get3A_3358 = arith.constant 155 : index
    %get3A_3359 = arith.constant 0 : index
    %get3A_3360 = vector.load %arg2[%get3A_3357, %get3A_3358, %get3A_3359] : memref<3x256x128xf32, #tpu.memory_space<vmem>>, vector<1x1x128xf32>
    %get3A_3361 = vector.shape_cast %get3A_3360 : vector<1x1x128xf32> to vector<1x128xf32>
    %get3A_3362 = arith.constant 1 : index
    %get3A_3363 = arith.constant 156 : index
    %get3A_3364 = arith.constant 0 : index
    %get3A_3365 = vector.load %arg2[%get3A_3362, %get3A_3363, %get3A_3364] : memref<3x256x128xf32, #tpu.memory_space<vmem>>, vector<1x1x128xf32>
    %get3A_3366 = vector.shape_cast %get3A_3365 : vector<1x1x128xf32> to vector<1x128xf32>
    %get3A_3367 = arith.constant 1 : index
    %get3A_3368 = arith.constant 157 : index
    %get3A_3369 = arith.constant 0 : index
    %get3A_3370 = vector.load %arg2[%get3A_3367, %get3A_3368, %get3A_3369] : memref<3x256x128xf32, #tpu.memory_space<vmem>>, vector<1x1x128xf32>
    %get3A_3371 = vector.shape_cast %get3A_3370 : vector<1x1x128xf32> to vector<1x128xf32>
    %get3A_3372 = arith.constant 1 : index
    %get3A_3373 = arith.constant 158 : index
    %get3A_3374 = arith.constant 0 : index
    %get3A_3375 = vector.load %arg2[%get3A_3372, %get3A_3373, %get3A_3374] : memref<3x256x128xf32, #tpu.memory_space<vmem>>, vector<1x1x128xf32>
    %get3A_3376 = vector.shape_cast %get3A_3375 : vector<1x1x128xf32> to vector<1x128xf32>
    %get3A_3377 = arith.constant 1 : index
    %get3A_3378 = arith.constant 159 : index
    %get3A_3379 = arith.constant 0 : index
    %get3A_3380 = vector.load %arg2[%get3A_3377, %get3A_3378, %get3A_3379] : memref<3x256x128xf32, #tpu.memory_space<vmem>>, vector<1x1x128xf32>
    %get3A_3381 = vector.shape_cast %get3A_3380 : vector<1x1x128xf32> to vector<1x128xf32>
    %get3A_3382 = arith.constant 1 : index
    %get3A_3383 = arith.constant 160 : index
    %get3A_3384 = arith.constant 0 : index
    %get3A_3385 = vector.load %arg2[%get3A_3382, %get3A_3383, %get3A_3384] : memref<3x256x128xf32, #tpu.memory_space<vmem>>, vector<1x1x128xf32>
    %get3A_3386 = vector.shape_cast %get3A_3385 : vector<1x1x128xf32> to vector<1x128xf32>
    %get3A_3387 = arith.constant 1 : index
    %get3A_3388 = arith.constant 161 : index
    %get3A_3389 = arith.constant 0 : index
    %get3A_3390 = vector.load %arg2[%get3A_3387, %get3A_3388, %get3A_3389] : memref<3x256x128xf32, #tpu.memory_space<vmem>>, vector<1x1x128xf32>
    %get3A_3391 = vector.shape_cast %get3A_3390 : vector<1x1x128xf32> to vector<1x128xf32>
    %get3A_3392 = arith.constant 1 : index
    %get3A_3393 = arith.constant 162 : index
    %get3A_3394 = arith.constant 0 : index
    %get3A_3395 = vector.load %arg2[%get3A_3392, %get3A_3393, %get3A_3394] : memref<3x256x128xf32, #tpu.memory_space<vmem>>, vector<1x1x128xf32>
    %get3A_3396 = vector.shape_cast %get3A_3395 : vector<1x1x128xf32> to vector<1x128xf32>
    %get3A_3397 = arith.constant 1 : index
    %get3A_3398 = arith.constant 163 : index
    %get3A_3399 = arith.constant 0 : index
    %get3A_3400 = vector.load %arg2[%get3A_3397, %get3A_3398, %get3A_3399] : memref<3x256x128xf32, #tpu.memory_space<vmem>>, vector<1x1x128xf32>
    %get3A_3401 = vector.shape_cast %get3A_3400 : vector<1x1x128xf32> to vector<1x128xf32>
    %get3A_3402 = arith.constant 1 : index
    %get3A_3403 = arith.constant 164 : index
    %get3A_3404 = arith.constant 0 : index
    %get3A_3405 = vector.load %arg2[%get3A_3402, %get3A_3403, %get3A_3404] : memref<3x256x128xf32, #tpu.memory_space<vmem>>, vector<1x1x128xf32>
    %get3A_3406 = vector.shape_cast %get3A_3405 : vector<1x1x128xf32> to vector<1x128xf32>
    %get3A_3407 = arith.constant 1 : index
    %get3A_3408 = arith.constant 165 : index
    %get3A_3409 = arith.constant 0 : index
    %get3A_3410 = vector.load %arg2[%get3A_3407, %get3A_3408, %get3A_3409] : memref<3x256x128xf32, #tpu.memory_space<vmem>>, vector<1x1x128xf32>
    %get3A_3411 = vector.shape_cast %get3A_3410 : vector<1x1x128xf32> to vector<1x128xf32>
    %get3A_3412 = arith.constant 1 : index
    %get3A_3413 = arith.constant 166 : index
    %get3A_3414 = arith.constant 0 : index
    %get3A_3415 = vector.load %arg2[%get3A_3412, %get3A_3413, %get3A_3414] : memref<3x256x128xf32, #tpu.memory_space<vmem>>, vector<1x1x128xf32>
    %get3A_3416 = vector.shape_cast %get3A_3415 : vector<1x1x128xf32> to vector<1x128xf32>
    %get3A_3417 = arith.constant 1 : index
    %get3A_3418 = arith.constant 167 : index
    %get3A_3419 = arith.constant 0 : index
    %get3A_3420 = vector.load %arg2[%get3A_3417, %get3A_3418, %get3A_3419] : memref<3x256x128xf32, #tpu.memory_space<vmem>>, vector<1x1x128xf32>
    %get3A_3421 = vector.shape_cast %get3A_3420 : vector<1x1x128xf32> to vector<1x128xf32>
    %get3A_3422 = arith.constant 1 : index
    %get3A_3423 = arith.constant 168 : index
    %get3A_3424 = arith.constant 0 : index
    %get3A_3425 = vector.load %arg2[%get3A_3422, %get3A_3423, %get3A_3424] : memref<3x256x128xf32, #tpu.memory_space<vmem>>, vector<1x1x128xf32>
    %get3A_3426 = vector.shape_cast %get3A_3425 : vector<1x1x128xf32> to vector<1x128xf32>
    %get3A_3427 = arith.constant 1 : index
    %get3A_3428 = arith.constant 169 : index
    %get3A_3429 = arith.constant 0 : index
    %get3A_3430 = vector.load %arg2[%get3A_3427, %get3A_3428, %get3A_3429] : memref<3x256x128xf32, #tpu.memory_space<vmem>>, vector<1x1x128xf32>
    %get3A_3431 = vector.shape_cast %get3A_3430 : vector<1x1x128xf32> to vector<1x128xf32>
    %get3A_3432 = arith.constant 1 : index
    %get3A_3433 = arith.constant 170 : index
    %get3A_3434 = arith.constant 0 : index
    %get3A_3435 = vector.load %arg2[%get3A_3432, %get3A_3433, %get3A_3434] : memref<3x256x128xf32, #tpu.memory_space<vmem>>, vector<1x1x128xf32>
    %get3A_3436 = vector.shape_cast %get3A_3435 : vector<1x1x128xf32> to vector<1x128xf32>
    %get3A_3437 = arith.constant 1 : index
    %get3A_3438 = arith.constant 171 : index
    %get3A_3439 = arith.constant 0 : index
    %get3A_3440 = vector.load %arg2[%get3A_3437, %get3A_3438, %get3A_3439] : memref<3x256x128xf32, #tpu.memory_space<vmem>>, vector<1x1x128xf32>
    %get3A_3441 = vector.shape_cast %get3A_3440 : vector<1x1x128xf32> to vector<1x128xf32>
    %get3A_3442 = arith.constant 1 : index
    %get3A_3443 = arith.constant 172 : index
    %get3A_3444 = arith.constant 0 : index
    %get3A_3445 = vector.load %arg2[%get3A_3442, %get3A_3443, %get3A_3444] : memref<3x256x128xf32, #tpu.memory_space<vmem>>, vector<1x1x128xf32>
    %get3A_3446 = vector.shape_cast %get3A_3445 : vector<1x1x128xf32> to vector<1x128xf32>
    %get3A_3447 = arith.constant 1 : index
    %get3A_3448 = arith.constant 173 : index
    %get3A_3449 = arith.constant 0 : index
    %get3A_3450 = vector.load %arg2[%get3A_3447, %get3A_3448, %get3A_3449] : memref<3x256x128xf32, #tpu.memory_space<vmem>>, vector<1x1x128xf32>
    %get3A_3451 = vector.shape_cast %get3A_3450 : vector<1x1x128xf32> to vector<1x128xf32>
    %get3A_3452 = arith.constant 1 : index
    %get3A_3453 = arith.constant 174 : index
    %get3A_3454 = arith.constant 0 : index
    %get3A_3455 = vector.load %arg2[%get3A_3452, %get3A_3453, %get3A_3454] : memref<3x256x128xf32, #tpu.memory_space<vmem>>, vector<1x1x128xf32>
    %get3A_3456 = vector.shape_cast %get3A_3455 : vector<1x1x128xf32> to vector<1x128xf32>
    %get3A_3457 = arith.constant 1 : index
    %get3A_3458 = arith.constant 175 : index
    %get3A_3459 = arith.constant 0 : index
    %get3A_3460 = vector.load %arg2[%get3A_3457, %get3A_3458, %get3A_3459] : memref<3x256x128xf32, #tpu.memory_space<vmem>>, vector<1x1x128xf32>
    %get3A_3461 = vector.shape_cast %get3A_3460 : vector<1x1x128xf32> to vector<1x128xf32>
    %get3A_3462 = arith.constant 1 : index
    %get3A_3463 = arith.constant 176 : index
    %get3A_3464 = arith.constant 0 : index
    %get3A_3465 = vector.load %arg2[%get3A_3462, %get3A_3463, %get3A_3464] : memref<3x256x128xf32, #tpu.memory_space<vmem>>, vector<1x1x128xf32>
    %get3A_3466 = vector.shape_cast %get3A_3465 : vector<1x1x128xf32> to vector<1x128xf32>
    %get3A_3467 = arith.constant 1 : index
    %get3A_3468 = arith.constant 177 : index
    %get3A_3469 = arith.constant 0 : index
    %get3A_3470 = vector.load %arg2[%get3A_3467, %get3A_3468, %get3A_3469] : memref<3x256x128xf32, #tpu.memory_space<vmem>>, vector<1x1x128xf32>
    %get3A_3471 = vector.shape_cast %get3A_3470 : vector<1x1x128xf32> to vector<1x128xf32>
    %get3A_3472 = arith.constant 1 : index
    %get3A_3473 = arith.constant 178 : index
    %get3A_3474 = arith.constant 0 : index
    %get3A_3475 = vector.load %arg2[%get3A_3472, %get3A_3473, %get3A_3474] : memref<3x256x128xf32, #tpu.memory_space<vmem>>, vector<1x1x128xf32>
    %get3A_3476 = vector.shape_cast %get3A_3475 : vector<1x1x128xf32> to vector<1x128xf32>
    %get3A_3477 = arith.constant 1 : index
    %get3A_3478 = arith.constant 179 : index
    %get3A_3479 = arith.constant 0 : index
    %get3A_3480 = vector.load %arg2[%get3A_3477, %get3A_3478, %get3A_3479] : memref<3x256x128xf32, #tpu.memory_space<vmem>>, vector<1x1x128xf32>
    %get3A_3481 = vector.shape_cast %get3A_3480 : vector<1x1x128xf32> to vector<1x128xf32>
    %get3A_3482 = arith.constant 1 : index
    %get3A_3483 = arith.constant 180 : index
    %get3A_3484 = arith.constant 0 : index
    %get3A_3485 = vector.load %arg2[%get3A_3482, %get3A_3483, %get3A_3484] : memref<3x256x128xf32, #tpu.memory_space<vmem>>, vector<1x1x128xf32>
    %get3A_3486 = vector.shape_cast %get3A_3485 : vector<1x1x128xf32> to vector<1x128xf32>
    %get3A_3487 = arith.constant 1 : index
    %get3A_3488 = arith.constant 181 : index
    %get3A_3489 = arith.constant 0 : index
    %get3A_3490 = vector.load %arg2[%get3A_3487, %get3A_3488, %get3A_3489] : memref<3x256x128xf32, #tpu.memory_space<vmem>>, vector<1x1x128xf32>
    %get3A_3491 = vector.shape_cast %get3A_3490 : vector<1x1x128xf32> to vector<1x128xf32>
    %get3A_3492 = arith.constant 1 : index
    %get3A_3493 = arith.constant 182 : index
    %get3A_3494 = arith.constant 0 : index
    %get3A_3495 = vector.load %arg2[%get3A_3492, %get3A_3493, %get3A_3494] : memref<3x256x128xf32, #tpu.memory_space<vmem>>, vector<1x1x128xf32>
    %get3A_3496 = vector.shape_cast %get3A_3495 : vector<1x1x128xf32> to vector<1x128xf32>
    %get3A_3497 = arith.constant 1 : index
    %get3A_3498 = arith.constant 183 : index
    %get3A_3499 = arith.constant 0 : index
    %get3A_3500 = vector.load %arg2[%get3A_3497, %get3A_3498, %get3A_3499] : memref<3x256x128xf32, #tpu.memory_space<vmem>>, vector<1x1x128xf32>
    %get3A_3501 = vector.shape_cast %get3A_3500 : vector<1x1x128xf32> to vector<1x128xf32>
    %get3A_3502 = arith.constant 1 : index
    %get3A_3503 = arith.constant 184 : index
    %get3A_3504 = arith.constant 0 : index
    %get3A_3505 = vector.load %arg2[%get3A_3502, %get3A_3503, %get3A_3504] : memref<3x256x128xf32, #tpu.memory_space<vmem>>, vector<1x1x128xf32>
    %get3A_3506 = vector.shape_cast %get3A_3505 : vector<1x1x128xf32> to vector<1x128xf32>
    %get3A_3507 = arith.constant 1 : index
    %get3A_3508 = arith.constant 185 : index
    %get3A_3509 = arith.constant 0 : index
    %get3A_3510 = vector.load %arg2[%get3A_3507, %get3A_3508, %get3A_3509] : memref<3x256x128xf32, #tpu.memory_space<vmem>>, vector<1x1x128xf32>
    %get3A_3511 = vector.shape_cast %get3A_3510 : vector<1x1x128xf32> to vector<1x128xf32>
    %get3A_3512 = arith.constant 1 : index
    %get3A_3513 = arith.constant 186 : index
    %get3A_3514 = arith.constant 0 : index
    %get3A_3515 = vector.load %arg2[%get3A_3512, %get3A_3513, %get3A_3514] : memref<3x256x128xf32, #tpu.memory_space<vmem>>, vector<1x1x128xf32>
    %get3A_3516 = vector.shape_cast %get3A_3515 : vector<1x1x128xf32> to vector<1x128xf32>
    %get3A_3517 = arith.constant 1 : index
    %get3A_3518 = arith.constant 187 : index
    %get3A_3519 = arith.constant 0 : index
    %get3A_3520 = vector.load %arg2[%get3A_3517, %get3A_3518, %get3A_3519] : memref<3x256x128xf32, #tpu.memory_space<vmem>>, vector<1x1x128xf32>
    %get3A_3521 = vector.shape_cast %get3A_3520 : vector<1x1x128xf32> to vector<1x128xf32>
    %get3A_3522 = arith.constant 1 : index
    %get3A_3523 = arith.constant 188 : index
    %get3A_3524 = arith.constant 0 : index
    %get3A_3525 = vector.load %arg2[%get3A_3522, %get3A_3523, %get3A_3524] : memref<3x256x128xf32, #tpu.memory_space<vmem>>, vector<1x1x128xf32>
    %get3A_3526 = vector.shape_cast %get3A_3525 : vector<1x1x128xf32> to vector<1x128xf32>
    %get3A_3527 = arith.constant 1 : index
    %get3A_3528 = arith.constant 189 : index
    %get3A_3529 = arith.constant 0 : index
    %get3A_3530 = vector.load %arg2[%get3A_3527, %get3A_3528, %get3A_3529] : memref<3x256x128xf32, #tpu.memory_space<vmem>>, vector<1x1x128xf32>
    %get3A_3531 = vector.shape_cast %get3A_3530 : vector<1x1x128xf32> to vector<1x128xf32>
    %get3A_3532 = arith.constant 1 : index
    %get3A_3533 = arith.constant 190 : index
    %get3A_3534 = arith.constant 0 : index
    %get3A_3535 = vector.load %arg2[%get3A_3532, %get3A_3533, %get3A_3534] : memref<3x256x128xf32, #tpu.memory_space<vmem>>, vector<1x1x128xf32>
    %get3A_3536 = vector.shape_cast %get3A_3535 : vector<1x1x128xf32> to vector<1x128xf32>
    %get3A_3537 = arith.constant 1 : index
    %get3A_3538 = arith.constant 191 : index
    %get3A_3539 = arith.constant 0 : index
    %get3A_3540 = vector.load %arg2[%get3A_3537, %get3A_3538, %get3A_3539] : memref<3x256x128xf32, #tpu.memory_space<vmem>>, vector<1x1x128xf32>
    %get3A_3541 = vector.shape_cast %get3A_3540 : vector<1x1x128xf32> to vector<1x128xf32>
    %get3A_3542 = arith.constant 1 : index
    %get3A_3543 = arith.constant 192 : index
    %get3A_3544 = arith.constant 0 : index
    %get3A_3545 = vector.load %arg2[%get3A_3542, %get3A_3543, %get3A_3544] : memref<3x256x128xf32, #tpu.memory_space<vmem>>, vector<1x1x128xf32>
    %get3A_3546 = vector.shape_cast %get3A_3545 : vector<1x1x128xf32> to vector<1x128xf32>
    %get3A_3547 = arith.constant 1 : index
    %get3A_3548 = arith.constant 193 : index
    %get3A_3549 = arith.constant 0 : index
    %get3A_3550 = vector.load %arg2[%get3A_3547, %get3A_3548, %get3A_3549] : memref<3x256x128xf32, #tpu.memory_space<vmem>>, vector<1x1x128xf32>
    %get3A_3551 = vector.shape_cast %get3A_3550 : vector<1x1x128xf32> to vector<1x128xf32>
    %get3A_3552 = arith.constant 1 : index
    %get3A_3553 = arith.constant 194 : index
    %get3A_3554 = arith.constant 0 : index
    %get3A_3555 = vector.load %arg2[%get3A_3552, %get3A_3553, %get3A_3554] : memref<3x256x128xf32, #tpu.memory_space<vmem>>, vector<1x1x128xf32>
    %get3A_3556 = vector.shape_cast %get3A_3555 : vector<1x1x128xf32> to vector<1x128xf32>
    %get3A_3557 = arith.constant 1 : index
    %get3A_3558 = arith.constant 195 : index
    %get3A_3559 = arith.constant 0 : index
    %get3A_3560 = vector.load %arg2[%get3A_3557, %get3A_3558, %get3A_3559] : memref<3x256x128xf32, #tpu.memory_space<vmem>>, vector<1x1x128xf32>
    %get3A_3561 = vector.shape_cast %get3A_3560 : vector<1x1x128xf32> to vector<1x128xf32>
    %get3A_3562 = arith.constant 1 : index
    %get3A_3563 = arith.constant 196 : index
    %get3A_3564 = arith.constant 0 : index
    %get3A_3565 = vector.load %arg2[%get3A_3562, %get3A_3563, %get3A_3564] : memref<3x256x128xf32, #tpu.memory_space<vmem>>, vector<1x1x128xf32>
    %get3A_3566 = vector.shape_cast %get3A_3565 : vector<1x1x128xf32> to vector<1x128xf32>
    %get3A_3567 = arith.constant 1 : index
    %get3A_3568 = arith.constant 197 : index
    %get3A_3569 = arith.constant 0 : index
    %get3A_3570 = vector.load %arg2[%get3A_3567, %get3A_3568, %get3A_3569] : memref<3x256x128xf32, #tpu.memory_space<vmem>>, vector<1x1x128xf32>
    %get3A_3571 = vector.shape_cast %get3A_3570 : vector<1x1x128xf32> to vector<1x128xf32>
    %get3A_3572 = arith.constant 1 : index
    %get3A_3573 = arith.constant 198 : index
    %get3A_3574 = arith.constant 0 : index
    %get3A_3575 = vector.load %arg2[%get3A_3572, %get3A_3573, %get3A_3574] : memref<3x256x128xf32, #tpu.memory_space<vmem>>, vector<1x1x128xf32>
    %get3A_3576 = vector.shape_cast %get3A_3575 : vector<1x1x128xf32> to vector<1x128xf32>
    %get3A_3577 = arith.constant 1 : index
    %get3A_3578 = arith.constant 199 : index
    %get3A_3579 = arith.constant 0 : index
    %get3A_3580 = vector.load %arg2[%get3A_3577, %get3A_3578, %get3A_3579] : memref<3x256x128xf32, #tpu.memory_space<vmem>>, vector<1x1x128xf32>
    %get3A_3581 = vector.shape_cast %get3A_3580 : vector<1x1x128xf32> to vector<1x128xf32>
    %get3A_3582 = arith.constant 1 : index
    %get3A_3583 = arith.constant 200 : index
    %get3A_3584 = arith.constant 0 : index
    %get3A_3585 = vector.load %arg2[%get3A_3582, %get3A_3583, %get3A_3584] : memref<3x256x128xf32, #tpu.memory_space<vmem>>, vector<1x1x128xf32>
    %get3A_3586 = vector.shape_cast %get3A_3585 : vector<1x1x128xf32> to vector<1x128xf32>
    %get3A_3587 = arith.constant 1 : index
    %get3A_3588 = arith.constant 201 : index
    %get3A_3589 = arith.constant 0 : index
    %get3A_3590 = vector.load %arg2[%get3A_3587, %get3A_3588, %get3A_3589] : memref<3x256x128xf32, #tpu.memory_space<vmem>>, vector<1x1x128xf32>
    %get3A_3591 = vector.shape_cast %get3A_3590 : vector<1x1x128xf32> to vector<1x128xf32>
    %get3A_3592 = arith.constant 1 : index
    %get3A_3593 = arith.constant 202 : index
    %get3A_3594 = arith.constant 0 : index
    %get3A_3595 = vector.load %arg2[%get3A_3592, %get3A_3593, %get3A_3594] : memref<3x256x128xf32, #tpu.memory_space<vmem>>, vector<1x1x128xf32>
    %get3A_3596 = vector.shape_cast %get3A_3595 : vector<1x1x128xf32> to vector<1x128xf32>
    %get3A_3597 = arith.constant 1 : index
    %get3A_3598 = arith.constant 203 : index
    %get3A_3599 = arith.constant 0 : index
    %get3A_3600 = vector.load %arg2[%get3A_3597, %get3A_3598, %get3A_3599] : memref<3x256x128xf32, #tpu.memory_space<vmem>>, vector<1x1x128xf32>
    %get3A_3601 = vector.shape_cast %get3A_3600 : vector<1x1x128xf32> to vector<1x128xf32>
    %get3A_3602 = arith.constant 1 : index
    %get3A_3603 = arith.constant 204 : index
    %get3A_3604 = arith.constant 0 : index
    %get3A_3605 = vector.load %arg2[%get3A_3602, %get3A_3603, %get3A_3604] : memref<3x256x128xf32, #tpu.memory_space<vmem>>, vector<1x1x128xf32>
    %get3A_3606 = vector.shape_cast %get3A_3605 : vector<1x1x128xf32> to vector<1x128xf32>
    %get3A_3607 = arith.constant 1 : index
    %get3A_3608 = arith.constant 205 : index
    %get3A_3609 = arith.constant 0 : index
    %get3A_3610 = vector.load %arg2[%get3A_3607, %get3A_3608, %get3A_3609] : memref<3x256x128xf32, #tpu.memory_space<vmem>>, vector<1x1x128xf32>
    %get3A_3611 = vector.shape_cast %get3A_3610 : vector<1x1x128xf32> to vector<1x128xf32>
    %get3A_3612 = arith.constant 1 : index
    %get3A_3613 = arith.constant 206 : index
    %get3A_3614 = arith.constant 0 : index
    %get3A_3615 = vector.load %arg2[%get3A_3612, %get3A_3613, %get3A_3614] : memref<3x256x128xf32, #tpu.memory_space<vmem>>, vector<1x1x128xf32>
    %get3A_3616 = vector.shape_cast %get3A_3615 : vector<1x1x128xf32> to vector<1x128xf32>
    %get3A_3617 = arith.constant 1 : index
    %get3A_3618 = arith.constant 207 : index
    %get3A_3619 = arith.constant 0 : index
    %get3A_3620 = vector.load %arg2[%get3A_3617, %get3A_3618, %get3A_3619] : memref<3x256x128xf32, #tpu.memory_space<vmem>>, vector<1x1x128xf32>
    %get3A_3621 = vector.shape_cast %get3A_3620 : vector<1x1x128xf32> to vector<1x128xf32>
    %get3A_3622 = arith.constant 1 : index
    %get3A_3623 = arith.constant 208 : index
    %get3A_3624 = arith.constant 0 : index
    %get3A_3625 = vector.load %arg2[%get3A_3622, %get3A_3623, %get3A_3624] : memref<3x256x128xf32, #tpu.memory_space<vmem>>, vector<1x1x128xf32>
    %get3A_3626 = vector.shape_cast %get3A_3625 : vector<1x1x128xf32> to vector<1x128xf32>
    %get3A_3627 = arith.constant 1 : index
    %get3A_3628 = arith.constant 209 : index
    %get3A_3629 = arith.constant 0 : index
    %get3A_3630 = vector.load %arg2[%get3A_3627, %get3A_3628, %get3A_3629] : memref<3x256x128xf32, #tpu.memory_space<vmem>>, vector<1x1x128xf32>
    %get3A_3631 = vector.shape_cast %get3A_3630 : vector<1x1x128xf32> to vector<1x128xf32>
    %get3A_3632 = arith.constant 1 : index
    %get3A_3633 = arith.constant 210 : index
    %get3A_3634 = arith.constant 0 : index
    %get3A_3635 = vector.load %arg2[%get3A_3632, %get3A_3633, %get3A_3634] : memref<3x256x128xf32, #tpu.memory_space<vmem>>, vector<1x1x128xf32>
    %get3A_3636 = vector.shape_cast %get3A_3635 : vector<1x1x128xf32> to vector<1x128xf32>
    %get3A_3637 = arith.constant 1 : index
    %get3A_3638 = arith.constant 211 : index
    %get3A_3639 = arith.constant 0 : index
    %get3A_3640 = vector.load %arg2[%get3A_3637, %get3A_3638, %get3A_3639] : memref<3x256x128xf32, #tpu.memory_space<vmem>>, vector<1x1x128xf32>
    %get3A_3641 = vector.shape_cast %get3A_3640 : vector<1x1x128xf32> to vector<1x128xf32>
    %get3A_3642 = arith.constant 1 : index
    %get3A_3643 = arith.constant 212 : index
    %get3A_3644 = arith.constant 0 : index
    %get3A_3645 = vector.load %arg2[%get3A_3642, %get3A_3643, %get3A_3644] : memref<3x256x128xf32, #tpu.memory_space<vmem>>, vector<1x1x128xf32>
    %get3A_3646 = vector.shape_cast %get3A_3645 : vector<1x1x128xf32> to vector<1x128xf32>
    %get3A_3647 = arith.constant 1 : index
    %get3A_3648 = arith.constant 213 : index
    %get3A_3649 = arith.constant 0 : index
    %get3A_3650 = vector.load %arg2[%get3A_3647, %get3A_3648, %get3A_3649] : memref<3x256x128xf32, #tpu.memory_space<vmem>>, vector<1x1x128xf32>
    %get3A_3651 = vector.shape_cast %get3A_3650 : vector<1x1x128xf32> to vector<1x128xf32>
    %get3A_3652 = arith.constant 1 : index
    %get3A_3653 = arith.constant 214 : index
    %get3A_3654 = arith.constant 0 : index
    %get3A_3655 = vector.load %arg2[%get3A_3652, %get3A_3653, %get3A_3654] : memref<3x256x128xf32, #tpu.memory_space<vmem>>, vector<1x1x128xf32>
    %get3A_3656 = vector.shape_cast %get3A_3655 : vector<1x1x128xf32> to vector<1x128xf32>
    %get3A_3657 = arith.constant 1 : index
    %get3A_3658 = arith.constant 215 : index
    %get3A_3659 = arith.constant 0 : index
    %get3A_3660 = vector.load %arg2[%get3A_3657, %get3A_3658, %get3A_3659] : memref<3x256x128xf32, #tpu.memory_space<vmem>>, vector<1x1x128xf32>
    %get3A_3661 = vector.shape_cast %get3A_3660 : vector<1x1x128xf32> to vector<1x128xf32>
    %get3A_3662 = arith.constant 1 : index
    %get3A_3663 = arith.constant 216 : index
    %get3A_3664 = arith.constant 0 : index
    %get3A_3665 = vector.load %arg2[%get3A_3662, %get3A_3663, %get3A_3664] : memref<3x256x128xf32, #tpu.memory_space<vmem>>, vector<1x1x128xf32>
    %get3A_3666 = vector.shape_cast %get3A_3665 : vector<1x1x128xf32> to vector<1x128xf32>
    %get3A_3667 = arith.constant 1 : index
    %get3A_3668 = arith.constant 217 : index
    %get3A_3669 = arith.constant 0 : index
    %get3A_3670 = vector.load %arg2[%get3A_3667, %get3A_3668, %get3A_3669] : memref<3x256x128xf32, #tpu.memory_space<vmem>>, vector<1x1x128xf32>
    %get3A_3671 = vector.shape_cast %get3A_3670 : vector<1x1x128xf32> to vector<1x128xf32>
    %get3A_3672 = arith.constant 1 : index
    %get3A_3673 = arith.constant 218 : index
    %get3A_3674 = arith.constant 0 : index
    %get3A_3675 = vector.load %arg2[%get3A_3672, %get3A_3673, %get3A_3674] : memref<3x256x128xf32, #tpu.memory_space<vmem>>, vector<1x1x128xf32>
    %get3A_3676 = vector.shape_cast %get3A_3675 : vector<1x1x128xf32> to vector<1x128xf32>
    %get3A_3677 = arith.constant 1 : index
    %get3A_3678 = arith.constant 219 : index
    %get3A_3679 = arith.constant 0 : index
    %get3A_3680 = vector.load %arg2[%get3A_3677, %get3A_3678, %get3A_3679] : memref<3x256x128xf32, #tpu.memory_space<vmem>>, vector<1x1x128xf32>
    %get3A_3681 = vector.shape_cast %get3A_3680 : vector<1x1x128xf32> to vector<1x128xf32>
    %get3A_3682 = arith.constant 1 : index
    %get3A_3683 = arith.constant 220 : index
    %get3A_3684 = arith.constant 0 : index
    %get3A_3685 = vector.load %arg2[%get3A_3682, %get3A_3683, %get3A_3684] : memref<3x256x128xf32, #tpu.memory_space<vmem>>, vector<1x1x128xf32>
    %get3A_3686 = vector.shape_cast %get3A_3685 : vector<1x1x128xf32> to vector<1x128xf32>
    %get3A_3687 = arith.constant 1 : index
    %get3A_3688 = arith.constant 221 : index
    %get3A_3689 = arith.constant 0 : index
    %get3A_3690 = vector.load %arg2[%get3A_3687, %get3A_3688, %get3A_3689] : memref<3x256x128xf32, #tpu.memory_space<vmem>>, vector<1x1x128xf32>
    %get3A_3691 = vector.shape_cast %get3A_3690 : vector<1x1x128xf32> to vector<1x128xf32>
    %get3A_3692 = arith.constant 1 : index
    %get3A_3693 = arith.constant 222 : index
    %get3A_3694 = arith.constant 0 : index
    %get3A_3695 = vector.load %arg2[%get3A_3692, %get3A_3693, %get3A_3694] : memref<3x256x128xf32, #tpu.memory_space<vmem>>, vector<1x1x128xf32>
    %get3A_3696 = vector.shape_cast %get3A_3695 : vector<1x1x128xf32> to vector<1x128xf32>
    %get3A_3697 = arith.constant 1 : index
    %get3A_3698 = arith.constant 223 : index
    %get3A_3699 = arith.constant 0 : index
    %get3A_3700 = vector.load %arg2[%get3A_3697, %get3A_3698, %get3A_3699] : memref<3x256x128xf32, #tpu.memory_space<vmem>>, vector<1x1x128xf32>
    %get3A_3701 = vector.shape_cast %get3A_3700 : vector<1x1x128xf32> to vector<1x128xf32>
    %get3A_3702 = arith.constant 1 : index
    %get3A_3703 = arith.constant 224 : index
    %get3A_3704 = arith.constant 0 : index
    %get3A_3705 = vector.load %arg2[%get3A_3702, %get3A_3703, %get3A_3704] : memref<3x256x128xf32, #tpu.memory_space<vmem>>, vector<1x1x128xf32>
    %get3A_3706 = vector.shape_cast %get3A_3705 : vector<1x1x128xf32> to vector<1x128xf32>
    %get3A_3707 = arith.constant 1 : index
    %get3A_3708 = arith.constant 225 : index
    %get3A_3709 = arith.constant 0 : index
    %get3A_3710 = vector.load %arg2[%get3A_3707, %get3A_3708, %get3A_3709] : memref<3x256x128xf32, #tpu.memory_space<vmem>>, vector<1x1x128xf32>
    %get3A_3711 = vector.shape_cast %get3A_3710 : vector<1x1x128xf32> to vector<1x128xf32>
    %get3A_3712 = arith.constant 1 : index
    %get3A_3713 = arith.constant 226 : index
    %get3A_3714 = arith.constant 0 : index
    %get3A_3715 = vector.load %arg2[%get3A_3712, %get3A_3713, %get3A_3714] : memref<3x256x128xf32, #tpu.memory_space<vmem>>, vector<1x1x128xf32>
    %get3A_3716 = vector.shape_cast %get3A_3715 : vector<1x1x128xf32> to vector<1x128xf32>
    %get3A_3717 = arith.constant 1 : index
    %get3A_3718 = arith.constant 227 : index
    %get3A_3719 = arith.constant 0 : index
    %get3A_3720 = vector.load %arg2[%get3A_3717, %get3A_3718, %get3A_3719] : memref<3x256x128xf32, #tpu.memory_space<vmem>>, vector<1x1x128xf32>
    %get3A_3721 = vector.shape_cast %get3A_3720 : vector<1x1x128xf32> to vector<1x128xf32>
    %get3A_3722 = arith.constant 1 : index
    %get3A_3723 = arith.constant 228 : index
    %get3A_3724 = arith.constant 0 : index
    %get3A_3725 = vector.load %arg2[%get3A_3722, %get3A_3723, %get3A_3724] : memref<3x256x128xf32, #tpu.memory_space<vmem>>, vector<1x1x128xf32>
    %get3A_3726 = vector.shape_cast %get3A_3725 : vector<1x1x128xf32> to vector<1x128xf32>
    %get3A_3727 = arith.constant 1 : index
    %get3A_3728 = arith.constant 229 : index
    %get3A_3729 = arith.constant 0 : index
    %get3A_3730 = vector.load %arg2[%get3A_3727, %get3A_3728, %get3A_3729] : memref<3x256x128xf32, #tpu.memory_space<vmem>>, vector<1x1x128xf32>
    %get3A_3731 = vector.shape_cast %get3A_3730 : vector<1x1x128xf32> to vector<1x128xf32>
    %get3A_3732 = arith.constant 1 : index
    %get3A_3733 = arith.constant 230 : index
    %get3A_3734 = arith.constant 0 : index
    %get3A_3735 = vector.load %arg2[%get3A_3732, %get3A_3733, %get3A_3734] : memref<3x256x128xf32, #tpu.memory_space<vmem>>, vector<1x1x128xf32>
    %get3A_3736 = vector.shape_cast %get3A_3735 : vector<1x1x128xf32> to vector<1x128xf32>
    %get3A_3737 = arith.constant 1 : index
    %get3A_3738 = arith.constant 231 : index
    %get3A_3739 = arith.constant 0 : index
    %get3A_3740 = vector.load %arg2[%get3A_3737, %get3A_3738, %get3A_3739] : memref<3x256x128xf32, #tpu.memory_space<vmem>>, vector<1x1x128xf32>
    %get3A_3741 = vector.shape_cast %get3A_3740 : vector<1x1x128xf32> to vector<1x128xf32>
    %get3A_3742 = arith.constant 1 : index
    %get3A_3743 = arith.constant 232 : index
    %get3A_3744 = arith.constant 0 : index
    %get3A_3745 = vector.load %arg2[%get3A_3742, %get3A_3743, %get3A_3744] : memref<3x256x128xf32, #tpu.memory_space<vmem>>, vector<1x1x128xf32>
    %get3A_3746 = vector.shape_cast %get3A_3745 : vector<1x1x128xf32> to vector<1x128xf32>
    %get3A_3747 = arith.constant 1 : index
    %get3A_3748 = arith.constant 233 : index
    %get3A_3749 = arith.constant 0 : index
    %get3A_3750 = vector.load %arg2[%get3A_3747, %get3A_3748, %get3A_3749] : memref<3x256x128xf32, #tpu.memory_space<vmem>>, vector<1x1x128xf32>
    %get3A_3751 = vector.shape_cast %get3A_3750 : vector<1x1x128xf32> to vector<1x128xf32>
    %get3A_3752 = arith.constant 1 : index
    %get3A_3753 = arith.constant 234 : index
    %get3A_3754 = arith.constant 0 : index
    %get3A_3755 = vector.load %arg2[%get3A_3752, %get3A_3753, %get3A_3754] : memref<3x256x128xf32, #tpu.memory_space<vmem>>, vector<1x1x128xf32>
    %get3A_3756 = vector.shape_cast %get3A_3755 : vector<1x1x128xf32> to vector<1x128xf32>
    %get3A_3757 = arith.constant 1 : index
    %get3A_3758 = arith.constant 235 : index
    %get3A_3759 = arith.constant 0 : index
    %get3A_3760 = vector.load %arg2[%get3A_3757, %get3A_3758, %get3A_3759] : memref<3x256x128xf32, #tpu.memory_space<vmem>>, vector<1x1x128xf32>
    %get3A_3761 = vector.shape_cast %get3A_3760 : vector<1x1x128xf32> to vector<1x128xf32>
    %get3A_3762 = arith.constant 1 : index
    %get3A_3763 = arith.constant 236 : index
    %get3A_3764 = arith.constant 0 : index
    %get3A_3765 = vector.load %arg2[%get3A_3762, %get3A_3763, %get3A_3764] : memref<3x256x128xf32, #tpu.memory_space<vmem>>, vector<1x1x128xf32>
    %get3A_3766 = vector.shape_cast %get3A_3765 : vector<1x1x128xf32> to vector<1x128xf32>
    %get3A_3767 = arith.constant 1 : index
    %get3A_3768 = arith.constant 237 : index
    %get3A_3769 = arith.constant 0 : index
    %get3A_3770 = vector.load %arg2[%get3A_3767, %get3A_3768, %get3A_3769] : memref<3x256x128xf32, #tpu.memory_space<vmem>>, vector<1x1x128xf32>
    %get3A_3771 = vector.shape_cast %get3A_3770 : vector<1x1x128xf32> to vector<1x128xf32>
    %get3A_3772 = arith.constant 1 : index
    %get3A_3773 = arith.constant 238 : index
    %get3A_3774 = arith.constant 0 : index
    %get3A_3775 = vector.load %arg2[%get3A_3772, %get3A_3773, %get3A_3774] : memref<3x256x128xf32, #tpu.memory_space<vmem>>, vector<1x1x128xf32>
    %get3A_3776 = vector.shape_cast %get3A_3775 : vector<1x1x128xf32> to vector<1x128xf32>
    %get3A_3777 = arith.constant 1 : index
    %get3A_3778 = arith.constant 239 : index
    %get3A_3779 = arith.constant 0 : index
    %get3A_3780 = vector.load %arg2[%get3A_3777, %get3A_3778, %get3A_3779] : memref<3x256x128xf32, #tpu.memory_space<vmem>>, vector<1x1x128xf32>
    %get3A_3781 = vector.shape_cast %get3A_3780 : vector<1x1x128xf32> to vector<1x128xf32>
    %get3A_3782 = arith.constant 1 : index
    %get3A_3783 = arith.constant 240 : index
    %get3A_3784 = arith.constant 0 : index
    %get3A_3785 = vector.load %arg2[%get3A_3782, %get3A_3783, %get3A_3784] : memref<3x256x128xf32, #tpu.memory_space<vmem>>, vector<1x1x128xf32>
    %get3A_3786 = vector.shape_cast %get3A_3785 : vector<1x1x128xf32> to vector<1x128xf32>
    %get3A_3787 = arith.constant 1 : index
    %get3A_3788 = arith.constant 241 : index
    %get3A_3789 = arith.constant 0 : index
    %get3A_3790 = vector.load %arg2[%get3A_3787, %get3A_3788, %get3A_3789] : memref<3x256x128xf32, #tpu.memory_space<vmem>>, vector<1x1x128xf32>
    %get3A_3791 = vector.shape_cast %get3A_3790 : vector<1x1x128xf32> to vector<1x128xf32>
    %get3A_3792 = arith.constant 1 : index
    %get3A_3793 = arith.constant 242 : index
    %get3A_3794 = arith.constant 0 : index
    %get3A_3795 = vector.load %arg2[%get3A_3792, %get3A_3793, %get3A_3794] : memref<3x256x128xf32, #tpu.memory_space<vmem>>, vector<1x1x128xf32>
    %get3A_3796 = vector.shape_cast %get3A_3795 : vector<1x1x128xf32> to vector<1x128xf32>
    %get3A_3797 = arith.constant 1 : index
    %get3A_3798 = arith.constant 243 : index
    %get3A_3799 = arith.constant 0 : index
    %get3A_3800 = vector.load %arg2[%get3A_3797, %get3A_3798, %get3A_3799] : memref<3x256x128xf32, #tpu.memory_space<vmem>>, vector<1x1x128xf32>
    %get3A_3801 = vector.shape_cast %get3A_3800 : vector<1x1x128xf32> to vector<1x128xf32>
    %get3A_3802 = arith.constant 1 : index
    %get3A_3803 = arith.constant 244 : index
    %get3A_3804 = arith.constant 0 : index
    %get3A_3805 = vector.load %arg2[%get3A_3802, %get3A_3803, %get3A_3804] : memref<3x256x128xf32, #tpu.memory_space<vmem>>, vector<1x1x128xf32>
    %get3A_3806 = vector.shape_cast %get3A_3805 : vector<1x1x128xf32> to vector<1x128xf32>
    %get3A_3807 = arith.constant 1 : index
    %get3A_3808 = arith.constant 245 : index
    %get3A_3809 = arith.constant 0 : index
    %get3A_3810 = vector.load %arg2[%get3A_3807, %get3A_3808, %get3A_3809] : memref<3x256x128xf32, #tpu.memory_space<vmem>>, vector<1x1x128xf32>
    %get3A_3811 = vector.shape_cast %get3A_3810 : vector<1x1x128xf32> to vector<1x128xf32>
    %get3A_3812 = arith.constant 1 : index
    %get3A_3813 = arith.constant 246 : index
    %get3A_3814 = arith.constant 0 : index
    %get3A_3815 = vector.load %arg2[%get3A_3812, %get3A_3813, %get3A_3814] : memref<3x256x128xf32, #tpu.memory_space<vmem>>, vector<1x1x128xf32>
    %get3A_3816 = vector.shape_cast %get3A_3815 : vector<1x1x128xf32> to vector<1x128xf32>
    %get3A_3817 = arith.constant 1 : index
    %get3A_3818 = arith.constant 247 : index
    %get3A_3819 = arith.constant 0 : index
    %get3A_3820 = vector.load %arg2[%get3A_3817, %get3A_3818, %get3A_3819] : memref<3x256x128xf32, #tpu.memory_space<vmem>>, vector<1x1x128xf32>
    %get3A_3821 = vector.shape_cast %get3A_3820 : vector<1x1x128xf32> to vector<1x128xf32>
    %get3A_3822 = arith.constant 1 : index
    %get3A_3823 = arith.constant 248 : index
    %get3A_3824 = arith.constant 0 : index
    %get3A_3825 = vector.load %arg2[%get3A_3822, %get3A_3823, %get3A_3824] : memref<3x256x128xf32, #tpu.memory_space<vmem>>, vector<1x1x128xf32>
    %get3A_3826 = vector.shape_cast %get3A_3825 : vector<1x1x128xf32> to vector<1x128xf32>
    %get3A_3827 = arith.constant 1 : index
    %get3A_3828 = arith.constant 249 : index
    %get3A_3829 = arith.constant 0 : index
    %get3A_3830 = vector.load %arg2[%get3A_3827, %get3A_3828, %get3A_3829] : memref<3x256x128xf32, #tpu.memory_space<vmem>>, vector<1x1x128xf32>
    %get3A_3831 = vector.shape_cast %get3A_3830 : vector<1x1x128xf32> to vector<1x128xf32>
    %get3A_3832 = arith.constant 1 : index
    %get3A_3833 = arith.constant 250 : index
    %get3A_3834 = arith.constant 0 : index
    %get3A_3835 = vector.load %arg2[%get3A_3832, %get3A_3833, %get3A_3834] : memref<3x256x128xf32, #tpu.memory_space<vmem>>, vector<1x1x128xf32>
    %get3A_3836 = vector.shape_cast %get3A_3835 : vector<1x1x128xf32> to vector<1x128xf32>
    %get3A_3837 = arith.constant 1 : index
    %get3A_3838 = arith.constant 251 : index
    %get3A_3839 = arith.constant 0 : index
    %get3A_3840 = vector.load %arg2[%get3A_3837, %get3A_3838, %get3A_3839] : memref<3x256x128xf32, #tpu.memory_space<vmem>>, vector<1x1x128xf32>
    %get3A_3841 = vector.shape_cast %get3A_3840 : vector<1x1x128xf32> to vector<1x128xf32>
    %get3A_3842 = arith.constant 1 : index
    %get3A_3843 = arith.constant 252 : index
    %get3A_3844 = arith.constant 0 : index
    %get3A_3845 = vector.load %arg2[%get3A_3842, %get3A_3843, %get3A_3844] : memref<3x256x128xf32, #tpu.memory_space<vmem>>, vector<1x1x128xf32>
    %get3A_3846 = vector.shape_cast %get3A_3845 : vector<1x1x128xf32> to vector<1x128xf32>
    %get3A_3847 = arith.constant 1 : index
    %get3A_3848 = arith.constant 253 : index
    %get3A_3849 = arith.constant 0 : index
    %get3A_3850 = vector.load %arg2[%get3A_3847, %get3A_3848, %get3A_3849] : memref<3x256x128xf32, #tpu.memory_space<vmem>>, vector<1x1x128xf32>
    %get3A_3851 = vector.shape_cast %get3A_3850 : vector<1x1x128xf32> to vector<1x128xf32>
    %get3A_3852 = arith.constant 1 : index
    %get3A_3853 = arith.constant 254 : index
    %get3A_3854 = arith.constant 0 : index
    %get3A_3855 = vector.load %arg2[%get3A_3852, %get3A_3853, %get3A_3854] : memref<3x256x128xf32, #tpu.memory_space<vmem>>, vector<1x1x128xf32>
    %get3A_3856 = vector.shape_cast %get3A_3855 : vector<1x1x128xf32> to vector<1x128xf32>
    %get3A_3857 = arith.constant 1 : index
    %get3A_3858 = arith.constant 255 : index
    %get3A_3859 = arith.constant 0 : index
    %get3A_3860 = vector.load %arg2[%get3A_3857, %get3A_3858, %get3A_3859] : memref<3x256x128xf32, #tpu.memory_space<vmem>>, vector<1x1x128xf32>
    %get3A_3861 = vector.shape_cast %get3A_3860 : vector<1x1x128xf32> to vector<1x128xf32>
    %concatenate3A_3862 = tpu.concatenate %get3A_2586, %get3A_2591, %get3A_2596, %get3A_2601, %get3A_2606, %get3A_2611, %get3A_2616, %get3A_2621, %get3A_2626, %get3A_2631, %get3A_2636, %get3A_2641, %get3A_2646, %get3A_2651, %get3A_2656, %get3A_2661, %get3A_2666, %get3A_2671, %get3A_2676, %get3A_2681, %get3A_2686, %get3A_2691, %get3A_2696, %get3A_2701, %get3A_2706, %get3A_2711, %get3A_2716, %get3A_2721, %get3A_2726, %get3A_2731, %get3A_2736, %get3A_2741, %get3A_2746, %get3A_2751, %get3A_2756, %get3A_2761, %get3A_2766, %get3A_2771, %get3A_2776, %get3A_2781, %get3A_2786, %get3A_2791, %get3A_2796, %get3A_2801, %get3A_2806, %get3A_2811, %get3A_2816, %get3A_2821, %get3A_2826, %get3A_2831, %get3A_2836, %get3A_2841, %get3A_2846, %get3A_2851, %get3A_2856, %get3A_2861, %get3A_2866, %get3A_2871, %get3A_2876, %get3A_2881, %get3A_2886, %get3A_2891, %get3A_2896, %get3A_2901, %get3A_2906, %get3A_2911, %get3A_2916, %get3A_2921, %get3A_2926, %get3A_2931, %get3A_2936, %get3A_2941, %get3A_2946, %get3A_2951, %get3A_2956, %get3A_2961, %get3A_2966, %get3A_2971, %get3A_2976, %get3A_2981, %get3A_2986, %get3A_2991, %get3A_2996, %get3A_3001, %get3A_3006, %get3A_3011, %get3A_3016, %get3A_3021, %get3A_3026, %get3A_3031, %get3A_3036, %get3A_3041, %get3A_3046, %get3A_3051, %get3A_3056, %get3A_3061, %get3A_3066, %get3A_3071, %get3A_3076, %get3A_3081, %get3A_3086, %get3A_3091, %get3A_3096, %get3A_3101, %get3A_3106, %get3A_3111, %get3A_3116, %get3A_3121, %get3A_3126, %get3A_3131, %get3A_3136, %get3A_3141, %get3A_3146, %get3A_3151, %get3A_3156, %get3A_3161, %get3A_3166, %get3A_3171, %get3A_3176, %get3A_3181, %get3A_3186, %get3A_3191, %get3A_3196, %get3A_3201, %get3A_3206, %get3A_3211, %get3A_3216, %get3A_3221, %get3A_3226, %get3A_3231, %get3A_3236, %get3A_3241, %get3A_3246, %get3A_3251, %get3A_3256, %get3A_3261, %get3A_3266, %get3A_3271, %get3A_3276, %get3A_3281, %get3A_3286, %get3A_3291, %get3A_3296, %get3A_3301, %get3A_3306, %get3A_3311, %get3A_3316, %get3A_3321, %get3A_3326, %get3A_3331, %get3A_3336, %get3A_3341, %get3A_3346, %get3A_3351, %get3A_3356, %get3A_3361, %get3A_3366, %get3A_3371, %get3A_3376, %get3A_3381, %get3A_3386, %get3A_3391, %get3A_3396, %get3A_3401, %get3A_3406, %get3A_3411, %get3A_3416, %get3A_3421, %get3A_3426, %get3A_3431, %get3A_3436, %get3A_3441, %get3A_3446, %get3A_3451, %get3A_3456, %get3A_3461, %get3A_3466, %get3A_3471, %get3A_3476, %get3A_3481, %get3A_3486, %get3A_3491, %get3A_3496, %get3A_3501, %get3A_3506, %get3A_3511, %get3A_3516, %get3A_3521, %get3A_3526, %get3A_3531, %get3A_3536, %get3A_3541, %get3A_3546, %get3A_3551, %get3A_3556, %get3A_3561, %get3A_3566, %get3A_3571, %get3A_3576, %get3A_3581, %get3A_3586, %get3A_3591, %get3A_3596, %get3A_3601, %get3A_3606, %get3A_3611, %get3A_3616, %get3A_3621, %get3A_3626, %get3A_3631, %get3A_3636, %get3A_3641, %get3A_3646, %get3A_3651, %get3A_3656, %get3A_3661, %get3A_3666, %get3A_3671, %get3A_3676, %get3A_3681, %get3A_3686, %get3A_3691, %get3A_3696, %get3A_3701, %get3A_3706, %get3A_3711, %get3A_3716, %get3A_3721, %get3A_3726, %get3A_3731, %get3A_3736, %get3A_3741, %get3A_3746, %get3A_3751, %get3A_3756, %get3A_3761, %get3A_3766, %get3A_3771, %get3A_3776, %get3A_3781, %get3A_3786, %get3A_3791, %get3A_3796, %get3A_3801, %get3A_3806, %get3A_3811, %get3A_3816, %get3A_3821, %get3A_3826, %get3A_3831, %get3A_3836, %get3A_3841, %get3A_3846, %get3A_3851, %get3A_3856, %get3A_3861 in 1 : vector<1x128xf32>, vector<1x128xf32>, vector<1x128xf32>, vector<1x128xf32>, vector<1x128xf32>, vector<1x128xf32>, vector<1x128xf32>, vector<1x128xf32>, vector<1x128xf32>, vector<1x128xf32>, vector<1x128xf32>, vector<1x128xf32>, vector<1x128xf32>, vector<1x128xf32>, vector<1x128xf32>, vector<1x128xf32>, vector<1x128xf32>, vector<1x128xf32>, vector<1x128xf32>, vector<1x128xf32>, vector<1x128xf32>, vector<1x128xf32>, vector<1x128xf32>, vector<1x128xf32>, vector<1x128xf32>, vector<1x128xf32>, vector<1x128xf32>, vector<1x128xf32>, vector<1x128xf32>, vector<1x128xf32>, vector<1x128xf32>, vector<1x128xf32>, vector<1x128xf32>, vector<1x128xf32>, vector<1x128xf32>, vector<1x128xf32>, vector<1x128xf32>, vector<1x128xf32>, vector<1x128xf32>, vector<1x128xf32>, vector<1x128xf32>, vector<1x128xf32>, vector<1x128xf32>, vector<1x128xf32>, vector<1x128xf32>, vector<1x128xf32>, vector<1x128xf32>, vector<1x128xf32>, vector<1x128xf32>, vector<1x128xf32>, vector<1x128xf32>, vector<1x128xf32>, vector<1x128xf32>, vector<1x128xf32>, vector<1x128xf32>, vector<1x128xf32>, vector<1x128xf32>, vector<1x128xf32>, vector<1x128xf32>, vector<1x128xf32>, vector<1x128xf32>, vector<1x128xf32>, vector<1x128xf32>, vector<1x128xf32>, vector<1x128xf32>, vector<1x128xf32>, vector<1x128xf32>, vector<1x128xf32>, vector<1x128xf32>, vector<1x128xf32>, vector<1x128xf32>, vector<1x128xf32>, vector<1x128xf32>, vector<1x128xf32>, vector<1x128xf32>, vector<1x128xf32>, vector<1x128xf32>, vector<1x128xf32>, vector<1x128xf32>, vector<1x128xf32>, vector<1x128xf32>, vector<1x128xf32>, vector<1x128xf32>, vector<1x128xf32>, vector<1x128xf32>, vector<1x128xf32>, vector<1x128xf32>, vector<1x128xf32>, vector<1x128xf32>, vector<1x128xf32>, vector<1x128xf32>, vector<1x128xf32>, vector<1x128xf32>, vector<1x128xf32>, vector<1x128xf32>, vector<1x128xf32>, vector<1x128xf32>, vector<1x128xf32>, vector<1x128xf32>, vector<1x128xf32>, vector<1x128xf32>, vector<1x128xf32>, vector<1x128xf32>, vector<1x128xf32>, vector<1x128xf32>, vector<1x128xf32>, vector<1x128xf32>, vector<1x128xf32>, vector<1x128xf32>, vector<1x128xf32>, vector<1x128xf32>, vector<1x128xf32>, vector<1x128xf32>, vector<1x128xf32>, vector<1x128xf32>, vector<1x128xf32>, vector<1x128xf32>, vector<1x128xf32>, vector<1x128xf32>, vector<1x128xf32>, vector<1x128xf32>, vector<1x128xf32>, vector<1x128xf32>, vector<1x128xf32>, vector<1x128xf32>, vector<1x128xf32>, vector<1x128xf32>, vector<1x128xf32>, vector<1x128xf32>, vector<1x128xf32>, vector<1x128xf32>, vector<1x128xf32>, vector<1x128xf32>, vector<1x128xf32>, vector<1x128xf32>, vector<1x128xf32>, vector<1x128xf32>, vector<1x128xf32>, vector<1x128xf32>, vector<1x128xf32>, vector<1x128xf32>, vector<1x128xf32>, vector<1x128xf32>, vector<1x128xf32>, vector<1x128xf32>, vector<1x128xf32>, vector<1x128xf32>, vector<1x128xf32>, vector<1x128xf32>, vector<1x128xf32>, vector<1x128xf32>, vector<1x128xf32>, vector<1x128xf32>, vector<1x128xf32>, vector<1x128xf32>, vector<1x128xf32>, vector<1x128xf32>, vector<1x128xf32>, vector<1x128xf32>, vector<1x128xf32>, vector<1x128xf32>, vector<1x128xf32>, vector<1x128xf32>, vector<1x128xf32>, vector<1x128xf32>, vector<1x128xf32>, vector<1x128xf32>, vector<1x128xf32>, vector<1x128xf32>, vector<1x128xf32>, vector<1x128xf32>, vector<1x128xf32>, vector<1x128xf32>, vector<1x128xf32>, vector<1x128xf32>, vector<1x128xf32>, vector<1x128xf32>, vector<1x128xf32>, vector<1x128xf32>, vector<1x128xf32>, vector<1x128xf32>, vector<1x128xf32>, vector<1x128xf32>, vector<1x128xf32>, vector<1x128xf32>, vector<1x128xf32>, vector<1x128xf32>, vector<1x128xf32>, vector<1x128xf32>, vector<1x128xf32>, vector<1x128xf32>, vector<1x128xf32>, vector<1x128xf32>, vector<1x128xf32>, vector<1x128xf32>, vector<1x128xf32>, vector<1x128xf32>, vector<1x128xf32>, vector<1x128xf32>, vector<1x128xf32>, vector<1x128xf32>, vector<1x128xf32>, vector<1x128xf32>, vector<1x128xf32>, vector<1x128xf32>, vector<1x128xf32>, vector<1x128xf32>, vector<1x128xf32>, vector<1x128xf32>, vector<1x128xf32>, vector<1x128xf32>, vector<1x128xf32>, vector<1x128xf32>, vector<1x128xf32>, vector<1x128xf32>, vector<1x128xf32>, vector<1x128xf32>, vector<1x128xf32>, vector<1x128xf32>, vector<1x128xf32>, vector<1x128xf32>, vector<1x128xf32>, vector<1x128xf32>, vector<1x128xf32>, vector<1x128xf32>, vector<1x128xf32>, vector<1x128xf32>, vector<1x128xf32>, vector<1x128xf32>, vector<1x128xf32>, vector<1x128xf32>, vector<1x128xf32>, vector<1x128xf32>, vector<1x128xf32>, vector<1x128xf32>, vector<1x128xf32>, vector<1x128xf32>, vector<1x128xf32>, vector<1x128xf32>, vector<1x128xf32>, vector<1x128xf32>, vector<1x128xf32>, vector<1x128xf32>, vector<1x128xf32>, vector<1x128xf32>, vector<1x128xf32>, vector<1x128xf32>, vector<1x128xf32>, vector<1x128xf32>, vector<1x128xf32>, vector<1x128xf32>, vector<1x128xf32>, vector<1x128xf32>, vector<1x128xf32>, vector<1x128xf32>, vector<1x128xf32> -> vector<1x32768xf32>
    %get3A_3863 = arith.constant 2 : index
    %get3A_3864 = arith.constant 0 : index
    %get3A_3865 = arith.constant 0 : index
    %get3A_3866 = vector.load %arg2[%get3A_3863, %get3A_3864, %get3A_3865] : memref<3x256x128xf32, #tpu.memory_space<vmem>>, vector<1x1x128xf32>
    %get3A_3867 = vector.shape_cast %get3A_3866 : vector<1x1x128xf32> to vector<1x128xf32>
    %get3A_3868 = arith.constant 2 : index
    %get3A_3869 = arith.constant 1 : index
    %get3A_3870 = arith.constant 0 : index
    %get3A_3871 = vector.load %arg2[%get3A_3868, %get3A_3869, %get3A_3870] : memref<3x256x128xf32, #tpu.memory_space<vmem>>, vector<1x1x128xf32>
    %get3A_3872 = vector.shape_cast %get3A_3871 : vector<1x1x128xf32> to vector<1x128xf32>
    %get3A_3873 = arith.constant 2 : index
    %get3A_3874 = arith.constant 2 : index
    %get3A_3875 = arith.constant 0 : index
    %get3A_3876 = vector.load %arg2[%get3A_3873, %get3A_3874, %get3A_3875] : memref<3x256x128xf32, #tpu.memory_space<vmem>>, vector<1x1x128xf32>
    %get3A_3877 = vector.shape_cast %get3A_3876 : vector<1x1x128xf32> to vector<1x128xf32>
    %get3A_3878 = arith.constant 2 : index
    %get3A_3879 = arith.constant 3 : index
    %get3A_3880 = arith.constant 0 : index
    %get3A_3881 = vector.load %arg2[%get3A_3878, %get3A_3879, %get3A_3880] : memref<3x256x128xf32, #tpu.memory_space<vmem>>, vector<1x1x128xf32>
    %get3A_3882 = vector.shape_cast %get3A_3881 : vector<1x1x128xf32> to vector<1x128xf32>
    %get3A_3883 = arith.constant 2 : index
    %get3A_3884 = arith.constant 4 : index
    %get3A_3885 = arith.constant 0 : index
    %get3A_3886 = vector.load %arg2[%get3A_3883, %get3A_3884, %get3A_3885] : memref<3x256x128xf32, #tpu.memory_space<vmem>>, vector<1x1x128xf32>
    %get3A_3887 = vector.shape_cast %get3A_3886 : vector<1x1x128xf32> to vector<1x128xf32>
    %get3A_3888 = arith.constant 2 : index
    %get3A_3889 = arith.constant 5 : index
    %get3A_3890 = arith.constant 0 : index
    %get3A_3891 = vector.load %arg2[%get3A_3888, %get3A_3889, %get3A_3890] : memref<3x256x128xf32, #tpu.memory_space<vmem>>, vector<1x1x128xf32>
    %get3A_3892 = vector.shape_cast %get3A_3891 : vector<1x1x128xf32> to vector<1x128xf32>
    %get3A_3893 = arith.constant 2 : index
    %get3A_3894 = arith.constant 6 : index
    %get3A_3895 = arith.constant 0 : index
    %get3A_3896 = vector.load %arg2[%get3A_3893, %get3A_3894, %get3A_3895] : memref<3x256x128xf32, #tpu.memory_space<vmem>>, vector<1x1x128xf32>
    %get3A_3897 = vector.shape_cast %get3A_3896 : vector<1x1x128xf32> to vector<1x128xf32>
    %get3A_3898 = arith.constant 2 : index
    %get3A_3899 = arith.constant 7 : index
    %get3A_3900 = arith.constant 0 : index
    %get3A_3901 = vector.load %arg2[%get3A_3898, %get3A_3899, %get3A_3900] : memref<3x256x128xf32, #tpu.memory_space<vmem>>, vector<1x1x128xf32>
    %get3A_3902 = vector.shape_cast %get3A_3901 : vector<1x1x128xf32> to vector<1x128xf32>
    %get3A_3903 = arith.constant 2 : index
    %get3A_3904 = arith.constant 8 : index
    %get3A_3905 = arith.constant 0 : index
    %get3A_3906 = vector.load %arg2[%get3A_3903, %get3A_3904, %get3A_3905] : memref<3x256x128xf32, #tpu.memory_space<vmem>>, vector<1x1x128xf32>
    %get3A_3907 = vector.shape_cast %get3A_3906 : vector<1x1x128xf32> to vector<1x128xf32>
    %get3A_3908 = arith.constant 2 : index
    %get3A_3909 = arith.constant 9 : index
    %get3A_3910 = arith.constant 0 : index
    %get3A_3911 = vector.load %arg2[%get3A_3908, %get3A_3909, %get3A_3910] : memref<3x256x128xf32, #tpu.memory_space<vmem>>, vector<1x1x128xf32>
    %get3A_3912 = vector.shape_cast %get3A_3911 : vector<1x1x128xf32> to vector<1x128xf32>
    %get3A_3913 = arith.constant 2 : index
    %get3A_3914 = arith.constant 10 : index
    %get3A_3915 = arith.constant 0 : index
    %get3A_3916 = vector.load %arg2[%get3A_3913, %get3A_3914, %get3A_3915] : memref<3x256x128xf32, #tpu.memory_space<vmem>>, vector<1x1x128xf32>
    %get3A_3917 = vector.shape_cast %get3A_3916 : vector<1x1x128xf32> to vector<1x128xf32>
    %get3A_3918 = arith.constant 2 : index
    %get3A_3919 = arith.constant 11 : index
    %get3A_3920 = arith.constant 0 : index
    %get3A_3921 = vector.load %arg2[%get3A_3918, %get3A_3919, %get3A_3920] : memref<3x256x128xf32, #tpu.memory_space<vmem>>, vector<1x1x128xf32>
    %get3A_3922 = vector.shape_cast %get3A_3921 : vector<1x1x128xf32> to vector<1x128xf32>
    %get3A_3923 = arith.constant 2 : index
    %get3A_3924 = arith.constant 12 : index
    %get3A_3925 = arith.constant 0 : index
    %get3A_3926 = vector.load %arg2[%get3A_3923, %get3A_3924, %get3A_3925] : memref<3x256x128xf32, #tpu.memory_space<vmem>>, vector<1x1x128xf32>
    %get3A_3927 = vector.shape_cast %get3A_3926 : vector<1x1x128xf32> to vector<1x128xf32>
    %get3A_3928 = arith.constant 2 : index
    %get3A_3929 = arith.constant 13 : index
    %get3A_3930 = arith.constant 0 : index
    %get3A_3931 = vector.load %arg2[%get3A_3928, %get3A_3929, %get3A_3930] : memref<3x256x128xf32, #tpu.memory_space<vmem>>, vector<1x1x128xf32>
    %get3A_3932 = vector.shape_cast %get3A_3931 : vector<1x1x128xf32> to vector<1x128xf32>
    %get3A_3933 = arith.constant 2 : index
    %get3A_3934 = arith.constant 14 : index
    %get3A_3935 = arith.constant 0 : index
    %get3A_3936 = vector.load %arg2[%get3A_3933, %get3A_3934, %get3A_3935] : memref<3x256x128xf32, #tpu.memory_space<vmem>>, vector<1x1x128xf32>
    %get3A_3937 = vector.shape_cast %get3A_3936 : vector<1x1x128xf32> to vector<1x128xf32>
    %get3A_3938 = arith.constant 2 : index
    %get3A_3939 = arith.constant 15 : index
    %get3A_3940 = arith.constant 0 : index
    %get3A_3941 = vector.load %arg2[%get3A_3938, %get3A_3939, %get3A_3940] : memref<3x256x128xf32, #tpu.memory_space<vmem>>, vector<1x1x128xf32>
    %get3A_3942 = vector.shape_cast %get3A_3941 : vector<1x1x128xf32> to vector<1x128xf32>
    %get3A_3943 = arith.constant 2 : index
    %get3A_3944 = arith.constant 16 : index
    %get3A_3945 = arith.constant 0 : index
    %get3A_3946 = vector.load %arg2[%get3A_3943, %get3A_3944, %get3A_3945] : memref<3x256x128xf32, #tpu.memory_space<vmem>>, vector<1x1x128xf32>
    %get3A_3947 = vector.shape_cast %get3A_3946 : vector<1x1x128xf32> to vector<1x128xf32>
    %get3A_3948 = arith.constant 2 : index
    %get3A_3949 = arith.constant 17 : index
    %get3A_3950 = arith.constant 0 : index
    %get3A_3951 = vector.load %arg2[%get3A_3948, %get3A_3949, %get3A_3950] : memref<3x256x128xf32, #tpu.memory_space<vmem>>, vector<1x1x128xf32>
    %get3A_3952 = vector.shape_cast %get3A_3951 : vector<1x1x128xf32> to vector<1x128xf32>
    %get3A_3953 = arith.constant 2 : index
    %get3A_3954 = arith.constant 18 : index
    %get3A_3955 = arith.constant 0 : index
    %get3A_3956 = vector.load %arg2[%get3A_3953, %get3A_3954, %get3A_3955] : memref<3x256x128xf32, #tpu.memory_space<vmem>>, vector<1x1x128xf32>
    %get3A_3957 = vector.shape_cast %get3A_3956 : vector<1x1x128xf32> to vector<1x128xf32>
    %get3A_3958 = arith.constant 2 : index
    %get3A_3959 = arith.constant 19 : index
    %get3A_3960 = arith.constant 0 : index
    %get3A_3961 = vector.load %arg2[%get3A_3958, %get3A_3959, %get3A_3960] : memref<3x256x128xf32, #tpu.memory_space<vmem>>, vector<1x1x128xf32>
    %get3A_3962 = vector.shape_cast %get3A_3961 : vector<1x1x128xf32> to vector<1x128xf32>
    %get3A_3963 = arith.constant 2 : index
    %get3A_3964 = arith.constant 20 : index
    %get3A_3965 = arith.constant 0 : index
    %get3A_3966 = vector.load %arg2[%get3A_3963, %get3A_3964, %get3A_3965] : memref<3x256x128xf32, #tpu.memory_space<vmem>>, vector<1x1x128xf32>
    %get3A_3967 = vector.shape_cast %get3A_3966 : vector<1x1x128xf32> to vector<1x128xf32>
    %get3A_3968 = arith.constant 2 : index
    %get3A_3969 = arith.constant 21 : index
    %get3A_3970 = arith.constant 0 : index
    %get3A_3971 = vector.load %arg2[%get3A_3968, %get3A_3969, %get3A_3970] : memref<3x256x128xf32, #tpu.memory_space<vmem>>, vector<1x1x128xf32>
    %get3A_3972 = vector.shape_cast %get3A_3971 : vector<1x1x128xf32> to vector<1x128xf32>
    %get3A_3973 = arith.constant 2 : index
    %get3A_3974 = arith.constant 22 : index
    %get3A_3975 = arith.constant 0 : index
    %get3A_3976 = vector.load %arg2[%get3A_3973, %get3A_3974, %get3A_3975] : memref<3x256x128xf32, #tpu.memory_space<vmem>>, vector<1x1x128xf32>
    %get3A_3977 = vector.shape_cast %get3A_3976 : vector<1x1x128xf32> to vector<1x128xf32>
    %get3A_3978 = arith.constant 2 : index
    %get3A_3979 = arith.constant 23 : index
    %get3A_3980 = arith.constant 0 : index
    %get3A_3981 = vector.load %arg2[%get3A_3978, %get3A_3979, %get3A_3980] : memref<3x256x128xf32, #tpu.memory_space<vmem>>, vector<1x1x128xf32>
    %get3A_3982 = vector.shape_cast %get3A_3981 : vector<1x1x128xf32> to vector<1x128xf32>
    %get3A_3983 = arith.constant 2 : index
    %get3A_3984 = arith.constant 24 : index
    %get3A_3985 = arith.constant 0 : index
    %get3A_3986 = vector.load %arg2[%get3A_3983, %get3A_3984, %get3A_3985] : memref<3x256x128xf32, #tpu.memory_space<vmem>>, vector<1x1x128xf32>
    %get3A_3987 = vector.shape_cast %get3A_3986 : vector<1x1x128xf32> to vector<1x128xf32>
    %get3A_3988 = arith.constant 2 : index
    %get3A_3989 = arith.constant 25 : index
    %get3A_3990 = arith.constant 0 : index
    %get3A_3991 = vector.load %arg2[%get3A_3988, %get3A_3989, %get3A_3990] : memref<3x256x128xf32, #tpu.memory_space<vmem>>, vector<1x1x128xf32>
    %get3A_3992 = vector.shape_cast %get3A_3991 : vector<1x1x128xf32> to vector<1x128xf32>
    %get3A_3993 = arith.constant 2 : index
    %get3A_3994 = arith.constant 26 : index
    %get3A_3995 = arith.constant 0 : index
    %get3A_3996 = vector.load %arg2[%get3A_3993, %get3A_3994, %get3A_3995] : memref<3x256x128xf32, #tpu.memory_space<vmem>>, vector<1x1x128xf32>
    %get3A_3997 = vector.shape_cast %get3A_3996 : vector<1x1x128xf32> to vector<1x128xf32>
    %get3A_3998 = arith.constant 2 : index
    %get3A_3999 = arith.constant 27 : index
    %get3A_4000 = arith.constant 0 : index
    %get3A_4001 = vector.load %arg2[%get3A_3998, %get3A_3999, %get3A_4000] : memref<3x256x128xf32, #tpu.memory_space<vmem>>, vector<1x1x128xf32>
    %get3A_4002 = vector.shape_cast %get3A_4001 : vector<1x1x128xf32> to vector<1x128xf32>
    %get3A_4003 = arith.constant 2 : index
    %get3A_4004 = arith.constant 28 : index
    %get3A_4005 = arith.constant 0 : index
    %get3A_4006 = vector.load %arg2[%get3A_4003, %get3A_4004, %get3A_4005] : memref<3x256x128xf32, #tpu.memory_space<vmem>>, vector<1x1x128xf32>
    %get3A_4007 = vector.shape_cast %get3A_4006 : vector<1x1x128xf32> to vector<1x128xf32>
    %get3A_4008 = arith.constant 2 : index
    %get3A_4009 = arith.constant 29 : index
    %get3A_4010 = arith.constant 0 : index
    %get3A_4011 = vector.load %arg2[%get3A_4008, %get3A_4009, %get3A_4010] : memref<3x256x128xf32, #tpu.memory_space<vmem>>, vector<1x1x128xf32>
    %get3A_4012 = vector.shape_cast %get3A_4011 : vector<1x1x128xf32> to vector<1x128xf32>
    %get3A_4013 = arith.constant 2 : index
    %get3A_4014 = arith.constant 30 : index
    %get3A_4015 = arith.constant 0 : index
    %get3A_4016 = vector.load %arg2[%get3A_4013, %get3A_4014, %get3A_4015] : memref<3x256x128xf32, #tpu.memory_space<vmem>>, vector<1x1x128xf32>
    %get3A_4017 = vector.shape_cast %get3A_4016 : vector<1x1x128xf32> to vector<1x128xf32>
    %get3A_4018 = arith.constant 2 : index
    %get3A_4019 = arith.constant 31 : index
    %get3A_4020 = arith.constant 0 : index
    %get3A_4021 = vector.load %arg2[%get3A_4018, %get3A_4019, %get3A_4020] : memref<3x256x128xf32, #tpu.memory_space<vmem>>, vector<1x1x128xf32>
    %get3A_4022 = vector.shape_cast %get3A_4021 : vector<1x1x128xf32> to vector<1x128xf32>
    %get3A_4023 = arith.constant 2 : index
    %get3A_4024 = arith.constant 32 : index
    %get3A_4025 = arith.constant 0 : index
    %get3A_4026 = vector.load %arg2[%get3A_4023, %get3A_4024, %get3A_4025] : memref<3x256x128xf32, #tpu.memory_space<vmem>>, vector<1x1x128xf32>
    %get3A_4027 = vector.shape_cast %get3A_4026 : vector<1x1x128xf32> to vector<1x128xf32>
    %get3A_4028 = arith.constant 2 : index
    %get3A_4029 = arith.constant 33 : index
    %get3A_4030 = arith.constant 0 : index
    %get3A_4031 = vector.load %arg2[%get3A_4028, %get3A_4029, %get3A_4030] : memref<3x256x128xf32, #tpu.memory_space<vmem>>, vector<1x1x128xf32>
    %get3A_4032 = vector.shape_cast %get3A_4031 : vector<1x1x128xf32> to vector<1x128xf32>
    %get3A_4033 = arith.constant 2 : index
    %get3A_4034 = arith.constant 34 : index
    %get3A_4035 = arith.constant 0 : index
    %get3A_4036 = vector.load %arg2[%get3A_4033, %get3A_4034, %get3A_4035] : memref<3x256x128xf32, #tpu.memory_space<vmem>>, vector<1x1x128xf32>
    %get3A_4037 = vector.shape_cast %get3A_4036 : vector<1x1x128xf32> to vector<1x128xf32>
    %get3A_4038 = arith.constant 2 : index
    %get3A_4039 = arith.constant 35 : index
    %get3A_4040 = arith.constant 0 : index
    %get3A_4041 = vector.load %arg2[%get3A_4038, %get3A_4039, %get3A_4040] : memref<3x256x128xf32, #tpu.memory_space<vmem>>, vector<1x1x128xf32>
    %get3A_4042 = vector.shape_cast %get3A_4041 : vector<1x1x128xf32> to vector<1x128xf32>
    %get3A_4043 = arith.constant 2 : index
    %get3A_4044 = arith.constant 36 : index
    %get3A_4045 = arith.constant 0 : index
    %get3A_4046 = vector.load %arg2[%get3A_4043, %get3A_4044, %get3A_4045] : memref<3x256x128xf32, #tpu.memory_space<vmem>>, vector<1x1x128xf32>
    %get3A_4047 = vector.shape_cast %get3A_4046 : vector<1x1x128xf32> to vector<1x128xf32>
    %get3A_4048 = arith.constant 2 : index
    %get3A_4049 = arith.constant 37 : index
    %get3A_4050 = arith.constant 0 : index
    %get3A_4051 = vector.load %arg2[%get3A_4048, %get3A_4049, %get3A_4050] : memref<3x256x128xf32, #tpu.memory_space<vmem>>, vector<1x1x128xf32>
    %get3A_4052 = vector.shape_cast %get3A_4051 : vector<1x1x128xf32> to vector<1x128xf32>
    %get3A_4053 = arith.constant 2 : index
    %get3A_4054 = arith.constant 38 : index
    %get3A_4055 = arith.constant 0 : index
    %get3A_4056 = vector.load %arg2[%get3A_4053, %get3A_4054, %get3A_4055] : memref<3x256x128xf32, #tpu.memory_space<vmem>>, vector<1x1x128xf32>
    %get3A_4057 = vector.shape_cast %get3A_4056 : vector<1x1x128xf32> to vector<1x128xf32>
    %get3A_4058 = arith.constant 2 : index
    %get3A_4059 = arith.constant 39 : index
    %get3A_4060 = arith.constant 0 : index
    %get3A_4061 = vector.load %arg2[%get3A_4058, %get3A_4059, %get3A_4060] : memref<3x256x128xf32, #tpu.memory_space<vmem>>, vector<1x1x128xf32>
    %get3A_4062 = vector.shape_cast %get3A_4061 : vector<1x1x128xf32> to vector<1x128xf32>
    %get3A_4063 = arith.constant 2 : index
    %get3A_4064 = arith.constant 40 : index
    %get3A_4065 = arith.constant 0 : index
    %get3A_4066 = vector.load %arg2[%get3A_4063, %get3A_4064, %get3A_4065] : memref<3x256x128xf32, #tpu.memory_space<vmem>>, vector<1x1x128xf32>
    %get3A_4067 = vector.shape_cast %get3A_4066 : vector<1x1x128xf32> to vector<1x128xf32>
    %get3A_4068 = arith.constant 2 : index
    %get3A_4069 = arith.constant 41 : index
    %get3A_4070 = arith.constant 0 : index
    %get3A_4071 = vector.load %arg2[%get3A_4068, %get3A_4069, %get3A_4070] : memref<3x256x128xf32, #tpu.memory_space<vmem>>, vector<1x1x128xf32>
    %get3A_4072 = vector.shape_cast %get3A_4071 : vector<1x1x128xf32> to vector<1x128xf32>
    %get3A_4073 = arith.constant 2 : index
    %get3A_4074 = arith.constant 42 : index
    %get3A_4075 = arith.constant 0 : index
    %get3A_4076 = vector.load %arg2[%get3A_4073, %get3A_4074, %get3A_4075] : memref<3x256x128xf32, #tpu.memory_space<vmem>>, vector<1x1x128xf32>
    %get3A_4077 = vector.shape_cast %get3A_4076 : vector<1x1x128xf32> to vector<1x128xf32>
    %get3A_4078 = arith.constant 2 : index
    %get3A_4079 = arith.constant 43 : index
    %get3A_4080 = arith.constant 0 : index
    %get3A_4081 = vector.load %arg2[%get3A_4078, %get3A_4079, %get3A_4080] : memref<3x256x128xf32, #tpu.memory_space<vmem>>, vector<1x1x128xf32>
    %get3A_4082 = vector.shape_cast %get3A_4081 : vector<1x1x128xf32> to vector<1x128xf32>
    %get3A_4083 = arith.constant 2 : index
    %get3A_4084 = arith.constant 44 : index
    %get3A_4085 = arith.constant 0 : index
    %get3A_4086 = vector.load %arg2[%get3A_4083, %get3A_4084, %get3A_4085] : memref<3x256x128xf32, #tpu.memory_space<vmem>>, vector<1x1x128xf32>
    %get3A_4087 = vector.shape_cast %get3A_4086 : vector<1x1x128xf32> to vector<1x128xf32>
    %get3A_4088 = arith.constant 2 : index
    %get3A_4089 = arith.constant 45 : index
    %get3A_4090 = arith.constant 0 : index
    %get3A_4091 = vector.load %arg2[%get3A_4088, %get3A_4089, %get3A_4090] : memref<3x256x128xf32, #tpu.memory_space<vmem>>, vector<1x1x128xf32>
    %get3A_4092 = vector.shape_cast %get3A_4091 : vector<1x1x128xf32> to vector<1x128xf32>
    %get3A_4093 = arith.constant 2 : index
    %get3A_4094 = arith.constant 46 : index
    %get3A_4095 = arith.constant 0 : index
    %get3A_4096 = vector.load %arg2[%get3A_4093, %get3A_4094, %get3A_4095] : memref<3x256x128xf32, #tpu.memory_space<vmem>>, vector<1x1x128xf32>
    %get3A_4097 = vector.shape_cast %get3A_4096 : vector<1x1x128xf32> to vector<1x128xf32>
    %get3A_4098 = arith.constant 2 : index
    %get3A_4099 = arith.constant 47 : index
    %get3A_4100 = arith.constant 0 : index
    %get3A_4101 = vector.load %arg2[%get3A_4098, %get3A_4099, %get3A_4100] : memref<3x256x128xf32, #tpu.memory_space<vmem>>, vector<1x1x128xf32>
    %get3A_4102 = vector.shape_cast %get3A_4101 : vector<1x1x128xf32> to vector<1x128xf32>
    %get3A_4103 = arith.constant 2 : index
    %get3A_4104 = arith.constant 48 : index
    %get3A_4105 = arith.constant 0 : index
    %get3A_4106 = vector.load %arg2[%get3A_4103, %get3A_4104, %get3A_4105] : memref<3x256x128xf32, #tpu.memory_space<vmem>>, vector<1x1x128xf32>
    %get3A_4107 = vector.shape_cast %get3A_4106 : vector<1x1x128xf32> to vector<1x128xf32>
    %get3A_4108 = arith.constant 2 : index
    %get3A_4109 = arith.constant 49 : index
    %get3A_4110 = arith.constant 0 : index
    %get3A_4111 = vector.load %arg2[%get3A_4108, %get3A_4109, %get3A_4110] : memref<3x256x128xf32, #tpu.memory_space<vmem>>, vector<1x1x128xf32>
    %get3A_4112 = vector.shape_cast %get3A_4111 : vector<1x1x128xf32> to vector<1x128xf32>
    %get3A_4113 = arith.constant 2 : index
    %get3A_4114 = arith.constant 50 : index
    %get3A_4115 = arith.constant 0 : index
    %get3A_4116 = vector.load %arg2[%get3A_4113, %get3A_4114, %get3A_4115] : memref<3x256x128xf32, #tpu.memory_space<vmem>>, vector<1x1x128xf32>
    %get3A_4117 = vector.shape_cast %get3A_4116 : vector<1x1x128xf32> to vector<1x128xf32>
    %get3A_4118 = arith.constant 2 : index
    %get3A_4119 = arith.constant 51 : index
    %get3A_4120 = arith.constant 0 : index
    %get3A_4121 = vector.load %arg2[%get3A_4118, %get3A_4119, %get3A_4120] : memref<3x256x128xf32, #tpu.memory_space<vmem>>, vector<1x1x128xf32>
    %get3A_4122 = vector.shape_cast %get3A_4121 : vector<1x1x128xf32> to vector<1x128xf32>
    %get3A_4123 = arith.constant 2 : index
    %get3A_4124 = arith.constant 52 : index
    %get3A_4125 = arith.constant 0 : index
    %get3A_4126 = vector.load %arg2[%get3A_4123, %get3A_4124, %get3A_4125] : memref<3x256x128xf32, #tpu.memory_space<vmem>>, vector<1x1x128xf32>
    %get3A_4127 = vector.shape_cast %get3A_4126 : vector<1x1x128xf32> to vector<1x128xf32>
    %get3A_4128 = arith.constant 2 : index
    %get3A_4129 = arith.constant 53 : index
    %get3A_4130 = arith.constant 0 : index
    %get3A_4131 = vector.load %arg2[%get3A_4128, %get3A_4129, %get3A_4130] : memref<3x256x128xf32, #tpu.memory_space<vmem>>, vector<1x1x128xf32>
    %get3A_4132 = vector.shape_cast %get3A_4131 : vector<1x1x128xf32> to vector<1x128xf32>
    %get3A_4133 = arith.constant 2 : index
    %get3A_4134 = arith.constant 54 : index
    %get3A_4135 = arith.constant 0 : index
    %get3A_4136 = vector.load %arg2[%get3A_4133, %get3A_4134, %get3A_4135] : memref<3x256x128xf32, #tpu.memory_space<vmem>>, vector<1x1x128xf32>
    %get3A_4137 = vector.shape_cast %get3A_4136 : vector<1x1x128xf32> to vector<1x128xf32>
    %get3A_4138 = arith.constant 2 : index
    %get3A_4139 = arith.constant 55 : index
    %get3A_4140 = arith.constant 0 : index
    %get3A_4141 = vector.load %arg2[%get3A_4138, %get3A_4139, %get3A_4140] : memref<3x256x128xf32, #tpu.memory_space<vmem>>, vector<1x1x128xf32>
    %get3A_4142 = vector.shape_cast %get3A_4141 : vector<1x1x128xf32> to vector<1x128xf32>
    %get3A_4143 = arith.constant 2 : index
    %get3A_4144 = arith.constant 56 : index
    %get3A_4145 = arith.constant 0 : index
    %get3A_4146 = vector.load %arg2[%get3A_4143, %get3A_4144, %get3A_4145] : memref<3x256x128xf32, #tpu.memory_space<vmem>>, vector<1x1x128xf32>
    %get3A_4147 = vector.shape_cast %get3A_4146 : vector<1x1x128xf32> to vector<1x128xf32>
    %get3A_4148 = arith.constant 2 : index
    %get3A_4149 = arith.constant 57 : index
    %get3A_4150 = arith.constant 0 : index
    %get3A_4151 = vector.load %arg2[%get3A_4148, %get3A_4149, %get3A_4150] : memref<3x256x128xf32, #tpu.memory_space<vmem>>, vector<1x1x128xf32>
    %get3A_4152 = vector.shape_cast %get3A_4151 : vector<1x1x128xf32> to vector<1x128xf32>
    %get3A_4153 = arith.constant 2 : index
    %get3A_4154 = arith.constant 58 : index
    %get3A_4155 = arith.constant 0 : index
    %get3A_4156 = vector.load %arg2[%get3A_4153, %get3A_4154, %get3A_4155] : memref<3x256x128xf32, #tpu.memory_space<vmem>>, vector<1x1x128xf32>
    %get3A_4157 = vector.shape_cast %get3A_4156 : vector<1x1x128xf32> to vector<1x128xf32>
    %get3A_4158 = arith.constant 2 : index
    %get3A_4159 = arith.constant 59 : index
    %get3A_4160 = arith.constant 0 : index
    %get3A_4161 = vector.load %arg2[%get3A_4158, %get3A_4159, %get3A_4160] : memref<3x256x128xf32, #tpu.memory_space<vmem>>, vector<1x1x128xf32>
    %get3A_4162 = vector.shape_cast %get3A_4161 : vector<1x1x128xf32> to vector<1x128xf32>
    %get3A_4163 = arith.constant 2 : index
    %get3A_4164 = arith.constant 60 : index
    %get3A_4165 = arith.constant 0 : index
    %get3A_4166 = vector.load %arg2[%get3A_4163, %get3A_4164, %get3A_4165] : memref<3x256x128xf32, #tpu.memory_space<vmem>>, vector<1x1x128xf32>
    %get3A_4167 = vector.shape_cast %get3A_4166 : vector<1x1x128xf32> to vector<1x128xf32>
    %get3A_4168 = arith.constant 2 : index
    %get3A_4169 = arith.constant 61 : index
    %get3A_4170 = arith.constant 0 : index
    %get3A_4171 = vector.load %arg2[%get3A_4168, %get3A_4169, %get3A_4170] : memref<3x256x128xf32, #tpu.memory_space<vmem>>, vector<1x1x128xf32>
    %get3A_4172 = vector.shape_cast %get3A_4171 : vector<1x1x128xf32> to vector<1x128xf32>
    %get3A_4173 = arith.constant 2 : index
    %get3A_4174 = arith.constant 62 : index
    %get3A_4175 = arith.constant 0 : index
    %get3A_4176 = vector.load %arg2[%get3A_4173, %get3A_4174, %get3A_4175] : memref<3x256x128xf32, #tpu.memory_space<vmem>>, vector<1x1x128xf32>
    %get3A_4177 = vector.shape_cast %get3A_4176 : vector<1x1x128xf32> to vector<1x128xf32>
    %get3A_4178 = arith.constant 2 : index
    %get3A_4179 = arith.constant 63 : index
    %get3A_4180 = arith.constant 0 : index
    %get3A_4181 = vector.load %arg2[%get3A_4178, %get3A_4179, %get3A_4180] : memref<3x256x128xf32, #tpu.memory_space<vmem>>, vector<1x1x128xf32>
    %get3A_4182 = vector.shape_cast %get3A_4181 : vector<1x1x128xf32> to vector<1x128xf32>
    %get3A_4183 = arith.constant 2 : index
    %get3A_4184 = arith.constant 64 : index
    %get3A_4185 = arith.constant 0 : index
    %get3A_4186 = vector.load %arg2[%get3A_4183, %get3A_4184, %get3A_4185] : memref<3x256x128xf32, #tpu.memory_space<vmem>>, vector<1x1x128xf32>
    %get3A_4187 = vector.shape_cast %get3A_4186 : vector<1x1x128xf32> to vector<1x128xf32>
    %get3A_4188 = arith.constant 2 : index
    %get3A_4189 = arith.constant 65 : index
    %get3A_4190 = arith.constant 0 : index
    %get3A_4191 = vector.load %arg2[%get3A_4188, %get3A_4189, %get3A_4190] : memref<3x256x128xf32, #tpu.memory_space<vmem>>, vector<1x1x128xf32>
    %get3A_4192 = vector.shape_cast %get3A_4191 : vector<1x1x128xf32> to vector<1x128xf32>
    %get3A_4193 = arith.constant 2 : index
    %get3A_4194 = arith.constant 66 : index
    %get3A_4195 = arith.constant 0 : index
    %get3A_4196 = vector.load %arg2[%get3A_4193, %get3A_4194, %get3A_4195] : memref<3x256x128xf32, #tpu.memory_space<vmem>>, vector<1x1x128xf32>
    %get3A_4197 = vector.shape_cast %get3A_4196 : vector<1x1x128xf32> to vector<1x128xf32>
    %get3A_4198 = arith.constant 2 : index
    %get3A_4199 = arith.constant 67 : index
    %get3A_4200 = arith.constant 0 : index
    %get3A_4201 = vector.load %arg2[%get3A_4198, %get3A_4199, %get3A_4200] : memref<3x256x128xf32, #tpu.memory_space<vmem>>, vector<1x1x128xf32>
    %get3A_4202 = vector.shape_cast %get3A_4201 : vector<1x1x128xf32> to vector<1x128xf32>
    %get3A_4203 = arith.constant 2 : index
    %get3A_4204 = arith.constant 68 : index
    %get3A_4205 = arith.constant 0 : index
    %get3A_4206 = vector.load %arg2[%get3A_4203, %get3A_4204, %get3A_4205] : memref<3x256x128xf32, #tpu.memory_space<vmem>>, vector<1x1x128xf32>
    %get3A_4207 = vector.shape_cast %get3A_4206 : vector<1x1x128xf32> to vector<1x128xf32>
    %get3A_4208 = arith.constant 2 : index
    %get3A_4209 = arith.constant 69 : index
    %get3A_4210 = arith.constant 0 : index
    %get3A_4211 = vector.load %arg2[%get3A_4208, %get3A_4209, %get3A_4210] : memref<3x256x128xf32, #tpu.memory_space<vmem>>, vector<1x1x128xf32>
    %get3A_4212 = vector.shape_cast %get3A_4211 : vector<1x1x128xf32> to vector<1x128xf32>
    %get3A_4213 = arith.constant 2 : index
    %get3A_4214 = arith.constant 70 : index
    %get3A_4215 = arith.constant 0 : index
    %get3A_4216 = vector.load %arg2[%get3A_4213, %get3A_4214, %get3A_4215] : memref<3x256x128xf32, #tpu.memory_space<vmem>>, vector<1x1x128xf32>
    %get3A_4217 = vector.shape_cast %get3A_4216 : vector<1x1x128xf32> to vector<1x128xf32>
    %get3A_4218 = arith.constant 2 : index
    %get3A_4219 = arith.constant 71 : index
    %get3A_4220 = arith.constant 0 : index
    %get3A_4221 = vector.load %arg2[%get3A_4218, %get3A_4219, %get3A_4220] : memref<3x256x128xf32, #tpu.memory_space<vmem>>, vector<1x1x128xf32>
    %get3A_4222 = vector.shape_cast %get3A_4221 : vector<1x1x128xf32> to vector<1x128xf32>
    %get3A_4223 = arith.constant 2 : index
    %get3A_4224 = arith.constant 72 : index
    %get3A_4225 = arith.constant 0 : index
    %get3A_4226 = vector.load %arg2[%get3A_4223, %get3A_4224, %get3A_4225] : memref<3x256x128xf32, #tpu.memory_space<vmem>>, vector<1x1x128xf32>
    %get3A_4227 = vector.shape_cast %get3A_4226 : vector<1x1x128xf32> to vector<1x128xf32>
    %get3A_4228 = arith.constant 2 : index
    %get3A_4229 = arith.constant 73 : index
    %get3A_4230 = arith.constant 0 : index
    %get3A_4231 = vector.load %arg2[%get3A_4228, %get3A_4229, %get3A_4230] : memref<3x256x128xf32, #tpu.memory_space<vmem>>, vector<1x1x128xf32>
    %get3A_4232 = vector.shape_cast %get3A_4231 : vector<1x1x128xf32> to vector<1x128xf32>
    %get3A_4233 = arith.constant 2 : index
    %get3A_4234 = arith.constant 74 : index
    %get3A_4235 = arith.constant 0 : index
    %get3A_4236 = vector.load %arg2[%get3A_4233, %get3A_4234, %get3A_4235] : memref<3x256x128xf32, #tpu.memory_space<vmem>>, vector<1x1x128xf32>
    %get3A_4237 = vector.shape_cast %get3A_4236 : vector<1x1x128xf32> to vector<1x128xf32>
    %get3A_4238 = arith.constant 2 : index
    %get3A_4239 = arith.constant 75 : index
    %get3A_4240 = arith.constant 0 : index
    %get3A_4241 = vector.load %arg2[%get3A_4238, %get3A_4239, %get3A_4240] : memref<3x256x128xf32, #tpu.memory_space<vmem>>, vector<1x1x128xf32>
    %get3A_4242 = vector.shape_cast %get3A_4241 : vector<1x1x128xf32> to vector<1x128xf32>
    %get3A_4243 = arith.constant 2 : index
    %get3A_4244 = arith.constant 76 : index
    %get3A_4245 = arith.constant 0 : index
    %get3A_4246 = vector.load %arg2[%get3A_4243, %get3A_4244, %get3A_4245] : memref<3x256x128xf32, #tpu.memory_space<vmem>>, vector<1x1x128xf32>
    %get3A_4247 = vector.shape_cast %get3A_4246 : vector<1x1x128xf32> to vector<1x128xf32>
    %get3A_4248 = arith.constant 2 : index
    %get3A_4249 = arith.constant 77 : index
    %get3A_4250 = arith.constant 0 : index
    %get3A_4251 = vector.load %arg2[%get3A_4248, %get3A_4249, %get3A_4250] : memref<3x256x128xf32, #tpu.memory_space<vmem>>, vector<1x1x128xf32>
    %get3A_4252 = vector.shape_cast %get3A_4251 : vector<1x1x128xf32> to vector<1x128xf32>
    %get3A_4253 = arith.constant 2 : index
    %get3A_4254 = arith.constant 78 : index
    %get3A_4255 = arith.constant 0 : index
    %get3A_4256 = vector.load %arg2[%get3A_4253, %get3A_4254, %get3A_4255] : memref<3x256x128xf32, #tpu.memory_space<vmem>>, vector<1x1x128xf32>
    %get3A_4257 = vector.shape_cast %get3A_4256 : vector<1x1x128xf32> to vector<1x128xf32>
    %get3A_4258 = arith.constant 2 : index
    %get3A_4259 = arith.constant 79 : index
    %get3A_4260 = arith.constant 0 : index
    %get3A_4261 = vector.load %arg2[%get3A_4258, %get3A_4259, %get3A_4260] : memref<3x256x128xf32, #tpu.memory_space<vmem>>, vector<1x1x128xf32>
    %get3A_4262 = vector.shape_cast %get3A_4261 : vector<1x1x128xf32> to vector<1x128xf32>
    %get3A_4263 = arith.constant 2 : index
    %get3A_4264 = arith.constant 80 : index
    %get3A_4265 = arith.constant 0 : index
    %get3A_4266 = vector.load %arg2[%get3A_4263, %get3A_4264, %get3A_4265] : memref<3x256x128xf32, #tpu.memory_space<vmem>>, vector<1x1x128xf32>
    %get3A_4267 = vector.shape_cast %get3A_4266 : vector<1x1x128xf32> to vector<1x128xf32>
    %get3A_4268 = arith.constant 2 : index
    %get3A_4269 = arith.constant 81 : index
    %get3A_4270 = arith.constant 0 : index
    %get3A_4271 = vector.load %arg2[%get3A_4268, %get3A_4269, %get3A_4270] : memref<3x256x128xf32, #tpu.memory_space<vmem>>, vector<1x1x128xf32>
    %get3A_4272 = vector.shape_cast %get3A_4271 : vector<1x1x128xf32> to vector<1x128xf32>
    %get3A_4273 = arith.constant 2 : index
    %get3A_4274 = arith.constant 82 : index
    %get3A_4275 = arith.constant 0 : index
    %get3A_4276 = vector.load %arg2[%get3A_4273, %get3A_4274, %get3A_4275] : memref<3x256x128xf32, #tpu.memory_space<vmem>>, vector<1x1x128xf32>
    %get3A_4277 = vector.shape_cast %get3A_4276 : vector<1x1x128xf32> to vector<1x128xf32>
    %get3A_4278 = arith.constant 2 : index
    %get3A_4279 = arith.constant 83 : index
    %get3A_4280 = arith.constant 0 : index
    %get3A_4281 = vector.load %arg2[%get3A_4278, %get3A_4279, %get3A_4280] : memref<3x256x128xf32, #tpu.memory_space<vmem>>, vector<1x1x128xf32>
    %get3A_4282 = vector.shape_cast %get3A_4281 : vector<1x1x128xf32> to vector<1x128xf32>
    %get3A_4283 = arith.constant 2 : index
    %get3A_4284 = arith.constant 84 : index
    %get3A_4285 = arith.constant 0 : index
    %get3A_4286 = vector.load %arg2[%get3A_4283, %get3A_4284, %get3A_4285] : memref<3x256x128xf32, #tpu.memory_space<vmem>>, vector<1x1x128xf32>
    %get3A_4287 = vector.shape_cast %get3A_4286 : vector<1x1x128xf32> to vector<1x128xf32>
    %get3A_4288 = arith.constant 2 : index
    %get3A_4289 = arith.constant 85 : index
    %get3A_4290 = arith.constant 0 : index
    %get3A_4291 = vector.load %arg2[%get3A_4288, %get3A_4289, %get3A_4290] : memref<3x256x128xf32, #tpu.memory_space<vmem>>, vector<1x1x128xf32>
    %get3A_4292 = vector.shape_cast %get3A_4291 : vector<1x1x128xf32> to vector<1x128xf32>
    %get3A_4293 = arith.constant 2 : index
    %get3A_4294 = arith.constant 86 : index
    %get3A_4295 = arith.constant 0 : index
    %get3A_4296 = vector.load %arg2[%get3A_4293, %get3A_4294, %get3A_4295] : memref<3x256x128xf32, #tpu.memory_space<vmem>>, vector<1x1x128xf32>
    %get3A_4297 = vector.shape_cast %get3A_4296 : vector<1x1x128xf32> to vector<1x128xf32>
    %get3A_4298 = arith.constant 2 : index
    %get3A_4299 = arith.constant 87 : index
    %get3A_4300 = arith.constant 0 : index
    %get3A_4301 = vector.load %arg2[%get3A_4298, %get3A_4299, %get3A_4300] : memref<3x256x128xf32, #tpu.memory_space<vmem>>, vector<1x1x128xf32>
    %get3A_4302 = vector.shape_cast %get3A_4301 : vector<1x1x128xf32> to vector<1x128xf32>
    %get3A_4303 = arith.constant 2 : index
    %get3A_4304 = arith.constant 88 : index
    %get3A_4305 = arith.constant 0 : index
    %get3A_4306 = vector.load %arg2[%get3A_4303, %get3A_4304, %get3A_4305] : memref<3x256x128xf32, #tpu.memory_space<vmem>>, vector<1x1x128xf32>
    %get3A_4307 = vector.shape_cast %get3A_4306 : vector<1x1x128xf32> to vector<1x128xf32>
    %get3A_4308 = arith.constant 2 : index
    %get3A_4309 = arith.constant 89 : index
    %get3A_4310 = arith.constant 0 : index
    %get3A_4311 = vector.load %arg2[%get3A_4308, %get3A_4309, %get3A_4310] : memref<3x256x128xf32, #tpu.memory_space<vmem>>, vector<1x1x128xf32>
    %get3A_4312 = vector.shape_cast %get3A_4311 : vector<1x1x128xf32> to vector<1x128xf32>
    %get3A_4313 = arith.constant 2 : index
    %get3A_4314 = arith.constant 90 : index
    %get3A_4315 = arith.constant 0 : index
    %get3A_4316 = vector.load %arg2[%get3A_4313, %get3A_4314, %get3A_4315] : memref<3x256x128xf32, #tpu.memory_space<vmem>>, vector<1x1x128xf32>
    %get3A_4317 = vector.shape_cast %get3A_4316 : vector<1x1x128xf32> to vector<1x128xf32>
    %get3A_4318 = arith.constant 2 : index
    %get3A_4319 = arith.constant 91 : index
    %get3A_4320 = arith.constant 0 : index
    %get3A_4321 = vector.load %arg2[%get3A_4318, %get3A_4319, %get3A_4320] : memref<3x256x128xf32, #tpu.memory_space<vmem>>, vector<1x1x128xf32>
    %get3A_4322 = vector.shape_cast %get3A_4321 : vector<1x1x128xf32> to vector<1x128xf32>
    %get3A_4323 = arith.constant 2 : index
    %get3A_4324 = arith.constant 92 : index
    %get3A_4325 = arith.constant 0 : index
    %get3A_4326 = vector.load %arg2[%get3A_4323, %get3A_4324, %get3A_4325] : memref<3x256x128xf32, #tpu.memory_space<vmem>>, vector<1x1x128xf32>
    %get3A_4327 = vector.shape_cast %get3A_4326 : vector<1x1x128xf32> to vector<1x128xf32>
    %get3A_4328 = arith.constant 2 : index
    %get3A_4329 = arith.constant 93 : index
    %get3A_4330 = arith.constant 0 : index
    %get3A_4331 = vector.load %arg2[%get3A_4328, %get3A_4329, %get3A_4330] : memref<3x256x128xf32, #tpu.memory_space<vmem>>, vector<1x1x128xf32>
    %get3A_4332 = vector.shape_cast %get3A_4331 : vector<1x1x128xf32> to vector<1x128xf32>
    %get3A_4333 = arith.constant 2 : index
    %get3A_4334 = arith.constant 94 : index
    %get3A_4335 = arith.constant 0 : index
    %get3A_4336 = vector.load %arg2[%get3A_4333, %get3A_4334, %get3A_4335] : memref<3x256x128xf32, #tpu.memory_space<vmem>>, vector<1x1x128xf32>
    %get3A_4337 = vector.shape_cast %get3A_4336 : vector<1x1x128xf32> to vector<1x128xf32>
    %get3A_4338 = arith.constant 2 : index
    %get3A_4339 = arith.constant 95 : index
    %get3A_4340 = arith.constant 0 : index
    %get3A_4341 = vector.load %arg2[%get3A_4338, %get3A_4339, %get3A_4340] : memref<3x256x128xf32, #tpu.memory_space<vmem>>, vector<1x1x128xf32>
    %get3A_4342 = vector.shape_cast %get3A_4341 : vector<1x1x128xf32> to vector<1x128xf32>
    %get3A_4343 = arith.constant 2 : index
    %get3A_4344 = arith.constant 96 : index
    %get3A_4345 = arith.constant 0 : index
    %get3A_4346 = vector.load %arg2[%get3A_4343, %get3A_4344, %get3A_4345] : memref<3x256x128xf32, #tpu.memory_space<vmem>>, vector<1x1x128xf32>
    %get3A_4347 = vector.shape_cast %get3A_4346 : vector<1x1x128xf32> to vector<1x128xf32>
    %get3A_4348 = arith.constant 2 : index
    %get3A_4349 = arith.constant 97 : index
    %get3A_4350 = arith.constant 0 : index
    %get3A_4351 = vector.load %arg2[%get3A_4348, %get3A_4349, %get3A_4350] : memref<3x256x128xf32, #tpu.memory_space<vmem>>, vector<1x1x128xf32>
    %get3A_4352 = vector.shape_cast %get3A_4351 : vector<1x1x128xf32> to vector<1x128xf32>
    %get3A_4353 = arith.constant 2 : index
    %get3A_4354 = arith.constant 98 : index
    %get3A_4355 = arith.constant 0 : index
    %get3A_4356 = vector.load %arg2[%get3A_4353, %get3A_4354, %get3A_4355] : memref<3x256x128xf32, #tpu.memory_space<vmem>>, vector<1x1x128xf32>
    %get3A_4357 = vector.shape_cast %get3A_4356 : vector<1x1x128xf32> to vector<1x128xf32>
    %get3A_4358 = arith.constant 2 : index
    %get3A_4359 = arith.constant 99 : index
    %get3A_4360 = arith.constant 0 : index
    %get3A_4361 = vector.load %arg2[%get3A_4358, %get3A_4359, %get3A_4360] : memref<3x256x128xf32, #tpu.memory_space<vmem>>, vector<1x1x128xf32>
    %get3A_4362 = vector.shape_cast %get3A_4361 : vector<1x1x128xf32> to vector<1x128xf32>
    %get3A_4363 = arith.constant 2 : index
    %get3A_4364 = arith.constant 100 : index
    %get3A_4365 = arith.constant 0 : index
    %get3A_4366 = vector.load %arg2[%get3A_4363, %get3A_4364, %get3A_4365] : memref<3x256x128xf32, #tpu.memory_space<vmem>>, vector<1x1x128xf32>
    %get3A_4367 = vector.shape_cast %get3A_4366 : vector<1x1x128xf32> to vector<1x128xf32>
    %get3A_4368 = arith.constant 2 : index
    %get3A_4369 = arith.constant 101 : index
    %get3A_4370 = arith.constant 0 : index
    %get3A_4371 = vector.load %arg2[%get3A_4368, %get3A_4369, %get3A_4370] : memref<3x256x128xf32, #tpu.memory_space<vmem>>, vector<1x1x128xf32>
    %get3A_4372 = vector.shape_cast %get3A_4371 : vector<1x1x128xf32> to vector<1x128xf32>
    %get3A_4373 = arith.constant 2 : index
    %get3A_4374 = arith.constant 102 : index
    %get3A_4375 = arith.constant 0 : index
    %get3A_4376 = vector.load %arg2[%get3A_4373, %get3A_4374, %get3A_4375] : memref<3x256x128xf32, #tpu.memory_space<vmem>>, vector<1x1x128xf32>
    %get3A_4377 = vector.shape_cast %get3A_4376 : vector<1x1x128xf32> to vector<1x128xf32>
    %get3A_4378 = arith.constant 2 : index
    %get3A_4379 = arith.constant 103 : index
    %get3A_4380 = arith.constant 0 : index
    %get3A_4381 = vector.load %arg2[%get3A_4378, %get3A_4379, %get3A_4380] : memref<3x256x128xf32, #tpu.memory_space<vmem>>, vector<1x1x128xf32>
    %get3A_4382 = vector.shape_cast %get3A_4381 : vector<1x1x128xf32> to vector<1x128xf32>
    %get3A_4383 = arith.constant 2 : index
    %get3A_4384 = arith.constant 104 : index
    %get3A_4385 = arith.constant 0 : index
    %get3A_4386 = vector.load %arg2[%get3A_4383, %get3A_4384, %get3A_4385] : memref<3x256x128xf32, #tpu.memory_space<vmem>>, vector<1x1x128xf32>
    %get3A_4387 = vector.shape_cast %get3A_4386 : vector<1x1x128xf32> to vector<1x128xf32>
    %get3A_4388 = arith.constant 2 : index
    %get3A_4389 = arith.constant 105 : index
    %get3A_4390 = arith.constant 0 : index
    %get3A_4391 = vector.load %arg2[%get3A_4388, %get3A_4389, %get3A_4390] : memref<3x256x128xf32, #tpu.memory_space<vmem>>, vector<1x1x128xf32>
    %get3A_4392 = vector.shape_cast %get3A_4391 : vector<1x1x128xf32> to vector<1x128xf32>
    %get3A_4393 = arith.constant 2 : index
    %get3A_4394 = arith.constant 106 : index
    %get3A_4395 = arith.constant 0 : index
    %get3A_4396 = vector.load %arg2[%get3A_4393, %get3A_4394, %get3A_4395] : memref<3x256x128xf32, #tpu.memory_space<vmem>>, vector<1x1x128xf32>
    %get3A_4397 = vector.shape_cast %get3A_4396 : vector<1x1x128xf32> to vector<1x128xf32>
    %get3A_4398 = arith.constant 2 : index
    %get3A_4399 = arith.constant 107 : index
    %get3A_4400 = arith.constant 0 : index
    %get3A_4401 = vector.load %arg2[%get3A_4398, %get3A_4399, %get3A_4400] : memref<3x256x128xf32, #tpu.memory_space<vmem>>, vector<1x1x128xf32>
    %get3A_4402 = vector.shape_cast %get3A_4401 : vector<1x1x128xf32> to vector<1x128xf32>
    %get3A_4403 = arith.constant 2 : index
    %get3A_4404 = arith.constant 108 : index
    %get3A_4405 = arith.constant 0 : index
    %get3A_4406 = vector.load %arg2[%get3A_4403, %get3A_4404, %get3A_4405] : memref<3x256x128xf32, #tpu.memory_space<vmem>>, vector<1x1x128xf32>
    %get3A_4407 = vector.shape_cast %get3A_4406 : vector<1x1x128xf32> to vector<1x128xf32>
    %get3A_4408 = arith.constant 2 : index
    %get3A_4409 = arith.constant 109 : index
    %get3A_4410 = arith.constant 0 : index
    %get3A_4411 = vector.load %arg2[%get3A_4408, %get3A_4409, %get3A_4410] : memref<3x256x128xf32, #tpu.memory_space<vmem>>, vector<1x1x128xf32>
    %get3A_4412 = vector.shape_cast %get3A_4411 : vector<1x1x128xf32> to vector<1x128xf32>
    %get3A_4413 = arith.constant 2 : index
    %get3A_4414 = arith.constant 110 : index
    %get3A_4415 = arith.constant 0 : index
    %get3A_4416 = vector.load %arg2[%get3A_4413, %get3A_4414, %get3A_4415] : memref<3x256x128xf32, #tpu.memory_space<vmem>>, vector<1x1x128xf32>
    %get3A_4417 = vector.shape_cast %get3A_4416 : vector<1x1x128xf32> to vector<1x128xf32>
    %get3A_4418 = arith.constant 2 : index
    %get3A_4419 = arith.constant 111 : index
    %get3A_4420 = arith.constant 0 : index
    %get3A_4421 = vector.load %arg2[%get3A_4418, %get3A_4419, %get3A_4420] : memref<3x256x128xf32, #tpu.memory_space<vmem>>, vector<1x1x128xf32>
    %get3A_4422 = vector.shape_cast %get3A_4421 : vector<1x1x128xf32> to vector<1x128xf32>
    %get3A_4423 = arith.constant 2 : index
    %get3A_4424 = arith.constant 112 : index
    %get3A_4425 = arith.constant 0 : index
    %get3A_4426 = vector.load %arg2[%get3A_4423, %get3A_4424, %get3A_4425] : memref<3x256x128xf32, #tpu.memory_space<vmem>>, vector<1x1x128xf32>
    %get3A_4427 = vector.shape_cast %get3A_4426 : vector<1x1x128xf32> to vector<1x128xf32>
    %get3A_4428 = arith.constant 2 : index
    %get3A_4429 = arith.constant 113 : index
    %get3A_4430 = arith.constant 0 : index
    %get3A_4431 = vector.load %arg2[%get3A_4428, %get3A_4429, %get3A_4430] : memref<3x256x128xf32, #tpu.memory_space<vmem>>, vector<1x1x128xf32>
    %get3A_4432 = vector.shape_cast %get3A_4431 : vector<1x1x128xf32> to vector<1x128xf32>
    %get3A_4433 = arith.constant 2 : index
    %get3A_4434 = arith.constant 114 : index
    %get3A_4435 = arith.constant 0 : index
    %get3A_4436 = vector.load %arg2[%get3A_4433, %get3A_4434, %get3A_4435] : memref<3x256x128xf32, #tpu.memory_space<vmem>>, vector<1x1x128xf32>
    %get3A_4437 = vector.shape_cast %get3A_4436 : vector<1x1x128xf32> to vector<1x128xf32>
    %get3A_4438 = arith.constant 2 : index
    %get3A_4439 = arith.constant 115 : index
    %get3A_4440 = arith.constant 0 : index
    %get3A_4441 = vector.load %arg2[%get3A_4438, %get3A_4439, %get3A_4440] : memref<3x256x128xf32, #tpu.memory_space<vmem>>, vector<1x1x128xf32>
    %get3A_4442 = vector.shape_cast %get3A_4441 : vector<1x1x128xf32> to vector<1x128xf32>
    %get3A_4443 = arith.constant 2 : index
    %get3A_4444 = arith.constant 116 : index
    %get3A_4445 = arith.constant 0 : index
    %get3A_4446 = vector.load %arg2[%get3A_4443, %get3A_4444, %get3A_4445] : memref<3x256x128xf32, #tpu.memory_space<vmem>>, vector<1x1x128xf32>
    %get3A_4447 = vector.shape_cast %get3A_4446 : vector<1x1x128xf32> to vector<1x128xf32>
    %get3A_4448 = arith.constant 2 : index
    %get3A_4449 = arith.constant 117 : index
    %get3A_4450 = arith.constant 0 : index
    %get3A_4451 = vector.load %arg2[%get3A_4448, %get3A_4449, %get3A_4450] : memref<3x256x128xf32, #tpu.memory_space<vmem>>, vector<1x1x128xf32>
    %get3A_4452 = vector.shape_cast %get3A_4451 : vector<1x1x128xf32> to vector<1x128xf32>
    %get3A_4453 = arith.constant 2 : index
    %get3A_4454 = arith.constant 118 : index
    %get3A_4455 = arith.constant 0 : index
    %get3A_4456 = vector.load %arg2[%get3A_4453, %get3A_4454, %get3A_4455] : memref<3x256x128xf32, #tpu.memory_space<vmem>>, vector<1x1x128xf32>
    %get3A_4457 = vector.shape_cast %get3A_4456 : vector<1x1x128xf32> to vector<1x128xf32>
    %get3A_4458 = arith.constant 2 : index
    %get3A_4459 = arith.constant 119 : index
    %get3A_4460 = arith.constant 0 : index
    %get3A_4461 = vector.load %arg2[%get3A_4458, %get3A_4459, %get3A_4460] : memref<3x256x128xf32, #tpu.memory_space<vmem>>, vector<1x1x128xf32>
    %get3A_4462 = vector.shape_cast %get3A_4461 : vector<1x1x128xf32> to vector<1x128xf32>
    %get3A_4463 = arith.constant 2 : index
    %get3A_4464 = arith.constant 120 : index
    %get3A_4465 = arith.constant 0 : index
    %get3A_4466 = vector.load %arg2[%get3A_4463, %get3A_4464, %get3A_4465] : memref<3x256x128xf32, #tpu.memory_space<vmem>>, vector<1x1x128xf32>
    %get3A_4467 = vector.shape_cast %get3A_4466 : vector<1x1x128xf32> to vector<1x128xf32>
    %get3A_4468 = arith.constant 2 : index
    %get3A_4469 = arith.constant 121 : index
    %get3A_4470 = arith.constant 0 : index
    %get3A_4471 = vector.load %arg2[%get3A_4468, %get3A_4469, %get3A_4470] : memref<3x256x128xf32, #tpu.memory_space<vmem>>, vector<1x1x128xf32>
    %get3A_4472 = vector.shape_cast %get3A_4471 : vector<1x1x128xf32> to vector<1x128xf32>
    %get3A_4473 = arith.constant 2 : index
    %get3A_4474 = arith.constant 122 : index
    %get3A_4475 = arith.constant 0 : index
    %get3A_4476 = vector.load %arg2[%get3A_4473, %get3A_4474, %get3A_4475] : memref<3x256x128xf32, #tpu.memory_space<vmem>>, vector<1x1x128xf32>
    %get3A_4477 = vector.shape_cast %get3A_4476 : vector<1x1x128xf32> to vector<1x128xf32>
    %get3A_4478 = arith.constant 2 : index
    %get3A_4479 = arith.constant 123 : index
    %get3A_4480 = arith.constant 0 : index
    %get3A_4481 = vector.load %arg2[%get3A_4478, %get3A_4479, %get3A_4480] : memref<3x256x128xf32, #tpu.memory_space<vmem>>, vector<1x1x128xf32>
    %get3A_4482 = vector.shape_cast %get3A_4481 : vector<1x1x128xf32> to vector<1x128xf32>
    %get3A_4483 = arith.constant 2 : index
    %get3A_4484 = arith.constant 124 : index
    %get3A_4485 = arith.constant 0 : index
    %get3A_4486 = vector.load %arg2[%get3A_4483, %get3A_4484, %get3A_4485] : memref<3x256x128xf32, #tpu.memory_space<vmem>>, vector<1x1x128xf32>
    %get3A_4487 = vector.shape_cast %get3A_4486 : vector<1x1x128xf32> to vector<1x128xf32>
    %get3A_4488 = arith.constant 2 : index
    %get3A_4489 = arith.constant 125 : index
    %get3A_4490 = arith.constant 0 : index
    %get3A_4491 = vector.load %arg2[%get3A_4488, %get3A_4489, %get3A_4490] : memref<3x256x128xf32, #tpu.memory_space<vmem>>, vector<1x1x128xf32>
    %get3A_4492 = vector.shape_cast %get3A_4491 : vector<1x1x128xf32> to vector<1x128xf32>
    %get3A_4493 = arith.constant 2 : index
    %get3A_4494 = arith.constant 126 : index
    %get3A_4495 = arith.constant 0 : index
    %get3A_4496 = vector.load %arg2[%get3A_4493, %get3A_4494, %get3A_4495] : memref<3x256x128xf32, #tpu.memory_space<vmem>>, vector<1x1x128xf32>
    %get3A_4497 = vector.shape_cast %get3A_4496 : vector<1x1x128xf32> to vector<1x128xf32>
    %get3A_4498 = arith.constant 2 : index
    %get3A_4499 = arith.constant 127 : index
    %get3A_4500 = arith.constant 0 : index
    %get3A_4501 = vector.load %arg2[%get3A_4498, %get3A_4499, %get3A_4500] : memref<3x256x128xf32, #tpu.memory_space<vmem>>, vector<1x1x128xf32>
    %get3A_4502 = vector.shape_cast %get3A_4501 : vector<1x1x128xf32> to vector<1x128xf32>
    %get3A_4503 = arith.constant 2 : index
    %get3A_4504 = arith.constant 128 : index
    %get3A_4505 = arith.constant 0 : index
    %get3A_4506 = vector.load %arg2[%get3A_4503, %get3A_4504, %get3A_4505] : memref<3x256x128xf32, #tpu.memory_space<vmem>>, vector<1x1x128xf32>
    %get3A_4507 = vector.shape_cast %get3A_4506 : vector<1x1x128xf32> to vector<1x128xf32>
    %get3A_4508 = arith.constant 2 : index
    %get3A_4509 = arith.constant 129 : index
    %get3A_4510 = arith.constant 0 : index
    %get3A_4511 = vector.load %arg2[%get3A_4508, %get3A_4509, %get3A_4510] : memref<3x256x128xf32, #tpu.memory_space<vmem>>, vector<1x1x128xf32>
    %get3A_4512 = vector.shape_cast %get3A_4511 : vector<1x1x128xf32> to vector<1x128xf32>
    %get3A_4513 = arith.constant 2 : index
    %get3A_4514 = arith.constant 130 : index
    %get3A_4515 = arith.constant 0 : index
    %get3A_4516 = vector.load %arg2[%get3A_4513, %get3A_4514, %get3A_4515] : memref<3x256x128xf32, #tpu.memory_space<vmem>>, vector<1x1x128xf32>
    %get3A_4517 = vector.shape_cast %get3A_4516 : vector<1x1x128xf32> to vector<1x128xf32>
    %get3A_4518 = arith.constant 2 : index
    %get3A_4519 = arith.constant 131 : index
    %get3A_4520 = arith.constant 0 : index
    %get3A_4521 = vector.load %arg2[%get3A_4518, %get3A_4519, %get3A_4520] : memref<3x256x128xf32, #tpu.memory_space<vmem>>, vector<1x1x128xf32>
    %get3A_4522 = vector.shape_cast %get3A_4521 : vector<1x1x128xf32> to vector<1x128xf32>
    %get3A_4523 = arith.constant 2 : index
    %get3A_4524 = arith.constant 132 : index
    %get3A_4525 = arith.constant 0 : index
    %get3A_4526 = vector.load %arg2[%get3A_4523, %get3A_4524, %get3A_4525] : memref<3x256x128xf32, #tpu.memory_space<vmem>>, vector<1x1x128xf32>
    %get3A_4527 = vector.shape_cast %get3A_4526 : vector<1x1x128xf32> to vector<1x128xf32>
    %get3A_4528 = arith.constant 2 : index
    %get3A_4529 = arith.constant 133 : index
    %get3A_4530 = arith.constant 0 : index
    %get3A_4531 = vector.load %arg2[%get3A_4528, %get3A_4529, %get3A_4530] : memref<3x256x128xf32, #tpu.memory_space<vmem>>, vector<1x1x128xf32>
    %get3A_4532 = vector.shape_cast %get3A_4531 : vector<1x1x128xf32> to vector<1x128xf32>
    %get3A_4533 = arith.constant 2 : index
    %get3A_4534 = arith.constant 134 : index
    %get3A_4535 = arith.constant 0 : index
    %get3A_4536 = vector.load %arg2[%get3A_4533, %get3A_4534, %get3A_4535] : memref<3x256x128xf32, #tpu.memory_space<vmem>>, vector<1x1x128xf32>
    %get3A_4537 = vector.shape_cast %get3A_4536 : vector<1x1x128xf32> to vector<1x128xf32>
    %get3A_4538 = arith.constant 2 : index
    %get3A_4539 = arith.constant 135 : index
    %get3A_4540 = arith.constant 0 : index
    %get3A_4541 = vector.load %arg2[%get3A_4538, %get3A_4539, %get3A_4540] : memref<3x256x128xf32, #tpu.memory_space<vmem>>, vector<1x1x128xf32>
    %get3A_4542 = vector.shape_cast %get3A_4541 : vector<1x1x128xf32> to vector<1x128xf32>
    %get3A_4543 = arith.constant 2 : index
    %get3A_4544 = arith.constant 136 : index
    %get3A_4545 = arith.constant 0 : index
    %get3A_4546 = vector.load %arg2[%get3A_4543, %get3A_4544, %get3A_4545] : memref<3x256x128xf32, #tpu.memory_space<vmem>>, vector<1x1x128xf32>
    %get3A_4547 = vector.shape_cast %get3A_4546 : vector<1x1x128xf32> to vector<1x128xf32>
    %get3A_4548 = arith.constant 2 : index
    %get3A_4549 = arith.constant 137 : index
    %get3A_4550 = arith.constant 0 : index
    %get3A_4551 = vector.load %arg2[%get3A_4548, %get3A_4549, %get3A_4550] : memref<3x256x128xf32, #tpu.memory_space<vmem>>, vector<1x1x128xf32>
    %get3A_4552 = vector.shape_cast %get3A_4551 : vector<1x1x128xf32> to vector<1x128xf32>
    %get3A_4553 = arith.constant 2 : index
    %get3A_4554 = arith.constant 138 : index
    %get3A_4555 = arith.constant 0 : index
    %get3A_4556 = vector.load %arg2[%get3A_4553, %get3A_4554, %get3A_4555] : memref<3x256x128xf32, #tpu.memory_space<vmem>>, vector<1x1x128xf32>
    %get3A_4557 = vector.shape_cast %get3A_4556 : vector<1x1x128xf32> to vector<1x128xf32>
    %get3A_4558 = arith.constant 2 : index
    %get3A_4559 = arith.constant 139 : index
    %get3A_4560 = arith.constant 0 : index
    %get3A_4561 = vector.load %arg2[%get3A_4558, %get3A_4559, %get3A_4560] : memref<3x256x128xf32, #tpu.memory_space<vmem>>, vector<1x1x128xf32>
    %get3A_4562 = vector.shape_cast %get3A_4561 : vector<1x1x128xf32> to vector<1x128xf32>
    %get3A_4563 = arith.constant 2 : index
    %get3A_4564 = arith.constant 140 : index
    %get3A_4565 = arith.constant 0 : index
    %get3A_4566 = vector.load %arg2[%get3A_4563, %get3A_4564, %get3A_4565] : memref<3x256x128xf32, #tpu.memory_space<vmem>>, vector<1x1x128xf32>
    %get3A_4567 = vector.shape_cast %get3A_4566 : vector<1x1x128xf32> to vector<1x128xf32>
    %get3A_4568 = arith.constant 2 : index
    %get3A_4569 = arith.constant 141 : index
    %get3A_4570 = arith.constant 0 : index
    %get3A_4571 = vector.load %arg2[%get3A_4568, %get3A_4569, %get3A_4570] : memref<3x256x128xf32, #tpu.memory_space<vmem>>, vector<1x1x128xf32>
    %get3A_4572 = vector.shape_cast %get3A_4571 : vector<1x1x128xf32> to vector<1x128xf32>
    %get3A_4573 = arith.constant 2 : index
    %get3A_4574 = arith.constant 142 : index
    %get3A_4575 = arith.constant 0 : index
    %get3A_4576 = vector.load %arg2[%get3A_4573, %get3A_4574, %get3A_4575] : memref<3x256x128xf32, #tpu.memory_space<vmem>>, vector<1x1x128xf32>
    %get3A_4577 = vector.shape_cast %get3A_4576 : vector<1x1x128xf32> to vector<1x128xf32>
    %get3A_4578 = arith.constant 2 : index
    %get3A_4579 = arith.constant 143 : index
    %get3A_4580 = arith.constant 0 : index
    %get3A_4581 = vector.load %arg2[%get3A_4578, %get3A_4579, %get3A_4580] : memref<3x256x128xf32, #tpu.memory_space<vmem>>, vector<1x1x128xf32>
    %get3A_4582 = vector.shape_cast %get3A_4581 : vector<1x1x128xf32> to vector<1x128xf32>
    %get3A_4583 = arith.constant 2 : index
    %get3A_4584 = arith.constant 144 : index
    %get3A_4585 = arith.constant 0 : index
    %get3A_4586 = vector.load %arg2[%get3A_4583, %get3A_4584, %get3A_4585] : memref<3x256x128xf32, #tpu.memory_space<vmem>>, vector<1x1x128xf32>
    %get3A_4587 = vector.shape_cast %get3A_4586 : vector<1x1x128xf32> to vector<1x128xf32>
    %get3A_4588 = arith.constant 2 : index
    %get3A_4589 = arith.constant 145 : index
    %get3A_4590 = arith.constant 0 : index
    %get3A_4591 = vector.load %arg2[%get3A_4588, %get3A_4589, %get3A_4590] : memref<3x256x128xf32, #tpu.memory_space<vmem>>, vector<1x1x128xf32>
    %get3A_4592 = vector.shape_cast %get3A_4591 : vector<1x1x128xf32> to vector<1x128xf32>
    %get3A_4593 = arith.constant 2 : index
    %get3A_4594 = arith.constant 146 : index
    %get3A_4595 = arith.constant 0 : index
    %get3A_4596 = vector.load %arg2[%get3A_4593, %get3A_4594, %get3A_4595] : memref<3x256x128xf32, #tpu.memory_space<vmem>>, vector<1x1x128xf32>
    %get3A_4597 = vector.shape_cast %get3A_4596 : vector<1x1x128xf32> to vector<1x128xf32>
    %get3A_4598 = arith.constant 2 : index
    %get3A_4599 = arith.constant 147 : index
    %get3A_4600 = arith.constant 0 : index
    %get3A_4601 = vector.load %arg2[%get3A_4598, %get3A_4599, %get3A_4600] : memref<3x256x128xf32, #tpu.memory_space<vmem>>, vector<1x1x128xf32>
    %get3A_4602 = vector.shape_cast %get3A_4601 : vector<1x1x128xf32> to vector<1x128xf32>
    %get3A_4603 = arith.constant 2 : index
    %get3A_4604 = arith.constant 148 : index
    %get3A_4605 = arith.constant 0 : index
    %get3A_4606 = vector.load %arg2[%get3A_4603, %get3A_4604, %get3A_4605] : memref<3x256x128xf32, #tpu.memory_space<vmem>>, vector<1x1x128xf32>
    %get3A_4607 = vector.shape_cast %get3A_4606 : vector<1x1x128xf32> to vector<1x128xf32>
    %get3A_4608 = arith.constant 2 : index
    %get3A_4609 = arith.constant 149 : index
    %get3A_4610 = arith.constant 0 : index
    %get3A_4611 = vector.load %arg2[%get3A_4608, %get3A_4609, %get3A_4610] : memref<3x256x128xf32, #tpu.memory_space<vmem>>, vector<1x1x128xf32>
    %get3A_4612 = vector.shape_cast %get3A_4611 : vector<1x1x128xf32> to vector<1x128xf32>
    %get3A_4613 = arith.constant 2 : index
    %get3A_4614 = arith.constant 150 : index
    %get3A_4615 = arith.constant 0 : index
    %get3A_4616 = vector.load %arg2[%get3A_4613, %get3A_4614, %get3A_4615] : memref<3x256x128xf32, #tpu.memory_space<vmem>>, vector<1x1x128xf32>
    %get3A_4617 = vector.shape_cast %get3A_4616 : vector<1x1x128xf32> to vector<1x128xf32>
    %get3A_4618 = arith.constant 2 : index
    %get3A_4619 = arith.constant 151 : index
    %get3A_4620 = arith.constant 0 : index
    %get3A_4621 = vector.load %arg2[%get3A_4618, %get3A_4619, %get3A_4620] : memref<3x256x128xf32, #tpu.memory_space<vmem>>, vector<1x1x128xf32>
    %get3A_4622 = vector.shape_cast %get3A_4621 : vector<1x1x128xf32> to vector<1x128xf32>
    %get3A_4623 = arith.constant 2 : index
    %get3A_4624 = arith.constant 152 : index
    %get3A_4625 = arith.constant 0 : index
    %get3A_4626 = vector.load %arg2[%get3A_4623, %get3A_4624, %get3A_4625] : memref<3x256x128xf32, #tpu.memory_space<vmem>>, vector<1x1x128xf32>
    %get3A_4627 = vector.shape_cast %get3A_4626 : vector<1x1x128xf32> to vector<1x128xf32>
    %get3A_4628 = arith.constant 2 : index
    %get3A_4629 = arith.constant 153 : index
    %get3A_4630 = arith.constant 0 : index
    %get3A_4631 = vector.load %arg2[%get3A_4628, %get3A_4629, %get3A_4630] : memref<3x256x128xf32, #tpu.memory_space<vmem>>, vector<1x1x128xf32>
    %get3A_4632 = vector.shape_cast %get3A_4631 : vector<1x1x128xf32> to vector<1x128xf32>
    %get3A_4633 = arith.constant 2 : index
    %get3A_4634 = arith.constant 154 : index
    %get3A_4635 = arith.constant 0 : index
    %get3A_4636 = vector.load %arg2[%get3A_4633, %get3A_4634, %get3A_4635] : memref<3x256x128xf32, #tpu.memory_space<vmem>>, vector<1x1x128xf32>
    %get3A_4637 = vector.shape_cast %get3A_4636 : vector<1x1x128xf32> to vector<1x128xf32>
    %get3A_4638 = arith.constant 2 : index
    %get3A_4639 = arith.constant 155 : index
    %get3A_4640 = arith.constant 0 : index
    %get3A_4641 = vector.load %arg2[%get3A_4638, %get3A_4639, %get3A_4640] : memref<3x256x128xf32, #tpu.memory_space<vmem>>, vector<1x1x128xf32>
    %get3A_4642 = vector.shape_cast %get3A_4641 : vector<1x1x128xf32> to vector<1x128xf32>
    %get3A_4643 = arith.constant 2 : index
    %get3A_4644 = arith.constant 156 : index
    %get3A_4645 = arith.constant 0 : index
    %get3A_4646 = vector.load %arg2[%get3A_4643, %get3A_4644, %get3A_4645] : memref<3x256x128xf32, #tpu.memory_space<vmem>>, vector<1x1x128xf32>
    %get3A_4647 = vector.shape_cast %get3A_4646 : vector<1x1x128xf32> to vector<1x128xf32>
    %get3A_4648 = arith.constant 2 : index
    %get3A_4649 = arith.constant 157 : index
    %get3A_4650 = arith.constant 0 : index
    %get3A_4651 = vector.load %arg2[%get3A_4648, %get3A_4649, %get3A_4650] : memref<3x256x128xf32, #tpu.memory_space<vmem>>, vector<1x1x128xf32>
    %get3A_4652 = vector.shape_cast %get3A_4651 : vector<1x1x128xf32> to vector<1x128xf32>
    %get3A_4653 = arith.constant 2 : index
    %get3A_4654 = arith.constant 158 : index
    %get3A_4655 = arith.constant 0 : index
    %get3A_4656 = vector.load %arg2[%get3A_4653, %get3A_4654, %get3A_4655] : memref<3x256x128xf32, #tpu.memory_space<vmem>>, vector<1x1x128xf32>
    %get3A_4657 = vector.shape_cast %get3A_4656 : vector<1x1x128xf32> to vector<1x128xf32>
    %get3A_4658 = arith.constant 2 : index
    %get3A_4659 = arith.constant 159 : index
    %get3A_4660 = arith.constant 0 : index
    %get3A_4661 = vector.load %arg2[%get3A_4658, %get3A_4659, %get3A_4660] : memref<3x256x128xf32, #tpu.memory_space<vmem>>, vector<1x1x128xf32>
    %get3A_4662 = vector.shape_cast %get3A_4661 : vector<1x1x128xf32> to vector<1x128xf32>
    %get3A_4663 = arith.constant 2 : index
    %get3A_4664 = arith.constant 160 : index
    %get3A_4665 = arith.constant 0 : index
    %get3A_4666 = vector.load %arg2[%get3A_4663, %get3A_4664, %get3A_4665] : memref<3x256x128xf32, #tpu.memory_space<vmem>>, vector<1x1x128xf32>
    %get3A_4667 = vector.shape_cast %get3A_4666 : vector<1x1x128xf32> to vector<1x128xf32>
    %get3A_4668 = arith.constant 2 : index
    %get3A_4669 = arith.constant 161 : index
    %get3A_4670 = arith.constant 0 : index
    %get3A_4671 = vector.load %arg2[%get3A_4668, %get3A_4669, %get3A_4670] : memref<3x256x128xf32, #tpu.memory_space<vmem>>, vector<1x1x128xf32>
    %get3A_4672 = vector.shape_cast %get3A_4671 : vector<1x1x128xf32> to vector<1x128xf32>
    %get3A_4673 = arith.constant 2 : index
    %get3A_4674 = arith.constant 162 : index
    %get3A_4675 = arith.constant 0 : index
    %get3A_4676 = vector.load %arg2[%get3A_4673, %get3A_4674, %get3A_4675] : memref<3x256x128xf32, #tpu.memory_space<vmem>>, vector<1x1x128xf32>
    %get3A_4677 = vector.shape_cast %get3A_4676 : vector<1x1x128xf32> to vector<1x128xf32>
    %get3A_4678 = arith.constant 2 : index
    %get3A_4679 = arith.constant 163 : index
    %get3A_4680 = arith.constant 0 : index
    %get3A_4681 = vector.load %arg2[%get3A_4678, %get3A_4679, %get3A_4680] : memref<3x256x128xf32, #tpu.memory_space<vmem>>, vector<1x1x128xf32>
    %get3A_4682 = vector.shape_cast %get3A_4681 : vector<1x1x128xf32> to vector<1x128xf32>
    %get3A_4683 = arith.constant 2 : index
    %get3A_4684 = arith.constant 164 : index
    %get3A_4685 = arith.constant 0 : index
    %get3A_4686 = vector.load %arg2[%get3A_4683, %get3A_4684, %get3A_4685] : memref<3x256x128xf32, #tpu.memory_space<vmem>>, vector<1x1x128xf32>
    %get3A_4687 = vector.shape_cast %get3A_4686 : vector<1x1x128xf32> to vector<1x128xf32>
    %get3A_4688 = arith.constant 2 : index
    %get3A_4689 = arith.constant 165 : index
    %get3A_4690 = arith.constant 0 : index
    %get3A_4691 = vector.load %arg2[%get3A_4688, %get3A_4689, %get3A_4690] : memref<3x256x128xf32, #tpu.memory_space<vmem>>, vector<1x1x128xf32>
    %get3A_4692 = vector.shape_cast %get3A_4691 : vector<1x1x128xf32> to vector<1x128xf32>
    %get3A_4693 = arith.constant 2 : index
    %get3A_4694 = arith.constant 166 : index
    %get3A_4695 = arith.constant 0 : index
    %get3A_4696 = vector.load %arg2[%get3A_4693, %get3A_4694, %get3A_4695] : memref<3x256x128xf32, #tpu.memory_space<vmem>>, vector<1x1x128xf32>
    %get3A_4697 = vector.shape_cast %get3A_4696 : vector<1x1x128xf32> to vector<1x128xf32>
    %get3A_4698 = arith.constant 2 : index
    %get3A_4699 = arith.constant 167 : index
    %get3A_4700 = arith.constant 0 : index
    %get3A_4701 = vector.load %arg2[%get3A_4698, %get3A_4699, %get3A_4700] : memref<3x256x128xf32, #tpu.memory_space<vmem>>, vector<1x1x128xf32>
    %get3A_4702 = vector.shape_cast %get3A_4701 : vector<1x1x128xf32> to vector<1x128xf32>
    %get3A_4703 = arith.constant 2 : index
    %get3A_4704 = arith.constant 168 : index
    %get3A_4705 = arith.constant 0 : index
    %get3A_4706 = vector.load %arg2[%get3A_4703, %get3A_4704, %get3A_4705] : memref<3x256x128xf32, #tpu.memory_space<vmem>>, vector<1x1x128xf32>
    %get3A_4707 = vector.shape_cast %get3A_4706 : vector<1x1x128xf32> to vector<1x128xf32>
    %get3A_4708 = arith.constant 2 : index
    %get3A_4709 = arith.constant 169 : index
    %get3A_4710 = arith.constant 0 : index
    %get3A_4711 = vector.load %arg2[%get3A_4708, %get3A_4709, %get3A_4710] : memref<3x256x128xf32, #tpu.memory_space<vmem>>, vector<1x1x128xf32>
    %get3A_4712 = vector.shape_cast %get3A_4711 : vector<1x1x128xf32> to vector<1x128xf32>
    %get3A_4713 = arith.constant 2 : index
    %get3A_4714 = arith.constant 170 : index
    %get3A_4715 = arith.constant 0 : index
    %get3A_4716 = vector.load %arg2[%get3A_4713, %get3A_4714, %get3A_4715] : memref<3x256x128xf32, #tpu.memory_space<vmem>>, vector<1x1x128xf32>
    %get3A_4717 = vector.shape_cast %get3A_4716 : vector<1x1x128xf32> to vector<1x128xf32>
    %get3A_4718 = arith.constant 2 : index
    %get3A_4719 = arith.constant 171 : index
    %get3A_4720 = arith.constant 0 : index
    %get3A_4721 = vector.load %arg2[%get3A_4718, %get3A_4719, %get3A_4720] : memref<3x256x128xf32, #tpu.memory_space<vmem>>, vector<1x1x128xf32>
    %get3A_4722 = vector.shape_cast %get3A_4721 : vector<1x1x128xf32> to vector<1x128xf32>
    %get3A_4723 = arith.constant 2 : index
    %get3A_4724 = arith.constant 172 : index
    %get3A_4725 = arith.constant 0 : index
    %get3A_4726 = vector.load %arg2[%get3A_4723, %get3A_4724, %get3A_4725] : memref<3x256x128xf32, #tpu.memory_space<vmem>>, vector<1x1x128xf32>
    %get3A_4727 = vector.shape_cast %get3A_4726 : vector<1x1x128xf32> to vector<1x128xf32>
    %get3A_4728 = arith.constant 2 : index
    %get3A_4729 = arith.constant 173 : index
    %get3A_4730 = arith.constant 0 : index
    %get3A_4731 = vector.load %arg2[%get3A_4728, %get3A_4729, %get3A_4730] : memref<3x256x128xf32, #tpu.memory_space<vmem>>, vector<1x1x128xf32>
    %get3A_4732 = vector.shape_cast %get3A_4731 : vector<1x1x128xf32> to vector<1x128xf32>
    %get3A_4733 = arith.constant 2 : index
    %get3A_4734 = arith.constant 174 : index
    %get3A_4735 = arith.constant 0 : index
    %get3A_4736 = vector.load %arg2[%get3A_4733, %get3A_4734, %get3A_4735] : memref<3x256x128xf32, #tpu.memory_space<vmem>>, vector<1x1x128xf32>
    %get3A_4737 = vector.shape_cast %get3A_4736 : vector<1x1x128xf32> to vector<1x128xf32>
    %get3A_4738 = arith.constant 2 : index
    %get3A_4739 = arith.constant 175 : index
    %get3A_4740 = arith.constant 0 : index
    %get3A_4741 = vector.load %arg2[%get3A_4738, %get3A_4739, %get3A_4740] : memref<3x256x128xf32, #tpu.memory_space<vmem>>, vector<1x1x128xf32>
    %get3A_4742 = vector.shape_cast %get3A_4741 : vector<1x1x128xf32> to vector<1x128xf32>
    %get3A_4743 = arith.constant 2 : index
    %get3A_4744 = arith.constant 176 : index
    %get3A_4745 = arith.constant 0 : index
    %get3A_4746 = vector.load %arg2[%get3A_4743, %get3A_4744, %get3A_4745] : memref<3x256x128xf32, #tpu.memory_space<vmem>>, vector<1x1x128xf32>
    %get3A_4747 = vector.shape_cast %get3A_4746 : vector<1x1x128xf32> to vector<1x128xf32>
    %get3A_4748 = arith.constant 2 : index
    %get3A_4749 = arith.constant 177 : index
    %get3A_4750 = arith.constant 0 : index
    %get3A_4751 = vector.load %arg2[%get3A_4748, %get3A_4749, %get3A_4750] : memref<3x256x128xf32, #tpu.memory_space<vmem>>, vector<1x1x128xf32>
    %get3A_4752 = vector.shape_cast %get3A_4751 : vector<1x1x128xf32> to vector<1x128xf32>
    %get3A_4753 = arith.constant 2 : index
    %get3A_4754 = arith.constant 178 : index
    %get3A_4755 = arith.constant 0 : index
    %get3A_4756 = vector.load %arg2[%get3A_4753, %get3A_4754, %get3A_4755] : memref<3x256x128xf32, #tpu.memory_space<vmem>>, vector<1x1x128xf32>
    %get3A_4757 = vector.shape_cast %get3A_4756 : vector<1x1x128xf32> to vector<1x128xf32>
    %get3A_4758 = arith.constant 2 : index
    %get3A_4759 = arith.constant 179 : index
    %get3A_4760 = arith.constant 0 : index
    %get3A_4761 = vector.load %arg2[%get3A_4758, %get3A_4759, %get3A_4760] : memref<3x256x128xf32, #tpu.memory_space<vmem>>, vector<1x1x128xf32>
    %get3A_4762 = vector.shape_cast %get3A_4761 : vector<1x1x128xf32> to vector<1x128xf32>
    %get3A_4763 = arith.constant 2 : index
    %get3A_4764 = arith.constant 180 : index
    %get3A_4765 = arith.constant 0 : index
    %get3A_4766 = vector.load %arg2[%get3A_4763, %get3A_4764, %get3A_4765] : memref<3x256x128xf32, #tpu.memory_space<vmem>>, vector<1x1x128xf32>
    %get3A_4767 = vector.shape_cast %get3A_4766 : vector<1x1x128xf32> to vector<1x128xf32>
    %get3A_4768 = arith.constant 2 : index
    %get3A_4769 = arith.constant 181 : index
    %get3A_4770 = arith.constant 0 : index
    %get3A_4771 = vector.load %arg2[%get3A_4768, %get3A_4769, %get3A_4770] : memref<3x256x128xf32, #tpu.memory_space<vmem>>, vector<1x1x128xf32>
    %get3A_4772 = vector.shape_cast %get3A_4771 : vector<1x1x128xf32> to vector<1x128xf32>
    %get3A_4773 = arith.constant 2 : index
    %get3A_4774 = arith.constant 182 : index
    %get3A_4775 = arith.constant 0 : index
    %get3A_4776 = vector.load %arg2[%get3A_4773, %get3A_4774, %get3A_4775] : memref<3x256x128xf32, #tpu.memory_space<vmem>>, vector<1x1x128xf32>
    %get3A_4777 = vector.shape_cast %get3A_4776 : vector<1x1x128xf32> to vector<1x128xf32>
    %get3A_4778 = arith.constant 2 : index
    %get3A_4779 = arith.constant 183 : index
    %get3A_4780 = arith.constant 0 : index
    %get3A_4781 = vector.load %arg2[%get3A_4778, %get3A_4779, %get3A_4780] : memref<3x256x128xf32, #tpu.memory_space<vmem>>, vector<1x1x128xf32>
    %get3A_4782 = vector.shape_cast %get3A_4781 : vector<1x1x128xf32> to vector<1x128xf32>
    %get3A_4783 = arith.constant 2 : index
    %get3A_4784 = arith.constant 184 : index
    %get3A_4785 = arith.constant 0 : index
    %get3A_4786 = vector.load %arg2[%get3A_4783, %get3A_4784, %get3A_4785] : memref<3x256x128xf32, #tpu.memory_space<vmem>>, vector<1x1x128xf32>
    %get3A_4787 = vector.shape_cast %get3A_4786 : vector<1x1x128xf32> to vector<1x128xf32>
    %get3A_4788 = arith.constant 2 : index
    %get3A_4789 = arith.constant 185 : index
    %get3A_4790 = arith.constant 0 : index
    %get3A_4791 = vector.load %arg2[%get3A_4788, %get3A_4789, %get3A_4790] : memref<3x256x128xf32, #tpu.memory_space<vmem>>, vector<1x1x128xf32>
    %get3A_4792 = vector.shape_cast %get3A_4791 : vector<1x1x128xf32> to vector<1x128xf32>
    %get3A_4793 = arith.constant 2 : index
    %get3A_4794 = arith.constant 186 : index
    %get3A_4795 = arith.constant 0 : index
    %get3A_4796 = vector.load %arg2[%get3A_4793, %get3A_4794, %get3A_4795] : memref<3x256x128xf32, #tpu.memory_space<vmem>>, vector<1x1x128xf32>
    %get3A_4797 = vector.shape_cast %get3A_4796 : vector<1x1x128xf32> to vector<1x128xf32>
    %get3A_4798 = arith.constant 2 : index
    %get3A_4799 = arith.constant 187 : index
    %get3A_4800 = arith.constant 0 : index
    %get3A_4801 = vector.load %arg2[%get3A_4798, %get3A_4799, %get3A_4800] : memref<3x256x128xf32, #tpu.memory_space<vmem>>, vector<1x1x128xf32>
    %get3A_4802 = vector.shape_cast %get3A_4801 : vector<1x1x128xf32> to vector<1x128xf32>
    %get3A_4803 = arith.constant 2 : index
    %get3A_4804 = arith.constant 188 : index
    %get3A_4805 = arith.constant 0 : index
    %get3A_4806 = vector.load %arg2[%get3A_4803, %get3A_4804, %get3A_4805] : memref<3x256x128xf32, #tpu.memory_space<vmem>>, vector<1x1x128xf32>
    %get3A_4807 = vector.shape_cast %get3A_4806 : vector<1x1x128xf32> to vector<1x128xf32>
    %get3A_4808 = arith.constant 2 : index
    %get3A_4809 = arith.constant 189 : index
    %get3A_4810 = arith.constant 0 : index
    %get3A_4811 = vector.load %arg2[%get3A_4808, %get3A_4809, %get3A_4810] : memref<3x256x128xf32, #tpu.memory_space<vmem>>, vector<1x1x128xf32>
    %get3A_4812 = vector.shape_cast %get3A_4811 : vector<1x1x128xf32> to vector<1x128xf32>
    %get3A_4813 = arith.constant 2 : index
    %get3A_4814 = arith.constant 190 : index
    %get3A_4815 = arith.constant 0 : index
    %get3A_4816 = vector.load %arg2[%get3A_4813, %get3A_4814, %get3A_4815] : memref<3x256x128xf32, #tpu.memory_space<vmem>>, vector<1x1x128xf32>
    %get3A_4817 = vector.shape_cast %get3A_4816 : vector<1x1x128xf32> to vector<1x128xf32>
    %get3A_4818 = arith.constant 2 : index
    %get3A_4819 = arith.constant 191 : index
    %get3A_4820 = arith.constant 0 : index
    %get3A_4821 = vector.load %arg2[%get3A_4818, %get3A_4819, %get3A_4820] : memref<3x256x128xf32, #tpu.memory_space<vmem>>, vector<1x1x128xf32>
    %get3A_4822 = vector.shape_cast %get3A_4821 : vector<1x1x128xf32> to vector<1x128xf32>
    %get3A_4823 = arith.constant 2 : index
    %get3A_4824 = arith.constant 192 : index
    %get3A_4825 = arith.constant 0 : index
    %get3A_4826 = vector.load %arg2[%get3A_4823, %get3A_4824, %get3A_4825] : memref<3x256x128xf32, #tpu.memory_space<vmem>>, vector<1x1x128xf32>
    %get3A_4827 = vector.shape_cast %get3A_4826 : vector<1x1x128xf32> to vector<1x128xf32>
    %get3A_4828 = arith.constant 2 : index
    %get3A_4829 = arith.constant 193 : index
    %get3A_4830 = arith.constant 0 : index
    %get3A_4831 = vector.load %arg2[%get3A_4828, %get3A_4829, %get3A_4830] : memref<3x256x128xf32, #tpu.memory_space<vmem>>, vector<1x1x128xf32>
    %get3A_4832 = vector.shape_cast %get3A_4831 : vector<1x1x128xf32> to vector<1x128xf32>
    %get3A_4833 = arith.constant 2 : index
    %get3A_4834 = arith.constant 194 : index
    %get3A_4835 = arith.constant 0 : index
    %get3A_4836 = vector.load %arg2[%get3A_4833, %get3A_4834, %get3A_4835] : memref<3x256x128xf32, #tpu.memory_space<vmem>>, vector<1x1x128xf32>
    %get3A_4837 = vector.shape_cast %get3A_4836 : vector<1x1x128xf32> to vector<1x128xf32>
    %get3A_4838 = arith.constant 2 : index
    %get3A_4839 = arith.constant 195 : index
    %get3A_4840 = arith.constant 0 : index
    %get3A_4841 = vector.load %arg2[%get3A_4838, %get3A_4839, %get3A_4840] : memref<3x256x128xf32, #tpu.memory_space<vmem>>, vector<1x1x128xf32>
    %get3A_4842 = vector.shape_cast %get3A_4841 : vector<1x1x128xf32> to vector<1x128xf32>
    %get3A_4843 = arith.constant 2 : index
    %get3A_4844 = arith.constant 196 : index
    %get3A_4845 = arith.constant 0 : index
    %get3A_4846 = vector.load %arg2[%get3A_4843, %get3A_4844, %get3A_4845] : memref<3x256x128xf32, #tpu.memory_space<vmem>>, vector<1x1x128xf32>
    %get3A_4847 = vector.shape_cast %get3A_4846 : vector<1x1x128xf32> to vector<1x128xf32>
    %get3A_4848 = arith.constant 2 : index
    %get3A_4849 = arith.constant 197 : index
    %get3A_4850 = arith.constant 0 : index
    %get3A_4851 = vector.load %arg2[%get3A_4848, %get3A_4849, %get3A_4850] : memref<3x256x128xf32, #tpu.memory_space<vmem>>, vector<1x1x128xf32>
    %get3A_4852 = vector.shape_cast %get3A_4851 : vector<1x1x128xf32> to vector<1x128xf32>
    %get3A_4853 = arith.constant 2 : index
    %get3A_4854 = arith.constant 198 : index
    %get3A_4855 = arith.constant 0 : index
    %get3A_4856 = vector.load %arg2[%get3A_4853, %get3A_4854, %get3A_4855] : memref<3x256x128xf32, #tpu.memory_space<vmem>>, vector<1x1x128xf32>
    %get3A_4857 = vector.shape_cast %get3A_4856 : vector<1x1x128xf32> to vector<1x128xf32>
    %get3A_4858 = arith.constant 2 : index
    %get3A_4859 = arith.constant 199 : index
    %get3A_4860 = arith.constant 0 : index
    %get3A_4861 = vector.load %arg2[%get3A_4858, %get3A_4859, %get3A_4860] : memref<3x256x128xf32, #tpu.memory_space<vmem>>, vector<1x1x128xf32>
    %get3A_4862 = vector.shape_cast %get3A_4861 : vector<1x1x128xf32> to vector<1x128xf32>
    %get3A_4863 = arith.constant 2 : index
    %get3A_4864 = arith.constant 200 : index
    %get3A_4865 = arith.constant 0 : index
    %get3A_4866 = vector.load %arg2[%get3A_4863, %get3A_4864, %get3A_4865] : memref<3x256x128xf32, #tpu.memory_space<vmem>>, vector<1x1x128xf32>
    %get3A_4867 = vector.shape_cast %get3A_4866 : vector<1x1x128xf32> to vector<1x128xf32>
    %get3A_4868 = arith.constant 2 : index
    %get3A_4869 = arith.constant 201 : index
    %get3A_4870 = arith.constant 0 : index
    %get3A_4871 = vector.load %arg2[%get3A_4868, %get3A_4869, %get3A_4870] : memref<3x256x128xf32, #tpu.memory_space<vmem>>, vector<1x1x128xf32>
    %get3A_4872 = vector.shape_cast %get3A_4871 : vector<1x1x128xf32> to vector<1x128xf32>
    %get3A_4873 = arith.constant 2 : index
    %get3A_4874 = arith.constant 202 : index
    %get3A_4875 = arith.constant 0 : index
    %get3A_4876 = vector.load %arg2[%get3A_4873, %get3A_4874, %get3A_4875] : memref<3x256x128xf32, #tpu.memory_space<vmem>>, vector<1x1x128xf32>
    %get3A_4877 = vector.shape_cast %get3A_4876 : vector<1x1x128xf32> to vector<1x128xf32>
    %get3A_4878 = arith.constant 2 : index
    %get3A_4879 = arith.constant 203 : index
    %get3A_4880 = arith.constant 0 : index
    %get3A_4881 = vector.load %arg2[%get3A_4878, %get3A_4879, %get3A_4880] : memref<3x256x128xf32, #tpu.memory_space<vmem>>, vector<1x1x128xf32>
    %get3A_4882 = vector.shape_cast %get3A_4881 : vector<1x1x128xf32> to vector<1x128xf32>
    %get3A_4883 = arith.constant 2 : index
    %get3A_4884 = arith.constant 204 : index
    %get3A_4885 = arith.constant 0 : index
    %get3A_4886 = vector.load %arg2[%get3A_4883, %get3A_4884, %get3A_4885] : memref<3x256x128xf32, #tpu.memory_space<vmem>>, vector<1x1x128xf32>
    %get3A_4887 = vector.shape_cast %get3A_4886 : vector<1x1x128xf32> to vector<1x128xf32>
    %get3A_4888 = arith.constant 2 : index
    %get3A_4889 = arith.constant 205 : index
    %get3A_4890 = arith.constant 0 : index
    %get3A_4891 = vector.load %arg2[%get3A_4888, %get3A_4889, %get3A_4890] : memref<3x256x128xf32, #tpu.memory_space<vmem>>, vector<1x1x128xf32>
    %get3A_4892 = vector.shape_cast %get3A_4891 : vector<1x1x128xf32> to vector<1x128xf32>
    %get3A_4893 = arith.constant 2 : index
    %get3A_4894 = arith.constant 206 : index
    %get3A_4895 = arith.constant 0 : index
    %get3A_4896 = vector.load %arg2[%get3A_4893, %get3A_4894, %get3A_4895] : memref<3x256x128xf32, #tpu.memory_space<vmem>>, vector<1x1x128xf32>
    %get3A_4897 = vector.shape_cast %get3A_4896 : vector<1x1x128xf32> to vector<1x128xf32>
    %get3A_4898 = arith.constant 2 : index
    %get3A_4899 = arith.constant 207 : index
    %get3A_4900 = arith.constant 0 : index
    %get3A_4901 = vector.load %arg2[%get3A_4898, %get3A_4899, %get3A_4900] : memref<3x256x128xf32, #tpu.memory_space<vmem>>, vector<1x1x128xf32>
    %get3A_4902 = vector.shape_cast %get3A_4901 : vector<1x1x128xf32> to vector<1x128xf32>
    %get3A_4903 = arith.constant 2 : index
    %get3A_4904 = arith.constant 208 : index
    %get3A_4905 = arith.constant 0 : index
    %get3A_4906 = vector.load %arg2[%get3A_4903, %get3A_4904, %get3A_4905] : memref<3x256x128xf32, #tpu.memory_space<vmem>>, vector<1x1x128xf32>
    %get3A_4907 = vector.shape_cast %get3A_4906 : vector<1x1x128xf32> to vector<1x128xf32>
    %get3A_4908 = arith.constant 2 : index
    %get3A_4909 = arith.constant 209 : index
    %get3A_4910 = arith.constant 0 : index
    %get3A_4911 = vector.load %arg2[%get3A_4908, %get3A_4909, %get3A_4910] : memref<3x256x128xf32, #tpu.memory_space<vmem>>, vector<1x1x128xf32>
    %get3A_4912 = vector.shape_cast %get3A_4911 : vector<1x1x128xf32> to vector<1x128xf32>
    %get3A_4913 = arith.constant 2 : index
    %get3A_4914 = arith.constant 210 : index
    %get3A_4915 = arith.constant 0 : index
    %get3A_4916 = vector.load %arg2[%get3A_4913, %get3A_4914, %get3A_4915] : memref<3x256x128xf32, #tpu.memory_space<vmem>>, vector<1x1x128xf32>
    %get3A_4917 = vector.shape_cast %get3A_4916 : vector<1x1x128xf32> to vector<1x128xf32>
    %get3A_4918 = arith.constant 2 : index
    %get3A_4919 = arith.constant 211 : index
    %get3A_4920 = arith.constant 0 : index
    %get3A_4921 = vector.load %arg2[%get3A_4918, %get3A_4919, %get3A_4920] : memref<3x256x128xf32, #tpu.memory_space<vmem>>, vector<1x1x128xf32>
    %get3A_4922 = vector.shape_cast %get3A_4921 : vector<1x1x128xf32> to vector<1x128xf32>
    %get3A_4923 = arith.constant 2 : index
    %get3A_4924 = arith.constant 212 : index
    %get3A_4925 = arith.constant 0 : index
    %get3A_4926 = vector.load %arg2[%get3A_4923, %get3A_4924, %get3A_4925] : memref<3x256x128xf32, #tpu.memory_space<vmem>>, vector<1x1x128xf32>
    %get3A_4927 = vector.shape_cast %get3A_4926 : vector<1x1x128xf32> to vector<1x128xf32>
    %get3A_4928 = arith.constant 2 : index
    %get3A_4929 = arith.constant 213 : index
    %get3A_4930 = arith.constant 0 : index
    %get3A_4931 = vector.load %arg2[%get3A_4928, %get3A_4929, %get3A_4930] : memref<3x256x128xf32, #tpu.memory_space<vmem>>, vector<1x1x128xf32>
    %get3A_4932 = vector.shape_cast %get3A_4931 : vector<1x1x128xf32> to vector<1x128xf32>
    %get3A_4933 = arith.constant 2 : index
    %get3A_4934 = arith.constant 214 : index
    %get3A_4935 = arith.constant 0 : index
    %get3A_4936 = vector.load %arg2[%get3A_4933, %get3A_4934, %get3A_4935] : memref<3x256x128xf32, #tpu.memory_space<vmem>>, vector<1x1x128xf32>
    %get3A_4937 = vector.shape_cast %get3A_4936 : vector<1x1x128xf32> to vector<1x128xf32>
    %get3A_4938 = arith.constant 2 : index
    %get3A_4939 = arith.constant 215 : index
    %get3A_4940 = arith.constant 0 : index
    %get3A_4941 = vector.load %arg2[%get3A_4938, %get3A_4939, %get3A_4940] : memref<3x256x128xf32, #tpu.memory_space<vmem>>, vector<1x1x128xf32>
    %get3A_4942 = vector.shape_cast %get3A_4941 : vector<1x1x128xf32> to vector<1x128xf32>
    %get3A_4943 = arith.constant 2 : index
    %get3A_4944 = arith.constant 216 : index
    %get3A_4945 = arith.constant 0 : index
    %get3A_4946 = vector.load %arg2[%get3A_4943, %get3A_4944, %get3A_4945] : memref<3x256x128xf32, #tpu.memory_space<vmem>>, vector<1x1x128xf32>
    %get3A_4947 = vector.shape_cast %get3A_4946 : vector<1x1x128xf32> to vector<1x128xf32>
    %get3A_4948 = arith.constant 2 : index
    %get3A_4949 = arith.constant 217 : index
    %get3A_4950 = arith.constant 0 : index
    %get3A_4951 = vector.load %arg2[%get3A_4948, %get3A_4949, %get3A_4950] : memref<3x256x128xf32, #tpu.memory_space<vmem>>, vector<1x1x128xf32>
    %get3A_4952 = vector.shape_cast %get3A_4951 : vector<1x1x128xf32> to vector<1x128xf32>
    %get3A_4953 = arith.constant 2 : index
    %get3A_4954 = arith.constant 218 : index
    %get3A_4955 = arith.constant 0 : index
    %get3A_4956 = vector.load %arg2[%get3A_4953, %get3A_4954, %get3A_4955] : memref<3x256x128xf32, #tpu.memory_space<vmem>>, vector<1x1x128xf32>
    %get3A_4957 = vector.shape_cast %get3A_4956 : vector<1x1x128xf32> to vector<1x128xf32>
    %get3A_4958 = arith.constant 2 : index
    %get3A_4959 = arith.constant 219 : index
    %get3A_4960 = arith.constant 0 : index
    %get3A_4961 = vector.load %arg2[%get3A_4958, %get3A_4959, %get3A_4960] : memref<3x256x128xf32, #tpu.memory_space<vmem>>, vector<1x1x128xf32>
    %get3A_4962 = vector.shape_cast %get3A_4961 : vector<1x1x128xf32> to vector<1x128xf32>
    %get3A_4963 = arith.constant 2 : index
    %get3A_4964 = arith.constant 220 : index
    %get3A_4965 = arith.constant 0 : index
    %get3A_4966 = vector.load %arg2[%get3A_4963, %get3A_4964, %get3A_4965] : memref<3x256x128xf32, #tpu.memory_space<vmem>>, vector<1x1x128xf32>
    %get3A_4967 = vector.shape_cast %get3A_4966 : vector<1x1x128xf32> to vector<1x128xf32>
    %get3A_4968 = arith.constant 2 : index
    %get3A_4969 = arith.constant 221 : index
    %get3A_4970 = arith.constant 0 : index
    %get3A_4971 = vector.load %arg2[%get3A_4968, %get3A_4969, %get3A_4970] : memref<3x256x128xf32, #tpu.memory_space<vmem>>, vector<1x1x128xf32>
    %get3A_4972 = vector.shape_cast %get3A_4971 : vector<1x1x128xf32> to vector<1x128xf32>
    %get3A_4973 = arith.constant 2 : index
    %get3A_4974 = arith.constant 222 : index
    %get3A_4975 = arith.constant 0 : index
    %get3A_4976 = vector.load %arg2[%get3A_4973, %get3A_4974, %get3A_4975] : memref<3x256x128xf32, #tpu.memory_space<vmem>>, vector<1x1x128xf32>
    %get3A_4977 = vector.shape_cast %get3A_4976 : vector<1x1x128xf32> to vector<1x128xf32>
    %get3A_4978 = arith.constant 2 : index
    %get3A_4979 = arith.constant 223 : index
    %get3A_4980 = arith.constant 0 : index
    %get3A_4981 = vector.load %arg2[%get3A_4978, %get3A_4979, %get3A_4980] : memref<3x256x128xf32, #tpu.memory_space<vmem>>, vector<1x1x128xf32>
    %get3A_4982 = vector.shape_cast %get3A_4981 : vector<1x1x128xf32> to vector<1x128xf32>
    %get3A_4983 = arith.constant 2 : index
    %get3A_4984 = arith.constant 224 : index
    %get3A_4985 = arith.constant 0 : index
    %get3A_4986 = vector.load %arg2[%get3A_4983, %get3A_4984, %get3A_4985] : memref<3x256x128xf32, #tpu.memory_space<vmem>>, vector<1x1x128xf32>
    %get3A_4987 = vector.shape_cast %get3A_4986 : vector<1x1x128xf32> to vector<1x128xf32>
    %get3A_4988 = arith.constant 2 : index
    %get3A_4989 = arith.constant 225 : index
    %get3A_4990 = arith.constant 0 : index
    %get3A_4991 = vector.load %arg2[%get3A_4988, %get3A_4989, %get3A_4990] : memref<3x256x128xf32, #tpu.memory_space<vmem>>, vector<1x1x128xf32>
    %get3A_4992 = vector.shape_cast %get3A_4991 : vector<1x1x128xf32> to vector<1x128xf32>
    %get3A_4993 = arith.constant 2 : index
    %get3A_4994 = arith.constant 226 : index
    %get3A_4995 = arith.constant 0 : index
    %get3A_4996 = vector.load %arg2[%get3A_4993, %get3A_4994, %get3A_4995] : memref<3x256x128xf32, #tpu.memory_space<vmem>>, vector<1x1x128xf32>
    %get3A_4997 = vector.shape_cast %get3A_4996 : vector<1x1x128xf32> to vector<1x128xf32>
    %get3A_4998 = arith.constant 2 : index
    %get3A_4999 = arith.constant 227 : index
    %get3A_5000 = arith.constant 0 : index
    %get3A_5001 = vector.load %arg2[%get3A_4998, %get3A_4999, %get3A_5000] : memref<3x256x128xf32, #tpu.memory_space<vmem>>, vector<1x1x128xf32>
    %get3A_5002 = vector.shape_cast %get3A_5001 : vector<1x1x128xf32> to vector<1x128xf32>
    %get3A_5003 = arith.constant 2 : index
    %get3A_5004 = arith.constant 228 : index
    %get3A_5005 = arith.constant 0 : index
    %get3A_5006 = vector.load %arg2[%get3A_5003, %get3A_5004, %get3A_5005] : memref<3x256x128xf32, #tpu.memory_space<vmem>>, vector<1x1x128xf32>
    %get3A_5007 = vector.shape_cast %get3A_5006 : vector<1x1x128xf32> to vector<1x128xf32>
    %get3A_5008 = arith.constant 2 : index
    %get3A_5009 = arith.constant 229 : index
    %get3A_5010 = arith.constant 0 : index
    %get3A_5011 = vector.load %arg2[%get3A_5008, %get3A_5009, %get3A_5010] : memref<3x256x128xf32, #tpu.memory_space<vmem>>, vector<1x1x128xf32>
    %get3A_5012 = vector.shape_cast %get3A_5011 : vector<1x1x128xf32> to vector<1x128xf32>
    %get3A_5013 = arith.constant 2 : index
    %get3A_5014 = arith.constant 230 : index
    %get3A_5015 = arith.constant 0 : index
    %get3A_5016 = vector.load %arg2[%get3A_5013, %get3A_5014, %get3A_5015] : memref<3x256x128xf32, #tpu.memory_space<vmem>>, vector<1x1x128xf32>
    %get3A_5017 = vector.shape_cast %get3A_5016 : vector<1x1x128xf32> to vector<1x128xf32>
    %get3A_5018 = arith.constant 2 : index
    %get3A_5019 = arith.constant 231 : index
    %get3A_5020 = arith.constant 0 : index
    %get3A_5021 = vector.load %arg2[%get3A_5018, %get3A_5019, %get3A_5020] : memref<3x256x128xf32, #tpu.memory_space<vmem>>, vector<1x1x128xf32>
    %get3A_5022 = vector.shape_cast %get3A_5021 : vector<1x1x128xf32> to vector<1x128xf32>
    %get3A_5023 = arith.constant 2 : index
    %get3A_5024 = arith.constant 232 : index
    %get3A_5025 = arith.constant 0 : index
    %get3A_5026 = vector.load %arg2[%get3A_5023, %get3A_5024, %get3A_5025] : memref<3x256x128xf32, #tpu.memory_space<vmem>>, vector<1x1x128xf32>
    %get3A_5027 = vector.shape_cast %get3A_5026 : vector<1x1x128xf32> to vector<1x128xf32>
    %get3A_5028 = arith.constant 2 : index
    %get3A_5029 = arith.constant 233 : index
    %get3A_5030 = arith.constant 0 : index
    %get3A_5031 = vector.load %arg2[%get3A_5028, %get3A_5029, %get3A_5030] : memref<3x256x128xf32, #tpu.memory_space<vmem>>, vector<1x1x128xf32>
    %get3A_5032 = vector.shape_cast %get3A_5031 : vector<1x1x128xf32> to vector<1x128xf32>
    %get3A_5033 = arith.constant 2 : index
    %get3A_5034 = arith.constant 234 : index
    %get3A_5035 = arith.constant 0 : index
    %get3A_5036 = vector.load %arg2[%get3A_5033, %get3A_5034, %get3A_5035] : memref<3x256x128xf32, #tpu.memory_space<vmem>>, vector<1x1x128xf32>
    %get3A_5037 = vector.shape_cast %get3A_5036 : vector<1x1x128xf32> to vector<1x128xf32>
    %get3A_5038 = arith.constant 2 : index
    %get3A_5039 = arith.constant 235 : index
    %get3A_5040 = arith.constant 0 : index
    %get3A_5041 = vector.load %arg2[%get3A_5038, %get3A_5039, %get3A_5040] : memref<3x256x128xf32, #tpu.memory_space<vmem>>, vector<1x1x128xf32>
    %get3A_5042 = vector.shape_cast %get3A_5041 : vector<1x1x128xf32> to vector<1x128xf32>
    %get3A_5043 = arith.constant 2 : index
    %get3A_5044 = arith.constant 236 : index
    %get3A_5045 = arith.constant 0 : index
    %get3A_5046 = vector.load %arg2[%get3A_5043, %get3A_5044, %get3A_5045] : memref<3x256x128xf32, #tpu.memory_space<vmem>>, vector<1x1x128xf32>
    %get3A_5047 = vector.shape_cast %get3A_5046 : vector<1x1x128xf32> to vector<1x128xf32>
    %get3A_5048 = arith.constant 2 : index
    %get3A_5049 = arith.constant 237 : index
    %get3A_5050 = arith.constant 0 : index
    %get3A_5051 = vector.load %arg2[%get3A_5048, %get3A_5049, %get3A_5050] : memref<3x256x128xf32, #tpu.memory_space<vmem>>, vector<1x1x128xf32>
    %get3A_5052 = vector.shape_cast %get3A_5051 : vector<1x1x128xf32> to vector<1x128xf32>
    %get3A_5053 = arith.constant 2 : index
    %get3A_5054 = arith.constant 238 : index
    %get3A_5055 = arith.constant 0 : index
    %get3A_5056 = vector.load %arg2[%get3A_5053, %get3A_5054, %get3A_5055] : memref<3x256x128xf32, #tpu.memory_space<vmem>>, vector<1x1x128xf32>
    %get3A_5057 = vector.shape_cast %get3A_5056 : vector<1x1x128xf32> to vector<1x128xf32>
    %get3A_5058 = arith.constant 2 : index
    %get3A_5059 = arith.constant 239 : index
    %get3A_5060 = arith.constant 0 : index
    %get3A_5061 = vector.load %arg2[%get3A_5058, %get3A_5059, %get3A_5060] : memref<3x256x128xf32, #tpu.memory_space<vmem>>, vector<1x1x128xf32>
    %get3A_5062 = vector.shape_cast %get3A_5061 : vector<1x1x128xf32> to vector<1x128xf32>
    %get3A_5063 = arith.constant 2 : index
    %get3A_5064 = arith.constant 240 : index
    %get3A_5065 = arith.constant 0 : index
    %get3A_5066 = vector.load %arg2[%get3A_5063, %get3A_5064, %get3A_5065] : memref<3x256x128xf32, #tpu.memory_space<vmem>>, vector<1x1x128xf32>
    %get3A_5067 = vector.shape_cast %get3A_5066 : vector<1x1x128xf32> to vector<1x128xf32>
    %get3A_5068 = arith.constant 2 : index
    %get3A_5069 = arith.constant 241 : index
    %get3A_5070 = arith.constant 0 : index
    %get3A_5071 = vector.load %arg2[%get3A_5068, %get3A_5069, %get3A_5070] : memref<3x256x128xf32, #tpu.memory_space<vmem>>, vector<1x1x128xf32>
    %get3A_5072 = vector.shape_cast %get3A_5071 : vector<1x1x128xf32> to vector<1x128xf32>
    %get3A_5073 = arith.constant 2 : index
    %get3A_5074 = arith.constant 242 : index
    %get3A_5075 = arith.constant 0 : index
    %get3A_5076 = vector.load %arg2[%get3A_5073, %get3A_5074, %get3A_5075] : memref<3x256x128xf32, #tpu.memory_space<vmem>>, vector<1x1x128xf32>
    %get3A_5077 = vector.shape_cast %get3A_5076 : vector<1x1x128xf32> to vector<1x128xf32>
    %get3A_5078 = arith.constant 2 : index
    %get3A_5079 = arith.constant 243 : index
    %get3A_5080 = arith.constant 0 : index
    %get3A_5081 = vector.load %arg2[%get3A_5078, %get3A_5079, %get3A_5080] : memref<3x256x128xf32, #tpu.memory_space<vmem>>, vector<1x1x128xf32>
    %get3A_5082 = vector.shape_cast %get3A_5081 : vector<1x1x128xf32> to vector<1x128xf32>
    %get3A_5083 = arith.constant 2 : index
    %get3A_5084 = arith.constant 244 : index
    %get3A_5085 = arith.constant 0 : index
    %get3A_5086 = vector.load %arg2[%get3A_5083, %get3A_5084, %get3A_5085] : memref<3x256x128xf32, #tpu.memory_space<vmem>>, vector<1x1x128xf32>
    %get3A_5087 = vector.shape_cast %get3A_5086 : vector<1x1x128xf32> to vector<1x128xf32>
    %get3A_5088 = arith.constant 2 : index
    %get3A_5089 = arith.constant 245 : index
    %get3A_5090 = arith.constant 0 : index
    %get3A_5091 = vector.load %arg2[%get3A_5088, %get3A_5089, %get3A_5090] : memref<3x256x128xf32, #tpu.memory_space<vmem>>, vector<1x1x128xf32>
    %get3A_5092 = vector.shape_cast %get3A_5091 : vector<1x1x128xf32> to vector<1x128xf32>
    %get3A_5093 = arith.constant 2 : index
    %get3A_5094 = arith.constant 246 : index
    %get3A_5095 = arith.constant 0 : index
    %get3A_5096 = vector.load %arg2[%get3A_5093, %get3A_5094, %get3A_5095] : memref<3x256x128xf32, #tpu.memory_space<vmem>>, vector<1x1x128xf32>
    %get3A_5097 = vector.shape_cast %get3A_5096 : vector<1x1x128xf32> to vector<1x128xf32>
    %get3A_5098 = arith.constant 2 : index
    %get3A_5099 = arith.constant 247 : index
    %get3A_5100 = arith.constant 0 : index
    %get3A_5101 = vector.load %arg2[%get3A_5098, %get3A_5099, %get3A_5100] : memref<3x256x128xf32, #tpu.memory_space<vmem>>, vector<1x1x128xf32>
    %get3A_5102 = vector.shape_cast %get3A_5101 : vector<1x1x128xf32> to vector<1x128xf32>
    %get3A_5103 = arith.constant 2 : index
    %get3A_5104 = arith.constant 248 : index
    %get3A_5105 = arith.constant 0 : index
    %get3A_5106 = vector.load %arg2[%get3A_5103, %get3A_5104, %get3A_5105] : memref<3x256x128xf32, #tpu.memory_space<vmem>>, vector<1x1x128xf32>
    %get3A_5107 = vector.shape_cast %get3A_5106 : vector<1x1x128xf32> to vector<1x128xf32>
    %get3A_5108 = arith.constant 2 : index
    %get3A_5109 = arith.constant 249 : index
    %get3A_5110 = arith.constant 0 : index
    %get3A_5111 = vector.load %arg2[%get3A_5108, %get3A_5109, %get3A_5110] : memref<3x256x128xf32, #tpu.memory_space<vmem>>, vector<1x1x128xf32>
    %get3A_5112 = vector.shape_cast %get3A_5111 : vector<1x1x128xf32> to vector<1x128xf32>
    %get3A_5113 = arith.constant 2 : index
    %get3A_5114 = arith.constant 250 : index
    %get3A_5115 = arith.constant 0 : index
    %get3A_5116 = vector.load %arg2[%get3A_5113, %get3A_5114, %get3A_5115] : memref<3x256x128xf32, #tpu.memory_space<vmem>>, vector<1x1x128xf32>
    %get3A_5117 = vector.shape_cast %get3A_5116 : vector<1x1x128xf32> to vector<1x128xf32>
    %get3A_5118 = arith.constant 2 : index
    %get3A_5119 = arith.constant 251 : index
    %get3A_5120 = arith.constant 0 : index
    %get3A_5121 = vector.load %arg2[%get3A_5118, %get3A_5119, %get3A_5120] : memref<3x256x128xf32, #tpu.memory_space<vmem>>, vector<1x1x128xf32>
    %get3A_5122 = vector.shape_cast %get3A_5121 : vector<1x1x128xf32> to vector<1x128xf32>
    %get3A_5123 = arith.constant 2 : index
    %get3A_5124 = arith.constant 252 : index
    %get3A_5125 = arith.constant 0 : index
    %get3A_5126 = vector.load %arg2[%get3A_5123, %get3A_5124, %get3A_5125] : memref<3x256x128xf32, #tpu.memory_space<vmem>>, vector<1x1x128xf32>
    %get3A_5127 = vector.shape_cast %get3A_5126 : vector<1x1x128xf32> to vector<1x128xf32>
    %get3A_5128 = arith.constant 2 : index
    %get3A_5129 = arith.constant 253 : index
    %get3A_5130 = arith.constant 0 : index
    %get3A_5131 = vector.load %arg2[%get3A_5128, %get3A_5129, %get3A_5130] : memref<3x256x128xf32, #tpu.memory_space<vmem>>, vector<1x1x128xf32>
    %get3A_5132 = vector.shape_cast %get3A_5131 : vector<1x1x128xf32> to vector<1x128xf32>
    %get3A_5133 = arith.constant 2 : index
    %get3A_5134 = arith.constant 254 : index
    %get3A_5135 = arith.constant 0 : index
    %get3A_5136 = vector.load %arg2[%get3A_5133, %get3A_5134, %get3A_5135] : memref<3x256x128xf32, #tpu.memory_space<vmem>>, vector<1x1x128xf32>
    %get3A_5137 = vector.shape_cast %get3A_5136 : vector<1x1x128xf32> to vector<1x128xf32>
    %get3A_5138 = arith.constant 2 : index
    %get3A_5139 = arith.constant 255 : index
    %get3A_5140 = arith.constant 0 : index
    %get3A_5141 = vector.load %arg2[%get3A_5138, %get3A_5139, %get3A_5140] : memref<3x256x128xf32, #tpu.memory_space<vmem>>, vector<1x1x128xf32>
    %get3A_5142 = vector.shape_cast %get3A_5141 : vector<1x1x128xf32> to vector<1x128xf32>
    %concatenate3A_5143 = tpu.concatenate %get3A_3867, %get3A_3872, %get3A_3877, %get3A_3882, %get3A_3887, %get3A_3892, %get3A_3897, %get3A_3902, %get3A_3907, %get3A_3912, %get3A_3917, %get3A_3922, %get3A_3927, %get3A_3932, %get3A_3937, %get3A_3942, %get3A_3947, %get3A_3952, %get3A_3957, %get3A_3962, %get3A_3967, %get3A_3972, %get3A_3977, %get3A_3982, %get3A_3987, %get3A_3992, %get3A_3997, %get3A_4002, %get3A_4007, %get3A_4012, %get3A_4017, %get3A_4022, %get3A_4027, %get3A_4032, %get3A_4037, %get3A_4042, %get3A_4047, %get3A_4052, %get3A_4057, %get3A_4062, %get3A_4067, %get3A_4072, %get3A_4077, %get3A_4082, %get3A_4087, %get3A_4092, %get3A_4097, %get3A_4102, %get3A_4107, %get3A_4112, %get3A_4117, %get3A_4122, %get3A_4127, %get3A_4132, %get3A_4137, %get3A_4142, %get3A_4147, %get3A_4152, %get3A_4157, %get3A_4162, %get3A_4167, %get3A_4172, %get3A_4177, %get3A_4182, %get3A_4187, %get3A_4192, %get3A_4197, %get3A_4202, %get3A_4207, %get3A_4212, %get3A_4217, %get3A_4222, %get3A_4227, %get3A_4232, %get3A_4237, %get3A_4242, %get3A_4247, %get3A_4252, %get3A_4257, %get3A_4262, %get3A_4267, %get3A_4272, %get3A_4277, %get3A_4282, %get3A_4287, %get3A_4292, %get3A_4297, %get3A_4302, %get3A_4307, %get3A_4312, %get3A_4317, %get3A_4322, %get3A_4327, %get3A_4332, %get3A_4337, %get3A_4342, %get3A_4347, %get3A_4352, %get3A_4357, %get3A_4362, %get3A_4367, %get3A_4372, %get3A_4377, %get3A_4382, %get3A_4387, %get3A_4392, %get3A_4397, %get3A_4402, %get3A_4407, %get3A_4412, %get3A_4417, %get3A_4422, %get3A_4427, %get3A_4432, %get3A_4437, %get3A_4442, %get3A_4447, %get3A_4452, %get3A_4457, %get3A_4462, %get3A_4467, %get3A_4472, %get3A_4477, %get3A_4482, %get3A_4487, %get3A_4492, %get3A_4497, %get3A_4502, %get3A_4507, %get3A_4512, %get3A_4517, %get3A_4522, %get3A_4527, %get3A_4532, %get3A_4537, %get3A_4542, %get3A_4547, %get3A_4552, %get3A_4557, %get3A_4562, %get3A_4567, %get3A_4572, %get3A_4577, %get3A_4582, %get3A_4587, %get3A_4592, %get3A_4597, %get3A_4602, %get3A_4607, %get3A_4612, %get3A_4617, %get3A_4622, %get3A_4627, %get3A_4632, %get3A_4637, %get3A_4642, %get3A_4647, %get3A_4652, %get3A_4657, %get3A_4662, %get3A_4667, %get3A_4672, %get3A_4677, %get3A_4682, %get3A_4687, %get3A_4692, %get3A_4697, %get3A_4702, %get3A_4707, %get3A_4712, %get3A_4717, %get3A_4722, %get3A_4727, %get3A_4732, %get3A_4737, %get3A_4742, %get3A_4747, %get3A_4752, %get3A_4757, %get3A_4762, %get3A_4767, %get3A_4772, %get3A_4777, %get3A_4782, %get3A_4787, %get3A_4792, %get3A_4797, %get3A_4802, %get3A_4807, %get3A_4812, %get3A_4817, %get3A_4822, %get3A_4827, %get3A_4832, %get3A_4837, %get3A_4842, %get3A_4847, %get3A_4852, %get3A_4857, %get3A_4862, %get3A_4867, %get3A_4872, %get3A_4877, %get3A_4882, %get3A_4887, %get3A_4892, %get3A_4897, %get3A_4902, %get3A_4907, %get3A_4912, %get3A_4917, %get3A_4922, %get3A_4927, %get3A_4932, %get3A_4937, %get3A_4942, %get3A_4947, %get3A_4952, %get3A_4957, %get3A_4962, %get3A_4967, %get3A_4972, %get3A_4977, %get3A_4982, %get3A_4987, %get3A_4992, %get3A_4997, %get3A_5002, %get3A_5007, %get3A_5012, %get3A_5017, %get3A_5022, %get3A_5027, %get3A_5032, %get3A_5037, %get3A_5042, %get3A_5047, %get3A_5052, %get3A_5057, %get3A_5062, %get3A_5067, %get3A_5072, %get3A_5077, %get3A_5082, %get3A_5087, %get3A_5092, %get3A_5097, %get3A_5102, %get3A_5107, %get3A_5112, %get3A_5117, %get3A_5122, %get3A_5127, %get3A_5132, %get3A_5137, %get3A_5142 in 1 : vector<1x128xf32>, vector<1x128xf32>, vector<1x128xf32>, vector<1x128xf32>, vector<1x128xf32>, vector<1x128xf32>, vector<1x128xf32>, vector<1x128xf32>, vector<1x128xf32>, vector<1x128xf32>, vector<1x128xf32>, vector<1x128xf32>, vector<1x128xf32>, vector<1x128xf32>, vector<1x128xf32>, vector<1x128xf32>, vector<1x128xf32>, vector<1x128xf32>, vector<1x128xf32>, vector<1x128xf32>, vector<1x128xf32>, vector<1x128xf32>, vector<1x128xf32>, vector<1x128xf32>, vector<1x128xf32>, vector<1x128xf32>, vector<1x128xf32>, vector<1x128xf32>, vector<1x128xf32>, vector<1x128xf32>, vector<1x128xf32>, vector<1x128xf32>, vector<1x128xf32>, vector<1x128xf32>, vector<1x128xf32>, vector<1x128xf32>, vector<1x128xf32>, vector<1x128xf32>, vector<1x128xf32>, vector<1x128xf32>, vector<1x128xf32>, vector<1x128xf32>, vector<1x128xf32>, vector<1x128xf32>, vector<1x128xf32>, vector<1x128xf32>, vector<1x128xf32>, vector<1x128xf32>, vector<1x128xf32>, vector<1x128xf32>, vector<1x128xf32>, vector<1x128xf32>, vector<1x128xf32>, vector<1x128xf32>, vector<1x128xf32>, vector<1x128xf32>, vector<1x128xf32>, vector<1x128xf32>, vector<1x128xf32>, vector<1x128xf32>, vector<1x128xf32>, vector<1x128xf32>, vector<1x128xf32>, vector<1x128xf32>, vector<1x128xf32>, vector<1x128xf32>, vector<1x128xf32>, vector<1x128xf32>, vector<1x128xf32>, vector<1x128xf32>, vector<1x128xf32>, vector<1x128xf32>, vector<1x128xf32>, vector<1x128xf32>, vector<1x128xf32>, vector<1x128xf32>, vector<1x128xf32>, vector<1x128xf32>, vector<1x128xf32>, vector<1x128xf32>, vector<1x128xf32>, vector<1x128xf32>, vector<1x128xf32>, vector<1x128xf32>, vector<1x128xf32>, vector<1x128xf32>, vector<1x128xf32>, vector<1x128xf32>, vector<1x128xf32>, vector<1x128xf32>, vector<1x128xf32>, vector<1x128xf32>, vector<1x128xf32>, vector<1x128xf32>, vector<1x128xf32>, vector<1x128xf32>, vector<1x128xf32>, vector<1x128xf32>, vector<1x128xf32>, vector<1x128xf32>, vector<1x128xf32>, vector<1x128xf32>, vector<1x128xf32>, vector<1x128xf32>, vector<1x128xf32>, vector<1x128xf32>, vector<1x128xf32>, vector<1x128xf32>, vector<1x128xf32>, vector<1x128xf32>, vector<1x128xf32>, vector<1x128xf32>, vector<1x128xf32>, vector<1x128xf32>, vector<1x128xf32>, vector<1x128xf32>, vector<1x128xf32>, vector<1x128xf32>, vector<1x128xf32>, vector<1x128xf32>, vector<1x128xf32>, vector<1x128xf32>, vector<1x128xf32>, vector<1x128xf32>, vector<1x128xf32>, vector<1x128xf32>, vector<1x128xf32>, vector<1x128xf32>, vector<1x128xf32>, vector<1x128xf32>, vector<1x128xf32>, vector<1x128xf32>, vector<1x128xf32>, vector<1x128xf32>, vector<1x128xf32>, vector<1x128xf32>, vector<1x128xf32>, vector<1x128xf32>, vector<1x128xf32>, vector<1x128xf32>, vector<1x128xf32>, vector<1x128xf32>, vector<1x128xf32>, vector<1x128xf32>, vector<1x128xf32>, vector<1x128xf32>, vector<1x128xf32>, vector<1x128xf32>, vector<1x128xf32>, vector<1x128xf32>, vector<1x128xf32>, vector<1x128xf32>, vector<1x128xf32>, vector<1x128xf32>, vector<1x128xf32>, vector<1x128xf32>, vector<1x128xf32>, vector<1x128xf32>, vector<1x128xf32>, vector<1x128xf32>, vector<1x128xf32>, vector<1x128xf32>, vector<1x128xf32>, vector<1x128xf32>, vector<1x128xf32>, vector<1x128xf32>, vector<1x128xf32>, vector<1x128xf32>, vector<1x128xf32>, vector<1x128xf32>, vector<1x128xf32>, vector<1x128xf32>, vector<1x128xf32>, vector<1x128xf32>, vector<1x128xf32>, vector<1x128xf32>, vector<1x128xf32>, vector<1x128xf32>, vector<1x128xf32>, vector<1x128xf32>, vector<1x128xf32>, vector<1x128xf32>, vector<1x128xf32>, vector<1x128xf32>, vector<1x128xf32>, vector<1x128xf32>, vector<1x128xf32>, vector<1x128xf32>, vector<1x128xf32>, vector<1x128xf32>, vector<1x128xf32>, vector<1x128xf32>, vector<1x128xf32>, vector<1x128xf32>, vector<1x128xf32>, vector<1x128xf32>, vector<1x128xf32>, vector<1x128xf32>, vector<1x128xf32>, vector<1x128xf32>, vector<1x128xf32>, vector<1x128xf32>, vector<1x128xf32>, vector<1x128xf32>, vector<1x128xf32>, vector<1x128xf32>, vector<1x128xf32>, vector<1x128xf32>, vector<1x128xf32>, vector<1x128xf32>, vector<1x128xf32>, vector<1x128xf32>, vector<1x128xf32>, vector<1x128xf32>, vector<1x128xf32>, vector<1x128xf32>, vector<1x128xf32>, vector<1x128xf32>, vector<1x128xf32>, vector<1x128xf32>, vector<1x128xf32>, vector<1x128xf32>, vector<1x128xf32>, vector<1x128xf32>, vector<1x128xf32>, vector<1x128xf32>, vector<1x128xf32>, vector<1x128xf32>, vector<1x128xf32>, vector<1x128xf32>, vector<1x128xf32>, vector<1x128xf32>, vector<1x128xf32>, vector<1x128xf32>, vector<1x128xf32>, vector<1x128xf32>, vector<1x128xf32>, vector<1x128xf32>, vector<1x128xf32>, vector<1x128xf32>, vector<1x128xf32>, vector<1x128xf32>, vector<1x128xf32>, vector<1x128xf32>, vector<1x128xf32>, vector<1x128xf32>, vector<1x128xf32>, vector<1x128xf32>, vector<1x128xf32>, vector<1x128xf32>, vector<1x128xf32>, vector<1x128xf32>, vector<1x128xf32>, vector<1x128xf32>, vector<1x128xf32>, vector<1x128xf32> -> vector<1x32768xf32>
    %concatenate3A_5144 = tpu.concatenate %concatenate3A_2581, %concatenate3A_3862, %concatenate3A_5143 in 0 : vector<1x32768xf32>, vector<1x32768xf32>, vector<1x32768xf32> -> vector<3x32768xf32>
    %dot_general3A = arith.constant dense<0.000000e+00> : vector<128x32768xf32>
    %dot_general3A_5145 = tpu.matmul %mul3A_10, %concatenate3A_5144, %dot_general3A {dimension_numbers = #tpu.dot_dimension_numbers<[1], [0], [0], [1], [0, 0, 1, 1], [], []>, transpose_lhs_hint = false} : vector<128x3xf32>, vector<3x32768xf32>, vector<128x32768xf32> -> vector<128x32768xf32>
    %convert_element_type3A_5146 = arith.truncf %dot_general3A_5145 : vector<128x32768xf32> to vector<128x32768xbf16>
    %tanh3A = math.tanh %convert_element_type3A_5146 : vector<128x32768xbf16>
    %mul3A_5147 = arith.constant 5.000000e-01 : bf16
    %mul3A_5148 = vector.broadcast %mul3A_5147 : bf16 to vector<128x32768xbf16>
    %mul3A_5149 = arith.mulf %tanh3A, %mul3A_5148 : vector<128x32768xbf16>
    %add3A = arith.constant 5.000000e-01 : bf16
    %add3A_5150 = vector.broadcast %add3A : bf16 to vector<128x32768xbf16>
    %add3A_5151 = arith.addf %mul3A_5149, %add3A_5150 : vector<128x32768xbf16>
    %mul3A_5152 = arith.mulf %convert_element_type3A_5146, %add3A_5151 : vector<128x32768xbf16>
    %dot_general3A_5153 = arith.constant dense<0.000000e+00> : vector<128x32768xf32>
    %dot_general3A_5154 = tpu.matmul %convert_element_type3A, %convert_element_type3A_1300, %dot_general3A_5153 {dimension_numbers = #tpu.dot_dimension_numbers<[1], [0], [0], [1], [0, 0, 1, 1], [], []>, transpose_lhs_hint = false} : vector<128x100xbf16>, vector<100x32768xbf16>, vector<128x32768xf32> -> vector<128x32768xf32>
    %convert_element_type3A_5155 = arith.truncf %dot_general3A_5154 : vector<128x32768xf32> to vector<128x32768xbf16>
    %add3A_5156 = arith.addf %convert_element_type3A_5155, %mul3A_5152 : vector<128x32768xbf16>
    %tanh3A_5157 = math.tanh %add3A_5156 : vector<128x32768xbf16>
    %mul3A_5158 = arith.mulf %add3A_5156, %tanh3A_5157 : vector<128x32768xbf16>
    %add3A_5159 = arith.addf %mul3A_5158, %add3A_5156 : vector<128x32768xbf16>
    %convert_element_type3A_5160 = arith.truncf %transpose3A_18 : vector<1x128xf32> to vector<1x128xbf16>
    %dot_general3A_5161 = arith.constant dense<0.000000e+00> : vector<1x32768xf32>
    %dot_general3A_5162 = tpu.matmul %convert_element_type3A_5160, %add3A_5159, %dot_general3A_5161 {dimension_numbers = #tpu.dot_dimension_numbers<[1], [0], [0], [1], [0, 0, 1, 1], [], []>, transpose_lhs_hint = false} : vector<1x128xbf16>, vector<128x32768xbf16>, vector<1x32768xf32> -> vector<1x32768xf32>
    %slice3A = vector.extract_strided_slice %dot_general3A_5162 {offsets = [0, 0], sizes = [1, 128], strides = [1, 1]} : vector<1x32768xf32> to vector<1x128xf32>
    %slice3A_5163 = vector.extract_strided_slice %dot_general3A_5162 {offsets = [0, 128], sizes = [1, 128], strides = [1, 1]} : vector<1x32768xf32> to vector<1x128xf32>
    %slice3A_5164 = vector.extract_strided_slice %dot_general3A_5162 {offsets = [0, 256], sizes = [1, 128], strides = [1, 1]} : vector<1x32768xf32> to vector<1x128xf32>
    %slice3A_5165 = vector.extract_strided_slice %dot_general3A_5162 {offsets = [0, 384], sizes = [1, 128], strides = [1, 1]} : vector<1x32768xf32> to vector<1x128xf32>
    %slice3A_5166 = vector.extract_strided_slice %dot_general3A_5162 {offsets = [0, 512], sizes = [1, 128], strides = [1, 1]} : vector<1x32768xf32> to vector<1x128xf32>
    %slice3A_5167 = vector.extract_strided_slice %dot_general3A_5162 {offsets = [0, 640], sizes = [1, 128], strides = [1, 1]} : vector<1x32768xf32> to vector<1x128xf32>
    %slice3A_5168 = vector.extract_strided_slice %dot_general3A_5162 {offsets = [0, 768], sizes = [1, 128], strides = [1, 1]} : vector<1x32768xf32> to vector<1x128xf32>
    %slice3A_5169 = vector.extract_strided_slice %dot_general3A_5162 {offsets = [0, 896], sizes = [1, 128], strides = [1, 1]} : vector<1x32768xf32> to vector<1x128xf32>
    %slice3A_5170 = vector.extract_strided_slice %dot_general3A_5162 {offsets = [0, 1024], sizes = [1, 128], strides = [1, 1]} : vector<1x32768xf32> to vector<1x128xf32>
    %slice3A_5171 = vector.extract_strided_slice %dot_general3A_5162 {offsets = [0, 1152], sizes = [1, 128], strides = [1, 1]} : vector<1x32768xf32> to vector<1x128xf32>
    %slice3A_5172 = vector.extract_strided_slice %dot_general3A_5162 {offsets = [0, 1280], sizes = [1, 128], strides = [1, 1]} : vector<1x32768xf32> to vector<1x128xf32>
    %slice3A_5173 = vector.extract_strided_slice %dot_general3A_5162 {offsets = [0, 1408], sizes = [1, 128], strides = [1, 1]} : vector<1x32768xf32> to vector<1x128xf32>
    %slice3A_5174 = vector.extract_strided_slice %dot_general3A_5162 {offsets = [0, 1536], sizes = [1, 128], strides = [1, 1]} : vector<1x32768xf32> to vector<1x128xf32>
    %slice3A_5175 = vector.extract_strided_slice %dot_general3A_5162 {offsets = [0, 1664], sizes = [1, 128], strides = [1, 1]} : vector<1x32768xf32> to vector<1x128xf32>
    %slice3A_5176 = vector.extract_strided_slice %dot_general3A_5162 {offsets = [0, 1792], sizes = [1, 128], strides = [1, 1]} : vector<1x32768xf32> to vector<1x128xf32>
    %slice3A_5177 = vector.extract_strided_slice %dot_general3A_5162 {offsets = [0, 1920], sizes = [1, 128], strides = [1, 1]} : vector<1x32768xf32> to vector<1x128xf32>
    %slice3A_5178 = vector.extract_strided_slice %dot_general3A_5162 {offsets = [0, 2048], sizes = [1, 128], strides = [1, 1]} : vector<1x32768xf32> to vector<1x128xf32>
    %slice3A_5179 = vector.extract_strided_slice %dot_general3A_5162 {offsets = [0, 2176], sizes = [1, 128], strides = [1, 1]} : vector<1x32768xf32> to vector<1x128xf32>
    %slice3A_5180 = vector.extract_strided_slice %dot_general3A_5162 {offsets = [0, 2304], sizes = [1, 128], strides = [1, 1]} : vector<1x32768xf32> to vector<1x128xf32>
    %slice3A_5181 = vector.extract_strided_slice %dot_general3A_5162 {offsets = [0, 2432], sizes = [1, 128], strides = [1, 1]} : vector<1x32768xf32> to vector<1x128xf32>
    %slice3A_5182 = vector.extract_strided_slice %dot_general3A_5162 {offsets = [0, 2560], sizes = [1, 128], strides = [1, 1]} : vector<1x32768xf32> to vector<1x128xf32>
    %slice3A_5183 = vector.extract_strided_slice %dot_general3A_5162 {offsets = [0, 2688], sizes = [1, 128], strides = [1, 1]} : vector<1x32768xf32> to vector<1x128xf32>
    %slice3A_5184 = vector.extract_strided_slice %dot_general3A_5162 {offsets = [0, 2816], sizes = [1, 128], strides = [1, 1]} : vector<1x32768xf32> to vector<1x128xf32>
    %slice3A_5185 = vector.extract_strided_slice %dot_general3A_5162 {offsets = [0, 2944], sizes = [1, 128], strides = [1, 1]} : vector<1x32768xf32> to vector<1x128xf32>
    %slice3A_5186 = vector.extract_strided_slice %dot_general3A_5162 {offsets = [0, 3072], sizes = [1, 128], strides = [1, 1]} : vector<1x32768xf32> to vector<1x128xf32>
    %slice3A_5187 = vector.extract_strided_slice %dot_general3A_5162 {offsets = [0, 3200], sizes = [1, 128], strides = [1, 1]} : vector<1x32768xf32> to vector<1x128xf32>
    %slice3A_5188 = vector.extract_strided_slice %dot_general3A_5162 {offsets = [0, 3328], sizes = [1, 128], strides = [1, 1]} : vector<1x32768xf32> to vector<1x128xf32>
    %slice3A_5189 = vector.extract_strided_slice %dot_general3A_5162 {offsets = [0, 3456], sizes = [1, 128], strides = [1, 1]} : vector<1x32768xf32> to vector<1x128xf32>
    %slice3A_5190 = vector.extract_strided_slice %dot_general3A_5162 {offsets = [0, 3584], sizes = [1, 128], strides = [1, 1]} : vector<1x32768xf32> to vector<1x128xf32>
    %slice3A_5191 = vector.extract_strided_slice %dot_general3A_5162 {offsets = [0, 3712], sizes = [1, 128], strides = [1, 1]} : vector<1x32768xf32> to vector<1x128xf32>
    %slice3A_5192 = vector.extract_strided_slice %dot_general3A_5162 {offsets = [0, 3840], sizes = [1, 128], strides = [1, 1]} : vector<1x32768xf32> to vector<1x128xf32>
    %slice3A_5193 = vector.extract_strided_slice %dot_general3A_5162 {offsets = [0, 3968], sizes = [1, 128], strides = [1, 1]} : vector<1x32768xf32> to vector<1x128xf32>
    %slice3A_5194 = vector.extract_strided_slice %dot_general3A_5162 {offsets = [0, 4096], sizes = [1, 128], strides = [1, 1]} : vector<1x32768xf32> to vector<1x128xf32>
    %slice3A_5195 = vector.extract_strided_slice %dot_general3A_5162 {offsets = [0, 4224], sizes = [1, 128], strides = [1, 1]} : vector<1x32768xf32> to vector<1x128xf32>
    %slice3A_5196 = vector.extract_strided_slice %dot_general3A_5162 {offsets = [0, 4352], sizes = [1, 128], strides = [1, 1]} : vector<1x32768xf32> to vector<1x128xf32>
    %slice3A_5197 = vector.extract_strided_slice %dot_general3A_5162 {offsets = [0, 4480], sizes = [1, 128], strides = [1, 1]} : vector<1x32768xf32> to vector<1x128xf32>
    %slice3A_5198 = vector.extract_strided_slice %dot_general3A_5162 {offsets = [0, 4608], sizes = [1, 128], strides = [1, 1]} : vector<1x32768xf32> to vector<1x128xf32>
    %slice3A_5199 = vector.extract_strided_slice %dot_general3A_5162 {offsets = [0, 4736], sizes = [1, 128], strides = [1, 1]} : vector<1x32768xf32> to vector<1x128xf32>
    %slice3A_5200 = vector.extract_strided_slice %dot_general3A_5162 {offsets = [0, 4864], sizes = [1, 128], strides = [1, 1]} : vector<1x32768xf32> to vector<1x128xf32>
    %slice3A_5201 = vector.extract_strided_slice %dot_general3A_5162 {offsets = [0, 4992], sizes = [1, 128], strides = [1, 1]} : vector<1x32768xf32> to vector<1x128xf32>
    %slice3A_5202 = vector.extract_strided_slice %dot_general3A_5162 {offsets = [0, 5120], sizes = [1, 128], strides = [1, 1]} : vector<1x32768xf32> to vector<1x128xf32>
    %slice3A_5203 = vector.extract_strided_slice %dot_general3A_5162 {offsets = [0, 5248], sizes = [1, 128], strides = [1, 1]} : vector<1x32768xf32> to vector<1x128xf32>
    %slice3A_5204 = vector.extract_strided_slice %dot_general3A_5162 {offsets = [0, 5376], sizes = [1, 128], strides = [1, 1]} : vector<1x32768xf32> to vector<1x128xf32>
    %slice3A_5205 = vector.extract_strided_slice %dot_general3A_5162 {offsets = [0, 5504], sizes = [1, 128], strides = [1, 1]} : vector<1x32768xf32> to vector<1x128xf32>
    %slice3A_5206 = vector.extract_strided_slice %dot_general3A_5162 {offsets = [0, 5632], sizes = [1, 128], strides = [1, 1]} : vector<1x32768xf32> to vector<1x128xf32>
    %slice3A_5207 = vector.extract_strided_slice %dot_general3A_5162 {offsets = [0, 5760], sizes = [1, 128], strides = [1, 1]} : vector<1x32768xf32> to vector<1x128xf32>
    %slice3A_5208 = vector.extract_strided_slice %dot_general3A_5162 {offsets = [0, 5888], sizes = [1, 128], strides = [1, 1]} : vector<1x32768xf32> to vector<1x128xf32>
    %slice3A_5209 = vector.extract_strided_slice %dot_general3A_5162 {offsets = [0, 6016], sizes = [1, 128], strides = [1, 1]} : vector<1x32768xf32> to vector<1x128xf32>
    %slice3A_5210 = vector.extract_strided_slice %dot_general3A_5162 {offsets = [0, 6144], sizes = [1, 128], strides = [1, 1]} : vector<1x32768xf32> to vector<1x128xf32>
    %slice3A_5211 = vector.extract_strided_slice %dot_general3A_5162 {offsets = [0, 6272], sizes = [1, 128], strides = [1, 1]} : vector<1x32768xf32> to vector<1x128xf32>
    %slice3A_5212 = vector.extract_strided_slice %dot_general3A_5162 {offsets = [0, 6400], sizes = [1, 128], strides = [1, 1]} : vector<1x32768xf32> to vector<1x128xf32>
    %slice3A_5213 = vector.extract_strided_slice %dot_general3A_5162 {offsets = [0, 6528], sizes = [1, 128], strides = [1, 1]} : vector<1x32768xf32> to vector<1x128xf32>
    %slice3A_5214 = vector.extract_strided_slice %dot_general3A_5162 {offsets = [0, 6656], sizes = [1, 128], strides = [1, 1]} : vector<1x32768xf32> to vector<1x128xf32>
    %slice3A_5215 = vector.extract_strided_slice %dot_general3A_5162 {offsets = [0, 6784], sizes = [1, 128], strides = [1, 1]} : vector<1x32768xf32> to vector<1x128xf32>
    %slice3A_5216 = vector.extract_strided_slice %dot_general3A_5162 {offsets = [0, 6912], sizes = [1, 128], strides = [1, 1]} : vector<1x32768xf32> to vector<1x128xf32>
    %slice3A_5217 = vector.extract_strided_slice %dot_general3A_5162 {offsets = [0, 7040], sizes = [1, 128], strides = [1, 1]} : vector<1x32768xf32> to vector<1x128xf32>
    %slice3A_5218 = vector.extract_strided_slice %dot_general3A_5162 {offsets = [0, 7168], sizes = [1, 128], strides = [1, 1]} : vector<1x32768xf32> to vector<1x128xf32>
    %slice3A_5219 = vector.extract_strided_slice %dot_general3A_5162 {offsets = [0, 7296], sizes = [1, 128], strides = [1, 1]} : vector<1x32768xf32> to vector<1x128xf32>
    %slice3A_5220 = vector.extract_strided_slice %dot_general3A_5162 {offsets = [0, 7424], sizes = [1, 128], strides = [1, 1]} : vector<1x32768xf32> to vector<1x128xf32>
    %slice3A_5221 = vector.extract_strided_slice %dot_general3A_5162 {offsets = [0, 7552], sizes = [1, 128], strides = [1, 1]} : vector<1x32768xf32> to vector<1x128xf32>
    %slice3A_5222 = vector.extract_strided_slice %dot_general3A_5162 {offsets = [0, 7680], sizes = [1, 128], strides = [1, 1]} : vector<1x32768xf32> to vector<1x128xf32>
    %slice3A_5223 = vector.extract_strided_slice %dot_general3A_5162 {offsets = [0, 7808], sizes = [1, 128], strides = [1, 1]} : vector<1x32768xf32> to vector<1x128xf32>
    %slice3A_5224 = vector.extract_strided_slice %dot_general3A_5162 {offsets = [0, 7936], sizes = [1, 128], strides = [1, 1]} : vector<1x32768xf32> to vector<1x128xf32>
    %slice3A_5225 = vector.extract_strided_slice %dot_general3A_5162 {offsets = [0, 8064], sizes = [1, 128], strides = [1, 1]} : vector<1x32768xf32> to vector<1x128xf32>
    %slice3A_5226 = vector.extract_strided_slice %dot_general3A_5162 {offsets = [0, 8192], sizes = [1, 128], strides = [1, 1]} : vector<1x32768xf32> to vector<1x128xf32>
    %slice3A_5227 = vector.extract_strided_slice %dot_general3A_5162 {offsets = [0, 8320], sizes = [1, 128], strides = [1, 1]} : vector<1x32768xf32> to vector<1x128xf32>
    %slice3A_5228 = vector.extract_strided_slice %dot_general3A_5162 {offsets = [0, 8448], sizes = [1, 128], strides = [1, 1]} : vector<1x32768xf32> to vector<1x128xf32>
    %slice3A_5229 = vector.extract_strided_slice %dot_general3A_5162 {offsets = [0, 8576], sizes = [1, 128], strides = [1, 1]} : vector<1x32768xf32> to vector<1x128xf32>
    %slice3A_5230 = vector.extract_strided_slice %dot_general3A_5162 {offsets = [0, 8704], sizes = [1, 128], strides = [1, 1]} : vector<1x32768xf32> to vector<1x128xf32>
    %slice3A_5231 = vector.extract_strided_slice %dot_general3A_5162 {offsets = [0, 8832], sizes = [1, 128], strides = [1, 1]} : vector<1x32768xf32> to vector<1x128xf32>
    %slice3A_5232 = vector.extract_strided_slice %dot_general3A_5162 {offsets = [0, 8960], sizes = [1, 128], strides = [1, 1]} : vector<1x32768xf32> to vector<1x128xf32>
    %slice3A_5233 = vector.extract_strided_slice %dot_general3A_5162 {offsets = [0, 9088], sizes = [1, 128], strides = [1, 1]} : vector<1x32768xf32> to vector<1x128xf32>
    %slice3A_5234 = vector.extract_strided_slice %dot_general3A_5162 {offsets = [0, 9216], sizes = [1, 128], strides = [1, 1]} : vector<1x32768xf32> to vector<1x128xf32>
    %slice3A_5235 = vector.extract_strided_slice %dot_general3A_5162 {offsets = [0, 9344], sizes = [1, 128], strides = [1, 1]} : vector<1x32768xf32> to vector<1x128xf32>
    %slice3A_5236 = vector.extract_strided_slice %dot_general3A_5162 {offsets = [0, 9472], sizes = [1, 128], strides = [1, 1]} : vector<1x32768xf32> to vector<1x128xf32>
    %slice3A_5237 = vector.extract_strided_slice %dot_general3A_5162 {offsets = [0, 9600], sizes = [1, 128], strides = [1, 1]} : vector<1x32768xf32> to vector<1x128xf32>
    %slice3A_5238 = vector.extract_strided_slice %dot_general3A_5162 {offsets = [0, 9728], sizes = [1, 128], strides = [1, 1]} : vector<1x32768xf32> to vector<1x128xf32>
    %slice3A_5239 = vector.extract_strided_slice %dot_general3A_5162 {offsets = [0, 9856], sizes = [1, 128], strides = [1, 1]} : vector<1x32768xf32> to vector<1x128xf32>
    %slice3A_5240 = vector.extract_strided_slice %dot_general3A_5162 {offsets = [0, 9984], sizes = [1, 128], strides = [1, 1]} : vector<1x32768xf32> to vector<1x128xf32>
    %slice3A_5241 = vector.extract_strided_slice %dot_general3A_5162 {offsets = [0, 10112], sizes = [1, 128], strides = [1, 1]} : vector<1x32768xf32> to vector<1x128xf32>
    %slice3A_5242 = vector.extract_strided_slice %dot_general3A_5162 {offsets = [0, 10240], sizes = [1, 128], strides = [1, 1]} : vector<1x32768xf32> to vector<1x128xf32>
    %slice3A_5243 = vector.extract_strided_slice %dot_general3A_5162 {offsets = [0, 10368], sizes = [1, 128], strides = [1, 1]} : vector<1x32768xf32> to vector<1x128xf32>
    %slice3A_5244 = vector.extract_strided_slice %dot_general3A_5162 {offsets = [0, 10496], sizes = [1, 128], strides = [1, 1]} : vector<1x32768xf32> to vector<1x128xf32>
    %slice3A_5245 = vector.extract_strided_slice %dot_general3A_5162 {offsets = [0, 10624], sizes = [1, 128], strides = [1, 1]} : vector<1x32768xf32> to vector<1x128xf32>
    %slice3A_5246 = vector.extract_strided_slice %dot_general3A_5162 {offsets = [0, 10752], sizes = [1, 128], strides = [1, 1]} : vector<1x32768xf32> to vector<1x128xf32>
    %slice3A_5247 = vector.extract_strided_slice %dot_general3A_5162 {offsets = [0, 10880], sizes = [1, 128], strides = [1, 1]} : vector<1x32768xf32> to vector<1x128xf32>
    %slice3A_5248 = vector.extract_strided_slice %dot_general3A_5162 {offsets = [0, 11008], sizes = [1, 128], strides = [1, 1]} : vector<1x32768xf32> to vector<1x128xf32>
    %slice3A_5249 = vector.extract_strided_slice %dot_general3A_5162 {offsets = [0, 11136], sizes = [1, 128], strides = [1, 1]} : vector<1x32768xf32> to vector<1x128xf32>
    %slice3A_5250 = vector.extract_strided_slice %dot_general3A_5162 {offsets = [0, 11264], sizes = [1, 128], strides = [1, 1]} : vector<1x32768xf32> to vector<1x128xf32>
    %slice3A_5251 = vector.extract_strided_slice %dot_general3A_5162 {offsets = [0, 11392], sizes = [1, 128], strides = [1, 1]} : vector<1x32768xf32> to vector<1x128xf32>
    %slice3A_5252 = vector.extract_strided_slice %dot_general3A_5162 {offsets = [0, 11520], sizes = [1, 128], strides = [1, 1]} : vector<1x32768xf32> to vector<1x128xf32>
    %slice3A_5253 = vector.extract_strided_slice %dot_general3A_5162 {offsets = [0, 11648], sizes = [1, 128], strides = [1, 1]} : vector<1x32768xf32> to vector<1x128xf32>
    %slice3A_5254 = vector.extract_strided_slice %dot_general3A_5162 {offsets = [0, 11776], sizes = [1, 128], strides = [1, 1]} : vector<1x32768xf32> to vector<1x128xf32>
    %slice3A_5255 = vector.extract_strided_slice %dot_general3A_5162 {offsets = [0, 11904], sizes = [1, 128], strides = [1, 1]} : vector<1x32768xf32> to vector<1x128xf32>
    %slice3A_5256 = vector.extract_strided_slice %dot_general3A_5162 {offsets = [0, 12032], sizes = [1, 128], strides = [1, 1]} : vector<1x32768xf32> to vector<1x128xf32>
    %slice3A_5257 = vector.extract_strided_slice %dot_general3A_5162 {offsets = [0, 12160], sizes = [1, 128], strides = [1, 1]} : vector<1x32768xf32> to vector<1x128xf32>
    %slice3A_5258 = vector.extract_strided_slice %dot_general3A_5162 {offsets = [0, 12288], sizes = [1, 128], strides = [1, 1]} : vector<1x32768xf32> to vector<1x128xf32>
    %slice3A_5259 = vector.extract_strided_slice %dot_general3A_5162 {offsets = [0, 12416], sizes = [1, 128], strides = [1, 1]} : vector<1x32768xf32> to vector<1x128xf32>
    %slice3A_5260 = vector.extract_strided_slice %dot_general3A_5162 {offsets = [0, 12544], sizes = [1, 128], strides = [1, 1]} : vector<1x32768xf32> to vector<1x128xf32>
    %slice3A_5261 = vector.extract_strided_slice %dot_general3A_5162 {offsets = [0, 12672], sizes = [1, 128], strides = [1, 1]} : vector<1x32768xf32> to vector<1x128xf32>
    %slice3A_5262 = vector.extract_strided_slice %dot_general3A_5162 {offsets = [0, 12800], sizes = [1, 128], strides = [1, 1]} : vector<1x32768xf32> to vector<1x128xf32>
    %slice3A_5263 = vector.extract_strided_slice %dot_general3A_5162 {offsets = [0, 12928], sizes = [1, 128], strides = [1, 1]} : vector<1x32768xf32> to vector<1x128xf32>
    %slice3A_5264 = vector.extract_strided_slice %dot_general3A_5162 {offsets = [0, 13056], sizes = [1, 128], strides = [1, 1]} : vector<1x32768xf32> to vector<1x128xf32>
    %slice3A_5265 = vector.extract_strided_slice %dot_general3A_5162 {offsets = [0, 13184], sizes = [1, 128], strides = [1, 1]} : vector<1x32768xf32> to vector<1x128xf32>
    %slice3A_5266 = vector.extract_strided_slice %dot_general3A_5162 {offsets = [0, 13312], sizes = [1, 128], strides = [1, 1]} : vector<1x32768xf32> to vector<1x128xf32>
    %slice3A_5267 = vector.extract_strided_slice %dot_general3A_5162 {offsets = [0, 13440], sizes = [1, 128], strides = [1, 1]} : vector<1x32768xf32> to vector<1x128xf32>
    %slice3A_5268 = vector.extract_strided_slice %dot_general3A_5162 {offsets = [0, 13568], sizes = [1, 128], strides = [1, 1]} : vector<1x32768xf32> to vector<1x128xf32>
    %slice3A_5269 = vector.extract_strided_slice %dot_general3A_5162 {offsets = [0, 13696], sizes = [1, 128], strides = [1, 1]} : vector<1x32768xf32> to vector<1x128xf32>
    %slice3A_5270 = vector.extract_strided_slice %dot_general3A_5162 {offsets = [0, 13824], sizes = [1, 128], strides = [1, 1]} : vector<1x32768xf32> to vector<1x128xf32>
    %slice3A_5271 = vector.extract_strided_slice %dot_general3A_5162 {offsets = [0, 13952], sizes = [1, 128], strides = [1, 1]} : vector<1x32768xf32> to vector<1x128xf32>
    %slice3A_5272 = vector.extract_strided_slice %dot_general3A_5162 {offsets = [0, 14080], sizes = [1, 128], strides = [1, 1]} : vector<1x32768xf32> to vector<1x128xf32>
    %slice3A_5273 = vector.extract_strided_slice %dot_general3A_5162 {offsets = [0, 14208], sizes = [1, 128], strides = [1, 1]} : vector<1x32768xf32> to vector<1x128xf32>
    %slice3A_5274 = vector.extract_strided_slice %dot_general3A_5162 {offsets = [0, 14336], sizes = [1, 128], strides = [1, 1]} : vector<1x32768xf32> to vector<1x128xf32>
    %slice3A_5275 = vector.extract_strided_slice %dot_general3A_5162 {offsets = [0, 14464], sizes = [1, 128], strides = [1, 1]} : vector<1x32768xf32> to vector<1x128xf32>
    %slice3A_5276 = vector.extract_strided_slice %dot_general3A_5162 {offsets = [0, 14592], sizes = [1, 128], strides = [1, 1]} : vector<1x32768xf32> to vector<1x128xf32>
    %slice3A_5277 = vector.extract_strided_slice %dot_general3A_5162 {offsets = [0, 14720], sizes = [1, 128], strides = [1, 1]} : vector<1x32768xf32> to vector<1x128xf32>
    %slice3A_5278 = vector.extract_strided_slice %dot_general3A_5162 {offsets = [0, 14848], sizes = [1, 128], strides = [1, 1]} : vector<1x32768xf32> to vector<1x128xf32>
    %slice3A_5279 = vector.extract_strided_slice %dot_general3A_5162 {offsets = [0, 14976], sizes = [1, 128], strides = [1, 1]} : vector<1x32768xf32> to vector<1x128xf32>
    %slice3A_5280 = vector.extract_strided_slice %dot_general3A_5162 {offsets = [0, 15104], sizes = [1, 128], strides = [1, 1]} : vector<1x32768xf32> to vector<1x128xf32>
    %slice3A_5281 = vector.extract_strided_slice %dot_general3A_5162 {offsets = [0, 15232], sizes = [1, 128], strides = [1, 1]} : vector<1x32768xf32> to vector<1x128xf32>
    %slice3A_5282 = vector.extract_strided_slice %dot_general3A_5162 {offsets = [0, 15360], sizes = [1, 128], strides = [1, 1]} : vector<1x32768xf32> to vector<1x128xf32>
    %slice3A_5283 = vector.extract_strided_slice %dot_general3A_5162 {offsets = [0, 15488], sizes = [1, 128], strides = [1, 1]} : vector<1x32768xf32> to vector<1x128xf32>
    %slice3A_5284 = vector.extract_strided_slice %dot_general3A_5162 {offsets = [0, 15616], sizes = [1, 128], strides = [1, 1]} : vector<1x32768xf32> to vector<1x128xf32>
    %slice3A_5285 = vector.extract_strided_slice %dot_general3A_5162 {offsets = [0, 15744], sizes = [1, 128], strides = [1, 1]} : vector<1x32768xf32> to vector<1x128xf32>
    %slice3A_5286 = vector.extract_strided_slice %dot_general3A_5162 {offsets = [0, 15872], sizes = [1, 128], strides = [1, 1]} : vector<1x32768xf32> to vector<1x128xf32>
    %slice3A_5287 = vector.extract_strided_slice %dot_general3A_5162 {offsets = [0, 16000], sizes = [1, 128], strides = [1, 1]} : vector<1x32768xf32> to vector<1x128xf32>
    %slice3A_5288 = vector.extract_strided_slice %dot_general3A_5162 {offsets = [0, 16128], sizes = [1, 128], strides = [1, 1]} : vector<1x32768xf32> to vector<1x128xf32>
    %slice3A_5289 = vector.extract_strided_slice %dot_general3A_5162 {offsets = [0, 16256], sizes = [1, 128], strides = [1, 1]} : vector<1x32768xf32> to vector<1x128xf32>
    %slice3A_5290 = vector.extract_strided_slice %dot_general3A_5162 {offsets = [0, 16384], sizes = [1, 128], strides = [1, 1]} : vector<1x32768xf32> to vector<1x128xf32>
    %slice3A_5291 = vector.extract_strided_slice %dot_general3A_5162 {offsets = [0, 16512], sizes = [1, 128], strides = [1, 1]} : vector<1x32768xf32> to vector<1x128xf32>
    %slice3A_5292 = vector.extract_strided_slice %dot_general3A_5162 {offsets = [0, 16640], sizes = [1, 128], strides = [1, 1]} : vector<1x32768xf32> to vector<1x128xf32>
    %slice3A_5293 = vector.extract_strided_slice %dot_general3A_5162 {offsets = [0, 16768], sizes = [1, 128], strides = [1, 1]} : vector<1x32768xf32> to vector<1x128xf32>
    %slice3A_5294 = vector.extract_strided_slice %dot_general3A_5162 {offsets = [0, 16896], sizes = [1, 128], strides = [1, 1]} : vector<1x32768xf32> to vector<1x128xf32>
    %slice3A_5295 = vector.extract_strided_slice %dot_general3A_5162 {offsets = [0, 17024], sizes = [1, 128], strides = [1, 1]} : vector<1x32768xf32> to vector<1x128xf32>
    %slice3A_5296 = vector.extract_strided_slice %dot_general3A_5162 {offsets = [0, 17152], sizes = [1, 128], strides = [1, 1]} : vector<1x32768xf32> to vector<1x128xf32>
    %slice3A_5297 = vector.extract_strided_slice %dot_general3A_5162 {offsets = [0, 17280], sizes = [1, 128], strides = [1, 1]} : vector<1x32768xf32> to vector<1x128xf32>
    %slice3A_5298 = vector.extract_strided_slice %dot_general3A_5162 {offsets = [0, 17408], sizes = [1, 128], strides = [1, 1]} : vector<1x32768xf32> to vector<1x128xf32>
    %slice3A_5299 = vector.extract_strided_slice %dot_general3A_5162 {offsets = [0, 17536], sizes = [1, 128], strides = [1, 1]} : vector<1x32768xf32> to vector<1x128xf32>
    %slice3A_5300 = vector.extract_strided_slice %dot_general3A_5162 {offsets = [0, 17664], sizes = [1, 128], strides = [1, 1]} : vector<1x32768xf32> to vector<1x128xf32>
    %slice3A_5301 = vector.extract_strided_slice %dot_general3A_5162 {offsets = [0, 17792], sizes = [1, 128], strides = [1, 1]} : vector<1x32768xf32> to vector<1x128xf32>
    %slice3A_5302 = vector.extract_strided_slice %dot_general3A_5162 {offsets = [0, 17920], sizes = [1, 128], strides = [1, 1]} : vector<1x32768xf32> to vector<1x128xf32>
    %slice3A_5303 = vector.extract_strided_slice %dot_general3A_5162 {offsets = [0, 18048], sizes = [1, 128], strides = [1, 1]} : vector<1x32768xf32> to vector<1x128xf32>
    %slice3A_5304 = vector.extract_strided_slice %dot_general3A_5162 {offsets = [0, 18176], sizes = [1, 128], strides = [1, 1]} : vector<1x32768xf32> to vector<1x128xf32>
    %slice3A_5305 = vector.extract_strided_slice %dot_general3A_5162 {offsets = [0, 18304], sizes = [1, 128], strides = [1, 1]} : vector<1x32768xf32> to vector<1x128xf32>
    %slice3A_5306 = vector.extract_strided_slice %dot_general3A_5162 {offsets = [0, 18432], sizes = [1, 128], strides = [1, 1]} : vector<1x32768xf32> to vector<1x128xf32>
    %slice3A_5307 = vector.extract_strided_slice %dot_general3A_5162 {offsets = [0, 18560], sizes = [1, 128], strides = [1, 1]} : vector<1x32768xf32> to vector<1x128xf32>
    %slice3A_5308 = vector.extract_strided_slice %dot_general3A_5162 {offsets = [0, 18688], sizes = [1, 128], strides = [1, 1]} : vector<1x32768xf32> to vector<1x128xf32>
    %slice3A_5309 = vector.extract_strided_slice %dot_general3A_5162 {offsets = [0, 18816], sizes = [1, 128], strides = [1, 1]} : vector<1x32768xf32> to vector<1x128xf32>
    %slice3A_5310 = vector.extract_strided_slice %dot_general3A_5162 {offsets = [0, 18944], sizes = [1, 128], strides = [1, 1]} : vector<1x32768xf32> to vector<1x128xf32>
    %slice3A_5311 = vector.extract_strided_slice %dot_general3A_5162 {offsets = [0, 19072], sizes = [1, 128], strides = [1, 1]} : vector<1x32768xf32> to vector<1x128xf32>
    %slice3A_5312 = vector.extract_strided_slice %dot_general3A_5162 {offsets = [0, 19200], sizes = [1, 128], strides = [1, 1]} : vector<1x32768xf32> to vector<1x128xf32>
    %slice3A_5313 = vector.extract_strided_slice %dot_general3A_5162 {offsets = [0, 19328], sizes = [1, 128], strides = [1, 1]} : vector<1x32768xf32> to vector<1x128xf32>
    %slice3A_5314 = vector.extract_strided_slice %dot_general3A_5162 {offsets = [0, 19456], sizes = [1, 128], strides = [1, 1]} : vector<1x32768xf32> to vector<1x128xf32>
    %slice3A_5315 = vector.extract_strided_slice %dot_general3A_5162 {offsets = [0, 19584], sizes = [1, 128], strides = [1, 1]} : vector<1x32768xf32> to vector<1x128xf32>
    %slice3A_5316 = vector.extract_strided_slice %dot_general3A_5162 {offsets = [0, 19712], sizes = [1, 128], strides = [1, 1]} : vector<1x32768xf32> to vector<1x128xf32>
    %slice3A_5317 = vector.extract_strided_slice %dot_general3A_5162 {offsets = [0, 19840], sizes = [1, 128], strides = [1, 1]} : vector<1x32768xf32> to vector<1x128xf32>
    %slice3A_5318 = vector.extract_strided_slice %dot_general3A_5162 {offsets = [0, 19968], sizes = [1, 128], strides = [1, 1]} : vector<1x32768xf32> to vector<1x128xf32>
    %slice3A_5319 = vector.extract_strided_slice %dot_general3A_5162 {offsets = [0, 20096], sizes = [1, 128], strides = [1, 1]} : vector<1x32768xf32> to vector<1x128xf32>
    %slice3A_5320 = vector.extract_strided_slice %dot_general3A_5162 {offsets = [0, 20224], sizes = [1, 128], strides = [1, 1]} : vector<1x32768xf32> to vector<1x128xf32>
    %slice3A_5321 = vector.extract_strided_slice %dot_general3A_5162 {offsets = [0, 20352], sizes = [1, 128], strides = [1, 1]} : vector<1x32768xf32> to vector<1x128xf32>
    %slice3A_5322 = vector.extract_strided_slice %dot_general3A_5162 {offsets = [0, 20480], sizes = [1, 128], strides = [1, 1]} : vector<1x32768xf32> to vector<1x128xf32>
    %slice3A_5323 = vector.extract_strided_slice %dot_general3A_5162 {offsets = [0, 20608], sizes = [1, 128], strides = [1, 1]} : vector<1x32768xf32> to vector<1x128xf32>
    %slice3A_5324 = vector.extract_strided_slice %dot_general3A_5162 {offsets = [0, 20736], sizes = [1, 128], strides = [1, 1]} : vector<1x32768xf32> to vector<1x128xf32>
    %slice3A_5325 = vector.extract_strided_slice %dot_general3A_5162 {offsets = [0, 20864], sizes = [1, 128], strides = [1, 1]} : vector<1x32768xf32> to vector<1x128xf32>
    %slice3A_5326 = vector.extract_strided_slice %dot_general3A_5162 {offsets = [0, 20992], sizes = [1, 128], strides = [1, 1]} : vector<1x32768xf32> to vector<1x128xf32>
    %slice3A_5327 = vector.extract_strided_slice %dot_general3A_5162 {offsets = [0, 21120], sizes = [1, 128], strides = [1, 1]} : vector<1x32768xf32> to vector<1x128xf32>
    %slice3A_5328 = vector.extract_strided_slice %dot_general3A_5162 {offsets = [0, 21248], sizes = [1, 128], strides = [1, 1]} : vector<1x32768xf32> to vector<1x128xf32>
    %slice3A_5329 = vector.extract_strided_slice %dot_general3A_5162 {offsets = [0, 21376], sizes = [1, 128], strides = [1, 1]} : vector<1x32768xf32> to vector<1x128xf32>
    %slice3A_5330 = vector.extract_strided_slice %dot_general3A_5162 {offsets = [0, 21504], sizes = [1, 128], strides = [1, 1]} : vector<1x32768xf32> to vector<1x128xf32>
    %slice3A_5331 = vector.extract_strided_slice %dot_general3A_5162 {offsets = [0, 21632], sizes = [1, 128], strides = [1, 1]} : vector<1x32768xf32> to vector<1x128xf32>
    %slice3A_5332 = vector.extract_strided_slice %dot_general3A_5162 {offsets = [0, 21760], sizes = [1, 128], strides = [1, 1]} : vector<1x32768xf32> to vector<1x128xf32>
    %slice3A_5333 = vector.extract_strided_slice %dot_general3A_5162 {offsets = [0, 21888], sizes = [1, 128], strides = [1, 1]} : vector<1x32768xf32> to vector<1x128xf32>
    %slice3A_5334 = vector.extract_strided_slice %dot_general3A_5162 {offsets = [0, 22016], sizes = [1, 128], strides = [1, 1]} : vector<1x32768xf32> to vector<1x128xf32>
    %slice3A_5335 = vector.extract_strided_slice %dot_general3A_5162 {offsets = [0, 22144], sizes = [1, 128], strides = [1, 1]} : vector<1x32768xf32> to vector<1x128xf32>
    %slice3A_5336 = vector.extract_strided_slice %dot_general3A_5162 {offsets = [0, 22272], sizes = [1, 128], strides = [1, 1]} : vector<1x32768xf32> to vector<1x128xf32>
    %slice3A_5337 = vector.extract_strided_slice %dot_general3A_5162 {offsets = [0, 22400], sizes = [1, 128], strides = [1, 1]} : vector<1x32768xf32> to vector<1x128xf32>
    %slice3A_5338 = vector.extract_strided_slice %dot_general3A_5162 {offsets = [0, 22528], sizes = [1, 128], strides = [1, 1]} : vector<1x32768xf32> to vector<1x128xf32>
    %slice3A_5339 = vector.extract_strided_slice %dot_general3A_5162 {offsets = [0, 22656], sizes = [1, 128], strides = [1, 1]} : vector<1x32768xf32> to vector<1x128xf32>
    %slice3A_5340 = vector.extract_strided_slice %dot_general3A_5162 {offsets = [0, 22784], sizes = [1, 128], strides = [1, 1]} : vector<1x32768xf32> to vector<1x128xf32>
    %slice3A_5341 = vector.extract_strided_slice %dot_general3A_5162 {offsets = [0, 22912], sizes = [1, 128], strides = [1, 1]} : vector<1x32768xf32> to vector<1x128xf32>
    %slice3A_5342 = vector.extract_strided_slice %dot_general3A_5162 {offsets = [0, 23040], sizes = [1, 128], strides = [1, 1]} : vector<1x32768xf32> to vector<1x128xf32>
    %slice3A_5343 = vector.extract_strided_slice %dot_general3A_5162 {offsets = [0, 23168], sizes = [1, 128], strides = [1, 1]} : vector<1x32768xf32> to vector<1x128xf32>
    %slice3A_5344 = vector.extract_strided_slice %dot_general3A_5162 {offsets = [0, 23296], sizes = [1, 128], strides = [1, 1]} : vector<1x32768xf32> to vector<1x128xf32>
    %slice3A_5345 = vector.extract_strided_slice %dot_general3A_5162 {offsets = [0, 23424], sizes = [1, 128], strides = [1, 1]} : vector<1x32768xf32> to vector<1x128xf32>
    %slice3A_5346 = vector.extract_strided_slice %dot_general3A_5162 {offsets = [0, 23552], sizes = [1, 128], strides = [1, 1]} : vector<1x32768xf32> to vector<1x128xf32>
    %slice3A_5347 = vector.extract_strided_slice %dot_general3A_5162 {offsets = [0, 23680], sizes = [1, 128], strides = [1, 1]} : vector<1x32768xf32> to vector<1x128xf32>
    %slice3A_5348 = vector.extract_strided_slice %dot_general3A_5162 {offsets = [0, 23808], sizes = [1, 128], strides = [1, 1]} : vector<1x32768xf32> to vector<1x128xf32>
    %slice3A_5349 = vector.extract_strided_slice %dot_general3A_5162 {offsets = [0, 23936], sizes = [1, 128], strides = [1, 1]} : vector<1x32768xf32> to vector<1x128xf32>
    %slice3A_5350 = vector.extract_strided_slice %dot_general3A_5162 {offsets = [0, 24064], sizes = [1, 128], strides = [1, 1]} : vector<1x32768xf32> to vector<1x128xf32>
    %slice3A_5351 = vector.extract_strided_slice %dot_general3A_5162 {offsets = [0, 24192], sizes = [1, 128], strides = [1, 1]} : vector<1x32768xf32> to vector<1x128xf32>
    %slice3A_5352 = vector.extract_strided_slice %dot_general3A_5162 {offsets = [0, 24320], sizes = [1, 128], strides = [1, 1]} : vector<1x32768xf32> to vector<1x128xf32>
    %slice3A_5353 = vector.extract_strided_slice %dot_general3A_5162 {offsets = [0, 24448], sizes = [1, 128], strides = [1, 1]} : vector<1x32768xf32> to vector<1x128xf32>
    %slice3A_5354 = vector.extract_strided_slice %dot_general3A_5162 {offsets = [0, 24576], sizes = [1, 128], strides = [1, 1]} : vector<1x32768xf32> to vector<1x128xf32>
    %slice3A_5355 = vector.extract_strided_slice %dot_general3A_5162 {offsets = [0, 24704], sizes = [1, 128], strides = [1, 1]} : vector<1x32768xf32> to vector<1x128xf32>
    %slice3A_5356 = vector.extract_strided_slice %dot_general3A_5162 {offsets = [0, 24832], sizes = [1, 128], strides = [1, 1]} : vector<1x32768xf32> to vector<1x128xf32>
    %slice3A_5357 = vector.extract_strided_slice %dot_general3A_5162 {offsets = [0, 24960], sizes = [1, 128], strides = [1, 1]} : vector<1x32768xf32> to vector<1x128xf32>
    %slice3A_5358 = vector.extract_strided_slice %dot_general3A_5162 {offsets = [0, 25088], sizes = [1, 128], strides = [1, 1]} : vector<1x32768xf32> to vector<1x128xf32>
    %slice3A_5359 = vector.extract_strided_slice %dot_general3A_5162 {offsets = [0, 25216], sizes = [1, 128], strides = [1, 1]} : vector<1x32768xf32> to vector<1x128xf32>
    %slice3A_5360 = vector.extract_strided_slice %dot_general3A_5162 {offsets = [0, 25344], sizes = [1, 128], strides = [1, 1]} : vector<1x32768xf32> to vector<1x128xf32>
    %slice3A_5361 = vector.extract_strided_slice %dot_general3A_5162 {offsets = [0, 25472], sizes = [1, 128], strides = [1, 1]} : vector<1x32768xf32> to vector<1x128xf32>
    %slice3A_5362 = vector.extract_strided_slice %dot_general3A_5162 {offsets = [0, 25600], sizes = [1, 128], strides = [1, 1]} : vector<1x32768xf32> to vector<1x128xf32>
    %slice3A_5363 = vector.extract_strided_slice %dot_general3A_5162 {offsets = [0, 25728], sizes = [1, 128], strides = [1, 1]} : vector<1x32768xf32> to vector<1x128xf32>
    %slice3A_5364 = vector.extract_strided_slice %dot_general3A_5162 {offsets = [0, 25856], sizes = [1, 128], strides = [1, 1]} : vector<1x32768xf32> to vector<1x128xf32>
    %slice3A_5365 = vector.extract_strided_slice %dot_general3A_5162 {offsets = [0, 25984], sizes = [1, 128], strides = [1, 1]} : vector<1x32768xf32> to vector<1x128xf32>
    %slice3A_5366 = vector.extract_strided_slice %dot_general3A_5162 {offsets = [0, 26112], sizes = [1, 128], strides = [1, 1]} : vector<1x32768xf32> to vector<1x128xf32>
    %slice3A_5367 = vector.extract_strided_slice %dot_general3A_5162 {offsets = [0, 26240], sizes = [1, 128], strides = [1, 1]} : vector<1x32768xf32> to vector<1x128xf32>
    %slice3A_5368 = vector.extract_strided_slice %dot_general3A_5162 {offsets = [0, 26368], sizes = [1, 128], strides = [1, 1]} : vector<1x32768xf32> to vector<1x128xf32>
    %slice3A_5369 = vector.extract_strided_slice %dot_general3A_5162 {offsets = [0, 26496], sizes = [1, 128], strides = [1, 1]} : vector<1x32768xf32> to vector<1x128xf32>
    %slice3A_5370 = vector.extract_strided_slice %dot_general3A_5162 {offsets = [0, 26624], sizes = [1, 128], strides = [1, 1]} : vector<1x32768xf32> to vector<1x128xf32>
    %slice3A_5371 = vector.extract_strided_slice %dot_general3A_5162 {offsets = [0, 26752], sizes = [1, 128], strides = [1, 1]} : vector<1x32768xf32> to vector<1x128xf32>
    %slice3A_5372 = vector.extract_strided_slice %dot_general3A_5162 {offsets = [0, 26880], sizes = [1, 128], strides = [1, 1]} : vector<1x32768xf32> to vector<1x128xf32>
    %slice3A_5373 = vector.extract_strided_slice %dot_general3A_5162 {offsets = [0, 27008], sizes = [1, 128], strides = [1, 1]} : vector<1x32768xf32> to vector<1x128xf32>
    %slice3A_5374 = vector.extract_strided_slice %dot_general3A_5162 {offsets = [0, 27136], sizes = [1, 128], strides = [1, 1]} : vector<1x32768xf32> to vector<1x128xf32>
    %slice3A_5375 = vector.extract_strided_slice %dot_general3A_5162 {offsets = [0, 27264], sizes = [1, 128], strides = [1, 1]} : vector<1x32768xf32> to vector<1x128xf32>
    %slice3A_5376 = vector.extract_strided_slice %dot_general3A_5162 {offsets = [0, 27392], sizes = [1, 128], strides = [1, 1]} : vector<1x32768xf32> to vector<1x128xf32>
    %slice3A_5377 = vector.extract_strided_slice %dot_general3A_5162 {offsets = [0, 27520], sizes = [1, 128], strides = [1, 1]} : vector<1x32768xf32> to vector<1x128xf32>
    %slice3A_5378 = vector.extract_strided_slice %dot_general3A_5162 {offsets = [0, 27648], sizes = [1, 128], strides = [1, 1]} : vector<1x32768xf32> to vector<1x128xf32>
    %slice3A_5379 = vector.extract_strided_slice %dot_general3A_5162 {offsets = [0, 27776], sizes = [1, 128], strides = [1, 1]} : vector<1x32768xf32> to vector<1x128xf32>
    %slice3A_5380 = vector.extract_strided_slice %dot_general3A_5162 {offsets = [0, 27904], sizes = [1, 128], strides = [1, 1]} : vector<1x32768xf32> to vector<1x128xf32>
    %slice3A_5381 = vector.extract_strided_slice %dot_general3A_5162 {offsets = [0, 28032], sizes = [1, 128], strides = [1, 1]} : vector<1x32768xf32> to vector<1x128xf32>
    %slice3A_5382 = vector.extract_strided_slice %dot_general3A_5162 {offsets = [0, 28160], sizes = [1, 128], strides = [1, 1]} : vector<1x32768xf32> to vector<1x128xf32>
    %slice3A_5383 = vector.extract_strided_slice %dot_general3A_5162 {offsets = [0, 28288], sizes = [1, 128], strides = [1, 1]} : vector<1x32768xf32> to vector<1x128xf32>
    %slice3A_5384 = vector.extract_strided_slice %dot_general3A_5162 {offsets = [0, 28416], sizes = [1, 128], strides = [1, 1]} : vector<1x32768xf32> to vector<1x128xf32>
    %slice3A_5385 = vector.extract_strided_slice %dot_general3A_5162 {offsets = [0, 28544], sizes = [1, 128], strides = [1, 1]} : vector<1x32768xf32> to vector<1x128xf32>
    %slice3A_5386 = vector.extract_strided_slice %dot_general3A_5162 {offsets = [0, 28672], sizes = [1, 128], strides = [1, 1]} : vector<1x32768xf32> to vector<1x128xf32>
    %slice3A_5387 = vector.extract_strided_slice %dot_general3A_5162 {offsets = [0, 28800], sizes = [1, 128], strides = [1, 1]} : vector<1x32768xf32> to vector<1x128xf32>
    %slice3A_5388 = vector.extract_strided_slice %dot_general3A_5162 {offsets = [0, 28928], sizes = [1, 128], strides = [1, 1]} : vector<1x32768xf32> to vector<1x128xf32>
    %slice3A_5389 = vector.extract_strided_slice %dot_general3A_5162 {offsets = [0, 29056], sizes = [1, 128], strides = [1, 1]} : vector<1x32768xf32> to vector<1x128xf32>
    %slice3A_5390 = vector.extract_strided_slice %dot_general3A_5162 {offsets = [0, 29184], sizes = [1, 128], strides = [1, 1]} : vector<1x32768xf32> to vector<1x128xf32>
    %slice3A_5391 = vector.extract_strided_slice %dot_general3A_5162 {offsets = [0, 29312], sizes = [1, 128], strides = [1, 1]} : vector<1x32768xf32> to vector<1x128xf32>
    %slice3A_5392 = vector.extract_strided_slice %dot_general3A_5162 {offsets = [0, 29440], sizes = [1, 128], strides = [1, 1]} : vector<1x32768xf32> to vector<1x128xf32>
    %slice3A_5393 = vector.extract_strided_slice %dot_general3A_5162 {offsets = [0, 29568], sizes = [1, 128], strides = [1, 1]} : vector<1x32768xf32> to vector<1x128xf32>
    %slice3A_5394 = vector.extract_strided_slice %dot_general3A_5162 {offsets = [0, 29696], sizes = [1, 128], strides = [1, 1]} : vector<1x32768xf32> to vector<1x128xf32>
    %slice3A_5395 = vector.extract_strided_slice %dot_general3A_5162 {offsets = [0, 29824], sizes = [1, 128], strides = [1, 1]} : vector<1x32768xf32> to vector<1x128xf32>
    %slice3A_5396 = vector.extract_strided_slice %dot_general3A_5162 {offsets = [0, 29952], sizes = [1, 128], strides = [1, 1]} : vector<1x32768xf32> to vector<1x128xf32>
    %slice3A_5397 = vector.extract_strided_slice %dot_general3A_5162 {offsets = [0, 30080], sizes = [1, 128], strides = [1, 1]} : vector<1x32768xf32> to vector<1x128xf32>
    %slice3A_5398 = vector.extract_strided_slice %dot_general3A_5162 {offsets = [0, 30208], sizes = [1, 128], strides = [1, 1]} : vector<1x32768xf32> to vector<1x128xf32>
    %slice3A_5399 = vector.extract_strided_slice %dot_general3A_5162 {offsets = [0, 30336], sizes = [1, 128], strides = [1, 1]} : vector<1x32768xf32> to vector<1x128xf32>
    %slice3A_5400 = vector.extract_strided_slice %dot_general3A_5162 {offsets = [0, 30464], sizes = [1, 128], strides = [1, 1]} : vector<1x32768xf32> to vector<1x128xf32>
    %slice3A_5401 = vector.extract_strided_slice %dot_general3A_5162 {offsets = [0, 30592], sizes = [1, 128], strides = [1, 1]} : vector<1x32768xf32> to vector<1x128xf32>
    %slice3A_5402 = vector.extract_strided_slice %dot_general3A_5162 {offsets = [0, 30720], sizes = [1, 128], strides = [1, 1]} : vector<1x32768xf32> to vector<1x128xf32>
    %slice3A_5403 = vector.extract_strided_slice %dot_general3A_5162 {offsets = [0, 30848], sizes = [1, 128], strides = [1, 1]} : vector<1x32768xf32> to vector<1x128xf32>
    %slice3A_5404 = vector.extract_strided_slice %dot_general3A_5162 {offsets = [0, 30976], sizes = [1, 128], strides = [1, 1]} : vector<1x32768xf32> to vector<1x128xf32>
    %slice3A_5405 = vector.extract_strided_slice %dot_general3A_5162 {offsets = [0, 31104], sizes = [1, 128], strides = [1, 1]} : vector<1x32768xf32> to vector<1x128xf32>
    %slice3A_5406 = vector.extract_strided_slice %dot_general3A_5162 {offsets = [0, 31232], sizes = [1, 128], strides = [1, 1]} : vector<1x32768xf32> to vector<1x128xf32>
    %slice3A_5407 = vector.extract_strided_slice %dot_general3A_5162 {offsets = [0, 31360], sizes = [1, 128], strides = [1, 1]} : vector<1x32768xf32> to vector<1x128xf32>
    %slice3A_5408 = vector.extract_strided_slice %dot_general3A_5162 {offsets = [0, 31488], sizes = [1, 128], strides = [1, 1]} : vector<1x32768xf32> to vector<1x128xf32>
    %slice3A_5409 = vector.extract_strided_slice %dot_general3A_5162 {offsets = [0, 31616], sizes = [1, 128], strides = [1, 1]} : vector<1x32768xf32> to vector<1x128xf32>
    %slice3A_5410 = vector.extract_strided_slice %dot_general3A_5162 {offsets = [0, 31744], sizes = [1, 128], strides = [1, 1]} : vector<1x32768xf32> to vector<1x128xf32>
    %slice3A_5411 = vector.extract_strided_slice %dot_general3A_5162 {offsets = [0, 31872], sizes = [1, 128], strides = [1, 1]} : vector<1x32768xf32> to vector<1x128xf32>
    %slice3A_5412 = vector.extract_strided_slice %dot_general3A_5162 {offsets = [0, 32000], sizes = [1, 128], strides = [1, 1]} : vector<1x32768xf32> to vector<1x128xf32>
    %slice3A_5413 = vector.extract_strided_slice %dot_general3A_5162 {offsets = [0, 32128], sizes = [1, 128], strides = [1, 1]} : vector<1x32768xf32> to vector<1x128xf32>
    %slice3A_5414 = vector.extract_strided_slice %dot_general3A_5162 {offsets = [0, 32256], sizes = [1, 128], strides = [1, 1]} : vector<1x32768xf32> to vector<1x128xf32>
    %slice3A_5415 = vector.extract_strided_slice %dot_general3A_5162 {offsets = [0, 32384], sizes = [1, 128], strides = [1, 1]} : vector<1x32768xf32> to vector<1x128xf32>
    %slice3A_5416 = vector.extract_strided_slice %dot_general3A_5162 {offsets = [0, 32512], sizes = [1, 128], strides = [1, 1]} : vector<1x32768xf32> to vector<1x128xf32>
    %slice3A_5417 = vector.extract_strided_slice %dot_general3A_5162 {offsets = [0, 32640], sizes = [1, 128], strides = [1, 1]} : vector<1x32768xf32> to vector<1x128xf32>
    %concatenate3A_5418 = tpu.concatenate %slice3A, %slice3A_5163, %slice3A_5164, %slice3A_5165, %slice3A_5166, %slice3A_5167, %slice3A_5168, %slice3A_5169, %slice3A_5170, %slice3A_5171, %slice3A_5172, %slice3A_5173, %slice3A_5174, %slice3A_5175, %slice3A_5176, %slice3A_5177, %slice3A_5178, %slice3A_5179, %slice3A_5180, %slice3A_5181, %slice3A_5182, %slice3A_5183, %slice3A_5184, %slice3A_5185, %slice3A_5186, %slice3A_5187, %slice3A_5188, %slice3A_5189, %slice3A_5190, %slice3A_5191, %slice3A_5192, %slice3A_5193, %slice3A_5194, %slice3A_5195, %slice3A_5196, %slice3A_5197, %slice3A_5198, %slice3A_5199, %slice3A_5200, %slice3A_5201, %slice3A_5202, %slice3A_5203, %slice3A_5204, %slice3A_5205, %slice3A_5206, %slice3A_5207, %slice3A_5208, %slice3A_5209, %slice3A_5210, %slice3A_5211, %slice3A_5212, %slice3A_5213, %slice3A_5214, %slice3A_5215, %slice3A_5216, %slice3A_5217, %slice3A_5218, %slice3A_5219, %slice3A_5220, %slice3A_5221, %slice3A_5222, %slice3A_5223, %slice3A_5224, %slice3A_5225, %slice3A_5226, %slice3A_5227, %slice3A_5228, %slice3A_5229, %slice3A_5230, %slice3A_5231, %slice3A_5232, %slice3A_5233, %slice3A_5234, %slice3A_5235, %slice3A_5236, %slice3A_5237, %slice3A_5238, %slice3A_5239, %slice3A_5240, %slice3A_5241, %slice3A_5242, %slice3A_5243, %slice3A_5244, %slice3A_5245, %slice3A_5246, %slice3A_5247, %slice3A_5248, %slice3A_5249, %slice3A_5250, %slice3A_5251, %slice3A_5252, %slice3A_5253, %slice3A_5254, %slice3A_5255, %slice3A_5256, %slice3A_5257, %slice3A_5258, %slice3A_5259, %slice3A_5260, %slice3A_5261, %slice3A_5262, %slice3A_5263, %slice3A_5264, %slice3A_5265, %slice3A_5266, %slice3A_5267, %slice3A_5268, %slice3A_5269, %slice3A_5270, %slice3A_5271, %slice3A_5272, %slice3A_5273, %slice3A_5274, %slice3A_5275, %slice3A_5276, %slice3A_5277, %slice3A_5278, %slice3A_5279, %slice3A_5280, %slice3A_5281, %slice3A_5282, %slice3A_5283, %slice3A_5284, %slice3A_5285, %slice3A_5286, %slice3A_5287, %slice3A_5288, %slice3A_5289, %slice3A_5290, %slice3A_5291, %slice3A_5292, %slice3A_5293, %slice3A_5294, %slice3A_5295, %slice3A_5296, %slice3A_5297, %slice3A_5298, %slice3A_5299, %slice3A_5300, %slice3A_5301, %slice3A_5302, %slice3A_5303, %slice3A_5304, %slice3A_5305, %slice3A_5306, %slice3A_5307, %slice3A_5308, %slice3A_5309, %slice3A_5310, %slice3A_5311, %slice3A_5312, %slice3A_5313, %slice3A_5314, %slice3A_5315, %slice3A_5316, %slice3A_5317, %slice3A_5318, %slice3A_5319, %slice3A_5320, %slice3A_5321, %slice3A_5322, %slice3A_5323, %slice3A_5324, %slice3A_5325, %slice3A_5326, %slice3A_5327, %slice3A_5328, %slice3A_5329, %slice3A_5330, %slice3A_5331, %slice3A_5332, %slice3A_5333, %slice3A_5334, %slice3A_5335, %slice3A_5336, %slice3A_5337, %slice3A_5338, %slice3A_5339, %slice3A_5340, %slice3A_5341, %slice3A_5342, %slice3A_5343, %slice3A_5344, %slice3A_5345, %slice3A_5346, %slice3A_5347, %slice3A_5348, %slice3A_5349, %slice3A_5350, %slice3A_5351, %slice3A_5352, %slice3A_5353, %slice3A_5354, %slice3A_5355, %slice3A_5356, %slice3A_5357, %slice3A_5358, %slice3A_5359, %slice3A_5360, %slice3A_5361, %slice3A_5362, %slice3A_5363, %slice3A_5364, %slice3A_5365, %slice3A_5366, %slice3A_5367, %slice3A_5368, %slice3A_5369, %slice3A_5370, %slice3A_5371, %slice3A_5372, %slice3A_5373, %slice3A_5374, %slice3A_5375, %slice3A_5376, %slice3A_5377, %slice3A_5378, %slice3A_5379, %slice3A_5380, %slice3A_5381, %slice3A_5382, %slice3A_5383, %slice3A_5384, %slice3A_5385, %slice3A_5386, %slice3A_5387, %slice3A_5388, %slice3A_5389, %slice3A_5390, %slice3A_5391, %slice3A_5392, %slice3A_5393, %slice3A_5394, %slice3A_5395, %slice3A_5396, %slice3A_5397, %slice3A_5398, %slice3A_5399, %slice3A_5400, %slice3A_5401, %slice3A_5402, %slice3A_5403, %slice3A_5404, %slice3A_5405, %slice3A_5406, %slice3A_5407, %slice3A_5408, %slice3A_5409, %slice3A_5410, %slice3A_5411, %slice3A_5412, %slice3A_5413, %slice3A_5414, %slice3A_5415, %slice3A_5416, %slice3A_5417 in 0 : vector<1x128xf32>, vector<1x128xf32>, vector<1x128xf32>, vector<1x128xf32>, vector<1x128xf32>, vector<1x128xf32>, vector<1x128xf32>, vector<1x128xf32>, vector<1x128xf32>, vector<1x128xf32>, vector<1x128xf32>, vector<1x128xf32>, vector<1x128xf32>, vector<1x128xf32>, vector<1x128xf32>, vector<1x128xf32>, vector<1x128xf32>, vector<1x128xf32>, vector<1x128xf32>, vector<1x128xf32>, vector<1x128xf32>, vector<1x128xf32>, vector<1x128xf32>, vector<1x128xf32>, vector<1x128xf32>, vector<1x128xf32>, vector<1x128xf32>, vector<1x128xf32>, vector<1x128xf32>, vector<1x128xf32>, vector<1x128xf32>, vector<1x128xf32>, vector<1x128xf32>, vector<1x128xf32>, vector<1x128xf32>, vector<1x128xf32>, vector<1x128xf32>, vector<1x128xf32>, vector<1x128xf32>, vector<1x128xf32>, vector<1x128xf32>, vector<1x128xf32>, vector<1x128xf32>, vector<1x128xf32>, vector<1x128xf32>, vector<1x128xf32>, vector<1x128xf32>, vector<1x128xf32>, vector<1x128xf32>, vector<1x128xf32>, vector<1x128xf32>, vector<1x128xf32>, vector<1x128xf32>, vector<1x128xf32>, vector<1x128xf32>, vector<1x128xf32>, vector<1x128xf32>, vector<1x128xf32>, vector<1x128xf32>, vector<1x128xf32>, vector<1x128xf32>, vector<1x128xf32>, vector<1x128xf32>, vector<1x128xf32>, vector<1x128xf32>, vector<1x128xf32>, vector<1x128xf32>, vector<1x128xf32>, vector<1x128xf32>, vector<1x128xf32>, vector<1x128xf32>, vector<1x128xf32>, vector<1x128xf32>, vector<1x128xf32>, vector<1x128xf32>, vector<1x128xf32>, vector<1x128xf32>, vector<1x128xf32>, vector<1x128xf32>, vector<1x128xf32>, vector<1x128xf32>, vector<1x128xf32>, vector<1x128xf32>, vector<1x128xf32>, vector<1x128xf32>, vector<1x128xf32>, vector<1x128xf32>, vector<1x128xf32>, vector<1x128xf32>, vector<1x128xf32>, vector<1x128xf32>, vector<1x128xf32>, vector<1x128xf32>, vector<1x128xf32>, vector<1x128xf32>, vector<1x128xf32>, vector<1x128xf32>, vector<1x128xf32>, vector<1x128xf32>, vector<1x128xf32>, vector<1x128xf32>, vector<1x128xf32>, vector<1x128xf32>, vector<1x128xf32>, vector<1x128xf32>, vector<1x128xf32>, vector<1x128xf32>, vector<1x128xf32>, vector<1x128xf32>, vector<1x128xf32>, vector<1x128xf32>, vector<1x128xf32>, vector<1x128xf32>, vector<1x128xf32>, vector<1x128xf32>, vector<1x128xf32>, vector<1x128xf32>, vector<1x128xf32>, vector<1x128xf32>, vector<1x128xf32>, vector<1x128xf32>, vector<1x128xf32>, vector<1x128xf32>, vector<1x128xf32>, vector<1x128xf32>, vector<1x128xf32>, vector<1x128xf32>, vector<1x128xf32>, vector<1x128xf32>, vector<1x128xf32>, vector<1x128xf32>, vector<1x128xf32>, vector<1x128xf32>, vector<1x128xf32>, vector<1x128xf32>, vector<1x128xf32>, vector<1x128xf32>, vector<1x128xf32>, vector<1x128xf32>, vector<1x128xf32>, vector<1x128xf32>, vector<1x128xf32>, vector<1x128xf32>, vector<1x128xf32>, vector<1x128xf32>, vector<1x128xf32>, vector<1x128xf32>, vector<1x128xf32>, vector<1x128xf32>, vector<1x128xf32>, vector<1x128xf32>, vector<1x128xf32>, vector<1x128xf32>, vector<1x128xf32>, vector<1x128xf32>, vector<1x128xf32>, vector<1x128xf32>, vector<1x128xf32>, vector<1x128xf32>, vector<1x128xf32>, vector<1x128xf32>, vector<1x128xf32>, vector<1x128xf32>, vector<1x128xf32>, vector<1x128xf32>, vector<1x128xf32>, vector<1x128xf32>, vector<1x128xf32>, vector<1x128xf32>, vector<1x128xf32>, vector<1x128xf32>, vector<1x128xf32>, vector<1x128xf32>, vector<1x128xf32>, vector<1x128xf32>, vector<1x128xf32>, vector<1x128xf32>, vector<1x128xf32>, vector<1x128xf32>, vector<1x128xf32>, vector<1x128xf32>, vector<1x128xf32>, vector<1x128xf32>, vector<1x128xf32>, vector<1x128xf32>, vector<1x128xf32>, vector<1x128xf32>, vector<1x128xf32>, vector<1x128xf32>, vector<1x128xf32>, vector<1x128xf32>, vector<1x128xf32>, vector<1x128xf32>, vector<1x128xf32>, vector<1x128xf32>, vector<1x128xf32>, vector<1x128xf32>, vector<1x128xf32>, vector<1x128xf32>, vector<1x128xf32>, vector<1x128xf32>, vector<1x128xf32>, vector<1x128xf32>, vector<1x128xf32>, vector<1x128xf32>, vector<1x128xf32>, vector<1x128xf32>, vector<1x128xf32>, vector<1x128xf32>, vector<1x128xf32>, vector<1x128xf32>, vector<1x128xf32>, vector<1x128xf32>, vector<1x128xf32>, vector<1x128xf32>, vector<1x128xf32>, vector<1x128xf32>, vector<1x128xf32>, vector<1x128xf32>, vector<1x128xf32>, vector<1x128xf32>, vector<1x128xf32>, vector<1x128xf32>, vector<1x128xf32>, vector<1x128xf32>, vector<1x128xf32>, vector<1x128xf32>, vector<1x128xf32>, vector<1x128xf32>, vector<1x128xf32>, vector<1x128xf32>, vector<1x128xf32>, vector<1x128xf32>, vector<1x128xf32>, vector<1x128xf32>, vector<1x128xf32>, vector<1x128xf32>, vector<1x128xf32>, vector<1x128xf32>, vector<1x128xf32>, vector<1x128xf32>, vector<1x128xf32>, vector<1x128xf32>, vector<1x128xf32>, vector<1x128xf32>, vector<1x128xf32>, vector<1x128xf32>, vector<1x128xf32>, vector<1x128xf32>, vector<1x128xf32>, vector<1x128xf32>, vector<1x128xf32>, vector<1x128xf32>, vector<1x128xf32>, vector<1x128xf32>, vector<1x128xf32> -> vector<256x128xf32>
    %mul3A_5419 = arith.constant 256 : i32
    %mul3A_5420 = arith.muli %arg0, %mul3A_5419 : i32
    %iota3A_5421 = tpu.iota {dimensions = array<i32: 0>} : vector<256x1xi32>
    %add3A_5422 = vector.broadcast %mul3A_5420 : i32 to vector<256x1xi32>
    %add3A_5423 = arith.addi %add3A_5422, %iota3A_5421 : vector<256x1xi32>
    %lt3A = arith.constant 2500 : i32
    %lt3A_5424 = vector.broadcast %lt3A : i32 to vector<256x1xi32>
    %lt3A_5425 = arith.cmpi slt, %add3A_5423, %lt3A_5424 : vector<256x1xi32>
    %jit3A = arith.constant 0.000000e+00 : f32
    %broadcast_in_dim3A = vector.shape_cast %lt3A_5425 : vector<256x1xi1> to vector<256x1xi1>
    %broadcast_in_dim3A_5426 = vector.broadcast %broadcast_in_dim3A : vector<256x1xi1> to vector<256x128xi1>
    %broadcast_in_dim3A_5427 = vector.broadcast %jit3A : f32 to vector<256x128xf32>
    %select_n3A = arith.select %broadcast_in_dim3A_5426, %concatenate3A_5418, %broadcast_in_dim3A_5427 : vector<256x128xi1>, vector<256x128xf32>
    %swap3A = arith.constant 0 : index
    %swap3A_5428 = arith.constant 0 : index
    %swap3A_5429 = vector.load %arg7[%swap3A, %swap3A_5428] : memref<256x128xf32, #tpu.memory_space<vmem>>, vector<256x128xf32>
    tpu.vector_store %arg7[%swap3A, %swap3A_5428], %select_n3A {strides = array<i32>} : memref<256x128xf32, #tpu.memory_space<vmem>>, vector<256x128xf32>,
    return
  }
  func.func @transform_0(%arg0: i32) -> (i32, i32) {
    %c0_i32 = arith.constant 0 : i32
    %c0_i32_0 = arith.constant 0 : i32
    return %arg0, %c0_i32 : i32, i32
  }
  func.func @transform_1(%arg0: i32) -> (i32, i32, i32) {
    %c0_i32 = arith.constant 0 : i32
    %c0_i32_0 = arith.constant 0 : i32
    %c0_i32_1 = arith.constant 0 : i32
    return %c0_i32, %arg0, %c0_i32_0 : i32, i32, i32
  }
  func.func @transform_2(%arg0: i32) -> (i32, i32) {
    %c0_i32 = arith.constant 0 : i32
    %c0_i32_0 = arith.constant 0 : i32
    %c0_i32_1 = arith.constant 0 : i32
    return %c0_i32, %c0_i32_0 : i32, i32
  }
  func.func @transform_3(%arg0: i32) -> (i32, i32) {
    %c0_i32 = arith.constant 0 : i32
    %c0_i32_0 = arith.constant 0 : i32
    %c0_i32_1 = arith.constant 0 : i32
    return %c0_i32, %c0_i32_0 : i32, i32
  }
  func.func @transform_4(%arg0: i32) -> (i32, i32) {
    %c0_i32 = arith.constant 0 : i32
    %c0_i32_0 = arith.constant 0 : i32
    %c0_i32_1 = arith.constant 0 : i32
    return %c0_i32, %c0_i32_0 : i32, i32
  }
  func.func @transform_5(%arg0: i32) -> (i32, i32) {
    %c0_i32 = arith.constant 0 : i32
    %c0_i32_0 = arith.constant 0 : i32
    %c0_i32_1 = arith.constant 0 : i32
    return %c0_i32, %c0_i32_0 : i32, i32
  }
  func.func @transform_6(%arg0: i32) -> (i32, i32) {
    %c0_i32 = arith.constant 0 : i32
    %c0_i32_0 = arith.constant 0 : i32
    return %arg0, %c0_i32 : i32, i32
  }
}

</mosaic_0001>

<sc_bundles>
// kernel: kernel.4.cloned.1.call-start
scs
__scs_entry_jumppad:
0x0: {  	(pc) =	sbr.rel $0x88, $3  }
0x1: {  	(tag) =	ssettag $0x0;
	lr =	simm.s32 $0x1  }
0x2: {  	[smem:$0x3F99] =	sst lr;
	_ =	strace $0xD0000000  }
0x3: {  	_ = 	snop  }
0x4: {  	_ = 	snop  }
0x5: {  	_ = 	snop  }
0x6: {  	_ = 	snop  }
0x7: {  	_ = 	snop  }
__scs_overlays_trampoline_lowered:
0x8: {  	[smem:$0x3FA8] =	sst s0  }
0x9: {  	[smem:$0x3FA9] =	sst s1  }
0xa: {  	[smem:$0x3FAA] =	sst s2  }
0xb: {  	[smem:$0x3FAB] =	sst s3  }
0xc: {  	[smem:$0x3FAC] =	sst s4  }
0xd: {  	[smem:$0x3FAD] =	sst s5  }
0xe: {  	[smem:$0x3FAE] =	sst s6  }
0xf: {  	[smem:$0x3FAF] =	sst s7  }
0x10: {  	[smem:$0x3FB0] =	sst s8  }
0x11: {  	[smem:$0x3FB1] =	sst s9;
	s0 =	simm.s32 @!p0 $0x0  }
0x12: {  	s1 =	sld [smem:$0x3F97];
	s0 =	simm.s32 @p0 $0x1  }
0x13: {  	[smem:$0x3FB2] =	sst s0;
	s0 =	simm.s32 @!p1 $0x0  }
0x14: {  	s2 =	sld [smem:$0x3F96];
	s0 =	simm.s32 @p1 $0x1  }
0x15: {  	[smem:$0x3FB3] =	sst s0;
	s0 =	simm.s32 @!p2 $0x0  }
0x16: {  	s3 =	sld [smem:$0x3FDB];
	s0 =	simm.s32 @p2 $0x1  }
0x17: {  	s4 =	simm.s32 $0x1BF5;
	[smem:$0x3FB5] =	sst s0  }
0x18: {  	s0 =	sld [smem:$0x3F98];
	_ =	swait.ge [sflag:s4], $0x0  }
0x19: {  	s7 =	sld [smem:$0x3F99]  }
0x1a: {  	s8 =	sadd.s32 $0xFFFFE003, lr  }
0x1b: {  	s9 =	sadd.s32 $0xFFFFFEF7, lr;
	s5 =	simm.s32 $0xFFFFFFFF;
	p2 =	slt.u32 s8, $0xFFFFF086  }
0x1c: {  	p1 =	slt.u32 s9, $0xF7A;
	s5 =	simm.s32 @!p2 $0x0  }
0x1d: {  	s5 =	simm.s32 @p1 $0x1;
	p0 =	seq.s32 s7, s2  }
0x1e: {  	s7 =	smul.u32 @!p0 $0xF7A, s2;
	p2 =	seq.s32 @!p0 s5, $0x0  }
0x1f: {  	s9 =	smul.u32 $0xF7A, s1;
	s8 =	simm.s32 @!p0 $0x1BF5;
	p2 =	por !p2, p0  }
0x20: {  	[sflag:s8] =	ssyncset.s32 @!p0 $0xFFFFF086;
	s6 =	sadd.s32 @!p0 s3, s7;
	s7 =	simm.s32 @!p0 $0x108  }
0x21: {  	s3 =	sadd.s32 s3, s9;
	s6 =	sadd.s32 @!p0 $0x88, s6;
	s7 =	simm.s32 @p2 $0x1082  }
0x22: {  	[simem:s7], [sflag:s8] =	dma.local @!p0 [hbm:s6], $0xF7A  }
0x23: {  	s9 =	sor.u32 $0xD0000000, s2;
	s6 =	simm.s32 $0x108;
	_ =	swait.ge @!p0 [sflag:s8], $0x0  }
0x24: {  	s3 =	sadd.s32 $0x88, s3;
	s6 =	simm.s32 @!p1 $0x1082;
	[sflag:s4] =	ssyncset.s32 $0xFFFFF086  }
0x25: {  	[simem:s6], [sflag:s4] =	dma.local [hbm:s3], $0xF7A  }
0x26: {  	[smem:$0x3F99] =	sst s1;
	(tag) =	ssettag s2;
	_ =	strace s9  }
0x27: {  	s1 =	sld [smem:$0x3FA9]  }
0x28: {  	s2 =	sld [smem:$0x3FAA]  }
0x29: {  	s4 =	sld [smem:$0x3FAC]  }
0x2a: {  	p0 =	seq.s32 s5, $0x0;
	s5 =	sld [smem:$0x3FAD]  }
0x2b: {  	s6 =	sld [smem:$0x3FAE]  }
0x2c: {  	s7 =	sld [smem:$0x3FAF]  }
0x2d: {  	s3 =	simm.s32 $0x108;
	s8 =	sld [smem:$0x3FB0]  }
0x2e: {  	s3 =	simm.s32 @!p0 $0x1082;
	s9 =	sld [smem:$0x3FB1]  }
0x2f: {  	lr =	sadd.s32 s0, s3;
	s0 =	sld [smem:$0x3FA8]  }
0x30: {  	s3 =	sld [smem:$0x3FAB]  }
0x31: {  	[smem:$0x3FB4] =	sst s10  }
0x32: {  	s10 =	sld [smem:$0x3FB2];
	_ =	sdelay $0x3  }
0x33: {  	p0 =	seq.s32 s10, $0x1;
	s10 =	sld [smem:$0x3FB4];
	_ =	sdelay $0x3  }
0x34: {  	[smem:$0x3FB4] =	sst s10  }
0x35: {  	s10 =	sld [smem:$0x3FB3];
	_ =	sdelay $0x3  }
0x36: {  	p1 =	seq.s32 s10, $0x1;
	s10 =	sld [smem:$0x3FB4];
	_ =	sdelay $0x3  }
0x37: {  	[smem:$0x3FB4] =	sst s10  }
0x38: {  	s10 =	sld [smem:$0x3FB5]  }
0x39: {  	_ = 	snop;
	(pc) =	sbr.ind lr, $3  }
0x3a: {  	_ = 	snop  }
0x3b: {  	_ = 	snop  }
0x3c: {  	p2 =	seq.s32 s10, $0x1;
	s10 =	sld [smem:$0x3FB4]  }
0x3d: {  	_ =	shalt  }
0x3e: {  	_ =	shalt  }
0x3f: {  	_ =	shalt  }
0x40: {  	_ =	shalt  }
0x41: {  	_ =	shalt  }
0x42: {  	_ =	shalt  }
0x43: {  	_ =	shalt  }
0x44: {  	_ =	shalt  }
0x45: {  	_ =	shalt  }
0x46: {  	_ =	shalt  }
0x47: {  	_ =	shalt  }
0x48: {  	_ =	shalt  }
0x49: {  	_ =	shalt  }
0x4a: {  	_ =	shalt  }
0x4b: {  	_ =	shalt  }
0x4c: {  	_ =	shalt  }
0x4d: {  	_ =	shalt  }
0x4e: {  	_ =	shalt  }
0x4f: {  	_ =	shalt  }
0x50: {  	_ =	shalt  }
0x51: {  	_ =	shalt  }
0x52: {  	_ =	shalt  }
0x53: {  	_ =	shalt  }
0x54: {  	_ =	shalt  }
0x55: {  	_ =	shalt  }
0x56: {  	_ =	shalt  }
0x57: {  	_ =	shalt  }
0x58: {  	_ =	shalt  }
0x59: {  	_ =	shalt  }
0x5a: {  	_ =	shalt  }
0x5b: {  	_ =	shalt  }
0x5c: {  	_ =	shalt  }
0x5d: {  	_ =	shalt  }
0x5e: {  	_ =	shalt  }
0x5f: {  	_ =	shalt  }
0x60: {  	_ =	shalt  }
0x61: {  	_ =	shalt  }
0x62: {  	_ =	shalt  }
0x63: {  	_ =	shalt  }
0x64: {  	_ =	shalt  }
0x65: {  	_ =	shalt  }
0x66: {  	_ =	shalt  }
0x67: {  	_ =	shalt  }
0x68: {  	_ =	shalt  }
0x69: {  	_ =	shalt  }
0x6a: {  	_ =	shalt  }
0x6b: {  	_ =	shalt  }
0x6c: {  	_ =	shalt  }
0x6d: {  	_ =	shalt  }
0x6e: {  	_ =	shalt  }
0x6f: {  	_ =	shalt  }
0x70: {  	_ =	shalt  }
0x71: {  	_ =	shalt  }
0x72: {  	_ =	shalt  }
0x73: {  	_ =	shalt  }
0x74: {  	_ =	shalt  }
0x75: {  	_ =	shalt  }
0x76: {  	_ =	shalt  }
0x77: {  	_ =	shalt  }
0x78: {  	_ =	shalt  }
0x79: {  	_ =	shalt  }
0x7a: {  	_ =	shalt  }
0x7b: {  	_ =	shalt  }
0x7c: {  	_ =	shalt  }
0x7d: {  	_ =	shalt  }
0x7e: {  	_ =	shalt  }
0x7f: {  	_ =	shalt  }
0x80: {  	_ =	shalt  }
0x81: {  	_ =	shalt  }
0x82: {  	_ =	shalt  }
0x83: {  	_ =	shalt  }
0x84: {  	_ =	shalt  }
0x85: {  	_ =	shalt  }
0x86: {  	_ =	shalt  }
0x87: {  	_ =	shalt  }
.Lfunc_end0:
.L_simem_size_0:
called_computation_lowered:
.L_overlay_start_0:
0x88: {  	s2 =	sld [smem:$0x3FD9]  }
0x89: {  	s3 =	sld [smem:$0x3FFE];
	_ =	sdelay $0x1  }
0x8a: {  	s1 =	srdreg.scid  }
0x8b: {  	s0 =	sand.u32 $0x1, s1  }
0x8c: {  	s16 =	sshll.u32 s0, $0xA;
	s2 =	sadd.s32 s3, s2  }
0x8d: {  	s2 =	sadd.s32 s2, s16  }
0x8e: {  	[smem:$0x3FC0] =	sst s2  }
0x8f: {  	_ = 	snop  }
0x90: {  	(tm) =	ssettm $0x1  }
0x91: {  	s17 =	sld [smem:$0x3FFB];
	_ =	sdelay $0x3  }
0x92: {  	_ =	strace s17  }
0x93: {  	s2 =	sld [smem:$0x3FFC];
	_ =	sdelay $0x3  }
0x94: {  	_ =	strace s2  }
0x95: {  	s2 =	sld [smem:$0x3FFD];
	_ =	sdelay $0x3  }
0x96: {  	_ =	strace s2  }
0x97: {  	_ =	strace $0x8FFFFFFF  }
0x98: {  	s18 =	sld [smem:$0x3FDB];
	_ =	sdelay $0x1  }
0x99: {  	s19 =	simm.s32 $_scs_section_size  }
0x9a: {  	s4 =	simm.s32 $_size__tile_overlayer_lowered;
	s5 =	simm.s32 $_tile_overlayer_lowered  }
0x9b: {  	s22 =	simm.s32 $0x1BFF;
	s21 =	sshll.u32 s5, $0x1;
	s2 =	sadd.s32 s19, s18  }
0x9c: {  	s6 =	simm.s32 $0x0;
	s20 =	sshll.u32 s4, $0x1;
	s4 =	sadd.s32 s21, s2  }
0x9d: {  	[timem:s6], [sflag:s22] =	dma.local [hbm:s4], s20  }
0x9e: {  	_ =	swait.ge [sflag:s22], s20  }
0x9f: {  	s3 =	ssub.s32 $0x0, s20;
	[sflag:s22] =	ssyncset.done $0x0  }
0xa0: {  	[sflag:s22] =	ssyncadd.s32 s3;
	_ =	sdelay $0x1  }
0xa1: {  	s23 =	simm.s32 $0x1B8B  }
0xa2: {  	_ =	swait.ge [sflag:s23], $0x1  }
0xa3: {  	[sflag:s23] =	ssyncset.done $0x0  }
0xa4: {  	s25 =	simm.s32 $0x1B8E;
	s24 =	sld [smem:$0x3FFE];
	[sflag:s23] =	ssyncadd.s32 $0xFFFFFFFF  }
0xa5: {  	s26 =	simm.s32 $execute0_lowered;
	[smem:$0x3FD2] =	sst s25  }
0xa6: {  	s4 =	sshll.u32 s26, $0x1;
	_ =	strace $0x80000046;
	[dreg:$0x1] =	wrdreg $0xFFFFFFFF  }
0xa7: {  	s28 =	simm.s32 $_size_execute0_lowered;
	s2 =	sadd.s32 s2, s4;
	[dreg:$0x0] =	wrdreg $0x0  }
0xa8: {  	s4 =	sshll.u32 s28, $0x1;
	[dreg:$0x2] =	wrdreg s2  }
0xa9: {  	[dreg:$0x3] =	wrdreg s4  }
0xaa: {  	[dreg:$0x4] =	wrdreg $0xC0  }
0xab: {  	_ =	task [dreg:s6], $0x5FFFF  }
0xac: {  	[dreg:$0x1] =	wrdreg $0xFFFFFFFF  }
0xad: {  	[dreg:$0x0] =	wrdreg $0x60  }
0xae: {  	[dreg:$0x2] =	wrdreg s24  }
0xaf: {  	[dreg:$0x3] =	wrdreg $0x50000  }
0xb0: {  	[dreg:$0x4] =	wrdreg $0x9  }
0xb1: {  	_ =	task.clear_ibuf [dreg:s6], $0x5FFFF;
	_ =	strace $0x90000046  }
0xb2: {  	s29 =	simm.s32 $0x9;
	_ =	strace $0x80000048  }
0xb3: {  	_ =	swait.ge [sflag:s29], $0x1  }
0xb4: {  	[sflag:s29] =	ssyncadd.s32 $0xFFFFFFFF  }
0xb5: {  	_ =	strace $0x90000048  }
0xb6: {  	_ =	sfence  }
0xb7: {  	s30 =	sld [smem:$0x0];
	_ =	sdelay $0x2  }
0xb8: {  	s31 =	sshll.u32 s1, $0xD;
	s1 =	sshrl.u32 s1, $0x2  }
0xb9: {  	s3 =	sand.u32 $0x4000, s31;
	s1 =	sadd.s32 s1, s30  }
0xba: {  	s0 =	sor.u32 s3, s0;
	s1 =	sshll.u32 s1, $0x11  }
0xbb: {  	s0 =	sor.u32 s1, s0  }
0xbc: {  	s0 =	sadd.s32 $0x8F2B, s0  }
0xbd: {  	[sflag:s0] =	ssyncadd.remote.s32 $0x1  }
0xbe: {  	_ =	sfence.sel $0xFFFF  }
0xbf: {  	[dreg:$0x0] =	wrdreg $0xFFFFFFFF;
	(pc) =	sbr.abs _section_cstart, $3  }
0xc0: {  	[dreg:$0x1] =	wrdreg $0xFFFFFFFF  }
0xc1: {  	_ =	task.clear_ibuf [dreg:s6], $0x2FFFF;
	_ =	strace $0x9FFFFFFF  }
0xc2: {  	(tm) =	ssettm $0x7FFFFFFF  }
0xc3: {  	_ =	shalt  }
tec
execute0_lowered:
.L_overlay_start_1:
0x0: {  	(tag) =	ssettag $0x1  }
0x1: {  	s0 =	srdreg.scid  }
0x2: {  	s9 =	stileid.u32;
	s18 =	sand.u32 $0x1, s0  }
0x3: {  	s1 =	sshrl.u32 s9, $0x3;
	s0 =	smul.u32 $0x28000, s18  }
0x4: {  	s1 =	smul.u32 $0x14000, s1  }
0x5: {  	s2 =	sshll.u32 s9, $0x7  }
0x6: {  	s19 =	rddreg [dreg:$0x0];
	s2 =	sand.u32 $0x380, s2;
	s0 =	sadd.s32 s0, s1  }
0x7: {  	s4 =	simm.s32 $0x80;
	s5 =	simm.s32 $0x400;
	s3 =	sor.u32 s2, s0  }
0x8: {  	s1 =	rddreg [dreg:$0x1];
	s2 =	simm.s32 $0x0;
	s3 =	sshrl.u32 s3, $0x3  }
0x9: {  	s6 =	simm.s32 $0x1;
	[smem:$0x7FF] =	sst s2;
	s7 =	sadd.s32 s3, s19  }
0xa: {  	s0 =	rddreg [dreg:$0x2];
	_ =	strace $0x80000047;
	s3 =	sadd.s32 $0x1000, s7  }
0xb: {  	[tilespmem:s2], [sflag:$0x1] =	stream.strided.gather [hbm4b:s3+s4], $0x2800, s5, s4, $0x38;
	[tilespmem:$0x5278] =	vst v63  }
0xc: {  	_ =	swait.ge [sflag:s6], $0x2800  }
0xd: {  	[sflag:s6] =	ssyncset.done $0x0  }
0xe: {  	s8 =	simm.s32 $0x2800;
	s7 =	sadd.s32 $0xB000, s7;
	[sflag:s6] =	ssyncadd.s32 $0xFFFFD800  }
0xf: {  	[tilespmem:s8], [sflag:$0x1] =	stream.strided.gather [hbm4b:s7+s4], $0x2800, s5, s4, $0x38;
	[tilespmem:$0x5278] =	vst v63  }
0x10: {  	_ =	swait.ge [sflag:s6], $0x2800  }
0x11: {  	p0 =	sne.s32 s9, $0x0;
	[sflag:s6] =	ssyncset.done $0x0  }
0x12: {  	s9 =	simm.s32 @p0 $0x1;
	[sflag:s6] =	ssyncadd.s32 $0xFFFFD800  }
0x13: {  	s10 =	simm.s32 @p0 $0x2800;
	s11 =	simm.s32 @p0 $0x0;
	[bflag:$0x0] =	sbarrier.arrive @p0 $0xFFFF  }
0x14: {  	[spmem:s1] =	stream.indirect.scatter.add.f32 @p0 [tilespmem:s11], [sflag:$0x1], $0x1, s10, s10, $0xb8;
	[tilespmem:$0x5278] =	vst v63  }
0x15: {  	_ =	swait.ge @p0 [sflag:s9], $0x2800  }
0x16: {  	[sflag:s9] =	ssyncset.done @p0 $0x0  }
0x17: {  	s12 =	sadd.s32 $0x15000, s19;
	s15 =	simm.s32 @!p0 $0x1C01;
	[sflag:s9] =	ssyncadd.s32 @p0 $0xFFFFD800  }
0x18: {  	s13 =	simm.s32 @!p0 $0x1;
	s14 =	sshrl.u32 @!p0 s1, $0x3;
	[bflag:$0x0] =	sbarrier.arrive @p0 $0xFFFF  }
0x19: {  	[spmem:s14], [sflag:s15] =	dma.local @!p0 [hbm:s12], $0x4F0  }
0x1a: {  	s20 =	ssub.s32 $0x2, s18;
	_ =	swait.ge @!p0 [sflag:s13], $0x4F0  }
0x1b: {  	s16 =	simm.s32 @!p0 $0x2800;
	s21 =	sshrl.u32 s20, $0x1;
	[sflag:s13] =	ssyncset.done @!p0 $0x0  }
0x1c: {  	s17 =	simm.s32 @!p0 $0x0;
	s20 =	ssub.s32 s20, s21;
	[sflag:s13] =	ssyncadd.s32 @!p0 $0xFFFFFB10  }
0x1d: {  	s18 =	sshll.u32 s18, $0x4;
	s31 =	smax.u32 s20, $0x1;
	[bflag:$0x0] =	sbarrier.arrive @!p0 $0xFFFF  }
0x1e: {  	[spmem:s1] =	stream.indirect.scatter.add.f32 @!p0 [tilespmem:s17], [sflag:$0x1], $0x1, s16, s16, $0xb8;
	[tilespmem:$0x5278] =	vst v63  }
0x1f: {  	s18 =	sadd.s32 s18, s19;
	s19 =	sadd.s32 $0xFFFFFFFF, s31;
	_ =	swait.ge @!p0 [sflag:s13], $0x2800  }
0x20: {  	p1 =	sne.s32 s19, $0x0;
	[sflag:s13] =	ssyncset.done @!p0 $0x0  }
.Ltmp0:
0x21: {  	s18 =	sadd.s32 $0x15600, s18;
	[sflag:s13] =	ssyncadd.s32 @!p0 $0xFFFFD800;
	(pc) =	sbr.rel @!p1 .LBB2_2-.Ltmp0, $4  }
0x22: {  	s21 =	simm.s32 @!p0 $0x10;
	s20 =	simm.s32 @!p0 $0x20;
	[bflag:$0x0] =	sbarrier.arrive @!p0 $0xFFFF  }
0x23: {  	[hbm:s18@s20], [sflag:s15] =	dma.strided @!p0 [spmem:s14@s21], $0x4F0, s13, $0x10   }
0x24: {  	_ =	swait.ge @!p0 [sflag:s13], $0x4F0  }
0x25: {  	[sflag:s13] =	ssyncset.done @!p0 $0x0  }
.LBB2_1:
0x26: {  	s19 =	sadd.s32 $0xFFFFFFFF, s19;
	[sflag:s13] =	ssyncadd.s32 @!p0 $0xFFFFFB10  }
0x27: {  	[tilespmem:s2], [sflag:$0x1] =	stream.strided.gather [hbm4b:s3+s4], $0x2800, s5, s4, $0x38;
	[tilespmem:$0x5278] =	vst v63  }
0x28: {  	p1 =	sne.s32 s19, $0x0;
	_ =	swait.ge [sflag:s6], $0x2800  }
0x29: {  	[sflag:s6] =	ssyncset.done $0x0  }
0x2a: {  	[sflag:s6] =	ssyncadd.s32 $0xFFFFD800  }
0x2b: {  	[tilespmem:s8], [sflag:$0x1] =	stream.strided.gather [hbm4b:s7+s4], $0x2800, s5, s4, $0x38;
	[tilespmem:$0x5278] =	vst v63  }
0x2c: {  	_ =	swait.ge [sflag:s6], $0x2800  }
0x2d: {  	[sflag:s6] =	ssyncset.done $0x0  }
0x2e: {  	[sflag:s6] =	ssyncadd.s32 $0xFFFFD800  }
0x2f: {  	[bflag:$0x0] =	sbarrier.arrive @p0 $0xFFFF  }
0x30: {  	[spmem:s1] =	stream.indirect.scatter.add.f32 @p0 [tilespmem:s11], [sflag:$0x1], $0x1, s10, s10, $0xb8;
	[tilespmem:$0x5278] =	vst v63  }
0x31: {  	_ =	swait.ge @p0 [sflag:s9], $0x2800  }
0x32: {  	[sflag:s9] =	ssyncset.done @p0 $0x0  }
0x33: {  	[sflag:s9] =	ssyncadd.s32 @p0 $0xFFFFD800  }
0x34: {  	[bflag:$0x0] =	sbarrier.arrive @p0 $0xFFFF  }
0x35: {  	[spmem:s14], [sflag:s15] =	dma.local @!p0 [hbm:s12], $0x4F0  }
0x36: {  	_ =	swait.ge @!p0 [sflag:s13], $0x4F0  }
0x37: {  	[sflag:s13] =	ssyncset.done @!p0 $0x0  }
0x38: {  	[sflag:s13] =	ssyncadd.s32 @!p0 $0xFFFFFB10  }
0x39: {  	[bflag:$0x0] =	sbarrier.arrive @!p0 $0xFFFF  }
0x3a: {  	[spmem:s1] =	stream.indirect.scatter.add.f32 @!p0 [tilespmem:s17], [sflag:$0x1], $0x1, s16, s16, $0xb8;
	[tilespmem:$0x5278] =	vst v63  }
0x3b: {  	_ =	swait.ge @!p0 [sflag:s13], $0x2800  }
0x3c: {  	[sflag:s13] =	ssyncset.done @!p0 $0x0  }
.Ltmp1:
0x3d: {  	[sflag:s13] =	ssyncadd.s32 @!p0 $0xFFFFD800;
	(pc) =	sbr.rel @p1 .LBB2_1-.Ltmp1, $4  }
0x3e: {  	[bflag:$0x0] =	sbarrier.arrive @!p0 $0xFFFF  }
0x3f: {  	[hbm:s18@s20], [sflag:s15] =	dma.strided @!p0 [spmem:s14@s21], $0x4F0, s13, $0x10   }
0x40: {  	_ =	swait.ge @!p0 [sflag:s13], $0x4F0  }
0x41: {  	[sflag:s13] =	ssyncset.done @!p0 $0x0  }
.LBB2_2:
0x42: {  	[sflag:s13] =	ssyncadd.s32 @!p0 $0xFFFFFB10  }
0x43: {  	_ =	sfence.sel $0x180000  }
0x44: {  	[bflag:$0x0] =	sbarrier.arrive $0xFFFF  }
0x45: {  	_ =	strace $0x90000047  }
0x46: {  	s0 =	sadd.s32 @!p0 $0x100000, s0;
	[bflag:$0x2] =	sbarrier.arrive $0xFFFF  }
0x47: {  	[sflag:s0] =	ssyncadd.tile.s32 @!p0 $0x1;
	_ =	shalt  }
.Lfunc_end2:
_tile_overlayer_lowered:
.L_overlay_start_2:
0x48: {  	(tag) =	ssettag $0x2  }
0x49: {  	s0 =	rddreg [dreg:$0x0];
	s2 =	stileid.u32  }
0x4a: {  	s1 =	rddreg [dreg:$0x1];
	p0 =	sne.s32 s2, $0x0  }
0x4b: {  	s3 =	rddreg [dreg:$0x2];
	[bflag:$0x3] =	sbarrier.arrive $0xFFFF;
	s2 =	simm.s32 @!p0 $0x1C01  }
0x4c: {  	[timem:s3], [sflag:s2] =	dma.local @!p0 [hbm:s0], s1  }
0x4d: {  	s0 =	simm.s32 @!p0 $0x1  }
0x4e: {  	_ =	swait.ge @!p0 [sflag:s0], s1  }
0x4f: {  	s1 =	ssub.s32 @!p0 $0x0, s1;
	[sflag:s0] =	ssyncset.done @!p0 $0x0  }
0x50: {  	[sflag:s0] =	ssyncadd.s32 @!p0 s1  }
0x51: {  	[bflag:$0x3] =	sbarrier.arrive $0xFFFF  }
0x52: {  	_ =	shalt  }

</sc_bundles>
